<compile_context>
chip_gen: v7x
topology: tpu7x:2x2x1
jax: 0.10.2.dev20260603
libtpu: 0.0.44.dev20260713+nightly
codegen_flags: <defaults>
</compile_context>

<pallas_src>
import dataclasses
import functools

import jax
import jax.numpy as jnp
from jax import lax
from jax.experimental import pallas as pl
from jax.experimental.pallas import tpu as pltpu
from jax.experimental.pallas import tpu_sc as plsc

_NUM_CORES = 2
_NUM_SUBCORES = 16
_NUM_WORKERS = _NUM_CORES * _NUM_SUBCORES
_CHB = 512


def kernel(token_ids, weight):
    B, S = token_ids.shape
    NUM_ROWS, D = weight.shape
    n_chunks = (B // _CHB) * S
    per_w = n_chunks // _NUM_WORKERS
    assert B % _CHB == 0 and n_chunks % _NUM_WORKERS == 0 and per_w % 2 == 0
    blocks_per_s = B // _CHB

    tids_flat = token_ids.T.reshape(1, S * B)
    mesh = plsc.VectorSubcoreMesh(core_axis_name="c", subcore_axis_name="s")

    @functools.partial(
        pl.kernel,
        mesh=mesh,
        out_type=jax.ShapeDtypeStruct((S, D, B), weight.dtype),
        compiler_params=dataclasses.replace(
            pltpu.CompilerParams(use_tc_tiling_on_sc=False),
            needs_layout_passes=False,
        ),
        scratch_types=[
            pltpu.VMEM((1, per_w * _CHB), jnp.int32),
            pltpu.VMEM((_CHB, D), jnp.float32),
            pltpu.VMEM((_CHB, D), jnp.float32),
            pltpu.VMEM((D, _CHB + 1), jnp.float32),
            pltpu.VMEM((D, _CHB + 1), jnp.float32),
            pltpu.SemaphoreType.DMA,
            pltpu.SemaphoreType.DMA,
            pltpu.SemaphoreType.DMA,
            pltpu.SemaphoreType.DMA,
        ],
    )
    def gather_kernel(
        w_hbm, idx_hbm, out_hbm,
        idx_all, rows0, rows1, outt0, outt1, sg0, sg1, so0, so1,
    ):
        wid = lax.axis_index("s") * _NUM_CORES + lax.axis_index("c")
        base = wid * per_w
        rows_v = (rows0, rows1)
        outt_v = (outt0, outt1)
        sem_g = (sg0, sg1)
        sem_o = (so0, so1)
        rows16 = [lax.iota(jnp.int32, 16) + 16 * h for h in range(D // 16)]

        pltpu.sync_copy(
            idx_hbm.at[pl.ds(0, 1), pl.ds(base * _CHB, per_w * _CHB)], idx_all
        )

        def chunk_pos(k):
            g = base + k
            return g // blocks_per_s, (g % blocks_per_s) * _CHB

        def chunk_idx(k):
            return idx_all.at[0, pl.ds(k * _CHB, _CHB)]

        def launch(k, b):
            pltpu.async_copy(w_hbm.at[chunk_idx(k)], rows_v[b], sem_g[b])

        def drain_gather(k, b):
            pltpu.make_async_copy(
                w_hbm.at[chunk_idx(k)], rows_v[b], sem_g[b]
            ).wait()

        def drain_out(k, b):
            s, b0 = chunk_pos(k)
            pltpu.make_async_copy(
                outt_v[b].at[:, pl.ds(0, _CHB)],
                out_hbm.at[s, :, pl.ds(b0, _CHB)],
                sem_o[b],
            ).wait()

        def transpose_and_store(k, b):
            rv, ov = rows_v[b], outt_v[b]

            @pl.loop(0, _CHB, step=16)
            def _(j0):
                for u in range(16):
                    j = j0 + u
                    col = jnp.full((16,), j, jnp.int32)
                    for h in range(D // 16):
                        v = rv[j, pl.ds(16 * h, 16)]
                        plsc.store_scatter(ov, [rows16[h], col], v)

            s, b0 = chunk_pos(k)
            pltpu.async_copy(
                ov.at[:, pl.ds(0, _CHB)],
                out_hbm.at[s, :, pl.ds(b0, _CHB)],
                sem_o[b],
            )

        launch(0, 0)
        launch(1, 1)
        drain_gather(0, 0)
        transpose_and_store(0, 0)
        drain_gather(1, 1)
        launch(2, 0)
        transpose_and_store(1, 1)

        @pl.loop(2, per_w - 2, step=2)
        def _(k0):
            for b in range(2):
                k = k0 + b
                drain_gather(k, b)
                launch(k + 1, 1 - b)
                drain_out(k - 2, b)
                transpose_and_store(k, b)

        drain_gather(per_w - 2, 0)
        launch(per_w - 1, 1)
        drain_out(per_w - 4, 0)
        transpose_and_store(per_w - 2, 0)
        drain_gather(per_w - 1, 1)
        drain_out(per_w - 3, 1)
        transpose_and_store(per_w - 1, 1)
        drain_out(per_w - 2, 0)
        drain_out(per_w - 1, 1)

    out = gather_kernel(weight, tids_flat)
    return out.transpose(2, 0, 1)

# --- scband reference (transcript-rebuilt; emitter-appended) ---
"""Pipeline reference for scband-embedding-72378788872251 (READ-ONLY COPY).

The authoritative reference and input builder live on the scoring server;
editing this copy changes nothing except your own understanding.
"""

import jax, jax.numpy as jnp
import numpy as np

NUM_EMBEDDINGS = 1000000
EMBEDDING_DIM = 32

def setup_inputs(seed: int = 0) -> dict:
    key = jax.random.key(seed)
    k_idx, k_w = jax.random.split(key)
    token_ids = jax.random.randint(k_idx, (4096, 200), 0, NUM_EMBEDDINGS, dtype=jnp.int64 if jax.config.read('jax_enable_x64') else jnp.int32)
    # trunc_normal init, mean=0 std=1, clipped to [-3, 3]
    W = jax.random.truncated_normal(k_w, -3.0, 3.0, (NUM_EMBEDDINGS, EMBEDDING_DIM), dtype=jnp.float32)
    return {"token_ids": token_ids, "weight": W}

def reference(token_ids, weight):
    # Faithful to torch: weight[token_ids] -> (batch, seq, embedding_dim)
    return jnp.take(weight, token_ids, axis=0)

if __name__ == "__main__":
    import jax
    _d = setup_inputs()
    print(jax.jit(kernel)(*tuple(_d.values())))

</pallas_src>

<mosaic_0001>
#map = affine_map<(d0, d1) -> (0, 0)>
#map1 = affine_map<(d0, d1) -> (0, 0, 0)>
module attributes {stable_mosaic.version = 14 : i64} {
  func.func @gather_kernel(%arg0: i32, %arg1: i32, %arg2: memref<1000000x32xf32, #tpu.memory_space<hbm>>, %arg3: memref<1x819200xi32, #tpu.memory_space<hbm>>, %arg4: memref<200x32x4096xf32, #tpu.memory_space<hbm>>, %arg5: memref<1x25600xi32, #tpu.memory_space<vmem>>, %arg6: memref<512x32xf32, #tpu.memory_space<vmem>>, %arg7: memref<512x32xf32, #tpu.memory_space<vmem>>, %arg8: memref<32x513xf32, #tpu.memory_space<vmem>>, %arg9: memref<32x513xf32, #tpu.memory_space<vmem>>, %arg10: memref<!tpu.dma_semaphore, #tpu.memory_space<semaphore_mem>>, %arg11: memref<!tpu.dma_semaphore, #tpu.memory_space<semaphore_mem>>, %arg12: memref<!tpu.dma_semaphore, #tpu.memory_space<semaphore_mem>>, %arg13: memref<!tpu.dma_semaphore, #tpu.memory_space<semaphore_mem>>) attributes {dimension_semantics = [#tpu.dimension_semantics<core_parallel>, #tpu.dimension_semantics<subcore_parallel>], iteration_bounds = array<i64: 2, 16>, scalar_prefetch = 0 : i64, scratch_operands = 9 : i64, tpu.core_type = #tpu.core_type<sc_vector_subcore>, window_params = [{transform_indices = #map}, {transform_indices = #map}, {transform_indices = #map1}]} {
    %mul3A = arith.constant 2 : i32
    %mul3A_0 = arith.muli %arg1, %mul3A : i32
    %add3A = arith.addi %mul3A_0, %arg0 : i32
    %mul3A_1 = arith.constant 50 : i32
    %mul3A_2 = arith.muli %add3A, %mul3A_1 : i32
    %iota3A = tpu.iota {dimensions = array<i32: 0>} : vector<16xi32>
    %add3A_3 = arith.constant 0 : i32
    %add3A_4 = vector.broadcast %add3A_3 : i32 to vector<16xi32>
    %add3A_5 = arith.addi %iota3A, %add3A_4 : vector<16xi32>
    %iota3A_6 = tpu.iota {dimensions = array<i32: 0>} : vector<16xi32>
    %add3A_7 = arith.constant 16 : i32
    %add3A_8 = vector.broadcast %add3A_7 : i32 to vector<16xi32>
    %add3A_9 = arith.addi %iota3A_6, %add3A_8 : vector<16xi32>
    %mul3A_10 = arith.constant 512 : i32
    %mul3A_11 = arith.muli %mul3A_2, %mul3A_10 : i32
    "tpu.region"() ({
      %run_scoped3A = tpu.sem_alloc : memref<!tpu.dma_semaphore, #tpu.memory_space<semaphore_mem>>
      %dma_start3A_528 = arith.constant 0 : i32
      %dma_start3A_529 = tpu.memref_slice %arg3[%dma_start3A_528, %mul3A_11] : memref<1x819200xi32, #tpu.memory_space<hbm>> -> memref<1x25600xi32, #tpu.memory_space<hbm>>
      %dma_start3A_530 = arith.constant 0 : i32
      %dma_start3A_531 = tpu.memref_slice %arg3[%dma_start3A_530, %mul3A_11] : memref<1x819200xi32, #tpu.memory_space<hbm>> -> memref<1x25600xi32, #tpu.memory_space<hbm>>
      tpu.enqueue_dma source(%dma_start3A_531 : memref<1x25600xi32, #tpu.memory_space<hbm>>) target(%arg5 : memref<1x25600xi32, #tpu.memory_space<vmem>>) target_semaphore(%run_scoped3A : memref<!tpu.dma_semaphore, #tpu.memory_space<semaphore_mem>>)
      %dma_wait3A_532 = arith.constant 0 : i32
      %dma_wait3A_533 = tpu.memref_slice %arg3[%dma_wait3A_532, %mul3A_11] : memref<1x819200xi32, #tpu.memory_space<hbm>> -> memref<1x25600xi32, #tpu.memory_space<hbm>>
      %dma_wait3A_534 = arith.constant 0 : i32
      %dma_wait3A_535 = tpu.memref_slice %arg3[%dma_wait3A_534, %mul3A_11] : memref<1x819200xi32, #tpu.memory_space<hbm>> -> memref<1x25600xi32, #tpu.memory_space<hbm>>
      tpu.wait_dma2 semaphore(%run_scoped3A : memref<!tpu.dma_semaphore, #tpu.memory_space<semaphore_mem>>) src(%dma_wait3A_535 : memref<1x25600xi32, #tpu.memory_space<hbm>>) dst(%arg5 : memref<1x25600xi32, #tpu.memory_space<vmem>>)
      tpu.yield
    }) : () -> ()
    %dma_start3A = arith.constant 0 : i32
    %dma_start3A_12 = arith.constant 0 : i32
    %dma_start3A_13 = tpu.memref_slice %arg5[%dma_start3A, %dma_start3A_12] : memref<1x25600xi32, #tpu.memory_space<vmem>> -> memref<1x512xi32, #tpu.memory_space<vmem>>
    %dma_start3A_14 = tpu.memref_squeeze %dma_start3A_13 : memref<1x512xi32, #tpu.memory_space<vmem>> -> memref<512xi32, #tpu.memory_space<vmem>>
    %dma_start3A_15 = arith.constant 0 : i32
    %dma_start3A_16 = arith.constant 0 : i32
    %dma_start3A_17 = tpu.memref_slice %arg2[%dma_start3A_15, %dma_start3A_16] : memref<1000000x32xf32, #tpu.memory_space<hbm>> -> memref<1000000x32xf32, #tpu.memory_space<hbm>>
    tpu.enqueue_indirect_dma source(%dma_start3A_17 : memref<1000000x32xf32, #tpu.memory_space<hbm>>) target(%arg6 : memref<512x32xf32, #tpu.memory_space<vmem>>) offsets(%dma_start3A_14 : memref<512xi32, #tpu.memory_space<vmem>>) semaphore(%arg10 : memref<!tpu.dma_semaphore, #tpu.memory_space<semaphore_mem>>)
    %dma_start3A_18 = arith.constant 0 : i32
    %dma_start3A_19 = arith.constant 512 : i32
    %dma_start3A_20 = tpu.memref_slice %arg5[%dma_start3A_18, %dma_start3A_19] : memref<1x25600xi32, #tpu.memory_space<vmem>> -> memref<1x512xi32, #tpu.memory_space<vmem>>
    %dma_start3A_21 = tpu.memref_squeeze %dma_start3A_20 : memref<1x512xi32, #tpu.memory_space<vmem>> -> memref<512xi32, #tpu.memory_space<vmem>>
    %dma_start3A_22 = arith.constant 0 : i32
    %dma_start3A_23 = arith.constant 0 : i32
    %dma_start3A_24 = tpu.memref_slice %arg2[%dma_start3A_22, %dma_start3A_23] : memref<1000000x32xf32, #tpu.memory_space<hbm>> -> memref<1000000x32xf32, #tpu.memory_space<hbm>>
    tpu.enqueue_indirect_dma source(%dma_start3A_24 : memref<1000000x32xf32, #tpu.memory_space<hbm>>) target(%arg7 : memref<512x32xf32, #tpu.memory_space<vmem>>) offsets(%dma_start3A_21 : memref<512xi32, #tpu.memory_space<vmem>>) semaphore(%arg11 : memref<!tpu.dma_semaphore, #tpu.memory_space<semaphore_mem>>)
    %dma_wait3A = arith.constant 0 : i32
    %dma_wait3A_25 = arith.constant 0 : i32
    %dma_wait3A_26 = tpu.memref_slice %arg5[%dma_wait3A, %dma_wait3A_25] : memref<1x25600xi32, #tpu.memory_space<vmem>> -> memref<1x512xi32, #tpu.memory_space<vmem>>
    %dma_wait3A_27 = tpu.memref_squeeze %dma_wait3A_26 : memref<1x512xi32, #tpu.memory_space<vmem>> -> memref<512xi32, #tpu.memory_space<vmem>>
    %dma_wait3A_28 = arith.constant 0 : i32
    %dma_wait3A_29 = arith.constant 0 : i32
    %dma_wait3A_30 = tpu.memref_slice %arg2[%dma_wait3A_28, %dma_wait3A_29] : memref<1000000x32xf32, #tpu.memory_space<hbm>> -> memref<1000000x32xf32, #tpu.memory_space<hbm>>
    tpu.wait_indirect_dma semaphore(%arg10 : memref<!tpu.dma_semaphore, #tpu.memory_space<semaphore_mem>>) src(%dma_wait3A_30 : memref<1000000x32xf32, #tpu.memory_space<hbm>>) dst(%arg6 : memref<512x32xf32, #tpu.memory_space<vmem>>)
    %scan3A = arith.constant 0 : i32
    %scan3A_31 = arith.constant 32 : i32
    %scan3A_32 = arith.addi %scan3A, %scan3A_31 : i32
    %scan3A_33 = arith.constant 1 : i32
    scf.for %scan3A_528 = %scan3A to %scan3A_32 step %scan3A_33  : i32 {
      %mul3A_529 = arith.constant 16 : i32
      %mul3A_530 = arith.muli %scan3A_528, %mul3A_529 : i32
      %add3A_531 = arith.constant 0 : i32
      %add3A_532 = arith.addi %add3A_531, %mul3A_530 : i32
      %add3A_533 = arith.constant 0 : i32
      %add3A_534 = arith.addi %add3A_532, %add3A_533 : i32
      %broadcast_in_dim3A = vector.broadcast %add3A_534 : i32 to vector<16xi32>
      %get3A = arith.index_cast %add3A_534 : i32 to index
      %get3A_535 = arith.constant 0 : index
      %get3A_536 = tpu.vector_load %arg6[%get3A, %get3A_535] {strides = array<i32>} : memref<512x32xf32, #tpu.memory_space<vmem>>, vector<16xf32>,
      tpu.vector_store_idx %arg8[%add3A_5, %broadcast_in_dim3A], %get3A_536 : memref<32x513xf32, #tpu.memory_space<vmem>>[vector<16xi32>, vector<16xi32>], vector<16xf32>,
      %get3A_537 = arith.index_cast %add3A_534 : i32 to index
      %get3A_538 = arith.constant 16 : index
      %get3A_539 = tpu.vector_load %arg6[%get3A_537, %get3A_538] {strides = array<i32>} : memref<512x32xf32, #tpu.memory_space<vmem>>, vector<16xf32>,
      tpu.vector_store_idx %arg8[%add3A_9, %broadcast_in_dim3A], %get3A_539 : memref<32x513xf32, #tpu.memory_space<vmem>>[vector<16xi32>, vector<16xi32>], vector<16xf32>,
      %add3A_540 = arith.constant 1 : i32
      %add3A_541 = arith.addi %add3A_532, %add3A_540 : i32
      %broadcast_in_dim3A_542 = vector.broadcast %add3A_541 : i32 to vector<16xi32>
      %get3A_543 = arith.index_cast %add3A_541 : i32 to index
      %get3A_544 = arith.constant 0 : index
      %get3A_545 = tpu.vector_load %arg6[%get3A_543, %get3A_544] {strides = array<i32>} : memref<512x32xf32, #tpu.memory_space<vmem>>, vector<16xf32>,
      tpu.vector_store_idx %arg8[%add3A_5, %broadcast_in_dim3A_542], %get3A_545 : memref<32x513xf32, #tpu.memory_space<vmem>>[vector<16xi32>, vector<16xi32>], vector<16xf32>,
      %get3A_546 = arith.index_cast %add3A_541 : i32 to index
      %get3A_547 = arith.constant 16 : index
      %get3A_548 = tpu.vector_load %arg6[%get3A_546, %get3A_547] {strides = array<i32>} : memref<512x32xf32, #tpu.memory_space<vmem>>, vector<16xf32>,
      tpu.vector_store_idx %arg8[%add3A_9, %broadcast_in_dim3A_542], %get3A_548 : memref<32x513xf32, #tpu.memory_space<vmem>>[vector<16xi32>, vector<16xi32>], vector<16xf32>,
      %add3A_549 = arith.constant 2 : i32
      %add3A_550 = arith.addi %add3A_532, %add3A_549 : i32
      %broadcast_in_dim3A_551 = vector.broadcast %add3A_550 : i32 to vector<16xi32>
      %get3A_552 = arith.index_cast %add3A_550 : i32 to index
      %get3A_553 = arith.constant 0 : index
      %get3A_554 = tpu.vector_load %arg6[%get3A_552, %get3A_553] {strides = array<i32>} : memref<512x32xf32, #tpu.memory_space<vmem>>, vector<16xf32>,
      tpu.vector_store_idx %arg8[%add3A_5, %broadcast_in_dim3A_551], %get3A_554 : memref<32x513xf32, #tpu.memory_space<vmem>>[vector<16xi32>, vector<16xi32>], vector<16xf32>,
      %get3A_555 = arith.index_cast %add3A_550 : i32 to index
      %get3A_556 = arith.constant 16 : index
      %get3A_557 = tpu.vector_load %arg6[%get3A_555, %get3A_556] {strides = array<i32>} : memref<512x32xf32, #tpu.memory_space<vmem>>, vector<16xf32>,
      tpu.vector_store_idx %arg8[%add3A_9, %broadcast_in_dim3A_551], %get3A_557 : memref<32x513xf32, #tpu.memory_space<vmem>>[vector<16xi32>, vector<16xi32>], vector<16xf32>,
      %add3A_558 = arith.constant 3 : i32
      %add3A_559 = arith.addi %add3A_532, %add3A_558 : i32
      %broadcast_in_dim3A_560 = vector.broadcast %add3A_559 : i32 to vector<16xi32>
      %get3A_561 = arith.index_cast %add3A_559 : i32 to index
      %get3A_562 = arith.constant 0 : index
      %get3A_563 = tpu.vector_load %arg6[%get3A_561, %get3A_562] {strides = array<i32>} : memref<512x32xf32, #tpu.memory_space<vmem>>, vector<16xf32>,
      tpu.vector_store_idx %arg8[%add3A_5, %broadcast_in_dim3A_560], %get3A_563 : memref<32x513xf32, #tpu.memory_space<vmem>>[vector<16xi32>, vector<16xi32>], vector<16xf32>,
      %get3A_564 = arith.index_cast %add3A_559 : i32 to index
      %get3A_565 = arith.constant 16 : index
      %get3A_566 = tpu.vector_load %arg6[%get3A_564, %get3A_565] {strides = array<i32>} : memref<512x32xf32, #tpu.memory_space<vmem>>, vector<16xf32>,
      tpu.vector_store_idx %arg8[%add3A_9, %broadcast_in_dim3A_560], %get3A_566 : memref<32x513xf32, #tpu.memory_space<vmem>>[vector<16xi32>, vector<16xi32>], vector<16xf32>,
      %add3A_567 = arith.constant 4 : i32
      %add3A_568 = arith.addi %add3A_532, %add3A_567 : i32
      %broadcast_in_dim3A_569 = vector.broadcast %add3A_568 : i32 to vector<16xi32>
      %get3A_570 = arith.index_cast %add3A_568 : i32 to index
      %get3A_571 = arith.constant 0 : index
      %get3A_572 = tpu.vector_load %arg6[%get3A_570, %get3A_571] {strides = array<i32>} : memref<512x32xf32, #tpu.memory_space<vmem>>, vector<16xf32>,
      tpu.vector_store_idx %arg8[%add3A_5, %broadcast_in_dim3A_569], %get3A_572 : memref<32x513xf32, #tpu.memory_space<vmem>>[vector<16xi32>, vector<16xi32>], vector<16xf32>,
      %get3A_573 = arith.index_cast %add3A_568 : i32 to index
      %get3A_574 = arith.constant 16 : index
      %get3A_575 = tpu.vector_load %arg6[%get3A_573, %get3A_574] {strides = array<i32>} : memref<512x32xf32, #tpu.memory_space<vmem>>, vector<16xf32>,
      tpu.vector_store_idx %arg8[%add3A_9, %broadcast_in_dim3A_569], %get3A_575 : memref<32x513xf32, #tpu.memory_space<vmem>>[vector<16xi32>, vector<16xi32>], vector<16xf32>,
      %add3A_576 = arith.constant 5 : i32
      %add3A_577 = arith.addi %add3A_532, %add3A_576 : i32
      %broadcast_in_dim3A_578 = vector.broadcast %add3A_577 : i32 to vector<16xi32>
      %get3A_579 = arith.index_cast %add3A_577 : i32 to index
      %get3A_580 = arith.constant 0 : index
      %get3A_581 = tpu.vector_load %arg6[%get3A_579, %get3A_580] {strides = array<i32>} : memref<512x32xf32, #tpu.memory_space<vmem>>, vector<16xf32>,
      tpu.vector_store_idx %arg8[%add3A_5, %broadcast_in_dim3A_578], %get3A_581 : memref<32x513xf32, #tpu.memory_space<vmem>>[vector<16xi32>, vector<16xi32>], vector<16xf32>,
      %get3A_582 = arith.index_cast %add3A_577 : i32 to index
      %get3A_583 = arith.constant 16 : index
      %get3A_584 = tpu.vector_load %arg6[%get3A_582, %get3A_583] {strides = array<i32>} : memref<512x32xf32, #tpu.memory_space<vmem>>, vector<16xf32>,
      tpu.vector_store_idx %arg8[%add3A_9, %broadcast_in_dim3A_578], %get3A_584 : memref<32x513xf32, #tpu.memory_space<vmem>>[vector<16xi32>, vector<16xi32>], vector<16xf32>,
      %add3A_585 = arith.constant 6 : i32
      %add3A_586 = arith.addi %add3A_532, %add3A_585 : i32
      %broadcast_in_dim3A_587 = vector.broadcast %add3A_586 : i32 to vector<16xi32>
      %get3A_588 = arith.index_cast %add3A_586 : i32 to index
      %get3A_589 = arith.constant 0 : index
      %get3A_590 = tpu.vector_load %arg6[%get3A_588, %get3A_589] {strides = array<i32>} : memref<512x32xf32, #tpu.memory_space<vmem>>, vector<16xf32>,
      tpu.vector_store_idx %arg8[%add3A_5, %broadcast_in_dim3A_587], %get3A_590 : memref<32x513xf32, #tpu.memory_space<vmem>>[vector<16xi32>, vector<16xi32>], vector<16xf32>,
      %get3A_591 = arith.index_cast %add3A_586 : i32 to index
      %get3A_592 = arith.constant 16 : index
      %get3A_593 = tpu.vector_load %arg6[%get3A_591, %get3A_592] {strides = array<i32>} : memref<512x32xf32, #tpu.memory_space<vmem>>, vector<16xf32>,
      tpu.vector_store_idx %arg8[%add3A_9, %broadcast_in_dim3A_587], %get3A_593 : memref<32x513xf32, #tpu.memory_space<vmem>>[vector<16xi32>, vector<16xi32>], vector<16xf32>,
      %add3A_594 = arith.constant 7 : i32
      %add3A_595 = arith.addi %add3A_532, %add3A_594 : i32
      %broadcast_in_dim3A_596 = vector.broadcast %add3A_595 : i32 to vector<16xi32>
      %get3A_597 = arith.index_cast %add3A_595 : i32 to index
      %get3A_598 = arith.constant 0 : index
      %get3A_599 = tpu.vector_load %arg6[%get3A_597, %get3A_598] {strides = array<i32>} : memref<512x32xf32, #tpu.memory_space<vmem>>, vector<16xf32>,
      tpu.vector_store_idx %arg8[%add3A_5, %broadcast_in_dim3A_596], %get3A_599 : memref<32x513xf32, #tpu.memory_space<vmem>>[vector<16xi32>, vector<16xi32>], vector<16xf32>,
      %get3A_600 = arith.index_cast %add3A_595 : i32 to index
      %get3A_601 = arith.constant 16 : index
      %get3A_602 = tpu.vector_load %arg6[%get3A_600, %get3A_601] {strides = array<i32>} : memref<512x32xf32, #tpu.memory_space<vmem>>, vector<16xf32>,
      tpu.vector_store_idx %arg8[%add3A_9, %broadcast_in_dim3A_596], %get3A_602 : memref<32x513xf32, #tpu.memory_space<vmem>>[vector<16xi32>, vector<16xi32>], vector<16xf32>,
      %add3A_603 = arith.constant 8 : i32
      %add3A_604 = arith.addi %add3A_532, %add3A_603 : i32
      %broadcast_in_dim3A_605 = vector.broadcast %add3A_604 : i32 to vector<16xi32>
      %get3A_606 = arith.index_cast %add3A_604 : i32 to index
      %get3A_607 = arith.constant 0 : index
      %get3A_608 = tpu.vector_load %arg6[%get3A_606, %get3A_607] {strides = array<i32>} : memref<512x32xf32, #tpu.memory_space<vmem>>, vector<16xf32>,
      tpu.vector_store_idx %arg8[%add3A_5, %broadcast_in_dim3A_605], %get3A_608 : memref<32x513xf32, #tpu.memory_space<vmem>>[vector<16xi32>, vector<16xi32>], vector<16xf32>,
      %get3A_609 = arith.index_cast %add3A_604 : i32 to index
      %get3A_610 = arith.constant 16 : index
      %get3A_611 = tpu.vector_load %arg6[%get3A_609, %get3A_610] {strides = array<i32>} : memref<512x32xf32, #tpu.memory_space<vmem>>, vector<16xf32>,
      tpu.vector_store_idx %arg8[%add3A_9, %broadcast_in_dim3A_605], %get3A_611 : memref<32x513xf32, #tpu.memory_space<vmem>>[vector<16xi32>, vector<16xi32>], vector<16xf32>,
      %add3A_612 = arith.constant 9 : i32
      %add3A_613 = arith.addi %add3A_532, %add3A_612 : i32
      %broadcast_in_dim3A_614 = vector.broadcast %add3A_613 : i32 to vector<16xi32>
      %get3A_615 = arith.index_cast %add3A_613 : i32 to index
      %get3A_616 = arith.constant 0 : index
      %get3A_617 = tpu.vector_load %arg6[%get3A_615, %get3A_616] {strides = array<i32>} : memref<512x32xf32, #tpu.memory_space<vmem>>, vector<16xf32>,
      tpu.vector_store_idx %arg8[%add3A_5, %broadcast_in_dim3A_614], %get3A_617 : memref<32x513xf32, #tpu.memory_space<vmem>>[vector<16xi32>, vector<16xi32>], vector<16xf32>,
      %get3A_618 = arith.index_cast %add3A_613 : i32 to index
      %get3A_619 = arith.constant 16 : index
      %get3A_620 = tpu.vector_load %arg6[%get3A_618, %get3A_619] {strides = array<i32>} : memref<512x32xf32, #tpu.memory_space<vmem>>, vector<16xf32>,
      tpu.vector_store_idx %arg8[%add3A_9, %broadcast_in_dim3A_614], %get3A_620 : memref<32x513xf32, #tpu.memory_space<vmem>>[vector<16xi32>, vector<16xi32>], vector<16xf32>,
      %add3A_621 = arith.constant 10 : i32
      %add3A_622 = arith.addi %add3A_532, %add3A_621 : i32
      %broadcast_in_dim3A_623 = vector.broadcast %add3A_622 : i32 to vector<16xi32>
      %get3A_624 = arith.index_cast %add3A_622 : i32 to index
      %get3A_625 = arith.constant 0 : index
      %get3A_626 = tpu.vector_load %arg6[%get3A_624, %get3A_625] {strides = array<i32>} : memref<512x32xf32, #tpu.memory_space<vmem>>, vector<16xf32>,
      tpu.vector_store_idx %arg8[%add3A_5, %broadcast_in_dim3A_623], %get3A_626 : memref<32x513xf32, #tpu.memory_space<vmem>>[vector<16xi32>, vector<16xi32>], vector<16xf32>,
      %get3A_627 = arith.index_cast %add3A_622 : i32 to index
      %get3A_628 = arith.constant 16 : index
      %get3A_629 = tpu.vector_load %arg6[%get3A_627, %get3A_628] {strides = array<i32>} : memref<512x32xf32, #tpu.memory_space<vmem>>, vector<16xf32>,
      tpu.vector_store_idx %arg8[%add3A_9, %broadcast_in_dim3A_623], %get3A_629 : memref<32x513xf32, #tpu.memory_space<vmem>>[vector<16xi32>, vector<16xi32>], vector<16xf32>,
      %add3A_630 = arith.constant 11 : i32
      %add3A_631 = arith.addi %add3A_532, %add3A_630 : i32
      %broadcast_in_dim3A_632 = vector.broadcast %add3A_631 : i32 to vector<16xi32>
      %get3A_633 = arith.index_cast %add3A_631 : i32 to index
      %get3A_634 = arith.constant 0 : index
      %get3A_635 = tpu.vector_load %arg6[%get3A_633, %get3A_634] {strides = array<i32>} : memref<512x32xf32, #tpu.memory_space<vmem>>, vector<16xf32>,
      tpu.vector_store_idx %arg8[%add3A_5, %broadcast_in_dim3A_632], %get3A_635 : memref<32x513xf32, #tpu.memory_space<vmem>>[vector<16xi32>, vector<16xi32>], vector<16xf32>,
      %get3A_636 = arith.index_cast %add3A_631 : i32 to index
      %get3A_637 = arith.constant 16 : index
      %get3A_638 = tpu.vector_load %arg6[%get3A_636, %get3A_637] {strides = array<i32>} : memref<512x32xf32, #tpu.memory_space<vmem>>, vector<16xf32>,
      tpu.vector_store_idx %arg8[%add3A_9, %broadcast_in_dim3A_632], %get3A_638 : memref<32x513xf32, #tpu.memory_space<vmem>>[vector<16xi32>, vector<16xi32>], vector<16xf32>,
      %add3A_639 = arith.constant 12 : i32
      %add3A_640 = arith.addi %add3A_532, %add3A_639 : i32
      %broadcast_in_dim3A_641 = vector.broadcast %add3A_640 : i32 to vector<16xi32>
      %get3A_642 = arith.index_cast %add3A_640 : i32 to index
      %get3A_643 = arith.constant 0 : index
      %get3A_644 = tpu.vector_load %arg6[%get3A_642, %get3A_643] {strides = array<i32>} : memref<512x32xf32, #tpu.memory_space<vmem>>, vector<16xf32>,
      tpu.vector_store_idx %arg8[%add3A_5, %broadcast_in_dim3A_641], %get3A_644 : memref<32x513xf32, #tpu.memory_space<vmem>>[vector<16xi32>, vector<16xi32>], vector<16xf32>,
      %get3A_645 = arith.index_cast %add3A_640 : i32 to index
      %get3A_646 = arith.constant 16 : index
      %get3A_647 = tpu.vector_load %arg6[%get3A_645, %get3A_646] {strides = array<i32>} : memref<512x32xf32, #tpu.memory_space<vmem>>, vector<16xf32>,
      tpu.vector_store_idx %arg8[%add3A_9, %broadcast_in_dim3A_641], %get3A_647 : memref<32x513xf32, #tpu.memory_space<vmem>>[vector<16xi32>, vector<16xi32>], vector<16xf32>,
      %add3A_648 = arith.constant 13 : i32
      %add3A_649 = arith.addi %add3A_532, %add3A_648 : i32
      %broadcast_in_dim3A_650 = vector.broadcast %add3A_649 : i32 to vector<16xi32>
      %get3A_651 = arith.index_cast %add3A_649 : i32 to index
      %get3A_652 = arith.constant 0 : index
      %get3A_653 = tpu.vector_load %arg6[%get3A_651, %get3A_652] {strides = array<i32>} : memref<512x32xf32, #tpu.memory_space<vmem>>, vector<16xf32>,
      tpu.vector_store_idx %arg8[%add3A_5, %broadcast_in_dim3A_650], %get3A_653 : memref<32x513xf32, #tpu.memory_space<vmem>>[vector<16xi32>, vector<16xi32>], vector<16xf32>,
      %get3A_654 = arith.index_cast %add3A_649 : i32 to index
      %get3A_655 = arith.constant 16 : index
      %get3A_656 = tpu.vector_load %arg6[%get3A_654, %get3A_655] {strides = array<i32>} : memref<512x32xf32, #tpu.memory_space<vmem>>, vector<16xf32>,
      tpu.vector_store_idx %arg8[%add3A_9, %broadcast_in_dim3A_650], %get3A_656 : memref<32x513xf32, #tpu.memory_space<vmem>>[vector<16xi32>, vector<16xi32>], vector<16xf32>,
      %add3A_657 = arith.constant 14 : i32
      %add3A_658 = arith.addi %add3A_532, %add3A_657 : i32
      %broadcast_in_dim3A_659 = vector.broadcast %add3A_658 : i32 to vector<16xi32>
      %get3A_660 = arith.index_cast %add3A_658 : i32 to index
      %get3A_661 = arith.constant 0 : index
      %get3A_662 = tpu.vector_load %arg6[%get3A_660, %get3A_661] {strides = array<i32>} : memref<512x32xf32, #tpu.memory_space<vmem>>, vector<16xf32>,
      tpu.vector_store_idx %arg8[%add3A_5, %broadcast_in_dim3A_659], %get3A_662 : memref<32x513xf32, #tpu.memory_space<vmem>>[vector<16xi32>, vector<16xi32>], vector<16xf32>,
      %get3A_663 = arith.index_cast %add3A_658 : i32 to index
      %get3A_664 = arith.constant 16 : index
      %get3A_665 = tpu.vector_load %arg6[%get3A_663, %get3A_664] {strides = array<i32>} : memref<512x32xf32, #tpu.memory_space<vmem>>, vector<16xf32>,
      tpu.vector_store_idx %arg8[%add3A_9, %broadcast_in_dim3A_659], %get3A_665 : memref<32x513xf32, #tpu.memory_space<vmem>>[vector<16xi32>, vector<16xi32>], vector<16xf32>,
      %add3A_666 = arith.constant 15 : i32
      %add3A_667 = arith.addi %add3A_532, %add3A_666 : i32
      %broadcast_in_dim3A_668 = vector.broadcast %add3A_667 : i32 to vector<16xi32>
      %get3A_669 = arith.index_cast %add3A_667 : i32 to index
      %get3A_670 = arith.constant 0 : index
      %get3A_671 = tpu.vector_load %arg6[%get3A_669, %get3A_670] {strides = array<i32>} : memref<512x32xf32, #tpu.memory_space<vmem>>, vector<16xf32>,
      tpu.vector_store_idx %arg8[%add3A_5, %broadcast_in_dim3A_668], %get3A_671 : memref<32x513xf32, #tpu.memory_space<vmem>>[vector<16xi32>, vector<16xi32>], vector<16xf32>,
      %get3A_672 = arith.index_cast %add3A_667 : i32 to index
      %get3A_673 = arith.constant 16 : index
      %get3A_674 = tpu.vector_load %arg6[%get3A_672, %get3A_673] {strides = array<i32>} : memref<512x32xf32, #tpu.memory_space<vmem>>, vector<16xf32>,
      tpu.vector_store_idx %arg8[%add3A_9, %broadcast_in_dim3A_668], %get3A_674 : memref<32x513xf32, #tpu.memory_space<vmem>>[vector<16xi32>, vector<16xi32>], vector<16xf32>,
    }
    %scan3A_34 = arith.constant 32 : i32
    %add3A_35 = arith.constant 0 : i32
    %add3A_36 = arith.addi %mul3A_2, %add3A_35 : i32
    %jit3A = arith.constant 8 : i32
    %div3A = arith.divsi %add3A_36, %jit3A : i32
    %sign3A = arith.constant 0 : i32
    %sign3A_37 = arith.cmpi sgt, %add3A_36, %sign3A : i32
    %sign3A_38 = arith.extui %sign3A_37 : i1 to i32
    %sign3A_39 = arith.constant 0 : i32
    %sign3A_40 = arith.cmpi slt, %add3A_36, %sign3A_39 : i32
    %sign3A_41 = arith.extui %sign3A_40 : i1 to i32
    %sign3A_42 = arith.subi %sign3A_38, %sign3A_41 : i32
    %sign3A_43 = arith.constant 0 : i32
    %sign3A_44 = arith.cmpi sgt, %jit3A, %sign3A_43 : i32
    %sign3A_45 = arith.extui %sign3A_44 : i1 to i32
    %sign3A_46 = arith.constant 0 : i32
    %sign3A_47 = arith.cmpi slt, %jit3A, %sign3A_46 : i32
    %sign3A_48 = arith.extui %sign3A_47 : i1 to i32
    %sign3A_49 = arith.subi %sign3A_45, %sign3A_48 : i32
    %ne3A = arith.cmpi ne, %sign3A_42, %sign3A_49 : i32
    %rem3A = arith.remsi %add3A_36, %jit3A : i32
    %ne3A_50 = arith.constant 0 : i32
    %ne3A_51 = arith.cmpi ne, %rem3A, %ne3A_50 : i32
    %and3A = arith.andi %ne3A, %ne3A_51 : i1
    %sub3A = arith.constant 1 : i32
    %sub3A_52 = arith.subi %div3A, %sub3A : i32
    %select_n3A = arith.select %and3A, %sub3A_52, %div3A : i32
    %jit3A_53 = arith.constant 8 : i32
    %eq3A = arith.constant 0 : i32
    %eq3A_54 = arith.cmpi eq, %jit3A_53, %eq3A : i32
    %jit3A_55 = arith.constant 1 : i32
    %select_n3A_56 = arith.select %eq3A_54, %jit3A_55, %jit3A_53 : i32
    %rem3A_57 = arith.remsi %add3A_36, %select_n3A_56 : i32
    %ne3A_58 = arith.constant 0 : i32
    %ne3A_59 = arith.cmpi ne, %rem3A_57, %ne3A_58 : i32
    %lt3A = arith.constant 0 : i32
    %lt3A_60 = arith.cmpi slt, %rem3A_57, %lt3A : i32
    %lt3A_61 = arith.constant 0 : i32
    %lt3A_62 = arith.cmpi slt, %select_n3A_56, %lt3A_61 : i32
    %ne3A_63 = arith.xori %lt3A_60, %lt3A_62 : i1
    %and3A_64 = arith.andi %ne3A_63, %ne3A_59 : i1
    %add3A_65 = arith.addi %rem3A_57, %select_n3A_56 : i32
    %select_n3A_66 = arith.select %and3A_64, %add3A_65, %rem3A_57 : i32
    %mul3A_67 = arith.constant 512 : i32
    %mul3A_68 = arith.muli %select_n3A_66, %mul3A_67 : i32
    %dma_start3A_69 = arith.constant 0 : i32
    %dma_start3A_70 = arith.constant 0 : i32
    %dma_start3A_71 = tpu.memref_slice %arg8[%dma_start3A_69, %dma_start3A_70] : memref<32x513xf32, #tpu.memory_space<vmem>> -> memref<32x512xf32, #tpu.memory_space<vmem>>
    %dma_start3A_72 = arith.constant 0 : i32
    %dma_start3A_73 = tpu.memref_slice %arg4[%select_n3A, %dma_start3A_72, %mul3A_68] : memref<200x32x4096xf32, #tpu.memory_space<hbm>> -> memref<1x32x512xf32, #tpu.memory_space<hbm>>
    %dma_start3A_74 = tpu.memref_squeeze %dma_start3A_73 : memref<1x32x512xf32, #tpu.memory_space<hbm>> -> memref<32x512xf32, #tpu.memory_space<hbm>>
    %dma_start3A_75 = arith.constant 0 : i32
    %dma_start3A_76 = tpu.memref_slice %arg4[%select_n3A, %dma_start3A_75, %mul3A_68] : memref<200x32x4096xf32, #tpu.memory_space<hbm>> -> memref<1x32x512xf32, #tpu.memory_space<hbm>>
    %dma_start3A_77 = tpu.memref_squeeze %dma_start3A_76 : memref<1x32x512xf32, #tpu.memory_space<hbm>> -> memref<32x512xf32, #tpu.memory_space<hbm>>
    %dma_start3A_78 = arith.constant 0 : i32
    %dma_start3A_79 = arith.constant 0 : i32
    %dma_start3A_80 = tpu.memref_slice %arg8[%dma_start3A_78, %dma_start3A_79] : memref<32x513xf32, #tpu.memory_space<vmem>> -> memref<32x512xf32, #tpu.memory_space<vmem>>
    tpu.enqueue_dma source(%dma_start3A_80 : memref<32x512xf32, #tpu.memory_space<vmem>>) target(%dma_start3A_77 : memref<32x512xf32, #tpu.memory_space<hbm>>) target_semaphore(%arg12 : memref<!tpu.dma_semaphore, #tpu.memory_space<semaphore_mem>>)
    %dma_wait3A_81 = arith.constant 0 : i32
    %dma_wait3A_82 = arith.constant 512 : i32
    %dma_wait3A_83 = tpu.memref_slice %arg5[%dma_wait3A_81, %dma_wait3A_82] : memref<1x25600xi32, #tpu.memory_space<vmem>> -> memref<1x512xi32, #tpu.memory_space<vmem>>
    %dma_wait3A_84 = tpu.memref_squeeze %dma_wait3A_83 : memref<1x512xi32, #tpu.memory_space<vmem>> -> memref<512xi32, #tpu.memory_space<vmem>>
    %dma_wait3A_85 = arith.constant 0 : i32
    %dma_wait3A_86 = arith.constant 0 : i32
    %dma_wait3A_87 = tpu.memref_slice %arg2[%dma_wait3A_85, %dma_wait3A_86] : memref<1000000x32xf32, #tpu.memory_space<hbm>> -> memref<1000000x32xf32, #tpu.memory_space<hbm>>
    tpu.wait_indirect_dma semaphore(%arg11 : memref<!tpu.dma_semaphore, #tpu.memory_space<semaphore_mem>>) src(%dma_wait3A_87 : memref<1000000x32xf32, #tpu.memory_space<hbm>>) dst(%arg7 : memref<512x32xf32, #tpu.memory_space<vmem>>)
    %dma_start3A_88 = arith.constant 0 : i32
    %dma_start3A_89 = arith.constant 1024 : i32
    %dma_start3A_90 = tpu.memref_slice %arg5[%dma_start3A_88, %dma_start3A_89] : memref<1x25600xi32, #tpu.memory_space<vmem>> -> memref<1x512xi32, #tpu.memory_space<vmem>>
    %dma_start3A_91 = tpu.memref_squeeze %dma_start3A_90 : memref<1x512xi32, #tpu.memory_space<vmem>> -> memref<512xi32, #tpu.memory_space<vmem>>
    %dma_start3A_92 = arith.constant 0 : i32
    %dma_start3A_93 = arith.constant 0 : i32
    %dma_start3A_94 = tpu.memref_slice %arg2[%dma_start3A_92, %dma_start3A_93] : memref<1000000x32xf32, #tpu.memory_space<hbm>> -> memref<1000000x32xf32, #tpu.memory_space<hbm>>
    tpu.enqueue_indirect_dma source(%dma_start3A_94 : memref<1000000x32xf32, #tpu.memory_space<hbm>>) target(%arg6 : memref<512x32xf32, #tpu.memory_space<vmem>>) offsets(%dma_start3A_91 : memref<512xi32, #tpu.memory_space<vmem>>) semaphore(%arg10 : memref<!tpu.dma_semaphore, #tpu.memory_space<semaphore_mem>>)
    %scan3A_95 = arith.constant 0 : i32
    %scan3A_96 = arith.constant 32 : i32
    %scan3A_97 = arith.addi %scan3A_95, %scan3A_96 : i32
    %scan3A_98 = arith.constant 1 : i32
    scf.for %scan3A_528 = %scan3A_95 to %scan3A_97 step %scan3A_98  : i32 {
      %mul3A_529 = arith.constant 16 : i32
      %mul3A_530 = arith.muli %scan3A_528, %mul3A_529 : i32
      %add3A_531 = arith.constant 0 : i32
      %add3A_532 = arith.addi %add3A_531, %mul3A_530 : i32
      %add3A_533 = arith.constant 0 : i32
      %add3A_534 = arith.addi %add3A_532, %add3A_533 : i32
      %broadcast_in_dim3A = vector.broadcast %add3A_534 : i32 to vector<16xi32>
      %get3A = arith.index_cast %add3A_534 : i32 to index
      %get3A_535 = arith.constant 0 : index
      %get3A_536 = tpu.vector_load %arg7[%get3A, %get3A_535] {strides = array<i32>} : memref<512x32xf32, #tpu.memory_space<vmem>>, vector<16xf32>,
      tpu.vector_store_idx %arg9[%add3A_5, %broadcast_in_dim3A], %get3A_536 : memref<32x513xf32, #tpu.memory_space<vmem>>[vector<16xi32>, vector<16xi32>], vector<16xf32>,
      %get3A_537 = arith.index_cast %add3A_534 : i32 to index
      %get3A_538 = arith.constant 16 : index
      %get3A_539 = tpu.vector_load %arg7[%get3A_537, %get3A_538] {strides = array<i32>} : memref<512x32xf32, #tpu.memory_space<vmem>>, vector<16xf32>,
      tpu.vector_store_idx %arg9[%add3A_9, %broadcast_in_dim3A], %get3A_539 : memref<32x513xf32, #tpu.memory_space<vmem>>[vector<16xi32>, vector<16xi32>], vector<16xf32>,
      %add3A_540 = arith.constant 1 : i32
      %add3A_541 = arith.addi %add3A_532, %add3A_540 : i32
      %broadcast_in_dim3A_542 = vector.broadcast %add3A_541 : i32 to vector<16xi32>
      %get3A_543 = arith.index_cast %add3A_541 : i32 to index
      %get3A_544 = arith.constant 0 : index
      %get3A_545 = tpu.vector_load %arg7[%get3A_543, %get3A_544] {strides = array<i32>} : memref<512x32xf32, #tpu.memory_space<vmem>>, vector<16xf32>,
      tpu.vector_store_idx %arg9[%add3A_5, %broadcast_in_dim3A_542], %get3A_545 : memref<32x513xf32, #tpu.memory_space<vmem>>[vector<16xi32>, vector<16xi32>], vector<16xf32>,
      %get3A_546 = arith.index_cast %add3A_541 : i32 to index
      %get3A_547 = arith.constant 16 : index
      %get3A_548 = tpu.vector_load %arg7[%get3A_546, %get3A_547] {strides = array<i32>} : memref<512x32xf32, #tpu.memory_space<vmem>>, vector<16xf32>,
      tpu.vector_store_idx %arg9[%add3A_9, %broadcast_in_dim3A_542], %get3A_548 : memref<32x513xf32, #tpu.memory_space<vmem>>[vector<16xi32>, vector<16xi32>], vector<16xf32>,
      %add3A_549 = arith.constant 2 : i32
      %add3A_550 = arith.addi %add3A_532, %add3A_549 : i32
      %broadcast_in_dim3A_551 = vector.broadcast %add3A_550 : i32 to vector<16xi32>
      %get3A_552 = arith.index_cast %add3A_550 : i32 to index
      %get3A_553 = arith.constant 0 : index
      %get3A_554 = tpu.vector_load %arg7[%get3A_552, %get3A_553] {strides = array<i32>} : memref<512x32xf32, #tpu.memory_space<vmem>>, vector<16xf32>,
      tpu.vector_store_idx %arg9[%add3A_5, %broadcast_in_dim3A_551], %get3A_554 : memref<32x513xf32, #tpu.memory_space<vmem>>[vector<16xi32>, vector<16xi32>], vector<16xf32>,
      %get3A_555 = arith.index_cast %add3A_550 : i32 to index
      %get3A_556 = arith.constant 16 : index
      %get3A_557 = tpu.vector_load %arg7[%get3A_555, %get3A_556] {strides = array<i32>} : memref<512x32xf32, #tpu.memory_space<vmem>>, vector<16xf32>,
      tpu.vector_store_idx %arg9[%add3A_9, %broadcast_in_dim3A_551], %get3A_557 : memref<32x513xf32, #tpu.memory_space<vmem>>[vector<16xi32>, vector<16xi32>], vector<16xf32>,
      %add3A_558 = arith.constant 3 : i32
      %add3A_559 = arith.addi %add3A_532, %add3A_558 : i32
      %broadcast_in_dim3A_560 = vector.broadcast %add3A_559 : i32 to vector<16xi32>
      %get3A_561 = arith.index_cast %add3A_559 : i32 to index
      %get3A_562 = arith.constant 0 : index
      %get3A_563 = tpu.vector_load %arg7[%get3A_561, %get3A_562] {strides = array<i32>} : memref<512x32xf32, #tpu.memory_space<vmem>>, vector<16xf32>,
      tpu.vector_store_idx %arg9[%add3A_5, %broadcast_in_dim3A_560], %get3A_563 : memref<32x513xf32, #tpu.memory_space<vmem>>[vector<16xi32>, vector<16xi32>], vector<16xf32>,
      %get3A_564 = arith.index_cast %add3A_559 : i32 to index
      %get3A_565 = arith.constant 16 : index
      %get3A_566 = tpu.vector_load %arg7[%get3A_564, %get3A_565] {strides = array<i32>} : memref<512x32xf32, #tpu.memory_space<vmem>>, vector<16xf32>,
      tpu.vector_store_idx %arg9[%add3A_9, %broadcast_in_dim3A_560], %get3A_566 : memref<32x513xf32, #tpu.memory_space<vmem>>[vector<16xi32>, vector<16xi32>], vector<16xf32>,
      %add3A_567 = arith.constant 4 : i32
      %add3A_568 = arith.addi %add3A_532, %add3A_567 : i32
      %broadcast_in_dim3A_569 = vector.broadcast %add3A_568 : i32 to vector<16xi32>
      %get3A_570 = arith.index_cast %add3A_568 : i32 to index
      %get3A_571 = arith.constant 0 : index
      %get3A_572 = tpu.vector_load %arg7[%get3A_570, %get3A_571] {strides = array<i32>} : memref<512x32xf32, #tpu.memory_space<vmem>>, vector<16xf32>,
      tpu.vector_store_idx %arg9[%add3A_5, %broadcast_in_dim3A_569], %get3A_572 : memref<32x513xf32, #tpu.memory_space<vmem>>[vector<16xi32>, vector<16xi32>], vector<16xf32>,
      %get3A_573 = arith.index_cast %add3A_568 : i32 to index
      %get3A_574 = arith.constant 16 : index
      %get3A_575 = tpu.vector_load %arg7[%get3A_573, %get3A_574] {strides = array<i32>} : memref<512x32xf32, #tpu.memory_space<vmem>>, vector<16xf32>,
      tpu.vector_store_idx %arg9[%add3A_9, %broadcast_in_dim3A_569], %get3A_575 : memref<32x513xf32, #tpu.memory_space<vmem>>[vector<16xi32>, vector<16xi32>], vector<16xf32>,
      %add3A_576 = arith.constant 5 : i32
      %add3A_577 = arith.addi %add3A_532, %add3A_576 : i32
      %broadcast_in_dim3A_578 = vector.broadcast %add3A_577 : i32 to vector<16xi32>
      %get3A_579 = arith.index_cast %add3A_577 : i32 to index
      %get3A_580 = arith.constant 0 : index
      %get3A_581 = tpu.vector_load %arg7[%get3A_579, %get3A_580] {strides = array<i32>} : memref<512x32xf32, #tpu.memory_space<vmem>>, vector<16xf32>,
      tpu.vector_store_idx %arg9[%add3A_5, %broadcast_in_dim3A_578], %get3A_581 : memref<32x513xf32, #tpu.memory_space<vmem>>[vector<16xi32>, vector<16xi32>], vector<16xf32>,
      %get3A_582 = arith.index_cast %add3A_577 : i32 to index
      %get3A_583 = arith.constant 16 : index
      %get3A_584 = tpu.vector_load %arg7[%get3A_582, %get3A_583] {strides = array<i32>} : memref<512x32xf32, #tpu.memory_space<vmem>>, vector<16xf32>,
      tpu.vector_store_idx %arg9[%add3A_9, %broadcast_in_dim3A_578], %get3A_584 : memref<32x513xf32, #tpu.memory_space<vmem>>[vector<16xi32>, vector<16xi32>], vector<16xf32>,
      %add3A_585 = arith.constant 6 : i32
      %add3A_586 = arith.addi %add3A_532, %add3A_585 : i32
      %broadcast_in_dim3A_587 = vector.broadcast %add3A_586 : i32 to vector<16xi32>
      %get3A_588 = arith.index_cast %add3A_586 : i32 to index
      %get3A_589 = arith.constant 0 : index
      %get3A_590 = tpu.vector_load %arg7[%get3A_588, %get3A_589] {strides = array<i32>} : memref<512x32xf32, #tpu.memory_space<vmem>>, vector<16xf32>,
      tpu.vector_store_idx %arg9[%add3A_5, %broadcast_in_dim3A_587], %get3A_590 : memref<32x513xf32, #tpu.memory_space<vmem>>[vector<16xi32>, vector<16xi32>], vector<16xf32>,
      %get3A_591 = arith.index_cast %add3A_586 : i32 to index
      %get3A_592 = arith.constant 16 : index
      %get3A_593 = tpu.vector_load %arg7[%get3A_591, %get3A_592] {strides = array<i32>} : memref<512x32xf32, #tpu.memory_space<vmem>>, vector<16xf32>,
      tpu.vector_store_idx %arg9[%add3A_9, %broadcast_in_dim3A_587], %get3A_593 : memref<32x513xf32, #tpu.memory_space<vmem>>[vector<16xi32>, vector<16xi32>], vector<16xf32>,
      %add3A_594 = arith.constant 7 : i32
      %add3A_595 = arith.addi %add3A_532, %add3A_594 : i32
      %broadcast_in_dim3A_596 = vector.broadcast %add3A_595 : i32 to vector<16xi32>
      %get3A_597 = arith.index_cast %add3A_595 : i32 to index
      %get3A_598 = arith.constant 0 : index
      %get3A_599 = tpu.vector_load %arg7[%get3A_597, %get3A_598] {strides = array<i32>} : memref<512x32xf32, #tpu.memory_space<vmem>>, vector<16xf32>,
      tpu.vector_store_idx %arg9[%add3A_5, %broadcast_in_dim3A_596], %get3A_599 : memref<32x513xf32, #tpu.memory_space<vmem>>[vector<16xi32>, vector<16xi32>], vector<16xf32>,
      %get3A_600 = arith.index_cast %add3A_595 : i32 to index
      %get3A_601 = arith.constant 16 : index
      %get3A_602 = tpu.vector_load %arg7[%get3A_600, %get3A_601] {strides = array<i32>} : memref<512x32xf32, #tpu.memory_space<vmem>>, vector<16xf32>,
      tpu.vector_store_idx %arg9[%add3A_9, %broadcast_in_dim3A_596], %get3A_602 : memref<32x513xf32, #tpu.memory_space<vmem>>[vector<16xi32>, vector<16xi32>], vector<16xf32>,
      %add3A_603 = arith.constant 8 : i32
      %add3A_604 = arith.addi %add3A_532, %add3A_603 : i32
      %broadcast_in_dim3A_605 = vector.broadcast %add3A_604 : i32 to vector<16xi32>
      %get3A_606 = arith.index_cast %add3A_604 : i32 to index
      %get3A_607 = arith.constant 0 : index
      %get3A_608 = tpu.vector_load %arg7[%get3A_606, %get3A_607] {strides = array<i32>} : memref<512x32xf32, #tpu.memory_space<vmem>>, vector<16xf32>,
      tpu.vector_store_idx %arg9[%add3A_5, %broadcast_in_dim3A_605], %get3A_608 : memref<32x513xf32, #tpu.memory_space<vmem>>[vector<16xi32>, vector<16xi32>], vector<16xf32>,
      %get3A_609 = arith.index_cast %add3A_604 : i32 to index
      %get3A_610 = arith.constant 16 : index
      %get3A_611 = tpu.vector_load %arg7[%get3A_609, %get3A_610] {strides = array<i32>} : memref<512x32xf32, #tpu.memory_space<vmem>>, vector<16xf32>,
      tpu.vector_store_idx %arg9[%add3A_9, %broadcast_in_dim3A_605], %get3A_611 : memref<32x513xf32, #tpu.memory_space<vmem>>[vector<16xi32>, vector<16xi32>], vector<16xf32>,
      %add3A_612 = arith.constant 9 : i32
      %add3A_613 = arith.addi %add3A_532, %add3A_612 : i32
      %broadcast_in_dim3A_614 = vector.broadcast %add3A_613 : i32 to vector<16xi32>
      %get3A_615 = arith.index_cast %add3A_613 : i32 to index
      %get3A_616 = arith.constant 0 : index
      %get3A_617 = tpu.vector_load %arg7[%get3A_615, %get3A_616] {strides = array<i32>} : memref<512x32xf32, #tpu.memory_space<vmem>>, vector<16xf32>,
      tpu.vector_store_idx %arg9[%add3A_5, %broadcast_in_dim3A_614], %get3A_617 : memref<32x513xf32, #tpu.memory_space<vmem>>[vector<16xi32>, vector<16xi32>], vector<16xf32>,
      %get3A_618 = arith.index_cast %add3A_613 : i32 to index
      %get3A_619 = arith.constant 16 : index
      %get3A_620 = tpu.vector_load %arg7[%get3A_618, %get3A_619] {strides = array<i32>} : memref<512x32xf32, #tpu.memory_space<vmem>>, vector<16xf32>,
      tpu.vector_store_idx %arg9[%add3A_9, %broadcast_in_dim3A_614], %get3A_620 : memref<32x513xf32, #tpu.memory_space<vmem>>[vector<16xi32>, vector<16xi32>], vector<16xf32>,
      %add3A_621 = arith.constant 10 : i32
      %add3A_622 = arith.addi %add3A_532, %add3A_621 : i32
      %broadcast_in_dim3A_623 = vector.broadcast %add3A_622 : i32 to vector<16xi32>
      %get3A_624 = arith.index_cast %add3A_622 : i32 to index
      %get3A_625 = arith.constant 0 : index
      %get3A_626 = tpu.vector_load %arg7[%get3A_624, %get3A_625] {strides = array<i32>} : memref<512x32xf32, #tpu.memory_space<vmem>>, vector<16xf32>,
      tpu.vector_store_idx %arg9[%add3A_5, %broadcast_in_dim3A_623], %get3A_626 : memref<32x513xf32, #tpu.memory_space<vmem>>[vector<16xi32>, vector<16xi32>], vector<16xf32>,
      %get3A_627 = arith.index_cast %add3A_622 : i32 to index
      %get3A_628 = arith.constant 16 : index
      %get3A_629 = tpu.vector_load %arg7[%get3A_627, %get3A_628] {strides = array<i32>} : memref<512x32xf32, #tpu.memory_space<vmem>>, vector<16xf32>,
      tpu.vector_store_idx %arg9[%add3A_9, %broadcast_in_dim3A_623], %get3A_629 : memref<32x513xf32, #tpu.memory_space<vmem>>[vector<16xi32>, vector<16xi32>], vector<16xf32>,
      %add3A_630 = arith.constant 11 : i32
      %add3A_631 = arith.addi %add3A_532, %add3A_630 : i32
      %broadcast_in_dim3A_632 = vector.broadcast %add3A_631 : i32 to vector<16xi32>
      %get3A_633 = arith.index_cast %add3A_631 : i32 to index
      %get3A_634 = arith.constant 0 : index
      %get3A_635 = tpu.vector_load %arg7[%get3A_633, %get3A_634] {strides = array<i32>} : memref<512x32xf32, #tpu.memory_space<vmem>>, vector<16xf32>,
      tpu.vector_store_idx %arg9[%add3A_5, %broadcast_in_dim3A_632], %get3A_635 : memref<32x513xf32, #tpu.memory_space<vmem>>[vector<16xi32>, vector<16xi32>], vector<16xf32>,
      %get3A_636 = arith.index_cast %add3A_631 : i32 to index
      %get3A_637 = arith.constant 16 : index
      %get3A_638 = tpu.vector_load %arg7[%get3A_636, %get3A_637] {strides = array<i32>} : memref<512x32xf32, #tpu.memory_space<vmem>>, vector<16xf32>,
      tpu.vector_store_idx %arg9[%add3A_9, %broadcast_in_dim3A_632], %get3A_638 : memref<32x513xf32, #tpu.memory_space<vmem>>[vector<16xi32>, vector<16xi32>], vector<16xf32>,
      %add3A_639 = arith.constant 12 : i32
      %add3A_640 = arith.addi %add3A_532, %add3A_639 : i32
      %broadcast_in_dim3A_641 = vector.broadcast %add3A_640 : i32 to vector<16xi32>
      %get3A_642 = arith.index_cast %add3A_640 : i32 to index
      %get3A_643 = arith.constant 0 : index
      %get3A_644 = tpu.vector_load %arg7[%get3A_642, %get3A_643] {strides = array<i32>} : memref<512x32xf32, #tpu.memory_space<vmem>>, vector<16xf32>,
      tpu.vector_store_idx %arg9[%add3A_5, %broadcast_in_dim3A_641], %get3A_644 : memref<32x513xf32, #tpu.memory_space<vmem>>[vector<16xi32>, vector<16xi32>], vector<16xf32>,
      %get3A_645 = arith.index_cast %add3A_640 : i32 to index
      %get3A_646 = arith.constant 16 : index
      %get3A_647 = tpu.vector_load %arg7[%get3A_645, %get3A_646] {strides = array<i32>} : memref<512x32xf32, #tpu.memory_space<vmem>>, vector<16xf32>,
      tpu.vector_store_idx %arg9[%add3A_9, %broadcast_in_dim3A_641], %get3A_647 : memref<32x513xf32, #tpu.memory_space<vmem>>[vector<16xi32>, vector<16xi32>], vector<16xf32>,
      %add3A_648 = arith.constant 13 : i32
      %add3A_649 = arith.addi %add3A_532, %add3A_648 : i32
      %broadcast_in_dim3A_650 = vector.broadcast %add3A_649 : i32 to vector<16xi32>
      %get3A_651 = arith.index_cast %add3A_649 : i32 to index
      %get3A_652 = arith.constant 0 : index
      %get3A_653 = tpu.vector_load %arg7[%get3A_651, %get3A_652] {strides = array<i32>} : memref<512x32xf32, #tpu.memory_space<vmem>>, vector<16xf32>,
      tpu.vector_store_idx %arg9[%add3A_5, %broadcast_in_dim3A_650], %get3A_653 : memref<32x513xf32, #tpu.memory_space<vmem>>[vector<16xi32>, vector<16xi32>], vector<16xf32>,
      %get3A_654 = arith.index_cast %add3A_649 : i32 to index
      %get3A_655 = arith.constant 16 : index
      %get3A_656 = tpu.vector_load %arg7[%get3A_654, %get3A_655] {strides = array<i32>} : memref<512x32xf32, #tpu.memory_space<vmem>>, vector<16xf32>,
      tpu.vector_store_idx %arg9[%add3A_9, %broadcast_in_dim3A_650], %get3A_656 : memref<32x513xf32, #tpu.memory_space<vmem>>[vector<16xi32>, vector<16xi32>], vector<16xf32>,
      %add3A_657 = arith.constant 14 : i32
      %add3A_658 = arith.addi %add3A_532, %add3A_657 : i32
      %broadcast_in_dim3A_659 = vector.broadcast %add3A_658 : i32 to vector<16xi32>
      %get3A_660 = arith.index_cast %add3A_658 : i32 to index
      %get3A_661 = arith.constant 0 : index
      %get3A_662 = tpu.vector_load %arg7[%get3A_660, %get3A_661] {strides = array<i32>} : memref<512x32xf32, #tpu.memory_space<vmem>>, vector<16xf32>,
      tpu.vector_store_idx %arg9[%add3A_5, %broadcast_in_dim3A_659], %get3A_662 : memref<32x513xf32, #tpu.memory_space<vmem>>[vector<16xi32>, vector<16xi32>], vector<16xf32>,
      %get3A_663 = arith.index_cast %add3A_658 : i32 to index
      %get3A_664 = arith.constant 16 : index
      %get3A_665 = tpu.vector_load %arg7[%get3A_663, %get3A_664] {strides = array<i32>} : memref<512x32xf32, #tpu.memory_space<vmem>>, vector<16xf32>,
      tpu.vector_store_idx %arg9[%add3A_9, %broadcast_in_dim3A_659], %get3A_665 : memref<32x513xf32, #tpu.memory_space<vmem>>[vector<16xi32>, vector<16xi32>], vector<16xf32>,
      %add3A_666 = arith.constant 15 : i32
      %add3A_667 = arith.addi %add3A_532, %add3A_666 : i32
      %broadcast_in_dim3A_668 = vector.broadcast %add3A_667 : i32 to vector<16xi32>
      %get3A_669 = arith.index_cast %add3A_667 : i32 to index
      %get3A_670 = arith.constant 0 : index
      %get3A_671 = tpu.vector_load %arg7[%get3A_669, %get3A_670] {strides = array<i32>} : memref<512x32xf32, #tpu.memory_space<vmem>>, vector<16xf32>,
      tpu.vector_store_idx %arg9[%add3A_5, %broadcast_in_dim3A_668], %get3A_671 : memref<32x513xf32, #tpu.memory_space<vmem>>[vector<16xi32>, vector<16xi32>], vector<16xf32>,
      %get3A_672 = arith.index_cast %add3A_667 : i32 to index
      %get3A_673 = arith.constant 16 : index
      %get3A_674 = tpu.vector_load %arg7[%get3A_672, %get3A_673] {strides = array<i32>} : memref<512x32xf32, #tpu.memory_space<vmem>>, vector<16xf32>,
      tpu.vector_store_idx %arg9[%add3A_9, %broadcast_in_dim3A_668], %get3A_674 : memref<32x513xf32, #tpu.memory_space<vmem>>[vector<16xi32>, vector<16xi32>], vector<16xf32>,
    }
    %scan3A_99 = arith.constant 32 : i32
    %add3A_100 = arith.constant 1 : i32
    %add3A_101 = arith.addi %mul3A_2, %add3A_100 : i32
    %jit3A_102 = arith.constant 8 : i32
    %div3A_103 = arith.divsi %add3A_101, %jit3A_102 : i32
    %sign3A_104 = arith.constant 0 : i32
    %sign3A_105 = arith.cmpi sgt, %add3A_101, %sign3A_104 : i32
    %sign3A_106 = arith.extui %sign3A_105 : i1 to i32
    %sign3A_107 = arith.constant 0 : i32
    %sign3A_108 = arith.cmpi slt, %add3A_101, %sign3A_107 : i32
    %sign3A_109 = arith.extui %sign3A_108 : i1 to i32
    %sign3A_110 = arith.subi %sign3A_106, %sign3A_109 : i32
    %sign3A_111 = arith.constant 0 : i32
    %sign3A_112 = arith.cmpi sgt, %jit3A_102, %sign3A_111 : i32
    %sign3A_113 = arith.extui %sign3A_112 : i1 to i32
    %sign3A_114 = arith.constant 0 : i32
    %sign3A_115 = arith.cmpi slt, %jit3A_102, %sign3A_114 : i32
    %sign3A_116 = arith.extui %sign3A_115 : i1 to i32
    %sign3A_117 = arith.subi %sign3A_113, %sign3A_116 : i32
    %ne3A_118 = arith.cmpi ne, %sign3A_110, %sign3A_117 : i32
    %rem3A_119 = arith.remsi %add3A_101, %jit3A_102 : i32
    %ne3A_120 = arith.constant 0 : i32
    %ne3A_121 = arith.cmpi ne, %rem3A_119, %ne3A_120 : i32
    %and3A_122 = arith.andi %ne3A_118, %ne3A_121 : i1
    %sub3A_123 = arith.constant 1 : i32
    %sub3A_124 = arith.subi %div3A_103, %sub3A_123 : i32
    %select_n3A_125 = arith.select %and3A_122, %sub3A_124, %div3A_103 : i32
    %jit3A_126 = arith.constant 8 : i32
    %eq3A_127 = arith.constant 0 : i32
    %eq3A_128 = arith.cmpi eq, %jit3A_126, %eq3A_127 : i32
    %jit3A_129 = arith.constant 1 : i32
    %select_n3A_130 = arith.select %eq3A_128, %jit3A_129, %jit3A_126 : i32
    %rem3A_131 = arith.remsi %add3A_101, %select_n3A_130 : i32
    %ne3A_132 = arith.constant 0 : i32
    %ne3A_133 = arith.cmpi ne, %rem3A_131, %ne3A_132 : i32
    %lt3A_134 = arith.constant 0 : i32
    %lt3A_135 = arith.cmpi slt, %rem3A_131, %lt3A_134 : i32
    %lt3A_136 = arith.constant 0 : i32
    %lt3A_137 = arith.cmpi slt, %select_n3A_130, %lt3A_136 : i32
    %ne3A_138 = arith.xori %lt3A_135, %lt3A_137 : i1
    %and3A_139 = arith.andi %ne3A_138, %ne3A_133 : i1
    %add3A_140 = arith.addi %rem3A_131, %select_n3A_130 : i32
    %select_n3A_141 = arith.select %and3A_139, %add3A_140, %rem3A_131 : i32
    %mul3A_142 = arith.constant 512 : i32
    %mul3A_143 = arith.muli %select_n3A_141, %mul3A_142 : i32
    %dma_start3A_144 = arith.constant 0 : i32
    %dma_start3A_145 = arith.constant 0 : i32
    %dma_start3A_146 = tpu.memref_slice %arg9[%dma_start3A_144, %dma_start3A_145] : memref<32x513xf32, #tpu.memory_space<vmem>> -> memref<32x512xf32, #tpu.memory_space<vmem>>
    %dma_start3A_147 = arith.constant 0 : i32
    %dma_start3A_148 = tpu.memref_slice %arg4[%select_n3A_125, %dma_start3A_147, %mul3A_143] : memref<200x32x4096xf32, #tpu.memory_space<hbm>> -> memref<1x32x512xf32, #tpu.memory_space<hbm>>
    %dma_start3A_149 = tpu.memref_squeeze %dma_start3A_148 : memref<1x32x512xf32, #tpu.memory_space<hbm>> -> memref<32x512xf32, #tpu.memory_space<hbm>>
    %dma_start3A_150 = arith.constant 0 : i32
    %dma_start3A_151 = tpu.memref_slice %arg4[%select_n3A_125, %dma_start3A_150, %mul3A_143] : memref<200x32x4096xf32, #tpu.memory_space<hbm>> -> memref<1x32x512xf32, #tpu.memory_space<hbm>>
    %dma_start3A_152 = tpu.memref_squeeze %dma_start3A_151 : memref<1x32x512xf32, #tpu.memory_space<hbm>> -> memref<32x512xf32, #tpu.memory_space<hbm>>
    %dma_start3A_153 = arith.constant 0 : i32
    %dma_start3A_154 = arith.constant 0 : i32
    %dma_start3A_155 = tpu.memref_slice %arg9[%dma_start3A_153, %dma_start3A_154] : memref<32x513xf32, #tpu.memory_space<vmem>> -> memref<32x512xf32, #tpu.memory_space<vmem>>
    tpu.enqueue_dma source(%dma_start3A_155 : memref<32x512xf32, #tpu.memory_space<vmem>>) target(%dma_start3A_152 : memref<32x512xf32, #tpu.memory_space<hbm>>) target_semaphore(%arg13 : memref<!tpu.dma_semaphore, #tpu.memory_space<semaphore_mem>>)
    %scan3A_156 = arith.constant 0 : i32
    %scan3A_157 = arith.constant 23 : i32
    %scan3A_158 = arith.addi %scan3A_156, %scan3A_157 : i32
    %scan3A_159 = arith.constant 1 : i32
    scf.for %scan3A_528 = %scan3A_156 to %scan3A_158 step %scan3A_159  : i32 {
      %mul3A_529 = arith.constant 2 : i32
      %mul3A_530 = arith.muli %scan3A_528, %mul3A_529 : i32
      %add3A_531 = arith.constant 2 : i32
      %add3A_532 = arith.addi %add3A_531, %mul3A_530 : i32
      %add3A_533 = arith.constant 0 : i32
      %add3A_534 = arith.addi %add3A_532, %add3A_533 : i32
      %mul3A_535 = arith.constant 512 : i32
      %mul3A_536 = arith.muli %add3A_534, %mul3A_535 : i32
      %dma_wait3A_537 = arith.constant 0 : i32
      %dma_wait3A_538 = tpu.memref_slice %arg5[%dma_wait3A_537, %mul3A_536] : memref<1x25600xi32, #tpu.memory_space<vmem>> -> memref<1x512xi32, #tpu.memory_space<vmem>>
      %dma_wait3A_539 = tpu.memref_squeeze %dma_wait3A_538 : memref<1x512xi32, #tpu.memory_space<vmem>> -> memref<512xi32, #tpu.memory_space<vmem>>
      %dma_wait3A_540 = arith.constant 0 : i32
      %dma_wait3A_541 = arith.constant 0 : i32
      %dma_wait3A_542 = tpu.memref_slice %arg2[%dma_wait3A_540, %dma_wait3A_541] : memref<1000000x32xf32, #tpu.memory_space<hbm>> -> memref<1000000x32xf32, #tpu.memory_space<hbm>>
      tpu.wait_indirect_dma semaphore(%arg10 : memref<!tpu.dma_semaphore, #tpu.memory_space<semaphore_mem>>) src(%dma_wait3A_542 : memref<1000000x32xf32, #tpu.memory_space<hbm>>) dst(%arg6 : memref<512x32xf32, #tpu.memory_space<vmem>>)
      %add3A_543 = arith.constant 1 : i32
      %add3A_544 = arith.addi %add3A_534, %add3A_543 : i32
      %mul3A_545 = arith.constant 512 : i32
      %mul3A_546 = arith.muli %add3A_544, %mul3A_545 : i32
      %dma_start3A_547 = arith.constant 0 : i32
      %dma_start3A_548 = tpu.memref_slice %arg5[%dma_start3A_547, %mul3A_546] : memref<1x25600xi32, #tpu.memory_space<vmem>> -> memref<1x512xi32, #tpu.memory_space<vmem>>
      %dma_start3A_549 = tpu.memref_squeeze %dma_start3A_548 : memref<1x512xi32, #tpu.memory_space<vmem>> -> memref<512xi32, #tpu.memory_space<vmem>>
      %dma_start3A_550 = arith.constant 0 : i32
      %dma_start3A_551 = arith.constant 0 : i32
      %dma_start3A_552 = tpu.memref_slice %arg2[%dma_start3A_550, %dma_start3A_551] : memref<1000000x32xf32, #tpu.memory_space<hbm>> -> memref<1000000x32xf32, #tpu.memory_space<hbm>>
      tpu.enqueue_indirect_dma source(%dma_start3A_552 : memref<1000000x32xf32, #tpu.memory_space<hbm>>) target(%arg7 : memref<512x32xf32, #tpu.memory_space<vmem>>) offsets(%dma_start3A_549 : memref<512xi32, #tpu.memory_space<vmem>>) semaphore(%arg11 : memref<!tpu.dma_semaphore, #tpu.memory_space<semaphore_mem>>)
      %sub3A_553 = arith.constant 2 : i32
      %sub3A_554 = arith.subi %add3A_534, %sub3A_553 : i32
      %add3A_555 = arith.addi %mul3A_2, %sub3A_554 : i32
      %jit3A_556 = arith.constant 8 : i32
      %div3A_557 = arith.divsi %add3A_555, %jit3A_556 : i32
      %sign3A_558 = arith.constant 0 : i32
      %sign3A_559 = arith.cmpi sgt, %add3A_555, %sign3A_558 : i32
      %sign3A_560 = arith.extui %sign3A_559 : i1 to i32
      %sign3A_561 = arith.constant 0 : i32
      %sign3A_562 = arith.cmpi slt, %add3A_555, %sign3A_561 : i32
      %sign3A_563 = arith.extui %sign3A_562 : i1 to i32
      %sign3A_564 = arith.subi %sign3A_560, %sign3A_563 : i32
      %sign3A_565 = arith.constant 0 : i32
      %sign3A_566 = arith.cmpi sgt, %jit3A_556, %sign3A_565 : i32
      %sign3A_567 = arith.extui %sign3A_566 : i1 to i32
      %sign3A_568 = arith.constant 0 : i32
      %sign3A_569 = arith.cmpi slt, %jit3A_556, %sign3A_568 : i32
      %sign3A_570 = arith.extui %sign3A_569 : i1 to i32
      %sign3A_571 = arith.subi %sign3A_567, %sign3A_570 : i32
      %ne3A_572 = arith.cmpi ne, %sign3A_564, %sign3A_571 : i32
      %rem3A_573 = arith.remsi %add3A_555, %jit3A_556 : i32
      %ne3A_574 = arith.constant 0 : i32
      %ne3A_575 = arith.cmpi ne, %rem3A_573, %ne3A_574 : i32
      %and3A_576 = arith.andi %ne3A_572, %ne3A_575 : i1
      %sub3A_577 = arith.constant 1 : i32
      %sub3A_578 = arith.subi %div3A_557, %sub3A_577 : i32
      %select_n3A_579 = arith.select %and3A_576, %sub3A_578, %div3A_557 : i32
      %jit3A_580 = arith.constant 8 : i32
      %eq3A_581 = arith.constant 0 : i32
      %eq3A_582 = arith.cmpi eq, %jit3A_580, %eq3A_581 : i32
      %jit3A_583 = arith.constant 1 : i32
      %select_n3A_584 = arith.select %eq3A_582, %jit3A_583, %jit3A_580 : i32
      %rem3A_585 = arith.remsi %add3A_555, %select_n3A_584 : i32
      %ne3A_586 = arith.constant 0 : i32
      %ne3A_587 = arith.cmpi ne, %rem3A_585, %ne3A_586 : i32
      %lt3A_588 = arith.constant 0 : i32
      %lt3A_589 = arith.cmpi slt, %rem3A_585, %lt3A_588 : i32
      %lt3A_590 = arith.constant 0 : i32
      %lt3A_591 = arith.cmpi slt, %select_n3A_584, %lt3A_590 : i32
      %ne3A_592 = arith.xori %lt3A_589, %lt3A_591 : i1
      %and3A_593 = arith.andi %ne3A_592, %ne3A_587 : i1
      %add3A_594 = arith.addi %rem3A_585, %select_n3A_584 : i32
      %select_n3A_595 = arith.select %and3A_593, %add3A_594, %rem3A_585 : i32
      %mul3A_596 = arith.constant 512 : i32
      %mul3A_597 = arith.muli %select_n3A_595, %mul3A_596 : i32
      %dma_wait3A_598 = arith.constant 0 : i32
      %dma_wait3A_599 = arith.constant 0 : i32
      %dma_wait3A_600 = tpu.memref_slice %arg8[%dma_wait3A_598, %dma_wait3A_599] : memref<32x513xf32, #tpu.memory_space<vmem>> -> memref<32x512xf32, #tpu.memory_space<vmem>>
      %dma_wait3A_601 = arith.constant 0 : i32
      %dma_wait3A_602 = tpu.memref_slice %arg4[%select_n3A_579, %dma_wait3A_601, %mul3A_597] : memref<200x32x4096xf32, #tpu.memory_space<hbm>> -> memref<1x32x512xf32, #tpu.memory_space<hbm>>
      %dma_wait3A_603 = tpu.memref_squeeze %dma_wait3A_602 : memref<1x32x512xf32, #tpu.memory_space<hbm>> -> memref<32x512xf32, #tpu.memory_space<hbm>>
      %dma_wait3A_604 = arith.constant 0 : i32
      %dma_wait3A_605 = tpu.memref_slice %arg4[%select_n3A_579, %dma_wait3A_604, %mul3A_597] : memref<200x32x4096xf32, #tpu.memory_space<hbm>> -> memref<1x32x512xf32, #tpu.memory_space<hbm>>
      %dma_wait3A_606 = tpu.memref_squeeze %dma_wait3A_605 : memref<1x32x512xf32, #tpu.memory_space<hbm>> -> memref<32x512xf32, #tpu.memory_space<hbm>>
      %dma_wait3A_607 = arith.constant 0 : i32
      %dma_wait3A_608 = arith.constant 0 : i32
      %dma_wait3A_609 = tpu.memref_slice %arg8[%dma_wait3A_607, %dma_wait3A_608] : memref<32x513xf32, #tpu.memory_space<vmem>> -> memref<32x512xf32, #tpu.memory_space<vmem>>
      tpu.wait_dma2 semaphore(%arg12 : memref<!tpu.dma_semaphore, #tpu.memory_space<semaphore_mem>>) src(%dma_wait3A_609 : memref<32x512xf32, #tpu.memory_space<vmem>>) dst(%dma_wait3A_606 : memref<32x512xf32, #tpu.memory_space<hbm>>)
      %scan3A_610 = arith.constant 0 : i32
      %scan3A_611 = arith.constant 32 : i32
      %scan3A_612 = arith.addi %scan3A_610, %scan3A_611 : i32
      %scan3A_613 = arith.constant 1 : i32
      scf.for %scan3A_807 = %scan3A_610 to %scan3A_612 step %scan3A_613  : i32 {
        %mul3A_808 = arith.constant 16 : i32
        %mul3A_809 = arith.muli %scan3A_807, %mul3A_808 : i32
        %add3A_810 = arith.constant 0 : i32
        %add3A_811 = arith.addi %add3A_810, %mul3A_809 : i32
        %add3A_812 = arith.constant 0 : i32
        %add3A_813 = arith.addi %add3A_811, %add3A_812 : i32
        %broadcast_in_dim3A = vector.broadcast %add3A_813 : i32 to vector<16xi32>
        %get3A = arith.index_cast %add3A_813 : i32 to index
        %get3A_814 = arith.constant 0 : index
        %get3A_815 = tpu.vector_load %arg6[%get3A, %get3A_814] {strides = array<i32>} : memref<512x32xf32, #tpu.memory_space<vmem>>, vector<16xf32>,
        tpu.vector_store_idx %arg8[%add3A_5, %broadcast_in_dim3A], %get3A_815 : memref<32x513xf32, #tpu.memory_space<vmem>>[vector<16xi32>, vector<16xi32>], vector<16xf32>,
        %get3A_816 = arith.index_cast %add3A_813 : i32 to index
        %get3A_817 = arith.constant 16 : index
        %get3A_818 = tpu.vector_load %arg6[%get3A_816, %get3A_817] {strides = array<i32>} : memref<512x32xf32, #tpu.memory_space<vmem>>, vector<16xf32>,
        tpu.vector_store_idx %arg8[%add3A_9, %broadcast_in_dim3A], %get3A_818 : memref<32x513xf32, #tpu.memory_space<vmem>>[vector<16xi32>, vector<16xi32>], vector<16xf32>,
        %add3A_819 = arith.constant 1 : i32
        %add3A_820 = arith.addi %add3A_811, %add3A_819 : i32
        %broadcast_in_dim3A_821 = vector.broadcast %add3A_820 : i32 to vector<16xi32>
        %get3A_822 = arith.index_cast %add3A_820 : i32 to index
        %get3A_823 = arith.constant 0 : index
        %get3A_824 = tpu.vector_load %arg6[%get3A_822, %get3A_823] {strides = array<i32>} : memref<512x32xf32, #tpu.memory_space<vmem>>, vector<16xf32>,
        tpu.vector_store_idx %arg8[%add3A_5, %broadcast_in_dim3A_821], %get3A_824 : memref<32x513xf32, #tpu.memory_space<vmem>>[vector<16xi32>, vector<16xi32>], vector<16xf32>,
        %get3A_825 = arith.index_cast %add3A_820 : i32 to index
        %get3A_826 = arith.constant 16 : index
        %get3A_827 = tpu.vector_load %arg6[%get3A_825, %get3A_826] {strides = array<i32>} : memref<512x32xf32, #tpu.memory_space<vmem>>, vector<16xf32>,
        tpu.vector_store_idx %arg8[%add3A_9, %broadcast_in_dim3A_821], %get3A_827 : memref<32x513xf32, #tpu.memory_space<vmem>>[vector<16xi32>, vector<16xi32>], vector<16xf32>,
        %add3A_828 = arith.constant 2 : i32
        %add3A_829 = arith.addi %add3A_811, %add3A_828 : i32
        %broadcast_in_dim3A_830 = vector.broadcast %add3A_829 : i32 to vector<16xi32>
        %get3A_831 = arith.index_cast %add3A_829 : i32 to index
        %get3A_832 = arith.constant 0 : index
        %get3A_833 = tpu.vector_load %arg6[%get3A_831, %get3A_832] {strides = array<i32>} : memref<512x32xf32, #tpu.memory_space<vmem>>, vector<16xf32>,
        tpu.vector_store_idx %arg8[%add3A_5, %broadcast_in_dim3A_830], %get3A_833 : memref<32x513xf32, #tpu.memory_space<vmem>>[vector<16xi32>, vector<16xi32>], vector<16xf32>,
        %get3A_834 = arith.index_cast %add3A_829 : i32 to index
        %get3A_835 = arith.constant 16 : index
        %get3A_836 = tpu.vector_load %arg6[%get3A_834, %get3A_835] {strides = array<i32>} : memref<512x32xf32, #tpu.memory_space<vmem>>, vector<16xf32>,
        tpu.vector_store_idx %arg8[%add3A_9, %broadcast_in_dim3A_830], %get3A_836 : memref<32x513xf32, #tpu.memory_space<vmem>>[vector<16xi32>, vector<16xi32>], vector<16xf32>,
        %add3A_837 = arith.constant 3 : i32
        %add3A_838 = arith.addi %add3A_811, %add3A_837 : i32
        %broadcast_in_dim3A_839 = vector.broadcast %add3A_838 : i32 to vector<16xi32>
        %get3A_840 = arith.index_cast %add3A_838 : i32 to index
        %get3A_841 = arith.constant 0 : index
        %get3A_842 = tpu.vector_load %arg6[%get3A_840, %get3A_841] {strides = array<i32>} : memref<512x32xf32, #tpu.memory_space<vmem>>, vector<16xf32>,
        tpu.vector_store_idx %arg8[%add3A_5, %broadcast_in_dim3A_839], %get3A_842 : memref<32x513xf32, #tpu.memory_space<vmem>>[vector<16xi32>, vector<16xi32>], vector<16xf32>,
        %get3A_843 = arith.index_cast %add3A_838 : i32 to index
        %get3A_844 = arith.constant 16 : index
        %get3A_845 = tpu.vector_load %arg6[%get3A_843, %get3A_844] {strides = array<i32>} : memref<512x32xf32, #tpu.memory_space<vmem>>, vector<16xf32>,
        tpu.vector_store_idx %arg8[%add3A_9, %broadcast_in_dim3A_839], %get3A_845 : memref<32x513xf32, #tpu.memory_space<vmem>>[vector<16xi32>, vector<16xi32>], vector<16xf32>,
        %add3A_846 = arith.constant 4 : i32
        %add3A_847 = arith.addi %add3A_811, %add3A_846 : i32
        %broadcast_in_dim3A_848 = vector.broadcast %add3A_847 : i32 to vector<16xi32>
        %get3A_849 = arith.index_cast %add3A_847 : i32 to index
        %get3A_850 = arith.constant 0 : index
        %get3A_851 = tpu.vector_load %arg6[%get3A_849, %get3A_850] {strides = array<i32>} : memref<512x32xf32, #tpu.memory_space<vmem>>, vector<16xf32>,
        tpu.vector_store_idx %arg8[%add3A_5, %broadcast_in_dim3A_848], %get3A_851 : memref<32x513xf32, #tpu.memory_space<vmem>>[vector<16xi32>, vector<16xi32>], vector<16xf32>,
        %get3A_852 = arith.index_cast %add3A_847 : i32 to index
        %get3A_853 = arith.constant 16 : index
        %get3A_854 = tpu.vector_load %arg6[%get3A_852, %get3A_853] {strides = array<i32>} : memref<512x32xf32, #tpu.memory_space<vmem>>, vector<16xf32>,
        tpu.vector_store_idx %arg8[%add3A_9, %broadcast_in_dim3A_848], %get3A_854 : memref<32x513xf32, #tpu.memory_space<vmem>>[vector<16xi32>, vector<16xi32>], vector<16xf32>,
        %add3A_855 = arith.constant 5 : i32
        %add3A_856 = arith.addi %add3A_811, %add3A_855 : i32
        %broadcast_in_dim3A_857 = vector.broadcast %add3A_856 : i32 to vector<16xi32>
        %get3A_858 = arith.index_cast %add3A_856 : i32 to index
        %get3A_859 = arith.constant 0 : index
        %get3A_860 = tpu.vector_load %arg6[%get3A_858, %get3A_859] {strides = array<i32>} : memref<512x32xf32, #tpu.memory_space<vmem>>, vector<16xf32>,
        tpu.vector_store_idx %arg8[%add3A_5, %broadcast_in_dim3A_857], %get3A_860 : memref<32x513xf32, #tpu.memory_space<vmem>>[vector<16xi32>, vector<16xi32>], vector<16xf32>,
        %get3A_861 = arith.index_cast %add3A_856 : i32 to index
        %get3A_862 = arith.constant 16 : index
        %get3A_863 = tpu.vector_load %arg6[%get3A_861, %get3A_862] {strides = array<i32>} : memref<512x32xf32, #tpu.memory_space<vmem>>, vector<16xf32>,
        tpu.vector_store_idx %arg8[%add3A_9, %broadcast_in_dim3A_857], %get3A_863 : memref<32x513xf32, #tpu.memory_space<vmem>>[vector<16xi32>, vector<16xi32>], vector<16xf32>,
        %add3A_864 = arith.constant 6 : i32
        %add3A_865 = arith.addi %add3A_811, %add3A_864 : i32
        %broadcast_in_dim3A_866 = vector.broadcast %add3A_865 : i32 to vector<16xi32>
        %get3A_867 = arith.index_cast %add3A_865 : i32 to index
        %get3A_868 = arith.constant 0 : index
        %get3A_869 = tpu.vector_load %arg6[%get3A_867, %get3A_868] {strides = array<i32>} : memref<512x32xf32, #tpu.memory_space<vmem>>, vector<16xf32>,
        tpu.vector_store_idx %arg8[%add3A_5, %broadcast_in_dim3A_866], %get3A_869 : memref<32x513xf32, #tpu.memory_space<vmem>>[vector<16xi32>, vector<16xi32>], vector<16xf32>,
        %get3A_870 = arith.index_cast %add3A_865 : i32 to index
        %get3A_871 = arith.constant 16 : index
        %get3A_872 = tpu.vector_load %arg6[%get3A_870, %get3A_871] {strides = array<i32>} : memref<512x32xf32, #tpu.memory_space<vmem>>, vector<16xf32>,
        tpu.vector_store_idx %arg8[%add3A_9, %broadcast_in_dim3A_866], %get3A_872 : memref<32x513xf32, #tpu.memory_space<vmem>>[vector<16xi32>, vector<16xi32>], vector<16xf32>,
        %add3A_873 = arith.constant 7 : i32
        %add3A_874 = arith.addi %add3A_811, %add3A_873 : i32
        %broadcast_in_dim3A_875 = vector.broadcast %add3A_874 : i32 to vector<16xi32>
        %get3A_876 = arith.index_cast %add3A_874 : i32 to index
        %get3A_877 = arith.constant 0 : index
        %get3A_878 = tpu.vector_load %arg6[%get3A_876, %get3A_877] {strides = array<i32>} : memref<512x32xf32, #tpu.memory_space<vmem>>, vector<16xf32>,
        tpu.vector_store_idx %arg8[%add3A_5, %broadcast_in_dim3A_875], %get3A_878 : memref<32x513xf32, #tpu.memory_space<vmem>>[vector<16xi32>, vector<16xi32>], vector<16xf32>,
        %get3A_879 = arith.index_cast %add3A_874 : i32 to index
        %get3A_880 = arith.constant 16 : index
        %get3A_881 = tpu.vector_load %arg6[%get3A_879, %get3A_880] {strides = array<i32>} : memref<512x32xf32, #tpu.memory_space<vmem>>, vector<16xf32>,
        tpu.vector_store_idx %arg8[%add3A_9, %broadcast_in_dim3A_875], %get3A_881 : memref<32x513xf32, #tpu.memory_space<vmem>>[vector<16xi32>, vector<16xi32>], vector<16xf32>,
        %add3A_882 = arith.constant 8 : i32
        %add3A_883 = arith.addi %add3A_811, %add3A_882 : i32
        %broadcast_in_dim3A_884 = vector.broadcast %add3A_883 : i32 to vector<16xi32>
        %get3A_885 = arith.index_cast %add3A_883 : i32 to index
        %get3A_886 = arith.constant 0 : index
        %get3A_887 = tpu.vector_load %arg6[%get3A_885, %get3A_886] {strides = array<i32>} : memref<512x32xf32, #tpu.memory_space<vmem>>, vector<16xf32>,
        tpu.vector_store_idx %arg8[%add3A_5, %broadcast_in_dim3A_884], %get3A_887 : memref<32x513xf32, #tpu.memory_space<vmem>>[vector<16xi32>, vector<16xi32>], vector<16xf32>,
        %get3A_888 = arith.index_cast %add3A_883 : i32 to index
        %get3A_889 = arith.constant 16 : index
        %get3A_890 = tpu.vector_load %arg6[%get3A_888, %get3A_889] {strides = array<i32>} : memref<512x32xf32, #tpu.memory_space<vmem>>, vector<16xf32>,
        tpu.vector_store_idx %arg8[%add3A_9, %broadcast_in_dim3A_884], %get3A_890 : memref<32x513xf32, #tpu.memory_space<vmem>>[vector<16xi32>, vector<16xi32>], vector<16xf32>,
        %add3A_891 = arith.constant 9 : i32
        %add3A_892 = arith.addi %add3A_811, %add3A_891 : i32
        %broadcast_in_dim3A_893 = vector.broadcast %add3A_892 : i32 to vector<16xi32>
        %get3A_894 = arith.index_cast %add3A_892 : i32 to index
        %get3A_895 = arith.constant 0 : index
        %get3A_896 = tpu.vector_load %arg6[%get3A_894, %get3A_895] {strides = array<i32>} : memref<512x32xf32, #tpu.memory_space<vmem>>, vector<16xf32>,
        tpu.vector_store_idx %arg8[%add3A_5, %broadcast_in_dim3A_893], %get3A_896 : memref<32x513xf32, #tpu.memory_space<vmem>>[vector<16xi32>, vector<16xi32>], vector<16xf32>,
        %get3A_897 = arith.index_cast %add3A_892 : i32 to index
        %get3A_898 = arith.constant 16 : index
        %get3A_899 = tpu.vector_load %arg6[%get3A_897, %get3A_898] {strides = array<i32>} : memref<512x32xf32, #tpu.memory_space<vmem>>, vector<16xf32>,
        tpu.vector_store_idx %arg8[%add3A_9, %broadcast_in_dim3A_893], %get3A_899 : memref<32x513xf32, #tpu.memory_space<vmem>>[vector<16xi32>, vector<16xi32>], vector<16xf32>,
        %add3A_900 = arith.constant 10 : i32
        %add3A_901 = arith.addi %add3A_811, %add3A_900 : i32
        %broadcast_in_dim3A_902 = vector.broadcast %add3A_901 : i32 to vector<16xi32>
        %get3A_903 = arith.index_cast %add3A_901 : i32 to index
        %get3A_904 = arith.constant 0 : index
        %get3A_905 = tpu.vector_load %arg6[%get3A_903, %get3A_904] {strides = array<i32>} : memref<512x32xf32, #tpu.memory_space<vmem>>, vector<16xf32>,
        tpu.vector_store_idx %arg8[%add3A_5, %broadcast_in_dim3A_902], %get3A_905 : memref<32x513xf32, #tpu.memory_space<vmem>>[vector<16xi32>, vector<16xi32>], vector<16xf32>,
        %get3A_906 = arith.index_cast %add3A_901 : i32 to index
        %get3A_907 = arith.constant 16 : index
        %get3A_908 = tpu.vector_load %arg6[%get3A_906, %get3A_907] {strides = array<i32>} : memref<512x32xf32, #tpu.memory_space<vmem>>, vector<16xf32>,
        tpu.vector_store_idx %arg8[%add3A_9, %broadcast_in_dim3A_902], %get3A_908 : memref<32x513xf32, #tpu.memory_space<vmem>>[vector<16xi32>, vector<16xi32>], vector<16xf32>,
        %add3A_909 = arith.constant 11 : i32
        %add3A_910 = arith.addi %add3A_811, %add3A_909 : i32
        %broadcast_in_dim3A_911 = vector.broadcast %add3A_910 : i32 to vector<16xi32>
        %get3A_912 = arith.index_cast %add3A_910 : i32 to index
        %get3A_913 = arith.constant 0 : index
        %get3A_914 = tpu.vector_load %arg6[%get3A_912, %get3A_913] {strides = array<i32>} : memref<512x32xf32, #tpu.memory_space<vmem>>, vector<16xf32>,
        tpu.vector_store_idx %arg8[%add3A_5, %broadcast_in_dim3A_911], %get3A_914 : memref<32x513xf32, #tpu.memory_space<vmem>>[vector<16xi32>, vector<16xi32>], vector<16xf32>,
        %get3A_915 = arith.index_cast %add3A_910 : i32 to index
        %get3A_916 = arith.constant 16 : index
        %get3A_917 = tpu.vector_load %arg6[%get3A_915, %get3A_916] {strides = array<i32>} : memref<512x32xf32, #tpu.memory_space<vmem>>, vector<16xf32>,
        tpu.vector_store_idx %arg8[%add3A_9, %broadcast_in_dim3A_911], %get3A_917 : memref<32x513xf32, #tpu.memory_space<vmem>>[vector<16xi32>, vector<16xi32>], vector<16xf32>,
        %add3A_918 = arith.constant 12 : i32
        %add3A_919 = arith.addi %add3A_811, %add3A_918 : i32
        %broadcast_in_dim3A_920 = vector.broadcast %add3A_919 : i32 to vector<16xi32>
        %get3A_921 = arith.index_cast %add3A_919 : i32 to index
        %get3A_922 = arith.constant 0 : index
        %get3A_923 = tpu.vector_load %arg6[%get3A_921, %get3A_922] {strides = array<i32>} : memref<512x32xf32, #tpu.memory_space<vmem>>, vector<16xf32>,
        tpu.vector_store_idx %arg8[%add3A_5, %broadcast_in_dim3A_920], %get3A_923 : memref<32x513xf32, #tpu.memory_space<vmem>>[vector<16xi32>, vector<16xi32>], vector<16xf32>,
        %get3A_924 = arith.index_cast %add3A_919 : i32 to index
        %get3A_925 = arith.constant 16 : index
        %get3A_926 = tpu.vector_load %arg6[%get3A_924, %get3A_925] {strides = array<i32>} : memref<512x32xf32, #tpu.memory_space<vmem>>, vector<16xf32>,
        tpu.vector_store_idx %arg8[%add3A_9, %broadcast_in_dim3A_920], %get3A_926 : memref<32x513xf32, #tpu.memory_space<vmem>>[vector<16xi32>, vector<16xi32>], vector<16xf32>,
        %add3A_927 = arith.constant 13 : i32
        %add3A_928 = arith.addi %add3A_811, %add3A_927 : i32
        %broadcast_in_dim3A_929 = vector.broadcast %add3A_928 : i32 to vector<16xi32>
        %get3A_930 = arith.index_cast %add3A_928 : i32 to index
        %get3A_931 = arith.constant 0 : index
        %get3A_932 = tpu.vector_load %arg6[%get3A_930, %get3A_931] {strides = array<i32>} : memref<512x32xf32, #tpu.memory_space<vmem>>, vector<16xf32>,
        tpu.vector_store_idx %arg8[%add3A_5, %broadcast_in_dim3A_929], %get3A_932 : memref<32x513xf32, #tpu.memory_space<vmem>>[vector<16xi32>, vector<16xi32>], vector<16xf32>,
        %get3A_933 = arith.index_cast %add3A_928 : i32 to index
        %get3A_934 = arith.constant 16 : index
        %get3A_935 = tpu.vector_load %arg6[%get3A_933, %get3A_934] {strides = array<i32>} : memref<512x32xf32, #tpu.memory_space<vmem>>, vector<16xf32>,
        tpu.vector_store_idx %arg8[%add3A_9, %broadcast_in_dim3A_929], %get3A_935 : memref<32x513xf32, #tpu.memory_space<vmem>>[vector<16xi32>, vector<16xi32>], vector<16xf32>,
        %add3A_936 = arith.constant 14 : i32
        %add3A_937 = arith.addi %add3A_811, %add3A_936 : i32
        %broadcast_in_dim3A_938 = vector.broadcast %add3A_937 : i32 to vector<16xi32>
        %get3A_939 = arith.index_cast %add3A_937 : i32 to index
        %get3A_940 = arith.constant 0 : index
        %get3A_941 = tpu.vector_load %arg6[%get3A_939, %get3A_940] {strides = array<i32>} : memref<512x32xf32, #tpu.memory_space<vmem>>, vector<16xf32>,
        tpu.vector_store_idx %arg8[%add3A_5, %broadcast_in_dim3A_938], %get3A_941 : memref<32x513xf32, #tpu.memory_space<vmem>>[vector<16xi32>, vector<16xi32>], vector<16xf32>,
        %get3A_942 = arith.index_cast %add3A_937 : i32 to index
        %get3A_943 = arith.constant 16 : index
        %get3A_944 = tpu.vector_load %arg6[%get3A_942, %get3A_943] {strides = array<i32>} : memref<512x32xf32, #tpu.memory_space<vmem>>, vector<16xf32>,
        tpu.vector_store_idx %arg8[%add3A_9, %broadcast_in_dim3A_938], %get3A_944 : memref<32x513xf32, #tpu.memory_space<vmem>>[vector<16xi32>, vector<16xi32>], vector<16xf32>,
        %add3A_945 = arith.constant 15 : i32
        %add3A_946 = arith.addi %add3A_811, %add3A_945 : i32
        %broadcast_in_dim3A_947 = vector.broadcast %add3A_946 : i32 to vector<16xi32>
        %get3A_948 = arith.index_cast %add3A_946 : i32 to index
        %get3A_949 = arith.constant 0 : index
        %get3A_950 = tpu.vector_load %arg6[%get3A_948, %get3A_949] {strides = array<i32>} : memref<512x32xf32, #tpu.memory_space<vmem>>, vector<16xf32>,
        tpu.vector_store_idx %arg8[%add3A_5, %broadcast_in_dim3A_947], %get3A_950 : memref<32x513xf32, #tpu.memory_space<vmem>>[vector<16xi32>, vector<16xi32>], vector<16xf32>,
        %get3A_951 = arith.index_cast %add3A_946 : i32 to index
        %get3A_952 = arith.constant 16 : index
        %get3A_953 = tpu.vector_load %arg6[%get3A_951, %get3A_952] {strides = array<i32>} : memref<512x32xf32, #tpu.memory_space<vmem>>, vector<16xf32>,
        tpu.vector_store_idx %arg8[%add3A_9, %broadcast_in_dim3A_947], %get3A_953 : memref<32x513xf32, #tpu.memory_space<vmem>>[vector<16xi32>, vector<16xi32>], vector<16xf32>,
      }
      %scan3A_614 = arith.constant 32 : i32
      %add3A_615 = arith.addi %mul3A_2, %add3A_534 : i32
      %jit3A_616 = arith.constant 8 : i32
      %div3A_617 = arith.divsi %add3A_615, %jit3A_616 : i32
      %sign3A_618 = arith.constant 0 : i32
      %sign3A_619 = arith.cmpi sgt, %add3A_615, %sign3A_618 : i32
      %sign3A_620 = arith.extui %sign3A_619 : i1 to i32
      %sign3A_621 = arith.constant 0 : i32
      %sign3A_622 = arith.cmpi slt, %add3A_615, %sign3A_621 : i32
      %sign3A_623 = arith.extui %sign3A_622 : i1 to i32
      %sign3A_624 = arith.subi %sign3A_620, %sign3A_623 : i32
      %sign3A_625 = arith.constant 0 : i32
      %sign3A_626 = arith.cmpi sgt, %jit3A_616, %sign3A_625 : i32
      %sign3A_627 = arith.extui %sign3A_626 : i1 to i32
      %sign3A_628 = arith.constant 0 : i32
      %sign3A_629 = arith.cmpi slt, %jit3A_616, %sign3A_628 : i32
      %sign3A_630 = arith.extui %sign3A_629 : i1 to i32
      %sign3A_631 = arith.subi %sign3A_627, %sign3A_630 : i32
      %ne3A_632 = arith.cmpi ne, %sign3A_624, %sign3A_631 : i32
      %rem3A_633 = arith.remsi %add3A_615, %jit3A_616 : i32
      %ne3A_634 = arith.constant 0 : i32
      %ne3A_635 = arith.cmpi ne, %rem3A_633, %ne3A_634 : i32
      %and3A_636 = arith.andi %ne3A_632, %ne3A_635 : i1
      %sub3A_637 = arith.constant 1 : i32
      %sub3A_638 = arith.subi %div3A_617, %sub3A_637 : i32
      %select_n3A_639 = arith.select %and3A_636, %sub3A_638, %div3A_617 : i32
      %jit3A_640 = arith.constant 8 : i32
      %eq3A_641 = arith.constant 0 : i32
      %eq3A_642 = arith.cmpi eq, %jit3A_640, %eq3A_641 : i32
      %jit3A_643 = arith.constant 1 : i32
      %select_n3A_644 = arith.select %eq3A_642, %jit3A_643, %jit3A_640 : i32
      %rem3A_645 = arith.remsi %add3A_615, %select_n3A_644 : i32
      %ne3A_646 = arith.constant 0 : i32
      %ne3A_647 = arith.cmpi ne, %rem3A_645, %ne3A_646 : i32
      %lt3A_648 = arith.constant 0 : i32
      %lt3A_649 = arith.cmpi slt, %rem3A_645, %lt3A_648 : i32
      %lt3A_650 = arith.constant 0 : i32
      %lt3A_651 = arith.cmpi slt, %select_n3A_644, %lt3A_650 : i32
      %ne3A_652 = arith.xori %lt3A_649, %lt3A_651 : i1
      %and3A_653 = arith.andi %ne3A_652, %ne3A_647 : i1
      %add3A_654 = arith.addi %rem3A_645, %select_n3A_644 : i32
      %select_n3A_655 = arith.select %and3A_653, %add3A_654, %rem3A_645 : i32
      %mul3A_656 = arith.constant 512 : i32
      %mul3A_657 = arith.muli %select_n3A_655, %mul3A_656 : i32
      %dma_start3A_658 = arith.constant 0 : i32
      %dma_start3A_659 = arith.constant 0 : i32
      %dma_start3A_660 = tpu.memref_slice %arg8[%dma_start3A_658, %dma_start3A_659] : memref<32x513xf32, #tpu.memory_space<vmem>> -> memref<32x512xf32, #tpu.memory_space<vmem>>
      %dma_start3A_661 = arith.constant 0 : i32
      %dma_start3A_662 = tpu.memref_slice %arg4[%select_n3A_639, %dma_start3A_661, %mul3A_657] : memref<200x32x4096xf32, #tpu.memory_space<hbm>> -> memref<1x32x512xf32, #tpu.memory_space<hbm>>
      %dma_start3A_663 = tpu.memref_squeeze %dma_start3A_662 : memref<1x32x512xf32, #tpu.memory_space<hbm>> -> memref<32x512xf32, #tpu.memory_space<hbm>>
      %dma_start3A_664 = arith.constant 0 : i32
      %dma_start3A_665 = tpu.memref_slice %arg4[%select_n3A_639, %dma_start3A_664, %mul3A_657] : memref<200x32x4096xf32, #tpu.memory_space<hbm>> -> memref<1x32x512xf32, #tpu.memory_space<hbm>>
      %dma_start3A_666 = tpu.memref_squeeze %dma_start3A_665 : memref<1x32x512xf32, #tpu.memory_space<hbm>> -> memref<32x512xf32, #tpu.memory_space<hbm>>
      %dma_start3A_667 = arith.constant 0 : i32
      %dma_start3A_668 = arith.constant 0 : i32
      %dma_start3A_669 = tpu.memref_slice %arg8[%dma_start3A_667, %dma_start3A_668] : memref<32x513xf32, #tpu.memory_space<vmem>> -> memref<32x512xf32, #tpu.memory_space<vmem>>
      tpu.enqueue_dma source(%dma_start3A_669 : memref<32x512xf32, #tpu.memory_space<vmem>>) target(%dma_start3A_666 : memref<32x512xf32, #tpu.memory_space<hbm>>) target_semaphore(%arg12 : memref<!tpu.dma_semaphore, #tpu.memory_space<semaphore_mem>>)
      %add3A_670 = arith.constant 1 : i32
      %add3A_671 = arith.addi %add3A_532, %add3A_670 : i32
      %mul3A_672 = arith.constant 512 : i32
      %mul3A_673 = arith.muli %add3A_671, %mul3A_672 : i32
      %dma_wait3A_674 = arith.constant 0 : i32
      %dma_wait3A_675 = tpu.memref_slice %arg5[%dma_wait3A_674, %mul3A_673] : memref<1x25600xi32, #tpu.memory_space<vmem>> -> memref<1x512xi32, #tpu.memory_space<vmem>>
      %dma_wait3A_676 = tpu.memref_squeeze %dma_wait3A_675 : memref<1x512xi32, #tpu.memory_space<vmem>> -> memref<512xi32, #tpu.memory_space<vmem>>
      %dma_wait3A_677 = arith.constant 0 : i32
      %dma_wait3A_678 = arith.constant 0 : i32
      %dma_wait3A_679 = tpu.memref_slice %arg2[%dma_wait3A_677, %dma_wait3A_678] : memref<1000000x32xf32, #tpu.memory_space<hbm>> -> memref<1000000x32xf32, #tpu.memory_space<hbm>>
      tpu.wait_indirect_dma semaphore(%arg11 : memref<!tpu.dma_semaphore, #tpu.memory_space<semaphore_mem>>) src(%dma_wait3A_679 : memref<1000000x32xf32, #tpu.memory_space<hbm>>) dst(%arg7 : memref<512x32xf32, #tpu.memory_space<vmem>>)
      %add3A_680 = arith.constant 1 : i32
      %add3A_681 = arith.addi %add3A_671, %add3A_680 : i32
      %mul3A_682 = arith.constant 512 : i32
      %mul3A_683 = arith.muli %add3A_681, %mul3A_682 : i32
      %dma_start3A_684 = arith.constant 0 : i32
      %dma_start3A_685 = tpu.memref_slice %arg5[%dma_start3A_684, %mul3A_683] : memref<1x25600xi32, #tpu.memory_space<vmem>> -> memref<1x512xi32, #tpu.memory_space<vmem>>
      %dma_start3A_686 = tpu.memref_squeeze %dma_start3A_685 : memref<1x512xi32, #tpu.memory_space<vmem>> -> memref<512xi32, #tpu.memory_space<vmem>>
      %dma_start3A_687 = arith.constant 0 : i32
      %dma_start3A_688 = arith.constant 0 : i32
      %dma_start3A_689 = tpu.memref_slice %arg2[%dma_start3A_687, %dma_start3A_688] : memref<1000000x32xf32, #tpu.memory_space<hbm>> -> memref<1000000x32xf32, #tpu.memory_space<hbm>>
      tpu.enqueue_indirect_dma source(%dma_start3A_689 : memref<1000000x32xf32, #tpu.memory_space<hbm>>) target(%arg6 : memref<512x32xf32, #tpu.memory_space<vmem>>) offsets(%dma_start3A_686 : memref<512xi32, #tpu.memory_space<vmem>>) semaphore(%arg10 : memref<!tpu.dma_semaphore, #tpu.memory_space<semaphore_mem>>)
      %sub3A_690 = arith.constant 2 : i32
      %sub3A_691 = arith.subi %add3A_671, %sub3A_690 : i32
      %add3A_692 = arith.addi %mul3A_2, %sub3A_691 : i32
      %jit3A_693 = arith.constant 8 : i32
      %div3A_694 = arith.divsi %add3A_692, %jit3A_693 : i32
      %sign3A_695 = arith.constant 0 : i32
      %sign3A_696 = arith.cmpi sgt, %add3A_692, %sign3A_695 : i32
      %sign3A_697 = arith.extui %sign3A_696 : i1 to i32
      %sign3A_698 = arith.constant 0 : i32
      %sign3A_699 = arith.cmpi slt, %add3A_692, %sign3A_698 : i32
      %sign3A_700 = arith.extui %sign3A_699 : i1 to i32
      %sign3A_701 = arith.subi %sign3A_697, %sign3A_700 : i32
      %sign3A_702 = arith.constant 0 : i32
      %sign3A_703 = arith.cmpi sgt, %jit3A_693, %sign3A_702 : i32
      %sign3A_704 = arith.extui %sign3A_703 : i1 to i32
      %sign3A_705 = arith.constant 0 : i32
      %sign3A_706 = arith.cmpi slt, %jit3A_693, %sign3A_705 : i32
      %sign3A_707 = arith.extui %sign3A_706 : i1 to i32
      %sign3A_708 = arith.subi %sign3A_704, %sign3A_707 : i32
      %ne3A_709 = arith.cmpi ne, %sign3A_701, %sign3A_708 : i32
      %rem3A_710 = arith.remsi %add3A_692, %jit3A_693 : i32
      %ne3A_711 = arith.constant 0 : i32
      %ne3A_712 = arith.cmpi ne, %rem3A_710, %ne3A_711 : i32
      %and3A_713 = arith.andi %ne3A_709, %ne3A_712 : i1
      %sub3A_714 = arith.constant 1 : i32
      %sub3A_715 = arith.subi %div3A_694, %sub3A_714 : i32
      %select_n3A_716 = arith.select %and3A_713, %sub3A_715, %div3A_694 : i32
      %jit3A_717 = arith.constant 8 : i32
      %eq3A_718 = arith.constant 0 : i32
      %eq3A_719 = arith.cmpi eq, %jit3A_717, %eq3A_718 : i32
      %jit3A_720 = arith.constant 1 : i32
      %select_n3A_721 = arith.select %eq3A_719, %jit3A_720, %jit3A_717 : i32
      %rem3A_722 = arith.remsi %add3A_692, %select_n3A_721 : i32
      %ne3A_723 = arith.constant 0 : i32
      %ne3A_724 = arith.cmpi ne, %rem3A_722, %ne3A_723 : i32
      %lt3A_725 = arith.constant 0 : i32
      %lt3A_726 = arith.cmpi slt, %rem3A_722, %lt3A_725 : i32
      %lt3A_727 = arith.constant 0 : i32
      %lt3A_728 = arith.cmpi slt, %select_n3A_721, %lt3A_727 : i32
      %ne3A_729 = arith.xori %lt3A_726, %lt3A_728 : i1
      %and3A_730 = arith.andi %ne3A_729, %ne3A_724 : i1
      %add3A_731 = arith.addi %rem3A_722, %select_n3A_721 : i32
      %select_n3A_732 = arith.select %and3A_730, %add3A_731, %rem3A_722 : i32
      %mul3A_733 = arith.constant 512 : i32
      %mul3A_734 = arith.muli %select_n3A_732, %mul3A_733 : i32
      %dma_wait3A_735 = arith.constant 0 : i32
      %dma_wait3A_736 = arith.constant 0 : i32
      %dma_wait3A_737 = tpu.memref_slice %arg9[%dma_wait3A_735, %dma_wait3A_736] : memref<32x513xf32, #tpu.memory_space<vmem>> -> memref<32x512xf32, #tpu.memory_space<vmem>>
      %dma_wait3A_738 = arith.constant 0 : i32
      %dma_wait3A_739 = tpu.memref_slice %arg4[%select_n3A_716, %dma_wait3A_738, %mul3A_734] : memref<200x32x4096xf32, #tpu.memory_space<hbm>> -> memref<1x32x512xf32, #tpu.memory_space<hbm>>
      %dma_wait3A_740 = tpu.memref_squeeze %dma_wait3A_739 : memref<1x32x512xf32, #tpu.memory_space<hbm>> -> memref<32x512xf32, #tpu.memory_space<hbm>>
      %dma_wait3A_741 = arith.constant 0 : i32
      %dma_wait3A_742 = tpu.memref_slice %arg4[%select_n3A_716, %dma_wait3A_741, %mul3A_734] : memref<200x32x4096xf32, #tpu.memory_space<hbm>> -> memref<1x32x512xf32, #tpu.memory_space<hbm>>
      %dma_wait3A_743 = tpu.memref_squeeze %dma_wait3A_742 : memref<1x32x512xf32, #tpu.memory_space<hbm>> -> memref<32x512xf32, #tpu.memory_space<hbm>>
      %dma_wait3A_744 = arith.constant 0 : i32
      %dma_wait3A_745 = arith.constant 0 : i32
      %dma_wait3A_746 = tpu.memref_slice %arg9[%dma_wait3A_744, %dma_wait3A_745] : memref<32x513xf32, #tpu.memory_space<vmem>> -> memref<32x512xf32, #tpu.memory_space<vmem>>
      tpu.wait_dma2 semaphore(%arg13 : memref<!tpu.dma_semaphore, #tpu.memory_space<semaphore_mem>>) src(%dma_wait3A_746 : memref<32x512xf32, #tpu.memory_space<vmem>>) dst(%dma_wait3A_743 : memref<32x512xf32, #tpu.memory_space<hbm>>)
      %scan3A_747 = arith.constant 0 : i32
      %scan3A_748 = arith.constant 32 : i32
      %scan3A_749 = arith.addi %scan3A_747, %scan3A_748 : i32
      %scan3A_750 = arith.constant 1 : i32
      scf.for %scan3A_807 = %scan3A_747 to %scan3A_749 step %scan3A_750  : i32 {
        %mul3A_808 = arith.constant 16 : i32
        %mul3A_809 = arith.muli %scan3A_807, %mul3A_808 : i32
        %add3A_810 = arith.constant 0 : i32
        %add3A_811 = arith.addi %add3A_810, %mul3A_809 : i32
        %add3A_812 = arith.constant 0 : i32
        %add3A_813 = arith.addi %add3A_811, %add3A_812 : i32
        %broadcast_in_dim3A = vector.broadcast %add3A_813 : i32 to vector<16xi32>
        %get3A = arith.index_cast %add3A_813 : i32 to index
        %get3A_814 = arith.constant 0 : index
        %get3A_815 = tpu.vector_load %arg7[%get3A, %get3A_814] {strides = array<i32>} : memref<512x32xf32, #tpu.memory_space<vmem>>, vector<16xf32>,
        tpu.vector_store_idx %arg9[%add3A_5, %broadcast_in_dim3A], %get3A_815 : memref<32x513xf32, #tpu.memory_space<vmem>>[vector<16xi32>, vector<16xi32>], vector<16xf32>,
        %get3A_816 = arith.index_cast %add3A_813 : i32 to index
        %get3A_817 = arith.constant 16 : index
        %get3A_818 = tpu.vector_load %arg7[%get3A_816, %get3A_817] {strides = array<i32>} : memref<512x32xf32, #tpu.memory_space<vmem>>, vector<16xf32>,
        tpu.vector_store_idx %arg9[%add3A_9, %broadcast_in_dim3A], %get3A_818 : memref<32x513xf32, #tpu.memory_space<vmem>>[vector<16xi32>, vector<16xi32>], vector<16xf32>,
        %add3A_819 = arith.constant 1 : i32
        %add3A_820 = arith.addi %add3A_811, %add3A_819 : i32
        %broadcast_in_dim3A_821 = vector.broadcast %add3A_820 : i32 to vector<16xi32>
        %get3A_822 = arith.index_cast %add3A_820 : i32 to index
        %get3A_823 = arith.constant 0 : index
        %get3A_824 = tpu.vector_load %arg7[%get3A_822, %get3A_823] {strides = array<i32>} : memref<512x32xf32, #tpu.memory_space<vmem>>, vector<16xf32>,
        tpu.vector_store_idx %arg9[%add3A_5, %broadcast_in_dim3A_821], %get3A_824 : memref<32x513xf32, #tpu.memory_space<vmem>>[vector<16xi32>, vector<16xi32>], vector<16xf32>,
        %get3A_825 = arith.index_cast %add3A_820 : i32 to index
        %get3A_826 = arith.constant 16 : index
        %get3A_827 = tpu.vector_load %arg7[%get3A_825, %get3A_826] {strides = array<i32>} : memref<512x32xf32, #tpu.memory_space<vmem>>, vector<16xf32>,
        tpu.vector_store_idx %arg9[%add3A_9, %broadcast_in_dim3A_821], %get3A_827 : memref<32x513xf32, #tpu.memory_space<vmem>>[vector<16xi32>, vector<16xi32>], vector<16xf32>,
        %add3A_828 = arith.constant 2 : i32
        %add3A_829 = arith.addi %add3A_811, %add3A_828 : i32
        %broadcast_in_dim3A_830 = vector.broadcast %add3A_829 : i32 to vector<16xi32>
        %get3A_831 = arith.index_cast %add3A_829 : i32 to index
        %get3A_832 = arith.constant 0 : index
        %get3A_833 = tpu.vector_load %arg7[%get3A_831, %get3A_832] {strides = array<i32>} : memref<512x32xf32, #tpu.memory_space<vmem>>, vector<16xf32>,
        tpu.vector_store_idx %arg9[%add3A_5, %broadcast_in_dim3A_830], %get3A_833 : memref<32x513xf32, #tpu.memory_space<vmem>>[vector<16xi32>, vector<16xi32>], vector<16xf32>,
        %get3A_834 = arith.index_cast %add3A_829 : i32 to index
        %get3A_835 = arith.constant 16 : index
        %get3A_836 = tpu.vector_load %arg7[%get3A_834, %get3A_835] {strides = array<i32>} : memref<512x32xf32, #tpu.memory_space<vmem>>, vector<16xf32>,
        tpu.vector_store_idx %arg9[%add3A_9, %broadcast_in_dim3A_830], %get3A_836 : memref<32x513xf32, #tpu.memory_space<vmem>>[vector<16xi32>, vector<16xi32>], vector<16xf32>,
        %add3A_837 = arith.constant 3 : i32
        %add3A_838 = arith.addi %add3A_811, %add3A_837 : i32
        %broadcast_in_dim3A_839 = vector.broadcast %add3A_838 : i32 to vector<16xi32>
        %get3A_840 = arith.index_cast %add3A_838 : i32 to index
        %get3A_841 = arith.constant 0 : index
        %get3A_842 = tpu.vector_load %arg7[%get3A_840, %get3A_841] {strides = array<i32>} : memref<512x32xf32, #tpu.memory_space<vmem>>, vector<16xf32>,
        tpu.vector_store_idx %arg9[%add3A_5, %broadcast_in_dim3A_839], %get3A_842 : memref<32x513xf32, #tpu.memory_space<vmem>>[vector<16xi32>, vector<16xi32>], vector<16xf32>,
        %get3A_843 = arith.index_cast %add3A_838 : i32 to index
        %get3A_844 = arith.constant 16 : index
        %get3A_845 = tpu.vector_load %arg7[%get3A_843, %get3A_844] {strides = array<i32>} : memref<512x32xf32, #tpu.memory_space<vmem>>, vector<16xf32>,
        tpu.vector_store_idx %arg9[%add3A_9, %broadcast_in_dim3A_839], %get3A_845 : memref<32x513xf32, #tpu.memory_space<vmem>>[vector<16xi32>, vector<16xi32>], vector<16xf32>,
        %add3A_846 = arith.constant 4 : i32
        %add3A_847 = arith.addi %add3A_811, %add3A_846 : i32
        %broadcast_in_dim3A_848 = vector.broadcast %add3A_847 : i32 to vector<16xi32>
        %get3A_849 = arith.index_cast %add3A_847 : i32 to index
        %get3A_850 = arith.constant 0 : index
        %get3A_851 = tpu.vector_load %arg7[%get3A_849, %get3A_850] {strides = array<i32>} : memref<512x32xf32, #tpu.memory_space<vmem>>, vector<16xf32>,
        tpu.vector_store_idx %arg9[%add3A_5, %broadcast_in_dim3A_848], %get3A_851 : memref<32x513xf32, #tpu.memory_space<vmem>>[vector<16xi32>, vector<16xi32>], vector<16xf32>,
        %get3A_852 = arith.index_cast %add3A_847 : i32 to index
        %get3A_853 = arith.constant 16 : index
        %get3A_854 = tpu.vector_load %arg7[%get3A_852, %get3A_853] {strides = array<i32>} : memref<512x32xf32, #tpu.memory_space<vmem>>, vector<16xf32>,
        tpu.vector_store_idx %arg9[%add3A_9, %broadcast_in_dim3A_848], %get3A_854 : memref<32x513xf32, #tpu.memory_space<vmem>>[vector<16xi32>, vector<16xi32>], vector<16xf32>,
        %add3A_855 = arith.constant 5 : i32
        %add3A_856 = arith.addi %add3A_811, %add3A_855 : i32
        %broadcast_in_dim3A_857 = vector.broadcast %add3A_856 : i32 to vector<16xi32>
        %get3A_858 = arith.index_cast %add3A_856 : i32 to index
        %get3A_859 = arith.constant 0 : index
        %get3A_860 = tpu.vector_load %arg7[%get3A_858, %get3A_859] {strides = array<i32>} : memref<512x32xf32, #tpu.memory_space<vmem>>, vector<16xf32>,
        tpu.vector_store_idx %arg9[%add3A_5, %broadcast_in_dim3A_857], %get3A_860 : memref<32x513xf32, #tpu.memory_space<vmem>>[vector<16xi32>, vector<16xi32>], vector<16xf32>,
        %get3A_861 = arith.index_cast %add3A_856 : i32 to index
        %get3A_862 = arith.constant 16 : index
        %get3A_863 = tpu.vector_load %arg7[%get3A_861, %get3A_862] {strides = array<i32>} : memref<512x32xf32, #tpu.memory_space<vmem>>, vector<16xf32>,
        tpu.vector_store_idx %arg9[%add3A_9, %broadcast_in_dim3A_857], %get3A_863 : memref<32x513xf32, #tpu.memory_space<vmem>>[vector<16xi32>, vector<16xi32>], vector<16xf32>,
        %add3A_864 = arith.constant 6 : i32
        %add3A_865 = arith.addi %add3A_811, %add3A_864 : i32
        %broadcast_in_dim3A_866 = vector.broadcast %add3A_865 : i32 to vector<16xi32>
        %get3A_867 = arith.index_cast %add3A_865 : i32 to index
        %get3A_868 = arith.constant 0 : index
        %get3A_869 = tpu.vector_load %arg7[%get3A_867, %get3A_868] {strides = array<i32>} : memref<512x32xf32, #tpu.memory_space<vmem>>, vector<16xf32>,
        tpu.vector_store_idx %arg9[%add3A_5, %broadcast_in_dim3A_866], %get3A_869 : memref<32x513xf32, #tpu.memory_space<vmem>>[vector<16xi32>, vector<16xi32>], vector<16xf32>,
        %get3A_870 = arith.index_cast %add3A_865 : i32 to index
        %get3A_871 = arith.constant 16 : index
        %get3A_872 = tpu.vector_load %arg7[%get3A_870, %get3A_871] {strides = array<i32>} : memref<512x32xf32, #tpu.memory_space<vmem>>, vector<16xf32>,
        tpu.vector_store_idx %arg9[%add3A_9, %broadcast_in_dim3A_866], %get3A_872 : memref<32x513xf32, #tpu.memory_space<vmem>>[vector<16xi32>, vector<16xi32>], vector<16xf32>,
        %add3A_873 = arith.constant 7 : i32
        %add3A_874 = arith.addi %add3A_811, %add3A_873 : i32
        %broadcast_in_dim3A_875 = vector.broadcast %add3A_874 : i32 to vector<16xi32>
        %get3A_876 = arith.index_cast %add3A_874 : i32 to index
        %get3A_877 = arith.constant 0 : index
        %get3A_878 = tpu.vector_load %arg7[%get3A_876, %get3A_877] {strides = array<i32>} : memref<512x32xf32, #tpu.memory_space<vmem>>, vector<16xf32>,
        tpu.vector_store_idx %arg9[%add3A_5, %broadcast_in_dim3A_875], %get3A_878 : memref<32x513xf32, #tpu.memory_space<vmem>>[vector<16xi32>, vector<16xi32>], vector<16xf32>,
        %get3A_879 = arith.index_cast %add3A_874 : i32 to index
        %get3A_880 = arith.constant 16 : index
        %get3A_881 = tpu.vector_load %arg7[%get3A_879, %get3A_880] {strides = array<i32>} : memref<512x32xf32, #tpu.memory_space<vmem>>, vector<16xf32>,
        tpu.vector_store_idx %arg9[%add3A_9, %broadcast_in_dim3A_875], %get3A_881 : memref<32x513xf32, #tpu.memory_space<vmem>>[vector<16xi32>, vector<16xi32>], vector<16xf32>,
        %add3A_882 = arith.constant 8 : i32
        %add3A_883 = arith.addi %add3A_811, %add3A_882 : i32
        %broadcast_in_dim3A_884 = vector.broadcast %add3A_883 : i32 to vector<16xi32>
        %get3A_885 = arith.index_cast %add3A_883 : i32 to index
        %get3A_886 = arith.constant 0 : index
        %get3A_887 = tpu.vector_load %arg7[%get3A_885, %get3A_886] {strides = array<i32>} : memref<512x32xf32, #tpu.memory_space<vmem>>, vector<16xf32>,
        tpu.vector_store_idx %arg9[%add3A_5, %broadcast_in_dim3A_884], %get3A_887 : memref<32x513xf32, #tpu.memory_space<vmem>>[vector<16xi32>, vector<16xi32>], vector<16xf32>,
        %get3A_888 = arith.index_cast %add3A_883 : i32 to index
        %get3A_889 = arith.constant 16 : index
        %get3A_890 = tpu.vector_load %arg7[%get3A_888, %get3A_889] {strides = array<i32>} : memref<512x32xf32, #tpu.memory_space<vmem>>, vector<16xf32>,
        tpu.vector_store_idx %arg9[%add3A_9, %broadcast_in_dim3A_884], %get3A_890 : memref<32x513xf32, #tpu.memory_space<vmem>>[vector<16xi32>, vector<16xi32>], vector<16xf32>,
        %add3A_891 = arith.constant 9 : i32
        %add3A_892 = arith.addi %add3A_811, %add3A_891 : i32
        %broadcast_in_dim3A_893 = vector.broadcast %add3A_892 : i32 to vector<16xi32>
        %get3A_894 = arith.index_cast %add3A_892 : i32 to index
        %get3A_895 = arith.constant 0 : index
        %get3A_896 = tpu.vector_load %arg7[%get3A_894, %get3A_895] {strides = array<i32>} : memref<512x32xf32, #tpu.memory_space<vmem>>, vector<16xf32>,
        tpu.vector_store_idx %arg9[%add3A_5, %broadcast_in_dim3A_893], %get3A_896 : memref<32x513xf32, #tpu.memory_space<vmem>>[vector<16xi32>, vector<16xi32>], vector<16xf32>,
        %get3A_897 = arith.index_cast %add3A_892 : i32 to index
        %get3A_898 = arith.constant 16 : index
        %get3A_899 = tpu.vector_load %arg7[%get3A_897, %get3A_898] {strides = array<i32>} : memref<512x32xf32, #tpu.memory_space<vmem>>, vector<16xf32>,
        tpu.vector_store_idx %arg9[%add3A_9, %broadcast_in_dim3A_893], %get3A_899 : memref<32x513xf32, #tpu.memory_space<vmem>>[vector<16xi32>, vector<16xi32>], vector<16xf32>,
        %add3A_900 = arith.constant 10 : i32
        %add3A_901 = arith.addi %add3A_811, %add3A_900 : i32
        %broadcast_in_dim3A_902 = vector.broadcast %add3A_901 : i32 to vector<16xi32>
        %get3A_903 = arith.index_cast %add3A_901 : i32 to index
        %get3A_904 = arith.constant 0 : index
        %get3A_905 = tpu.vector_load %arg7[%get3A_903, %get3A_904] {strides = array<i32>} : memref<512x32xf32, #tpu.memory_space<vmem>>, vector<16xf32>,
        tpu.vector_store_idx %arg9[%add3A_5, %broadcast_in_dim3A_902], %get3A_905 : memref<32x513xf32, #tpu.memory_space<vmem>>[vector<16xi32>, vector<16xi32>], vector<16xf32>,
        %get3A_906 = arith.index_cast %add3A_901 : i32 to index
        %get3A_907 = arith.constant 16 : index
        %get3A_908 = tpu.vector_load %arg7[%get3A_906, %get3A_907] {strides = array<i32>} : memref<512x32xf32, #tpu.memory_space<vmem>>, vector<16xf32>,
        tpu.vector_store_idx %arg9[%add3A_9, %broadcast_in_dim3A_902], %get3A_908 : memref<32x513xf32, #tpu.memory_space<vmem>>[vector<16xi32>, vector<16xi32>], vector<16xf32>,
        %add3A_909 = arith.constant 11 : i32
        %add3A_910 = arith.addi %add3A_811, %add3A_909 : i32
        %broadcast_in_dim3A_911 = vector.broadcast %add3A_910 : i32 to vector<16xi32>
        %get3A_912 = arith.index_cast %add3A_910 : i32 to index
        %get3A_913 = arith.constant 0 : index
        %get3A_914 = tpu.vector_load %arg7[%get3A_912, %get3A_913] {strides = array<i32>} : memref<512x32xf32, #tpu.memory_space<vmem>>, vector<16xf32>,
        tpu.vector_store_idx %arg9[%add3A_5, %broadcast_in_dim3A_911], %get3A_914 : memref<32x513xf32, #tpu.memory_space<vmem>>[vector<16xi32>, vector<16xi32>], vector<16xf32>,
        %get3A_915 = arith.index_cast %add3A_910 : i32 to index
        %get3A_916 = arith.constant 16 : index
        %get3A_917 = tpu.vector_load %arg7[%get3A_915, %get3A_916] {strides = array<i32>} : memref<512x32xf32, #tpu.memory_space<vmem>>, vector<16xf32>,
        tpu.vector_store_idx %arg9[%add3A_9, %broadcast_in_dim3A_911], %get3A_917 : memref<32x513xf32, #tpu.memory_space<vmem>>[vector<16xi32>, vector<16xi32>], vector<16xf32>,
        %add3A_918 = arith.constant 12 : i32
        %add3A_919 = arith.addi %add3A_811, %add3A_918 : i32
        %broadcast_in_dim3A_920 = vector.broadcast %add3A_919 : i32 to vector<16xi32>
        %get3A_921 = arith.index_cast %add3A_919 : i32 to index
        %get3A_922 = arith.constant 0 : index
        %get3A_923 = tpu.vector_load %arg7[%get3A_921, %get3A_922] {strides = array<i32>} : memref<512x32xf32, #tpu.memory_space<vmem>>, vector<16xf32>,
        tpu.vector_store_idx %arg9[%add3A_5, %broadcast_in_dim3A_920], %get3A_923 : memref<32x513xf32, #tpu.memory_space<vmem>>[vector<16xi32>, vector<16xi32>], vector<16xf32>,
        %get3A_924 = arith.index_cast %add3A_919 : i32 to index
        %get3A_925 = arith.constant 16 : index
        %get3A_926 = tpu.vector_load %arg7[%get3A_924, %get3A_925] {strides = array<i32>} : memref<512x32xf32, #tpu.memory_space<vmem>>, vector<16xf32>,
        tpu.vector_store_idx %arg9[%add3A_9, %broadcast_in_dim3A_920], %get3A_926 : memref<32x513xf32, #tpu.memory_space<vmem>>[vector<16xi32>, vector<16xi32>], vector<16xf32>,
        %add3A_927 = arith.constant 13 : i32
        %add3A_928 = arith.addi %add3A_811, %add3A_927 : i32
        %broadcast_in_dim3A_929 = vector.broadcast %add3A_928 : i32 to vector<16xi32>
        %get3A_930 = arith.index_cast %add3A_928 : i32 to index
        %get3A_931 = arith.constant 0 : index
        %get3A_932 = tpu.vector_load %arg7[%get3A_930, %get3A_931] {strides = array<i32>} : memref<512x32xf32, #tpu.memory_space<vmem>>, vector<16xf32>,
        tpu.vector_store_idx %arg9[%add3A_5, %broadcast_in_dim3A_929], %get3A_932 : memref<32x513xf32, #tpu.memory_space<vmem>>[vector<16xi32>, vector<16xi32>], vector<16xf32>,
        %get3A_933 = arith.index_cast %add3A_928 : i32 to index
        %get3A_934 = arith.constant 16 : index
        %get3A_935 = tpu.vector_load %arg7[%get3A_933, %get3A_934] {strides = array<i32>} : memref<512x32xf32, #tpu.memory_space<vmem>>, vector<16xf32>,
        tpu.vector_store_idx %arg9[%add3A_9, %broadcast_in_dim3A_929], %get3A_935 : memref<32x513xf32, #tpu.memory_space<vmem>>[vector<16xi32>, vector<16xi32>], vector<16xf32>,
        %add3A_936 = arith.constant 14 : i32
        %add3A_937 = arith.addi %add3A_811, %add3A_936 : i32
        %broadcast_in_dim3A_938 = vector.broadcast %add3A_937 : i32 to vector<16xi32>
        %get3A_939 = arith.index_cast %add3A_937 : i32 to index
        %get3A_940 = arith.constant 0 : index
        %get3A_941 = tpu.vector_load %arg7[%get3A_939, %get3A_940] {strides = array<i32>} : memref<512x32xf32, #tpu.memory_space<vmem>>, vector<16xf32>,
        tpu.vector_store_idx %arg9[%add3A_5, %broadcast_in_dim3A_938], %get3A_941 : memref<32x513xf32, #tpu.memory_space<vmem>>[vector<16xi32>, vector<16xi32>], vector<16xf32>,
        %get3A_942 = arith.index_cast %add3A_937 : i32 to index
        %get3A_943 = arith.constant 16 : index
        %get3A_944 = tpu.vector_load %arg7[%get3A_942, %get3A_943] {strides = array<i32>} : memref<512x32xf32, #tpu.memory_space<vmem>>, vector<16xf32>,
        tpu.vector_store_idx %arg9[%add3A_9, %broadcast_in_dim3A_938], %get3A_944 : memref<32x513xf32, #tpu.memory_space<vmem>>[vector<16xi32>, vector<16xi32>], vector<16xf32>,
        %add3A_945 = arith.constant 15 : i32
        %add3A_946 = arith.addi %add3A_811, %add3A_945 : i32
        %broadcast_in_dim3A_947 = vector.broadcast %add3A_946 : i32 to vector<16xi32>
        %get3A_948 = arith.index_cast %add3A_946 : i32 to index
        %get3A_949 = arith.constant 0 : index
        %get3A_950 = tpu.vector_load %arg7[%get3A_948, %get3A_949] {strides = array<i32>} : memref<512x32xf32, #tpu.memory_space<vmem>>, vector<16xf32>,
        tpu.vector_store_idx %arg9[%add3A_5, %broadcast_in_dim3A_947], %get3A_950 : memref<32x513xf32, #tpu.memory_space<vmem>>[vector<16xi32>, vector<16xi32>], vector<16xf32>,
        %get3A_951 = arith.index_cast %add3A_946 : i32 to index
        %get3A_952 = arith.constant 16 : index
        %get3A_953 = tpu.vector_load %arg7[%get3A_951, %get3A_952] {strides = array<i32>} : memref<512x32xf32, #tpu.memory_space<vmem>>, vector<16xf32>,
        tpu.vector_store_idx %arg9[%add3A_9, %broadcast_in_dim3A_947], %get3A_953 : memref<32x513xf32, #tpu.memory_space<vmem>>[vector<16xi32>, vector<16xi32>], vector<16xf32>,
      }
      %scan3A_751 = arith.constant 32 : i32
      %add3A_752 = arith.addi %mul3A_2, %add3A_671 : i32
      %jit3A_753 = arith.constant 8 : i32
      %div3A_754 = arith.divsi %add3A_752, %jit3A_753 : i32
      %sign3A_755 = arith.constant 0 : i32
      %sign3A_756 = arith.cmpi sgt, %add3A_752, %sign3A_755 : i32
      %sign3A_757 = arith.extui %sign3A_756 : i1 to i32
      %sign3A_758 = arith.constant 0 : i32
      %sign3A_759 = arith.cmpi slt, %add3A_752, %sign3A_758 : i32
      %sign3A_760 = arith.extui %sign3A_759 : i1 to i32
      %sign3A_761 = arith.subi %sign3A_757, %sign3A_760 : i32
      %sign3A_762 = arith.constant 0 : i32
      %sign3A_763 = arith.cmpi sgt, %jit3A_753, %sign3A_762 : i32
      %sign3A_764 = arith.extui %sign3A_763 : i1 to i32
      %sign3A_765 = arith.constant 0 : i32
      %sign3A_766 = arith.cmpi slt, %jit3A_753, %sign3A_765 : i32
      %sign3A_767 = arith.extui %sign3A_766 : i1 to i32
      %sign3A_768 = arith.subi %sign3A_764, %sign3A_767 : i32
      %ne3A_769 = arith.cmpi ne, %sign3A_761, %sign3A_768 : i32
      %rem3A_770 = arith.remsi %add3A_752, %jit3A_753 : i32
      %ne3A_771 = arith.constant 0 : i32
      %ne3A_772 = arith.cmpi ne, %rem3A_770, %ne3A_771 : i32
      %and3A_773 = arith.andi %ne3A_769, %ne3A_772 : i1
      %sub3A_774 = arith.constant 1 : i32
      %sub3A_775 = arith.subi %div3A_754, %sub3A_774 : i32
      %select_n3A_776 = arith.select %and3A_773, %sub3A_775, %div3A_754 : i32
      %jit3A_777 = arith.constant 8 : i32
      %eq3A_778 = arith.constant 0 : i32
      %eq3A_779 = arith.cmpi eq, %jit3A_777, %eq3A_778 : i32
      %jit3A_780 = arith.constant 1 : i32
      %select_n3A_781 = arith.select %eq3A_779, %jit3A_780, %jit3A_777 : i32
      %rem3A_782 = arith.remsi %add3A_752, %select_n3A_781 : i32
      %ne3A_783 = arith.constant 0 : i32
      %ne3A_784 = arith.cmpi ne, %rem3A_782, %ne3A_783 : i32
      %lt3A_785 = arith.constant 0 : i32
      %lt3A_786 = arith.cmpi slt, %rem3A_782, %lt3A_785 : i32
      %lt3A_787 = arith.constant 0 : i32
      %lt3A_788 = arith.cmpi slt, %select_n3A_781, %lt3A_787 : i32
      %ne3A_789 = arith.xori %lt3A_786, %lt3A_788 : i1
      %and3A_790 = arith.andi %ne3A_789, %ne3A_784 : i1
      %add3A_791 = arith.addi %rem3A_782, %select_n3A_781 : i32
      %select_n3A_792 = arith.select %and3A_790, %add3A_791, %rem3A_782 : i32
      %mul3A_793 = arith.constant 512 : i32
      %mul3A_794 = arith.muli %select_n3A_792, %mul3A_793 : i32
      %dma_start3A_795 = arith.constant 0 : i32
      %dma_start3A_796 = arith.constant 0 : i32
      %dma_start3A_797 = tpu.memref_slice %arg9[%dma_start3A_795, %dma_start3A_796] : memref<32x513xf32, #tpu.memory_space<vmem>> -> memref<32x512xf32, #tpu.memory_space<vmem>>
      %dma_start3A_798 = arith.constant 0 : i32
      %dma_start3A_799 = tpu.memref_slice %arg4[%select_n3A_776, %dma_start3A_798, %mul3A_794] : memref<200x32x4096xf32, #tpu.memory_space<hbm>> -> memref<1x32x512xf32, #tpu.memory_space<hbm>>
      %dma_start3A_800 = tpu.memref_squeeze %dma_start3A_799 : memref<1x32x512xf32, #tpu.memory_space<hbm>> -> memref<32x512xf32, #tpu.memory_space<hbm>>
      %dma_start3A_801 = arith.constant 0 : i32
      %dma_start3A_802 = tpu.memref_slice %arg4[%select_n3A_776, %dma_start3A_801, %mul3A_794] : memref<200x32x4096xf32, #tpu.memory_space<hbm>> -> memref<1x32x512xf32, #tpu.memory_space<hbm>>
      %dma_start3A_803 = tpu.memref_squeeze %dma_start3A_802 : memref<1x32x512xf32, #tpu.memory_space<hbm>> -> memref<32x512xf32, #tpu.memory_space<hbm>>
      %dma_start3A_804 = arith.constant 0 : i32
      %dma_start3A_805 = arith.constant 0 : i32
      %dma_start3A_806 = tpu.memref_slice %arg9[%dma_start3A_804, %dma_start3A_805] : memref<32x513xf32, #tpu.memory_space<vmem>> -> memref<32x512xf32, #tpu.memory_space<vmem>>
      tpu.enqueue_dma source(%dma_start3A_806 : memref<32x512xf32, #tpu.memory_space<vmem>>) target(%dma_start3A_803 : memref<32x512xf32, #tpu.memory_space<hbm>>) target_semaphore(%arg13 : memref<!tpu.dma_semaphore, #tpu.memory_space<semaphore_mem>>)
    }
    %scan3A_160 = arith.constant 23 : i32
    %dma_wait3A_161 = arith.constant 0 : i32
    %dma_wait3A_162 = arith.constant 24576 : i32
    %dma_wait3A_163 = tpu.memref_slice %arg5[%dma_wait3A_161, %dma_wait3A_162] : memref<1x25600xi32, #tpu.memory_space<vmem>> -> memref<1x512xi32, #tpu.memory_space<vmem>>
    %dma_wait3A_164 = tpu.memref_squeeze %dma_wait3A_163 : memref<1x512xi32, #tpu.memory_space<vmem>> -> memref<512xi32, #tpu.memory_space<vmem>>
    %dma_wait3A_165 = arith.constant 0 : i32
    %dma_wait3A_166 = arith.constant 0 : i32
    %dma_wait3A_167 = tpu.memref_slice %arg2[%dma_wait3A_165, %dma_wait3A_166] : memref<1000000x32xf32, #tpu.memory_space<hbm>> -> memref<1000000x32xf32, #tpu.memory_space<hbm>>
    tpu.wait_indirect_dma semaphore(%arg10 : memref<!tpu.dma_semaphore, #tpu.memory_space<semaphore_mem>>) src(%dma_wait3A_167 : memref<1000000x32xf32, #tpu.memory_space<hbm>>) dst(%arg6 : memref<512x32xf32, #tpu.memory_space<vmem>>)
    %dma_start3A_168 = arith.constant 0 : i32
    %dma_start3A_169 = arith.constant 25088 : i32
    %dma_start3A_170 = tpu.memref_slice %arg5[%dma_start3A_168, %dma_start3A_169] : memref<1x25600xi32, #tpu.memory_space<vmem>> -> memref<1x512xi32, #tpu.memory_space<vmem>>
    %dma_start3A_171 = tpu.memref_squeeze %dma_start3A_170 : memref<1x512xi32, #tpu.memory_space<vmem>> -> memref<512xi32, #tpu.memory_space<vmem>>
    %dma_start3A_172 = arith.constant 0 : i32
    %dma_start3A_173 = arith.constant 0 : i32
    %dma_start3A_174 = tpu.memref_slice %arg2[%dma_start3A_172, %dma_start3A_173] : memref<1000000x32xf32, #tpu.memory_space<hbm>> -> memref<1000000x32xf32, #tpu.memory_space<hbm>>
    tpu.enqueue_indirect_dma source(%dma_start3A_174 : memref<1000000x32xf32, #tpu.memory_space<hbm>>) target(%arg7 : memref<512x32xf32, #tpu.memory_space<vmem>>) offsets(%dma_start3A_171 : memref<512xi32, #tpu.memory_space<vmem>>) semaphore(%arg11 : memref<!tpu.dma_semaphore, #tpu.memory_space<semaphore_mem>>)
    %add3A_175 = arith.constant 46 : i32
    %add3A_176 = arith.addi %mul3A_2, %add3A_175 : i32
    %jit3A_177 = arith.constant 8 : i32
    %div3A_178 = arith.divsi %add3A_176, %jit3A_177 : i32
    %sign3A_179 = arith.constant 0 : i32
    %sign3A_180 = arith.cmpi sgt, %add3A_176, %sign3A_179 : i32
    %sign3A_181 = arith.extui %sign3A_180 : i1 to i32
    %sign3A_182 = arith.constant 0 : i32
    %sign3A_183 = arith.cmpi slt, %add3A_176, %sign3A_182 : i32
    %sign3A_184 = arith.extui %sign3A_183 : i1 to i32
    %sign3A_185 = arith.subi %sign3A_181, %sign3A_184 : i32
    %sign3A_186 = arith.constant 0 : i32
    %sign3A_187 = arith.cmpi sgt, %jit3A_177, %sign3A_186 : i32
    %sign3A_188 = arith.extui %sign3A_187 : i1 to i32
    %sign3A_189 = arith.constant 0 : i32
    %sign3A_190 = arith.cmpi slt, %jit3A_177, %sign3A_189 : i32
    %sign3A_191 = arith.extui %sign3A_190 : i1 to i32
    %sign3A_192 = arith.subi %sign3A_188, %sign3A_191 : i32
    %ne3A_193 = arith.cmpi ne, %sign3A_185, %sign3A_192 : i32
    %rem3A_194 = arith.remsi %add3A_176, %jit3A_177 : i32
    %ne3A_195 = arith.constant 0 : i32
    %ne3A_196 = arith.cmpi ne, %rem3A_194, %ne3A_195 : i32
    %and3A_197 = arith.andi %ne3A_193, %ne3A_196 : i1
    %sub3A_198 = arith.constant 1 : i32
    %sub3A_199 = arith.subi %div3A_178, %sub3A_198 : i32
    %select_n3A_200 = arith.select %and3A_197, %sub3A_199, %div3A_178 : i32
    %jit3A_201 = arith.constant 8 : i32
    %eq3A_202 = arith.constant 0 : i32
    %eq3A_203 = arith.cmpi eq, %jit3A_201, %eq3A_202 : i32
    %jit3A_204 = arith.constant 1 : i32
    %select_n3A_205 = arith.select %eq3A_203, %jit3A_204, %jit3A_201 : i32
    %rem3A_206 = arith.remsi %add3A_176, %select_n3A_205 : i32
    %ne3A_207 = arith.constant 0 : i32
    %ne3A_208 = arith.cmpi ne, %rem3A_206, %ne3A_207 : i32
    %lt3A_209 = arith.constant 0 : i32
    %lt3A_210 = arith.cmpi slt, %rem3A_206, %lt3A_209 : i32
    %lt3A_211 = arith.constant 0 : i32
    %lt3A_212 = arith.cmpi slt, %select_n3A_205, %lt3A_211 : i32
    %ne3A_213 = arith.xori %lt3A_210, %lt3A_212 : i1
    %and3A_214 = arith.andi %ne3A_213, %ne3A_208 : i1
    %add3A_215 = arith.addi %rem3A_206, %select_n3A_205 : i32
    %select_n3A_216 = arith.select %and3A_214, %add3A_215, %rem3A_206 : i32
    %mul3A_217 = arith.constant 512 : i32
    %mul3A_218 = arith.muli %select_n3A_216, %mul3A_217 : i32
    %dma_wait3A_219 = arith.constant 0 : i32
    %dma_wait3A_220 = arith.constant 0 : i32
    %dma_wait3A_221 = tpu.memref_slice %arg8[%dma_wait3A_219, %dma_wait3A_220] : memref<32x513xf32, #tpu.memory_space<vmem>> -> memref<32x512xf32, #tpu.memory_space<vmem>>
    %dma_wait3A_222 = arith.constant 0 : i32
    %dma_wait3A_223 = tpu.memref_slice %arg4[%select_n3A_200, %dma_wait3A_222, %mul3A_218] : memref<200x32x4096xf32, #tpu.memory_space<hbm>> -> memref<1x32x512xf32, #tpu.memory_space<hbm>>
    %dma_wait3A_224 = tpu.memref_squeeze %dma_wait3A_223 : memref<1x32x512xf32, #tpu.memory_space<hbm>> -> memref<32x512xf32, #tpu.memory_space<hbm>>
    %dma_wait3A_225 = arith.constant 0 : i32
    %dma_wait3A_226 = tpu.memref_slice %arg4[%select_n3A_200, %dma_wait3A_225, %mul3A_218] : memref<200x32x4096xf32, #tpu.memory_space<hbm>> -> memref<1x32x512xf32, #tpu.memory_space<hbm>>
    %dma_wait3A_227 = tpu.memref_squeeze %dma_wait3A_226 : memref<1x32x512xf32, #tpu.memory_space<hbm>> -> memref<32x512xf32, #tpu.memory_space<hbm>>
    %dma_wait3A_228 = arith.constant 0 : i32
    %dma_wait3A_229 = arith.constant 0 : i32
    %dma_wait3A_230 = tpu.memref_slice %arg8[%dma_wait3A_228, %dma_wait3A_229] : memref<32x513xf32, #tpu.memory_space<vmem>> -> memref<32x512xf32, #tpu.memory_space<vmem>>
    tpu.wait_dma2 semaphore(%arg12 : memref<!tpu.dma_semaphore, #tpu.memory_space<semaphore_mem>>) src(%dma_wait3A_230 : memref<32x512xf32, #tpu.memory_space<vmem>>) dst(%dma_wait3A_227 : memref<32x512xf32, #tpu.memory_space<hbm>>)
    %scan3A_231 = arith.constant 0 : i32
    %scan3A_232 = arith.constant 32 : i32
    %scan3A_233 = arith.addi %scan3A_231, %scan3A_232 : i32
    %scan3A_234 = arith.constant 1 : i32
    scf.for %scan3A_528 = %scan3A_231 to %scan3A_233 step %scan3A_234  : i32 {
      %mul3A_529 = arith.constant 16 : i32
      %mul3A_530 = arith.muli %scan3A_528, %mul3A_529 : i32
      %add3A_531 = arith.constant 0 : i32
      %add3A_532 = arith.addi %add3A_531, %mul3A_530 : i32
      %add3A_533 = arith.constant 0 : i32
      %add3A_534 = arith.addi %add3A_532, %add3A_533 : i32
      %broadcast_in_dim3A = vector.broadcast %add3A_534 : i32 to vector<16xi32>
      %get3A = arith.index_cast %add3A_534 : i32 to index
      %get3A_535 = arith.constant 0 : index
      %get3A_536 = tpu.vector_load %arg6[%get3A, %get3A_535] {strides = array<i32>} : memref<512x32xf32, #tpu.memory_space<vmem>>, vector<16xf32>,
      tpu.vector_store_idx %arg8[%add3A_5, %broadcast_in_dim3A], %get3A_536 : memref<32x513xf32, #tpu.memory_space<vmem>>[vector<16xi32>, vector<16xi32>], vector<16xf32>,
      %get3A_537 = arith.index_cast %add3A_534 : i32 to index
      %get3A_538 = arith.constant 16 : index
      %get3A_539 = tpu.vector_load %arg6[%get3A_537, %get3A_538] {strides = array<i32>} : memref<512x32xf32, #tpu.memory_space<vmem>>, vector<16xf32>,
      tpu.vector_store_idx %arg8[%add3A_9, %broadcast_in_dim3A], %get3A_539 : memref<32x513xf32, #tpu.memory_space<vmem>>[vector<16xi32>, vector<16xi32>], vector<16xf32>,
      %add3A_540 = arith.constant 1 : i32
      %add3A_541 = arith.addi %add3A_532, %add3A_540 : i32
      %broadcast_in_dim3A_542 = vector.broadcast %add3A_541 : i32 to vector<16xi32>
      %get3A_543 = arith.index_cast %add3A_541 : i32 to index
      %get3A_544 = arith.constant 0 : index
      %get3A_545 = tpu.vector_load %arg6[%get3A_543, %get3A_544] {strides = array<i32>} : memref<512x32xf32, #tpu.memory_space<vmem>>, vector<16xf32>,
      tpu.vector_store_idx %arg8[%add3A_5, %broadcast_in_dim3A_542], %get3A_545 : memref<32x513xf32, #tpu.memory_space<vmem>>[vector<16xi32>, vector<16xi32>], vector<16xf32>,
      %get3A_546 = arith.index_cast %add3A_541 : i32 to index
      %get3A_547 = arith.constant 16 : index
      %get3A_548 = tpu.vector_load %arg6[%get3A_546, %get3A_547] {strides = array<i32>} : memref<512x32xf32, #tpu.memory_space<vmem>>, vector<16xf32>,
      tpu.vector_store_idx %arg8[%add3A_9, %broadcast_in_dim3A_542], %get3A_548 : memref<32x513xf32, #tpu.memory_space<vmem>>[vector<16xi32>, vector<16xi32>], vector<16xf32>,
      %add3A_549 = arith.constant 2 : i32
      %add3A_550 = arith.addi %add3A_532, %add3A_549 : i32
      %broadcast_in_dim3A_551 = vector.broadcast %add3A_550 : i32 to vector<16xi32>
      %get3A_552 = arith.index_cast %add3A_550 : i32 to index
      %get3A_553 = arith.constant 0 : index
      %get3A_554 = tpu.vector_load %arg6[%get3A_552, %get3A_553] {strides = array<i32>} : memref<512x32xf32, #tpu.memory_space<vmem>>, vector<16xf32>,
      tpu.vector_store_idx %arg8[%add3A_5, %broadcast_in_dim3A_551], %get3A_554 : memref<32x513xf32, #tpu.memory_space<vmem>>[vector<16xi32>, vector<16xi32>], vector<16xf32>,
      %get3A_555 = arith.index_cast %add3A_550 : i32 to index
      %get3A_556 = arith.constant 16 : index
      %get3A_557 = tpu.vector_load %arg6[%get3A_555, %get3A_556] {strides = array<i32>} : memref<512x32xf32, #tpu.memory_space<vmem>>, vector<16xf32>,
      tpu.vector_store_idx %arg8[%add3A_9, %broadcast_in_dim3A_551], %get3A_557 : memref<32x513xf32, #tpu.memory_space<vmem>>[vector<16xi32>, vector<16xi32>], vector<16xf32>,
      %add3A_558 = arith.constant 3 : i32
      %add3A_559 = arith.addi %add3A_532, %add3A_558 : i32
      %broadcast_in_dim3A_560 = vector.broadcast %add3A_559 : i32 to vector<16xi32>
      %get3A_561 = arith.index_cast %add3A_559 : i32 to index
      %get3A_562 = arith.constant 0 : index
      %get3A_563 = tpu.vector_load %arg6[%get3A_561, %get3A_562] {strides = array<i32>} : memref<512x32xf32, #tpu.memory_space<vmem>>, vector<16xf32>,
      tpu.vector_store_idx %arg8[%add3A_5, %broadcast_in_dim3A_560], %get3A_563 : memref<32x513xf32, #tpu.memory_space<vmem>>[vector<16xi32>, vector<16xi32>], vector<16xf32>,
      %get3A_564 = arith.index_cast %add3A_559 : i32 to index
      %get3A_565 = arith.constant 16 : index
      %get3A_566 = tpu.vector_load %arg6[%get3A_564, %get3A_565] {strides = array<i32>} : memref<512x32xf32, #tpu.memory_space<vmem>>, vector<16xf32>,
      tpu.vector_store_idx %arg8[%add3A_9, %broadcast_in_dim3A_560], %get3A_566 : memref<32x513xf32, #tpu.memory_space<vmem>>[vector<16xi32>, vector<16xi32>], vector<16xf32>,
      %add3A_567 = arith.constant 4 : i32
      %add3A_568 = arith.addi %add3A_532, %add3A_567 : i32
      %broadcast_in_dim3A_569 = vector.broadcast %add3A_568 : i32 to vector<16xi32>
      %get3A_570 = arith.index_cast %add3A_568 : i32 to index
      %get3A_571 = arith.constant 0 : index
      %get3A_572 = tpu.vector_load %arg6[%get3A_570, %get3A_571] {strides = array<i32>} : memref<512x32xf32, #tpu.memory_space<vmem>>, vector<16xf32>,
      tpu.vector_store_idx %arg8[%add3A_5, %broadcast_in_dim3A_569], %get3A_572 : memref<32x513xf32, #tpu.memory_space<vmem>>[vector<16xi32>, vector<16xi32>], vector<16xf32>,
      %get3A_573 = arith.index_cast %add3A_568 : i32 to index
      %get3A_574 = arith.constant 16 : index
      %get3A_575 = tpu.vector_load %arg6[%get3A_573, %get3A_574] {strides = array<i32>} : memref<512x32xf32, #tpu.memory_space<vmem>>, vector<16xf32>,
      tpu.vector_store_idx %arg8[%add3A_9, %broadcast_in_dim3A_569], %get3A_575 : memref<32x513xf32, #tpu.memory_space<vmem>>[vector<16xi32>, vector<16xi32>], vector<16xf32>,
      %add3A_576 = arith.constant 5 : i32
      %add3A_577 = arith.addi %add3A_532, %add3A_576 : i32
      %broadcast_in_dim3A_578 = vector.broadcast %add3A_577 : i32 to vector<16xi32>
      %get3A_579 = arith.index_cast %add3A_577 : i32 to index
      %get3A_580 = arith.constant 0 : index
      %get3A_581 = tpu.vector_load %arg6[%get3A_579, %get3A_580] {strides = array<i32>} : memref<512x32xf32, #tpu.memory_space<vmem>>, vector<16xf32>,
      tpu.vector_store_idx %arg8[%add3A_5, %broadcast_in_dim3A_578], %get3A_581 : memref<32x513xf32, #tpu.memory_space<vmem>>[vector<16xi32>, vector<16xi32>], vector<16xf32>,
      %get3A_582 = arith.index_cast %add3A_577 : i32 to index
      %get3A_583 = arith.constant 16 : index
      %get3A_584 = tpu.vector_load %arg6[%get3A_582, %get3A_583] {strides = array<i32>} : memref<512x32xf32, #tpu.memory_space<vmem>>, vector<16xf32>,
      tpu.vector_store_idx %arg8[%add3A_9, %broadcast_in_dim3A_578], %get3A_584 : memref<32x513xf32, #tpu.memory_space<vmem>>[vector<16xi32>, vector<16xi32>], vector<16xf32>,
      %add3A_585 = arith.constant 6 : i32
      %add3A_586 = arith.addi %add3A_532, %add3A_585 : i32
      %broadcast_in_dim3A_587 = vector.broadcast %add3A_586 : i32 to vector<16xi32>
      %get3A_588 = arith.index_cast %add3A_586 : i32 to index
      %get3A_589 = arith.constant 0 : index
      %get3A_590 = tpu.vector_load %arg6[%get3A_588, %get3A_589] {strides = array<i32>} : memref<512x32xf32, #tpu.memory_space<vmem>>, vector<16xf32>,
      tpu.vector_store_idx %arg8[%add3A_5, %broadcast_in_dim3A_587], %get3A_590 : memref<32x513xf32, #tpu.memory_space<vmem>>[vector<16xi32>, vector<16xi32>], vector<16xf32>,
      %get3A_591 = arith.index_cast %add3A_586 : i32 to index
      %get3A_592 = arith.constant 16 : index
      %get3A_593 = tpu.vector_load %arg6[%get3A_591, %get3A_592] {strides = array<i32>} : memref<512x32xf32, #tpu.memory_space<vmem>>, vector<16xf32>,
      tpu.vector_store_idx %arg8[%add3A_9, %broadcast_in_dim3A_587], %get3A_593 : memref<32x513xf32, #tpu.memory_space<vmem>>[vector<16xi32>, vector<16xi32>], vector<16xf32>,
      %add3A_594 = arith.constant 7 : i32
      %add3A_595 = arith.addi %add3A_532, %add3A_594 : i32
      %broadcast_in_dim3A_596 = vector.broadcast %add3A_595 : i32 to vector<16xi32>
      %get3A_597 = arith.index_cast %add3A_595 : i32 to index
      %get3A_598 = arith.constant 0 : index
      %get3A_599 = tpu.vector_load %arg6[%get3A_597, %get3A_598] {strides = array<i32>} : memref<512x32xf32, #tpu.memory_space<vmem>>, vector<16xf32>,
      tpu.vector_store_idx %arg8[%add3A_5, %broadcast_in_dim3A_596], %get3A_599 : memref<32x513xf32, #tpu.memory_space<vmem>>[vector<16xi32>, vector<16xi32>], vector<16xf32>,
      %get3A_600 = arith.index_cast %add3A_595 : i32 to index
      %get3A_601 = arith.constant 16 : index
      %get3A_602 = tpu.vector_load %arg6[%get3A_600, %get3A_601] {strides = array<i32>} : memref<512x32xf32, #tpu.memory_space<vmem>>, vector<16xf32>,
      tpu.vector_store_idx %arg8[%add3A_9, %broadcast_in_dim3A_596], %get3A_602 : memref<32x513xf32, #tpu.memory_space<vmem>>[vector<16xi32>, vector<16xi32>], vector<16xf32>,
      %add3A_603 = arith.constant 8 : i32
      %add3A_604 = arith.addi %add3A_532, %add3A_603 : i32
      %broadcast_in_dim3A_605 = vector.broadcast %add3A_604 : i32 to vector<16xi32>
      %get3A_606 = arith.index_cast %add3A_604 : i32 to index
      %get3A_607 = arith.constant 0 : index
      %get3A_608 = tpu.vector_load %arg6[%get3A_606, %get3A_607] {strides = array<i32>} : memref<512x32xf32, #tpu.memory_space<vmem>>, vector<16xf32>,
      tpu.vector_store_idx %arg8[%add3A_5, %broadcast_in_dim3A_605], %get3A_608 : memref<32x513xf32, #tpu.memory_space<vmem>>[vector<16xi32>, vector<16xi32>], vector<16xf32>,
      %get3A_609 = arith.index_cast %add3A_604 : i32 to index
      %get3A_610 = arith.constant 16 : index
      %get3A_611 = tpu.vector_load %arg6[%get3A_609, %get3A_610] {strides = array<i32>} : memref<512x32xf32, #tpu.memory_space<vmem>>, vector<16xf32>,
      tpu.vector_store_idx %arg8[%add3A_9, %broadcast_in_dim3A_605], %get3A_611 : memref<32x513xf32, #tpu.memory_space<vmem>>[vector<16xi32>, vector<16xi32>], vector<16xf32>,
      %add3A_612 = arith.constant 9 : i32
      %add3A_613 = arith.addi %add3A_532, %add3A_612 : i32
      %broadcast_in_dim3A_614 = vector.broadcast %add3A_613 : i32 to vector<16xi32>
      %get3A_615 = arith.index_cast %add3A_613 : i32 to index
      %get3A_616 = arith.constant 0 : index
      %get3A_617 = tpu.vector_load %arg6[%get3A_615, %get3A_616] {strides = array<i32>} : memref<512x32xf32, #tpu.memory_space<vmem>>, vector<16xf32>,
      tpu.vector_store_idx %arg8[%add3A_5, %broadcast_in_dim3A_614], %get3A_617 : memref<32x513xf32, #tpu.memory_space<vmem>>[vector<16xi32>, vector<16xi32>], vector<16xf32>,
      %get3A_618 = arith.index_cast %add3A_613 : i32 to index
      %get3A_619 = arith.constant 16 : index
      %get3A_620 = tpu.vector_load %arg6[%get3A_618, %get3A_619] {strides = array<i32>} : memref<512x32xf32, #tpu.memory_space<vmem>>, vector<16xf32>,
      tpu.vector_store_idx %arg8[%add3A_9, %broadcast_in_dim3A_614], %get3A_620 : memref<32x513xf32, #tpu.memory_space<vmem>>[vector<16xi32>, vector<16xi32>], vector<16xf32>,
      %add3A_621 = arith.constant 10 : i32
      %add3A_622 = arith.addi %add3A_532, %add3A_621 : i32
      %broadcast_in_dim3A_623 = vector.broadcast %add3A_622 : i32 to vector<16xi32>
      %get3A_624 = arith.index_cast %add3A_622 : i32 to index
      %get3A_625 = arith.constant 0 : index
      %get3A_626 = tpu.vector_load %arg6[%get3A_624, %get3A_625] {strides = array<i32>} : memref<512x32xf32, #tpu.memory_space<vmem>>, vector<16xf32>,
      tpu.vector_store_idx %arg8[%add3A_5, %broadcast_in_dim3A_623], %get3A_626 : memref<32x513xf32, #tpu.memory_space<vmem>>[vector<16xi32>, vector<16xi32>], vector<16xf32>,
      %get3A_627 = arith.index_cast %add3A_622 : i32 to index
      %get3A_628 = arith.constant 16 : index
      %get3A_629 = tpu.vector_load %arg6[%get3A_627, %get3A_628] {strides = array<i32>} : memref<512x32xf32, #tpu.memory_space<vmem>>, vector<16xf32>,
      tpu.vector_store_idx %arg8[%add3A_9, %broadcast_in_dim3A_623], %get3A_629 : memref<32x513xf32, #tpu.memory_space<vmem>>[vector<16xi32>, vector<16xi32>], vector<16xf32>,
      %add3A_630 = arith.constant 11 : i32
      %add3A_631 = arith.addi %add3A_532, %add3A_630 : i32
      %broadcast_in_dim3A_632 = vector.broadcast %add3A_631 : i32 to vector<16xi32>
      %get3A_633 = arith.index_cast %add3A_631 : i32 to index
      %get3A_634 = arith.constant 0 : index
      %get3A_635 = tpu.vector_load %arg6[%get3A_633, %get3A_634] {strides = array<i32>} : memref<512x32xf32, #tpu.memory_space<vmem>>, vector<16xf32>,
      tpu.vector_store_idx %arg8[%add3A_5, %broadcast_in_dim3A_632], %get3A_635 : memref<32x513xf32, #tpu.memory_space<vmem>>[vector<16xi32>, vector<16xi32>], vector<16xf32>,
      %get3A_636 = arith.index_cast %add3A_631 : i32 to index
      %get3A_637 = arith.constant 16 : index
      %get3A_638 = tpu.vector_load %arg6[%get3A_636, %get3A_637] {strides = array<i32>} : memref<512x32xf32, #tpu.memory_space<vmem>>, vector<16xf32>,
      tpu.vector_store_idx %arg8[%add3A_9, %broadcast_in_dim3A_632], %get3A_638 : memref<32x513xf32, #tpu.memory_space<vmem>>[vector<16xi32>, vector<16xi32>], vector<16xf32>,
      %add3A_639 = arith.constant 12 : i32
      %add3A_640 = arith.addi %add3A_532, %add3A_639 : i32
      %broadcast_in_dim3A_641 = vector.broadcast %add3A_640 : i32 to vector<16xi32>
      %get3A_642 = arith.index_cast %add3A_640 : i32 to index
      %get3A_643 = arith.constant 0 : index
      %get3A_644 = tpu.vector_load %arg6[%get3A_642, %get3A_643] {strides = array<i32>} : memref<512x32xf32, #tpu.memory_space<vmem>>, vector<16xf32>,
      tpu.vector_store_idx %arg8[%add3A_5, %broadcast_in_dim3A_641], %get3A_644 : memref<32x513xf32, #tpu.memory_space<vmem>>[vector<16xi32>, vector<16xi32>], vector<16xf32>,
      %get3A_645 = arith.index_cast %add3A_640 : i32 to index
      %get3A_646 = arith.constant 16 : index
      %get3A_647 = tpu.vector_load %arg6[%get3A_645, %get3A_646] {strides = array<i32>} : memref<512x32xf32, #tpu.memory_space<vmem>>, vector<16xf32>,
      tpu.vector_store_idx %arg8[%add3A_9, %broadcast_in_dim3A_641], %get3A_647 : memref<32x513xf32, #tpu.memory_space<vmem>>[vector<16xi32>, vector<16xi32>], vector<16xf32>,
      %add3A_648 = arith.constant 13 : i32
      %add3A_649 = arith.addi %add3A_532, %add3A_648 : i32
      %broadcast_in_dim3A_650 = vector.broadcast %add3A_649 : i32 to vector<16xi32>
      %get3A_651 = arith.index_cast %add3A_649 : i32 to index
      %get3A_652 = arith.constant 0 : index
      %get3A_653 = tpu.vector_load %arg6[%get3A_651, %get3A_652] {strides = array<i32>} : memref<512x32xf32, #tpu.memory_space<vmem>>, vector<16xf32>,
      tpu.vector_store_idx %arg8[%add3A_5, %broadcast_in_dim3A_650], %get3A_653 : memref<32x513xf32, #tpu.memory_space<vmem>>[vector<16xi32>, vector<16xi32>], vector<16xf32>,
      %get3A_654 = arith.index_cast %add3A_649 : i32 to index
      %get3A_655 = arith.constant 16 : index
      %get3A_656 = tpu.vector_load %arg6[%get3A_654, %get3A_655] {strides = array<i32>} : memref<512x32xf32, #tpu.memory_space<vmem>>, vector<16xf32>,
      tpu.vector_store_idx %arg8[%add3A_9, %broadcast_in_dim3A_650], %get3A_656 : memref<32x513xf32, #tpu.memory_space<vmem>>[vector<16xi32>, vector<16xi32>], vector<16xf32>,
      %add3A_657 = arith.constant 14 : i32
      %add3A_658 = arith.addi %add3A_532, %add3A_657 : i32
      %broadcast_in_dim3A_659 = vector.broadcast %add3A_658 : i32 to vector<16xi32>
      %get3A_660 = arith.index_cast %add3A_658 : i32 to index
      %get3A_661 = arith.constant 0 : index
      %get3A_662 = tpu.vector_load %arg6[%get3A_660, %get3A_661] {strides = array<i32>} : memref<512x32xf32, #tpu.memory_space<vmem>>, vector<16xf32>,
      tpu.vector_store_idx %arg8[%add3A_5, %broadcast_in_dim3A_659], %get3A_662 : memref<32x513xf32, #tpu.memory_space<vmem>>[vector<16xi32>, vector<16xi32>], vector<16xf32>,
      %get3A_663 = arith.index_cast %add3A_658 : i32 to index
      %get3A_664 = arith.constant 16 : index
      %get3A_665 = tpu.vector_load %arg6[%get3A_663, %get3A_664] {strides = array<i32>} : memref<512x32xf32, #tpu.memory_space<vmem>>, vector<16xf32>,
      tpu.vector_store_idx %arg8[%add3A_9, %broadcast_in_dim3A_659], %get3A_665 : memref<32x513xf32, #tpu.memory_space<vmem>>[vector<16xi32>, vector<16xi32>], vector<16xf32>,
      %add3A_666 = arith.constant 15 : i32
      %add3A_667 = arith.addi %add3A_532, %add3A_666 : i32
      %broadcast_in_dim3A_668 = vector.broadcast %add3A_667 : i32 to vector<16xi32>
      %get3A_669 = arith.index_cast %add3A_667 : i32 to index
      %get3A_670 = arith.constant 0 : index
      %get3A_671 = tpu.vector_load %arg6[%get3A_669, %get3A_670] {strides = array<i32>} : memref<512x32xf32, #tpu.memory_space<vmem>>, vector<16xf32>,
      tpu.vector_store_idx %arg8[%add3A_5, %broadcast_in_dim3A_668], %get3A_671 : memref<32x513xf32, #tpu.memory_space<vmem>>[vector<16xi32>, vector<16xi32>], vector<16xf32>,
      %get3A_672 = arith.index_cast %add3A_667 : i32 to index
      %get3A_673 = arith.constant 16 : index
      %get3A_674 = tpu.vector_load %arg6[%get3A_672, %get3A_673] {strides = array<i32>} : memref<512x32xf32, #tpu.memory_space<vmem>>, vector<16xf32>,
      tpu.vector_store_idx %arg8[%add3A_9, %broadcast_in_dim3A_668], %get3A_674 : memref<32x513xf32, #tpu.memory_space<vmem>>[vector<16xi32>, vector<16xi32>], vector<16xf32>,
    }
    %scan3A_235 = arith.constant 32 : i32
    %add3A_236 = arith.constant 48 : i32
    %add3A_237 = arith.addi %mul3A_2, %add3A_236 : i32
    %jit3A_238 = arith.constant 8 : i32
    %div3A_239 = arith.divsi %add3A_237, %jit3A_238 : i32
    %sign3A_240 = arith.constant 0 : i32
    %sign3A_241 = arith.cmpi sgt, %add3A_237, %sign3A_240 : i32
    %sign3A_242 = arith.extui %sign3A_241 : i1 to i32
    %sign3A_243 = arith.constant 0 : i32
    %sign3A_244 = arith.cmpi slt, %add3A_237, %sign3A_243 : i32
    %sign3A_245 = arith.extui %sign3A_244 : i1 to i32
    %sign3A_246 = arith.subi %sign3A_242, %sign3A_245 : i32
    %sign3A_247 = arith.constant 0 : i32
    %sign3A_248 = arith.cmpi sgt, %jit3A_238, %sign3A_247 : i32
    %sign3A_249 = arith.extui %sign3A_248 : i1 to i32
    %sign3A_250 = arith.constant 0 : i32
    %sign3A_251 = arith.cmpi slt, %jit3A_238, %sign3A_250 : i32
    %sign3A_252 = arith.extui %sign3A_251 : i1 to i32
    %sign3A_253 = arith.subi %sign3A_249, %sign3A_252 : i32
    %ne3A_254 = arith.cmpi ne, %sign3A_246, %sign3A_253 : i32
    %rem3A_255 = arith.remsi %add3A_237, %jit3A_238 : i32
    %ne3A_256 = arith.constant 0 : i32
    %ne3A_257 = arith.cmpi ne, %rem3A_255, %ne3A_256 : i32
    %and3A_258 = arith.andi %ne3A_254, %ne3A_257 : i1
    %sub3A_259 = arith.constant 1 : i32
    %sub3A_260 = arith.subi %div3A_239, %sub3A_259 : i32
    %select_n3A_261 = arith.select %and3A_258, %sub3A_260, %div3A_239 : i32
    %jit3A_262 = arith.constant 8 : i32
    %eq3A_263 = arith.constant 0 : i32
    %eq3A_264 = arith.cmpi eq, %jit3A_262, %eq3A_263 : i32
    %jit3A_265 = arith.constant 1 : i32
    %select_n3A_266 = arith.select %eq3A_264, %jit3A_265, %jit3A_262 : i32
    %rem3A_267 = arith.remsi %add3A_237, %select_n3A_266 : i32
    %ne3A_268 = arith.constant 0 : i32
    %ne3A_269 = arith.cmpi ne, %rem3A_267, %ne3A_268 : i32
    %lt3A_270 = arith.constant 0 : i32
    %lt3A_271 = arith.cmpi slt, %rem3A_267, %lt3A_270 : i32
    %lt3A_272 = arith.constant 0 : i32
    %lt3A_273 = arith.cmpi slt, %select_n3A_266, %lt3A_272 : i32
    %ne3A_274 = arith.xori %lt3A_271, %lt3A_273 : i1
    %and3A_275 = arith.andi %ne3A_274, %ne3A_269 : i1
    %add3A_276 = arith.addi %rem3A_267, %select_n3A_266 : i32
    %select_n3A_277 = arith.select %and3A_275, %add3A_276, %rem3A_267 : i32
    %mul3A_278 = arith.constant 512 : i32
    %mul3A_279 = arith.muli %select_n3A_277, %mul3A_278 : i32
    %dma_start3A_280 = arith.constant 0 : i32
    %dma_start3A_281 = arith.constant 0 : i32
    %dma_start3A_282 = tpu.memref_slice %arg8[%dma_start3A_280, %dma_start3A_281] : memref<32x513xf32, #tpu.memory_space<vmem>> -> memref<32x512xf32, #tpu.memory_space<vmem>>
    %dma_start3A_283 = arith.constant 0 : i32
    %dma_start3A_284 = tpu.memref_slice %arg4[%select_n3A_261, %dma_start3A_283, %mul3A_279] : memref<200x32x4096xf32, #tpu.memory_space<hbm>> -> memref<1x32x512xf32, #tpu.memory_space<hbm>>
    %dma_start3A_285 = tpu.memref_squeeze %dma_start3A_284 : memref<1x32x512xf32, #tpu.memory_space<hbm>> -> memref<32x512xf32, #tpu.memory_space<hbm>>
    %dma_start3A_286 = arith.constant 0 : i32
    %dma_start3A_287 = tpu.memref_slice %arg4[%select_n3A_261, %dma_start3A_286, %mul3A_279] : memref<200x32x4096xf32, #tpu.memory_space<hbm>> -> memref<1x32x512xf32, #tpu.memory_space<hbm>>
    %dma_start3A_288 = tpu.memref_squeeze %dma_start3A_287 : memref<1x32x512xf32, #tpu.memory_space<hbm>> -> memref<32x512xf32, #tpu.memory_space<hbm>>
    %dma_start3A_289 = arith.constant 0 : i32
    %dma_start3A_290 = arith.constant 0 : i32
    %dma_start3A_291 = tpu.memref_slice %arg8[%dma_start3A_289, %dma_start3A_290] : memref<32x513xf32, #tpu.memory_space<vmem>> -> memref<32x512xf32, #tpu.memory_space<vmem>>
    tpu.enqueue_dma source(%dma_start3A_291 : memref<32x512xf32, #tpu.memory_space<vmem>>) target(%dma_start3A_288 : memref<32x512xf32, #tpu.memory_space<hbm>>) target_semaphore(%arg12 : memref<!tpu.dma_semaphore, #tpu.memory_space<semaphore_mem>>)
    %dma_wait3A_292 = arith.constant 0 : i32
    %dma_wait3A_293 = arith.constant 25088 : i32
    %dma_wait3A_294 = tpu.memref_slice %arg5[%dma_wait3A_292, %dma_wait3A_293] : memref<1x25600xi32, #tpu.memory_space<vmem>> -> memref<1x512xi32, #tpu.memory_space<vmem>>
    %dma_wait3A_295 = tpu.memref_squeeze %dma_wait3A_294 : memref<1x512xi32, #tpu.memory_space<vmem>> -> memref<512xi32, #tpu.memory_space<vmem>>
    %dma_wait3A_296 = arith.constant 0 : i32
    %dma_wait3A_297 = arith.constant 0 : i32
    %dma_wait3A_298 = tpu.memref_slice %arg2[%dma_wait3A_296, %dma_wait3A_297] : memref<1000000x32xf32, #tpu.memory_space<hbm>> -> memref<1000000x32xf32, #tpu.memory_space<hbm>>
    tpu.wait_indirect_dma semaphore(%arg11 : memref<!tpu.dma_semaphore, #tpu.memory_space<semaphore_mem>>) src(%dma_wait3A_298 : memref<1000000x32xf32, #tpu.memory_space<hbm>>) dst(%arg7 : memref<512x32xf32, #tpu.memory_space<vmem>>)
    %add3A_299 = arith.constant 47 : i32
    %add3A_300 = arith.addi %mul3A_2, %add3A_299 : i32
    %jit3A_301 = arith.constant 8 : i32
    %div3A_302 = arith.divsi %add3A_300, %jit3A_301 : i32
    %sign3A_303 = arith.constant 0 : i32
    %sign3A_304 = arith.cmpi sgt, %add3A_300, %sign3A_303 : i32
    %sign3A_305 = arith.extui %sign3A_304 : i1 to i32
    %sign3A_306 = arith.constant 0 : i32
    %sign3A_307 = arith.cmpi slt, %add3A_300, %sign3A_306 : i32
    %sign3A_308 = arith.extui %sign3A_307 : i1 to i32
    %sign3A_309 = arith.subi %sign3A_305, %sign3A_308 : i32
    %sign3A_310 = arith.constant 0 : i32
    %sign3A_311 = arith.cmpi sgt, %jit3A_301, %sign3A_310 : i32
    %sign3A_312 = arith.extui %sign3A_311 : i1 to i32
    %sign3A_313 = arith.constant 0 : i32
    %sign3A_314 = arith.cmpi slt, %jit3A_301, %sign3A_313 : i32
    %sign3A_315 = arith.extui %sign3A_314 : i1 to i32
    %sign3A_316 = arith.subi %sign3A_312, %sign3A_315 : i32
    %ne3A_317 = arith.cmpi ne, %sign3A_309, %sign3A_316 : i32
    %rem3A_318 = arith.remsi %add3A_300, %jit3A_301 : i32
    %ne3A_319 = arith.constant 0 : i32
    %ne3A_320 = arith.cmpi ne, %rem3A_318, %ne3A_319 : i32
    %and3A_321 = arith.andi %ne3A_317, %ne3A_320 : i1
    %sub3A_322 = arith.constant 1 : i32
    %sub3A_323 = arith.subi %div3A_302, %sub3A_322 : i32
    %select_n3A_324 = arith.select %and3A_321, %sub3A_323, %div3A_302 : i32
    %jit3A_325 = arith.constant 8 : i32
    %eq3A_326 = arith.constant 0 : i32
    %eq3A_327 = arith.cmpi eq, %jit3A_325, %eq3A_326 : i32
    %jit3A_328 = arith.constant 1 : i32
    %select_n3A_329 = arith.select %eq3A_327, %jit3A_328, %jit3A_325 : i32
    %rem3A_330 = arith.remsi %add3A_300, %select_n3A_329 : i32
    %ne3A_331 = arith.constant 0 : i32
    %ne3A_332 = arith.cmpi ne, %rem3A_330, %ne3A_331 : i32
    %lt3A_333 = arith.constant 0 : i32
    %lt3A_334 = arith.cmpi slt, %rem3A_330, %lt3A_333 : i32
    %lt3A_335 = arith.constant 0 : i32
    %lt3A_336 = arith.cmpi slt, %select_n3A_329, %lt3A_335 : i32
    %ne3A_337 = arith.xori %lt3A_334, %lt3A_336 : i1
    %and3A_338 = arith.andi %ne3A_337, %ne3A_332 : i1
    %add3A_339 = arith.addi %rem3A_330, %select_n3A_329 : i32
    %select_n3A_340 = arith.select %and3A_338, %add3A_339, %rem3A_330 : i32
    %mul3A_341 = arith.constant 512 : i32
    %mul3A_342 = arith.muli %select_n3A_340, %mul3A_341 : i32
    %dma_wait3A_343 = arith.constant 0 : i32
    %dma_wait3A_344 = arith.constant 0 : i32
    %dma_wait3A_345 = tpu.memref_slice %arg9[%dma_wait3A_343, %dma_wait3A_344] : memref<32x513xf32, #tpu.memory_space<vmem>> -> memref<32x512xf32, #tpu.memory_space<vmem>>
    %dma_wait3A_346 = arith.constant 0 : i32
    %dma_wait3A_347 = tpu.memref_slice %arg4[%select_n3A_324, %dma_wait3A_346, %mul3A_342] : memref<200x32x4096xf32, #tpu.memory_space<hbm>> -> memref<1x32x512xf32, #tpu.memory_space<hbm>>
    %dma_wait3A_348 = tpu.memref_squeeze %dma_wait3A_347 : memref<1x32x512xf32, #tpu.memory_space<hbm>> -> memref<32x512xf32, #tpu.memory_space<hbm>>
    %dma_wait3A_349 = arith.constant 0 : i32
    %dma_wait3A_350 = tpu.memref_slice %arg4[%select_n3A_324, %dma_wait3A_349, %mul3A_342] : memref<200x32x4096xf32, #tpu.memory_space<hbm>> -> memref<1x32x512xf32, #tpu.memory_space<hbm>>
    %dma_wait3A_351 = tpu.memref_squeeze %dma_wait3A_350 : memref<1x32x512xf32, #tpu.memory_space<hbm>> -> memref<32x512xf32, #tpu.memory_space<hbm>>
    %dma_wait3A_352 = arith.constant 0 : i32
    %dma_wait3A_353 = arith.constant 0 : i32
    %dma_wait3A_354 = tpu.memref_slice %arg9[%dma_wait3A_352, %dma_wait3A_353] : memref<32x513xf32, #tpu.memory_space<vmem>> -> memref<32x512xf32, #tpu.memory_space<vmem>>
    tpu.wait_dma2 semaphore(%arg13 : memref<!tpu.dma_semaphore, #tpu.memory_space<semaphore_mem>>) src(%dma_wait3A_354 : memref<32x512xf32, #tpu.memory_space<vmem>>) dst(%dma_wait3A_351 : memref<32x512xf32, #tpu.memory_space<hbm>>)
    %scan3A_355 = arith.constant 0 : i32
    %scan3A_356 = arith.constant 32 : i32
    %scan3A_357 = arith.addi %scan3A_355, %scan3A_356 : i32
    %scan3A_358 = arith.constant 1 : i32
    scf.for %scan3A_528 = %scan3A_355 to %scan3A_357 step %scan3A_358  : i32 {
      %mul3A_529 = arith.constant 16 : i32
      %mul3A_530 = arith.muli %scan3A_528, %mul3A_529 : i32
      %add3A_531 = arith.constant 0 : i32
      %add3A_532 = arith.addi %add3A_531, %mul3A_530 : i32
      %add3A_533 = arith.constant 0 : i32
      %add3A_534 = arith.addi %add3A_532, %add3A_533 : i32
      %broadcast_in_dim3A = vector.broadcast %add3A_534 : i32 to vector<16xi32>
      %get3A = arith.index_cast %add3A_534 : i32 to index
      %get3A_535 = arith.constant 0 : index
      %get3A_536 = tpu.vector_load %arg7[%get3A, %get3A_535] {strides = array<i32>} : memref<512x32xf32, #tpu.memory_space<vmem>>, vector<16xf32>,
      tpu.vector_store_idx %arg9[%add3A_5, %broadcast_in_dim3A], %get3A_536 : memref<32x513xf32, #tpu.memory_space<vmem>>[vector<16xi32>, vector<16xi32>], vector<16xf32>,
      %get3A_537 = arith.index_cast %add3A_534 : i32 to index
      %get3A_538 = arith.constant 16 : index
      %get3A_539 = tpu.vector_load %arg7[%get3A_537, %get3A_538] {strides = array<i32>} : memref<512x32xf32, #tpu.memory_space<vmem>>, vector<16xf32>,
      tpu.vector_store_idx %arg9[%add3A_9, %broadcast_in_dim3A], %get3A_539 : memref<32x513xf32, #tpu.memory_space<vmem>>[vector<16xi32>, vector<16xi32>], vector<16xf32>,
      %add3A_540 = arith.constant 1 : i32
      %add3A_541 = arith.addi %add3A_532, %add3A_540 : i32
      %broadcast_in_dim3A_542 = vector.broadcast %add3A_541 : i32 to vector<16xi32>
      %get3A_543 = arith.index_cast %add3A_541 : i32 to index
      %get3A_544 = arith.constant 0 : index
      %get3A_545 = tpu.vector_load %arg7[%get3A_543, %get3A_544] {strides = array<i32>} : memref<512x32xf32, #tpu.memory_space<vmem>>, vector<16xf32>,
      tpu.vector_store_idx %arg9[%add3A_5, %broadcast_in_dim3A_542], %get3A_545 : memref<32x513xf32, #tpu.memory_space<vmem>>[vector<16xi32>, vector<16xi32>], vector<16xf32>,
      %get3A_546 = arith.index_cast %add3A_541 : i32 to index
      %get3A_547 = arith.constant 16 : index
      %get3A_548 = tpu.vector_load %arg7[%get3A_546, %get3A_547] {strides = array<i32>} : memref<512x32xf32, #tpu.memory_space<vmem>>, vector<16xf32>,
      tpu.vector_store_idx %arg9[%add3A_9, %broadcast_in_dim3A_542], %get3A_548 : memref<32x513xf32, #tpu.memory_space<vmem>>[vector<16xi32>, vector<16xi32>], vector<16xf32>,
      %add3A_549 = arith.constant 2 : i32
      %add3A_550 = arith.addi %add3A_532, %add3A_549 : i32
      %broadcast_in_dim3A_551 = vector.broadcast %add3A_550 : i32 to vector<16xi32>
      %get3A_552 = arith.index_cast %add3A_550 : i32 to index
      %get3A_553 = arith.constant 0 : index
      %get3A_554 = tpu.vector_load %arg7[%get3A_552, %get3A_553] {strides = array<i32>} : memref<512x32xf32, #tpu.memory_space<vmem>>, vector<16xf32>,
      tpu.vector_store_idx %arg9[%add3A_5, %broadcast_in_dim3A_551], %get3A_554 : memref<32x513xf32, #tpu.memory_space<vmem>>[vector<16xi32>, vector<16xi32>], vector<16xf32>,
      %get3A_555 = arith.index_cast %add3A_550 : i32 to index
      %get3A_556 = arith.constant 16 : index
      %get3A_557 = tpu.vector_load %arg7[%get3A_555, %get3A_556] {strides = array<i32>} : memref<512x32xf32, #tpu.memory_space<vmem>>, vector<16xf32>,
      tpu.vector_store_idx %arg9[%add3A_9, %broadcast_in_dim3A_551], %get3A_557 : memref<32x513xf32, #tpu.memory_space<vmem>>[vector<16xi32>, vector<16xi32>], vector<16xf32>,
      %add3A_558 = arith.constant 3 : i32
      %add3A_559 = arith.addi %add3A_532, %add3A_558 : i32
      %broadcast_in_dim3A_560 = vector.broadcast %add3A_559 : i32 to vector<16xi32>
      %get3A_561 = arith.index_cast %add3A_559 : i32 to index
      %get3A_562 = arith.constant 0 : index
      %get3A_563 = tpu.vector_load %arg7[%get3A_561, %get3A_562] {strides = array<i32>} : memref<512x32xf32, #tpu.memory_space<vmem>>, vector<16xf32>,
      tpu.vector_store_idx %arg9[%add3A_5, %broadcast_in_dim3A_560], %get3A_563 : memref<32x513xf32, #tpu.memory_space<vmem>>[vector<16xi32>, vector<16xi32>], vector<16xf32>,
      %get3A_564 = arith.index_cast %add3A_559 : i32 to index
      %get3A_565 = arith.constant 16 : index
      %get3A_566 = tpu.vector_load %arg7[%get3A_564, %get3A_565] {strides = array<i32>} : memref<512x32xf32, #tpu.memory_space<vmem>>, vector<16xf32>,
      tpu.vector_store_idx %arg9[%add3A_9, %broadcast_in_dim3A_560], %get3A_566 : memref<32x513xf32, #tpu.memory_space<vmem>>[vector<16xi32>, vector<16xi32>], vector<16xf32>,
      %add3A_567 = arith.constant 4 : i32
      %add3A_568 = arith.addi %add3A_532, %add3A_567 : i32
      %broadcast_in_dim3A_569 = vector.broadcast %add3A_568 : i32 to vector<16xi32>
      %get3A_570 = arith.index_cast %add3A_568 : i32 to index
      %get3A_571 = arith.constant 0 : index
      %get3A_572 = tpu.vector_load %arg7[%get3A_570, %get3A_571] {strides = array<i32>} : memref<512x32xf32, #tpu.memory_space<vmem>>, vector<16xf32>,
      tpu.vector_store_idx %arg9[%add3A_5, %broadcast_in_dim3A_569], %get3A_572 : memref<32x513xf32, #tpu.memory_space<vmem>>[vector<16xi32>, vector<16xi32>], vector<16xf32>,
      %get3A_573 = arith.index_cast %add3A_568 : i32 to index
      %get3A_574 = arith.constant 16 : index
      %get3A_575 = tpu.vector_load %arg7[%get3A_573, %get3A_574] {strides = array<i32>} : memref<512x32xf32, #tpu.memory_space<vmem>>, vector<16xf32>,
      tpu.vector_store_idx %arg9[%add3A_9, %broadcast_in_dim3A_569], %get3A_575 : memref<32x513xf32, #tpu.memory_space<vmem>>[vector<16xi32>, vector<16xi32>], vector<16xf32>,
      %add3A_576 = arith.constant 5 : i32
      %add3A_577 = arith.addi %add3A_532, %add3A_576 : i32
      %broadcast_in_dim3A_578 = vector.broadcast %add3A_577 : i32 to vector<16xi32>
      %get3A_579 = arith.index_cast %add3A_577 : i32 to index
      %get3A_580 = arith.constant 0 : index
      %get3A_581 = tpu.vector_load %arg7[%get3A_579, %get3A_580] {strides = array<i32>} : memref<512x32xf32, #tpu.memory_space<vmem>>, vector<16xf32>,
      tpu.vector_store_idx %arg9[%add3A_5, %broadcast_in_dim3A_578], %get3A_581 : memref<32x513xf32, #tpu.memory_space<vmem>>[vector<16xi32>, vector<16xi32>], vector<16xf32>,
      %get3A_582 = arith.index_cast %add3A_577 : i32 to index
      %get3A_583 = arith.constant 16 : index
      %get3A_584 = tpu.vector_load %arg7[%get3A_582, %get3A_583] {strides = array<i32>} : memref<512x32xf32, #tpu.memory_space<vmem>>, vector<16xf32>,
      tpu.vector_store_idx %arg9[%add3A_9, %broadcast_in_dim3A_578], %get3A_584 : memref<32x513xf32, #tpu.memory_space<vmem>>[vector<16xi32>, vector<16xi32>], vector<16xf32>,
      %add3A_585 = arith.constant 6 : i32
      %add3A_586 = arith.addi %add3A_532, %add3A_585 : i32
      %broadcast_in_dim3A_587 = vector.broadcast %add3A_586 : i32 to vector<16xi32>
      %get3A_588 = arith.index_cast %add3A_586 : i32 to index
      %get3A_589 = arith.constant 0 : index
      %get3A_590 = tpu.vector_load %arg7[%get3A_588, %get3A_589] {strides = array<i32>} : memref<512x32xf32, #tpu.memory_space<vmem>>, vector<16xf32>,
      tpu.vector_store_idx %arg9[%add3A_5, %broadcast_in_dim3A_587], %get3A_590 : memref<32x513xf32, #tpu.memory_space<vmem>>[vector<16xi32>, vector<16xi32>], vector<16xf32>,
      %get3A_591 = arith.index_cast %add3A_586 : i32 to index
      %get3A_592 = arith.constant 16 : index
      %get3A_593 = tpu.vector_load %arg7[%get3A_591, %get3A_592] {strides = array<i32>} : memref<512x32xf32, #tpu.memory_space<vmem>>, vector<16xf32>,
      tpu.vector_store_idx %arg9[%add3A_9, %broadcast_in_dim3A_587], %get3A_593 : memref<32x513xf32, #tpu.memory_space<vmem>>[vector<16xi32>, vector<16xi32>], vector<16xf32>,
      %add3A_594 = arith.constant 7 : i32
      %add3A_595 = arith.addi %add3A_532, %add3A_594 : i32
      %broadcast_in_dim3A_596 = vector.broadcast %add3A_595 : i32 to vector<16xi32>
      %get3A_597 = arith.index_cast %add3A_595 : i32 to index
      %get3A_598 = arith.constant 0 : index
      %get3A_599 = tpu.vector_load %arg7[%get3A_597, %get3A_598] {strides = array<i32>} : memref<512x32xf32, #tpu.memory_space<vmem>>, vector<16xf32>,
      tpu.vector_store_idx %arg9[%add3A_5, %broadcast_in_dim3A_596], %get3A_599 : memref<32x513xf32, #tpu.memory_space<vmem>>[vector<16xi32>, vector<16xi32>], vector<16xf32>,
      %get3A_600 = arith.index_cast %add3A_595 : i32 to index
      %get3A_601 = arith.constant 16 : index
      %get3A_602 = tpu.vector_load %arg7[%get3A_600, %get3A_601] {strides = array<i32>} : memref<512x32xf32, #tpu.memory_space<vmem>>, vector<16xf32>,
      tpu.vector_store_idx %arg9[%add3A_9, %broadcast_in_dim3A_596], %get3A_602 : memref<32x513xf32, #tpu.memory_space<vmem>>[vector<16xi32>, vector<16xi32>], vector<16xf32>,
      %add3A_603 = arith.constant 8 : i32
      %add3A_604 = arith.addi %add3A_532, %add3A_603 : i32
      %broadcast_in_dim3A_605 = vector.broadcast %add3A_604 : i32 to vector<16xi32>
      %get3A_606 = arith.index_cast %add3A_604 : i32 to index
      %get3A_607 = arith.constant 0 : index
      %get3A_608 = tpu.vector_load %arg7[%get3A_606, %get3A_607] {strides = array<i32>} : memref<512x32xf32, #tpu.memory_space<vmem>>, vector<16xf32>,
      tpu.vector_store_idx %arg9[%add3A_5, %broadcast_in_dim3A_605], %get3A_608 : memref<32x513xf32, #tpu.memory_space<vmem>>[vector<16xi32>, vector<16xi32>], vector<16xf32>,
      %get3A_609 = arith.index_cast %add3A_604 : i32 to index
      %get3A_610 = arith.constant 16 : index
      %get3A_611 = tpu.vector_load %arg7[%get3A_609, %get3A_610] {strides = array<i32>} : memref<512x32xf32, #tpu.memory_space<vmem>>, vector<16xf32>,
      tpu.vector_store_idx %arg9[%add3A_9, %broadcast_in_dim3A_605], %get3A_611 : memref<32x513xf32, #tpu.memory_space<vmem>>[vector<16xi32>, vector<16xi32>], vector<16xf32>,
      %add3A_612 = arith.constant 9 : i32
      %add3A_613 = arith.addi %add3A_532, %add3A_612 : i32
      %broadcast_in_dim3A_614 = vector.broadcast %add3A_613 : i32 to vector<16xi32>
      %get3A_615 = arith.index_cast %add3A_613 : i32 to index
      %get3A_616 = arith.constant 0 : index
      %get3A_617 = tpu.vector_load %arg7[%get3A_615, %get3A_616] {strides = array<i32>} : memref<512x32xf32, #tpu.memory_space<vmem>>, vector<16xf32>,
      tpu.vector_store_idx %arg9[%add3A_5, %broadcast_in_dim3A_614], %get3A_617 : memref<32x513xf32, #tpu.memory_space<vmem>>[vector<16xi32>, vector<16xi32>], vector<16xf32>,
      %get3A_618 = arith.index_cast %add3A_613 : i32 to index
      %get3A_619 = arith.constant 16 : index
      %get3A_620 = tpu.vector_load %arg7[%get3A_618, %get3A_619] {strides = array<i32>} : memref<512x32xf32, #tpu.memory_space<vmem>>, vector<16xf32>,
      tpu.vector_store_idx %arg9[%add3A_9, %broadcast_in_dim3A_614], %get3A_620 : memref<32x513xf32, #tpu.memory_space<vmem>>[vector<16xi32>, vector<16xi32>], vector<16xf32>,
      %add3A_621 = arith.constant 10 : i32
      %add3A_622 = arith.addi %add3A_532, %add3A_621 : i32
      %broadcast_in_dim3A_623 = vector.broadcast %add3A_622 : i32 to vector<16xi32>
      %get3A_624 = arith.index_cast %add3A_622 : i32 to index
      %get3A_625 = arith.constant 0 : index
      %get3A_626 = tpu.vector_load %arg7[%get3A_624, %get3A_625] {strides = array<i32>} : memref<512x32xf32, #tpu.memory_space<vmem>>, vector<16xf32>,
      tpu.vector_store_idx %arg9[%add3A_5, %broadcast_in_dim3A_623], %get3A_626 : memref<32x513xf32, #tpu.memory_space<vmem>>[vector<16xi32>, vector<16xi32>], vector<16xf32>,
      %get3A_627 = arith.index_cast %add3A_622 : i32 to index
      %get3A_628 = arith.constant 16 : index
      %get3A_629 = tpu.vector_load %arg7[%get3A_627, %get3A_628] {strides = array<i32>} : memref<512x32xf32, #tpu.memory_space<vmem>>, vector<16xf32>,
      tpu.vector_store_idx %arg9[%add3A_9, %broadcast_in_dim3A_623], %get3A_629 : memref<32x513xf32, #tpu.memory_space<vmem>>[vector<16xi32>, vector<16xi32>], vector<16xf32>,
      %add3A_630 = arith.constant 11 : i32
      %add3A_631 = arith.addi %add3A_532, %add3A_630 : i32
      %broadcast_in_dim3A_632 = vector.broadcast %add3A_631 : i32 to vector<16xi32>
      %get3A_633 = arith.index_cast %add3A_631 : i32 to index
      %get3A_634 = arith.constant 0 : index
      %get3A_635 = tpu.vector_load %arg7[%get3A_633, %get3A_634] {strides = array<i32>} : memref<512x32xf32, #tpu.memory_space<vmem>>, vector<16xf32>,
      tpu.vector_store_idx %arg9[%add3A_5, %broadcast_in_dim3A_632], %get3A_635 : memref<32x513xf32, #tpu.memory_space<vmem>>[vector<16xi32>, vector<16xi32>], vector<16xf32>,
      %get3A_636 = arith.index_cast %add3A_631 : i32 to index
      %get3A_637 = arith.constant 16 : index
      %get3A_638 = tpu.vector_load %arg7[%get3A_636, %get3A_637] {strides = array<i32>} : memref<512x32xf32, #tpu.memory_space<vmem>>, vector<16xf32>,
      tpu.vector_store_idx %arg9[%add3A_9, %broadcast_in_dim3A_632], %get3A_638 : memref<32x513xf32, #tpu.memory_space<vmem>>[vector<16xi32>, vector<16xi32>], vector<16xf32>,
      %add3A_639 = arith.constant 12 : i32
      %add3A_640 = arith.addi %add3A_532, %add3A_639 : i32
      %broadcast_in_dim3A_641 = vector.broadcast %add3A_640 : i32 to vector<16xi32>
      %get3A_642 = arith.index_cast %add3A_640 : i32 to index
      %get3A_643 = arith.constant 0 : index
      %get3A_644 = tpu.vector_load %arg7[%get3A_642, %get3A_643] {strides = array<i32>} : memref<512x32xf32, #tpu.memory_space<vmem>>, vector<16xf32>,
      tpu.vector_store_idx %arg9[%add3A_5, %broadcast_in_dim3A_641], %get3A_644 : memref<32x513xf32, #tpu.memory_space<vmem>>[vector<16xi32>, vector<16xi32>], vector<16xf32>,
      %get3A_645 = arith.index_cast %add3A_640 : i32 to index
      %get3A_646 = arith.constant 16 : index
      %get3A_647 = tpu.vector_load %arg7[%get3A_645, %get3A_646] {strides = array<i32>} : memref<512x32xf32, #tpu.memory_space<vmem>>, vector<16xf32>,
      tpu.vector_store_idx %arg9[%add3A_9, %broadcast_in_dim3A_641], %get3A_647 : memref<32x513xf32, #tpu.memory_space<vmem>>[vector<16xi32>, vector<16xi32>], vector<16xf32>,
      %add3A_648 = arith.constant 13 : i32
      %add3A_649 = arith.addi %add3A_532, %add3A_648 : i32
      %broadcast_in_dim3A_650 = vector.broadcast %add3A_649 : i32 to vector<16xi32>
      %get3A_651 = arith.index_cast %add3A_649 : i32 to index
      %get3A_652 = arith.constant 0 : index
      %get3A_653 = tpu.vector_load %arg7[%get3A_651, %get3A_652] {strides = array<i32>} : memref<512x32xf32, #tpu.memory_space<vmem>>, vector<16xf32>,
      tpu.vector_store_idx %arg9[%add3A_5, %broadcast_in_dim3A_650], %get3A_653 : memref<32x513xf32, #tpu.memory_space<vmem>>[vector<16xi32>, vector<16xi32>], vector<16xf32>,
      %get3A_654 = arith.index_cast %add3A_649 : i32 to index
      %get3A_655 = arith.constant 16 : index
      %get3A_656 = tpu.vector_load %arg7[%get3A_654, %get3A_655] {strides = array<i32>} : memref<512x32xf32, #tpu.memory_space<vmem>>, vector<16xf32>,
      tpu.vector_store_idx %arg9[%add3A_9, %broadcast_in_dim3A_650], %get3A_656 : memref<32x513xf32, #tpu.memory_space<vmem>>[vector<16xi32>, vector<16xi32>], vector<16xf32>,
      %add3A_657 = arith.constant 14 : i32
      %add3A_658 = arith.addi %add3A_532, %add3A_657 : i32
      %broadcast_in_dim3A_659 = vector.broadcast %add3A_658 : i32 to vector<16xi32>
      %get3A_660 = arith.index_cast %add3A_658 : i32 to index
      %get3A_661 = arith.constant 0 : index
      %get3A_662 = tpu.vector_load %arg7[%get3A_660, %get3A_661] {strides = array<i32>} : memref<512x32xf32, #tpu.memory_space<vmem>>, vector<16xf32>,
      tpu.vector_store_idx %arg9[%add3A_5, %broadcast_in_dim3A_659], %get3A_662 : memref<32x513xf32, #tpu.memory_space<vmem>>[vector<16xi32>, vector<16xi32>], vector<16xf32>,
      %get3A_663 = arith.index_cast %add3A_658 : i32 to index
      %get3A_664 = arith.constant 16 : index
      %get3A_665 = tpu.vector_load %arg7[%get3A_663, %get3A_664] {strides = array<i32>} : memref<512x32xf32, #tpu.memory_space<vmem>>, vector<16xf32>,
      tpu.vector_store_idx %arg9[%add3A_9, %broadcast_in_dim3A_659], %get3A_665 : memref<32x513xf32, #tpu.memory_space<vmem>>[vector<16xi32>, vector<16xi32>], vector<16xf32>,
      %add3A_666 = arith.constant 15 : i32
      %add3A_667 = arith.addi %add3A_532, %add3A_666 : i32
      %broadcast_in_dim3A_668 = vector.broadcast %add3A_667 : i32 to vector<16xi32>
      %get3A_669 = arith.index_cast %add3A_667 : i32 to index
      %get3A_670 = arith.constant 0 : index
      %get3A_671 = tpu.vector_load %arg7[%get3A_669, %get3A_670] {strides = array<i32>} : memref<512x32xf32, #tpu.memory_space<vmem>>, vector<16xf32>,
      tpu.vector_store_idx %arg9[%add3A_5, %broadcast_in_dim3A_668], %get3A_671 : memref<32x513xf32, #tpu.memory_space<vmem>>[vector<16xi32>, vector<16xi32>], vector<16xf32>,
      %get3A_672 = arith.index_cast %add3A_667 : i32 to index
      %get3A_673 = arith.constant 16 : index
      %get3A_674 = tpu.vector_load %arg7[%get3A_672, %get3A_673] {strides = array<i32>} : memref<512x32xf32, #tpu.memory_space<vmem>>, vector<16xf32>,
      tpu.vector_store_idx %arg9[%add3A_9, %broadcast_in_dim3A_668], %get3A_674 : memref<32x513xf32, #tpu.memory_space<vmem>>[vector<16xi32>, vector<16xi32>], vector<16xf32>,
    }
    %scan3A_359 = arith.constant 32 : i32
    %add3A_360 = arith.constant 49 : i32
    %add3A_361 = arith.addi %mul3A_2, %add3A_360 : i32
    %jit3A_362 = arith.constant 8 : i32
    %div3A_363 = arith.divsi %add3A_361, %jit3A_362 : i32
    %sign3A_364 = arith.constant 0 : i32
    %sign3A_365 = arith.cmpi sgt, %add3A_361, %sign3A_364 : i32
    %sign3A_366 = arith.extui %sign3A_365 : i1 to i32
    %sign3A_367 = arith.constant 0 : i32
    %sign3A_368 = arith.cmpi slt, %add3A_361, %sign3A_367 : i32
    %sign3A_369 = arith.extui %sign3A_368 : i1 to i32
    %sign3A_370 = arith.subi %sign3A_366, %sign3A_369 : i32
    %sign3A_371 = arith.constant 0 : i32
    %sign3A_372 = arith.cmpi sgt, %jit3A_362, %sign3A_371 : i32
    %sign3A_373 = arith.extui %sign3A_372 : i1 to i32
    %sign3A_374 = arith.constant 0 : i32
    %sign3A_375 = arith.cmpi slt, %jit3A_362, %sign3A_374 : i32
    %sign3A_376 = arith.extui %sign3A_375 : i1 to i32
    %sign3A_377 = arith.subi %sign3A_373, %sign3A_376 : i32
    %ne3A_378 = arith.cmpi ne, %sign3A_370, %sign3A_377 : i32
    %rem3A_379 = arith.remsi %add3A_361, %jit3A_362 : i32
    %ne3A_380 = arith.constant 0 : i32
    %ne3A_381 = arith.cmpi ne, %rem3A_379, %ne3A_380 : i32
    %and3A_382 = arith.andi %ne3A_378, %ne3A_381 : i1
    %sub3A_383 = arith.constant 1 : i32
    %sub3A_384 = arith.subi %div3A_363, %sub3A_383 : i32
    %select_n3A_385 = arith.select %and3A_382, %sub3A_384, %div3A_363 : i32
    %jit3A_386 = arith.constant 8 : i32
    %eq3A_387 = arith.constant 0 : i32
    %eq3A_388 = arith.cmpi eq, %jit3A_386, %eq3A_387 : i32
    %jit3A_389 = arith.constant 1 : i32
    %select_n3A_390 = arith.select %eq3A_388, %jit3A_389, %jit3A_386 : i32
    %rem3A_391 = arith.remsi %add3A_361, %select_n3A_390 : i32
    %ne3A_392 = arith.constant 0 : i32
    %ne3A_393 = arith.cmpi ne, %rem3A_391, %ne3A_392 : i32
    %lt3A_394 = arith.constant 0 : i32
    %lt3A_395 = arith.cmpi slt, %rem3A_391, %lt3A_394 : i32
    %lt3A_396 = arith.constant 0 : i32
    %lt3A_397 = arith.cmpi slt, %select_n3A_390, %lt3A_396 : i32
    %ne3A_398 = arith.xori %lt3A_395, %lt3A_397 : i1
    %and3A_399 = arith.andi %ne3A_398, %ne3A_393 : i1
    %add3A_400 = arith.addi %rem3A_391, %select_n3A_390 : i32
    %select_n3A_401 = arith.select %and3A_399, %add3A_400, %rem3A_391 : i32
    %mul3A_402 = arith.constant 512 : i32
    %mul3A_403 = arith.muli %select_n3A_401, %mul3A_402 : i32
    %dma_start3A_404 = arith.constant 0 : i32
    %dma_start3A_405 = arith.constant 0 : i32
    %dma_start3A_406 = tpu.memref_slice %arg9[%dma_start3A_404, %dma_start3A_405] : memref<32x513xf32, #tpu.memory_space<vmem>> -> memref<32x512xf32, #tpu.memory_space<vmem>>
    %dma_start3A_407 = arith.constant 0 : i32
    %dma_start3A_408 = tpu.memref_slice %arg4[%select_n3A_385, %dma_start3A_407, %mul3A_403] : memref<200x32x4096xf32, #tpu.memory_space<hbm>> -> memref<1x32x512xf32, #tpu.memory_space<hbm>>
    %dma_start3A_409 = tpu.memref_squeeze %dma_start3A_408 : memref<1x32x512xf32, #tpu.memory_space<hbm>> -> memref<32x512xf32, #tpu.memory_space<hbm>>
    %dma_start3A_410 = arith.constant 0 : i32
    %dma_start3A_411 = tpu.memref_slice %arg4[%select_n3A_385, %dma_start3A_410, %mul3A_403] : memref<200x32x4096xf32, #tpu.memory_space<hbm>> -> memref<1x32x512xf32, #tpu.memory_space<hbm>>
    %dma_start3A_412 = tpu.memref_squeeze %dma_start3A_411 : memref<1x32x512xf32, #tpu.memory_space<hbm>> -> memref<32x512xf32, #tpu.memory_space<hbm>>
    %dma_start3A_413 = arith.constant 0 : i32
    %dma_start3A_414 = arith.constant 0 : i32
    %dma_start3A_415 = tpu.memref_slice %arg9[%dma_start3A_413, %dma_start3A_414] : memref<32x513xf32, #tpu.memory_space<vmem>> -> memref<32x512xf32, #tpu.memory_space<vmem>>
    tpu.enqueue_dma source(%dma_start3A_415 : memref<32x512xf32, #tpu.memory_space<vmem>>) target(%dma_start3A_412 : memref<32x512xf32, #tpu.memory_space<hbm>>) target_semaphore(%arg13 : memref<!tpu.dma_semaphore, #tpu.memory_space<semaphore_mem>>)
    %add3A_416 = arith.constant 48 : i32
    %add3A_417 = arith.addi %mul3A_2, %add3A_416 : i32
    %jit3A_418 = arith.constant 8 : i32
    %div3A_419 = arith.divsi %add3A_417, %jit3A_418 : i32
    %sign3A_420 = arith.constant 0 : i32
    %sign3A_421 = arith.cmpi sgt, %add3A_417, %sign3A_420 : i32
    %sign3A_422 = arith.extui %sign3A_421 : i1 to i32
    %sign3A_423 = arith.constant 0 : i32
    %sign3A_424 = arith.cmpi slt, %add3A_417, %sign3A_423 : i32
    %sign3A_425 = arith.extui %sign3A_424 : i1 to i32
    %sign3A_426 = arith.subi %sign3A_422, %sign3A_425 : i32
    %sign3A_427 = arith.constant 0 : i32
    %sign3A_428 = arith.cmpi sgt, %jit3A_418, %sign3A_427 : i32
    %sign3A_429 = arith.extui %sign3A_428 : i1 to i32
    %sign3A_430 = arith.constant 0 : i32
    %sign3A_431 = arith.cmpi slt, %jit3A_418, %sign3A_430 : i32
    %sign3A_432 = arith.extui %sign3A_431 : i1 to i32
    %sign3A_433 = arith.subi %sign3A_429, %sign3A_432 : i32
    %ne3A_434 = arith.cmpi ne, %sign3A_426, %sign3A_433 : i32
    %rem3A_435 = arith.remsi %add3A_417, %jit3A_418 : i32
    %ne3A_436 = arith.constant 0 : i32
    %ne3A_437 = arith.cmpi ne, %rem3A_435, %ne3A_436 : i32
    %and3A_438 = arith.andi %ne3A_434, %ne3A_437 : i1
    %sub3A_439 = arith.constant 1 : i32
    %sub3A_440 = arith.subi %div3A_419, %sub3A_439 : i32
    %select_n3A_441 = arith.select %and3A_438, %sub3A_440, %div3A_419 : i32
    %jit3A_442 = arith.constant 8 : i32
    %eq3A_443 = arith.constant 0 : i32
    %eq3A_444 = arith.cmpi eq, %jit3A_442, %eq3A_443 : i32
    %jit3A_445 = arith.constant 1 : i32
    %select_n3A_446 = arith.select %eq3A_444, %jit3A_445, %jit3A_442 : i32
    %rem3A_447 = arith.remsi %add3A_417, %select_n3A_446 : i32
    %ne3A_448 = arith.constant 0 : i32
    %ne3A_449 = arith.cmpi ne, %rem3A_447, %ne3A_448 : i32
    %lt3A_450 = arith.constant 0 : i32
    %lt3A_451 = arith.cmpi slt, %rem3A_447, %lt3A_450 : i32
    %lt3A_452 = arith.constant 0 : i32
    %lt3A_453 = arith.cmpi slt, %select_n3A_446, %lt3A_452 : i32
    %ne3A_454 = arith.xori %lt3A_451, %lt3A_453 : i1
    %and3A_455 = arith.andi %ne3A_454, %ne3A_449 : i1
    %add3A_456 = arith.addi %rem3A_447, %select_n3A_446 : i32
    %select_n3A_457 = arith.select %and3A_455, %add3A_456, %rem3A_447 : i32
    %mul3A_458 = arith.constant 512 : i32
    %mul3A_459 = arith.muli %select_n3A_457, %mul3A_458 : i32
    %dma_wait3A_460 = arith.constant 0 : i32
    %dma_wait3A_461 = arith.constant 0 : i32
    %dma_wait3A_462 = tpu.memref_slice %arg8[%dma_wait3A_460, %dma_wait3A_461] : memref<32x513xf32, #tpu.memory_space<vmem>> -> memref<32x512xf32, #tpu.memory_space<vmem>>
    %dma_wait3A_463 = arith.constant 0 : i32
    %dma_wait3A_464 = tpu.memref_slice %arg4[%select_n3A_441, %dma_wait3A_463, %mul3A_459] : memref<200x32x4096xf32, #tpu.memory_space<hbm>> -> memref<1x32x512xf32, #tpu.memory_space<hbm>>
    %dma_wait3A_465 = tpu.memref_squeeze %dma_wait3A_464 : memref<1x32x512xf32, #tpu.memory_space<hbm>> -> memref<32x512xf32, #tpu.memory_space<hbm>>
    %dma_wait3A_466 = arith.constant 0 : i32
    %dma_wait3A_467 = tpu.memref_slice %arg4[%select_n3A_441, %dma_wait3A_466, %mul3A_459] : memref<200x32x4096xf32, #tpu.memory_space<hbm>> -> memref<1x32x512xf32, #tpu.memory_space<hbm>>
    %dma_wait3A_468 = tpu.memref_squeeze %dma_wait3A_467 : memref<1x32x512xf32, #tpu.memory_space<hbm>> -> memref<32x512xf32, #tpu.memory_space<hbm>>
    %dma_wait3A_469 = arith.constant 0 : i32
    %dma_wait3A_470 = arith.constant 0 : i32
    %dma_wait3A_471 = tpu.memref_slice %arg8[%dma_wait3A_469, %dma_wait3A_470] : memref<32x513xf32, #tpu.memory_space<vmem>> -> memref<32x512xf32, #tpu.memory_space<vmem>>
    tpu.wait_dma2 semaphore(%arg12 : memref<!tpu.dma_semaphore, #tpu.memory_space<semaphore_mem>>) src(%dma_wait3A_471 : memref<32x512xf32, #tpu.memory_space<vmem>>) dst(%dma_wait3A_468 : memref<32x512xf32, #tpu.memory_space<hbm>>)
    %add3A_472 = arith.constant 49 : i32
    %add3A_473 = arith.addi %mul3A_2, %add3A_472 : i32
    %jit3A_474 = arith.constant 8 : i32
    %div3A_475 = arith.divsi %add3A_473, %jit3A_474 : i32
    %sign3A_476 = arith.constant 0 : i32
    %sign3A_477 = arith.cmpi sgt, %add3A_473, %sign3A_476 : i32
    %sign3A_478 = arith.extui %sign3A_477 : i1 to i32
    %sign3A_479 = arith.constant 0 : i32
    %sign3A_480 = arith.cmpi slt, %add3A_473, %sign3A_479 : i32
    %sign3A_481 = arith.extui %sign3A_480 : i1 to i32
    %sign3A_482 = arith.subi %sign3A_478, %sign3A_481 : i32
    %sign3A_483 = arith.constant 0 : i32
    %sign3A_484 = arith.cmpi sgt, %jit3A_474, %sign3A_483 : i32
    %sign3A_485 = arith.extui %sign3A_484 : i1 to i32
    %sign3A_486 = arith.constant 0 : i32
    %sign3A_487 = arith.cmpi slt, %jit3A_474, %sign3A_486 : i32
    %sign3A_488 = arith.extui %sign3A_487 : i1 to i32
    %sign3A_489 = arith.subi %sign3A_485, %sign3A_488 : i32
    %ne3A_490 = arith.cmpi ne, %sign3A_482, %sign3A_489 : i32
    %rem3A_491 = arith.remsi %add3A_473, %jit3A_474 : i32
    %ne3A_492 = arith.constant 0 : i32
    %ne3A_493 = arith.cmpi ne, %rem3A_491, %ne3A_492 : i32
    %and3A_494 = arith.andi %ne3A_490, %ne3A_493 : i1
    %sub3A_495 = arith.constant 1 : i32
    %sub3A_496 = arith.subi %div3A_475, %sub3A_495 : i32
    %select_n3A_497 = arith.select %and3A_494, %sub3A_496, %div3A_475 : i32
    %jit3A_498 = arith.constant 8 : i32
    %eq3A_499 = arith.constant 0 : i32
    %eq3A_500 = arith.cmpi eq, %jit3A_498, %eq3A_499 : i32
    %jit3A_501 = arith.constant 1 : i32
    %select_n3A_502 = arith.select %eq3A_500, %jit3A_501, %jit3A_498 : i32
    %rem3A_503 = arith.remsi %add3A_473, %select_n3A_502 : i32
    %ne3A_504 = arith.constant 0 : i32
    %ne3A_505 = arith.cmpi ne, %rem3A_503, %ne3A_504 : i32
    %lt3A_506 = arith.constant 0 : i32
    %lt3A_507 = arith.cmpi slt, %rem3A_503, %lt3A_506 : i32
    %lt3A_508 = arith.constant 0 : i32
    %lt3A_509 = arith.cmpi slt, %select_n3A_502, %lt3A_508 : i32
    %ne3A_510 = arith.xori %lt3A_507, %lt3A_509 : i1
    %and3A_511 = arith.andi %ne3A_510, %ne3A_505 : i1
    %add3A_512 = arith.addi %rem3A_503, %select_n3A_502 : i32
    %select_n3A_513 = arith.select %and3A_511, %add3A_512, %rem3A_503 : i32
    %mul3A_514 = arith.constant 512 : i32
    %mul3A_515 = arith.muli %select_n3A_513, %mul3A_514 : i32
    %dma_wait3A_516 = arith.constant 0 : i32
    %dma_wait3A_517 = arith.constant 0 : i32
    %dma_wait3A_518 = tpu.memref_slice %arg9[%dma_wait3A_516, %dma_wait3A_517] : memref<32x513xf32, #tpu.memory_space<vmem>> -> memref<32x512xf32, #tpu.memory_space<vmem>>
    %dma_wait3A_519 = arith.constant 0 : i32
    %dma_wait3A_520 = tpu.memref_slice %arg4[%select_n3A_497, %dma_wait3A_519, %mul3A_515] : memref<200x32x4096xf32, #tpu.memory_space<hbm>> -> memref<1x32x512xf32, #tpu.memory_space<hbm>>
    %dma_wait3A_521 = tpu.memref_squeeze %dma_wait3A_520 : memref<1x32x512xf32, #tpu.memory_space<hbm>> -> memref<32x512xf32, #tpu.memory_space<hbm>>
    %dma_wait3A_522 = arith.constant 0 : i32
    %dma_wait3A_523 = tpu.memref_slice %arg4[%select_n3A_497, %dma_wait3A_522, %mul3A_515] : memref<200x32x4096xf32, #tpu.memory_space<hbm>> -> memref<1x32x512xf32, #tpu.memory_space<hbm>>
    %dma_wait3A_524 = tpu.memref_squeeze %dma_wait3A_523 : memref<1x32x512xf32, #tpu.memory_space<hbm>> -> memref<32x512xf32, #tpu.memory_space<hbm>>
    %dma_wait3A_525 = arith.constant 0 : i32
    %dma_wait3A_526 = arith.constant 0 : i32
    %dma_wait3A_527 = tpu.memref_slice %arg9[%dma_wait3A_525, %dma_wait3A_526] : memref<32x513xf32, #tpu.memory_space<vmem>> -> memref<32x512xf32, #tpu.memory_space<vmem>>
    tpu.wait_dma2 semaphore(%arg13 : memref<!tpu.dma_semaphore, #tpu.memory_space<semaphore_mem>>) src(%dma_wait3A_527 : memref<32x512xf32, #tpu.memory_space<vmem>>) dst(%dma_wait3A_524 : memref<32x512xf32, #tpu.memory_space<hbm>>)
    return
  }
}

</mosaic_0001>

<sc_bundles>
// kernel: kernel.3.cloned.1.call-start
scs
__scs_entry_jumppad:
0x0: {  	(pc) =	sbr.rel $0x88, $3  }
0x1: {  	(tag) =	ssettag $0x0;
	lr =	simm.s32 $0x1  }
0x2: {  	[smem:$0x3F9F] =	sst lr;
	_ =	strace $0xD0000000  }
0x3: {  	_ = 	snop  }
0x4: {  	_ = 	snop  }
0x5: {  	_ = 	snop  }
0x6: {  	_ = 	snop  }
0x7: {  	_ = 	snop  }
__scs_overlays_trampoline_lowered:
0x8: {  	[smem:$0x3FAE] =	sst s0  }
0x9: {  	[smem:$0x3FAF] =	sst s1  }
0xa: {  	[smem:$0x3FB0] =	sst s2  }
0xb: {  	[smem:$0x3FB1] =	sst s3  }
0xc: {  	[smem:$0x3FB2] =	sst s4  }
0xd: {  	[smem:$0x3FB3] =	sst s5  }
0xe: {  	[smem:$0x3FB4] =	sst s6  }
0xf: {  	[smem:$0x3FB5] =	sst s7  }
0x10: {  	[smem:$0x3FB6] =	sst s8  }
0x11: {  	[smem:$0x3FB7] =	sst s9;
	s0 =	simm.s32 @!p0 $0x0  }
0x12: {  	s1 =	sld [smem:$0x3F9D];
	s0 =	simm.s32 @p0 $0x1  }
0x13: {  	[smem:$0x3FB8] =	sst s0;
	s0 =	simm.s32 @!p1 $0x0  }
0x14: {  	s2 =	sld [smem:$0x3F9C];
	s0 =	simm.s32 @p1 $0x1  }
0x15: {  	[smem:$0x3FB9] =	sst s0;
	s0 =	simm.s32 @!p2 $0x0  }
0x16: {  	s3 =	sld [smem:$0x3FDB];
	s0 =	simm.s32 @p2 $0x1  }
0x17: {  	s4 =	simm.s32 $0x1BF5;
	[smem:$0x3FBB] =	sst s0  }
0x18: {  	s0 =	sld [smem:$0x3F9E];
	_ =	swait.ge [sflag:s4], $0x0  }
0x19: {  	s7 =	sld [smem:$0x3F9F]  }
0x1a: {  	s8 =	sadd.s32 $0xFFFFE003, lr  }
0x1b: {  	s9 =	sadd.s32 $0xFFFFFEF7, lr;
	s5 =	simm.s32 $0xFFFFFFFF;
	p2 =	slt.u32 s8, $0xFFFFF086  }
0x1c: {  	p1 =	slt.u32 s9, $0xF7A;
	s5 =	simm.s32 @!p2 $0x0  }
0x1d: {  	s5 =	simm.s32 @p1 $0x1;
	p0 =	seq.s32 s7, s2  }
0x1e: {  	s7 =	smul.u32 @!p0 $0xF7A, s2;
	p2 =	seq.s32 @!p0 s5, $0x0  }
0x1f: {  	s9 =	smul.u32 $0xF7A, s1;
	s8 =	simm.s32 @!p0 $0x1BF5;
	p2 =	por !p2, p0  }
0x20: {  	[sflag:s8] =	ssyncset.s32 @!p0 $0xFFFFF086;
	s6 =	sadd.s32 @!p0 s3, s7;
	s7 =	simm.s32 @!p0 $0x108  }
0x21: {  	s3 =	sadd.s32 s3, s9;
	s6 =	sadd.s32 @!p0 $0x88, s6;
	s7 =	simm.s32 @p2 $0x1082  }
0x22: {  	[simem:s7], [sflag:s8] =	dma.local @!p0 [hbm:s6], $0xF7A  }
0x23: {  	s9 =	sor.u32 $0xD0000000, s2;
	s6 =	simm.s32 $0x108;
	_ =	swait.ge @!p0 [sflag:s8], $0x0  }
0x24: {  	s3 =	sadd.s32 $0x88, s3;
	s6 =	simm.s32 @!p1 $0x1082;
	[sflag:s4] =	ssyncset.s32 $0xFFFFF086  }
0x25: {  	[simem:s6], [sflag:s4] =	dma.local [hbm:s3], $0xF7A  }
0x26: {  	[smem:$0x3F9F] =	sst s1;
	(tag) =	ssettag s2;
	_ =	strace s9  }
0x27: {  	s1 =	sld [smem:$0x3FAF]  }
0x28: {  	s2 =	sld [smem:$0x3FB0]  }
0x29: {  	s4 =	sld [smem:$0x3FB2]  }
0x2a: {  	p0 =	seq.s32 s5, $0x0;
	s5 =	sld [smem:$0x3FB3]  }
0x2b: {  	s6 =	sld [smem:$0x3FB4]  }
0x2c: {  	s7 =	sld [smem:$0x3FB5]  }
0x2d: {  	s3 =	simm.s32 $0x108;
	s8 =	sld [smem:$0x3FB6]  }
0x2e: {  	s3 =	simm.s32 @!p0 $0x1082;
	s9 =	sld [smem:$0x3FB7]  }
0x2f: {  	lr =	sadd.s32 s0, s3;
	s0 =	sld [smem:$0x3FAE]  }
0x30: {  	s3 =	sld [smem:$0x3FB1]  }
0x31: {  	[smem:$0x3FBA] =	sst s10  }
0x32: {  	s10 =	sld [smem:$0x3FB8];
	_ =	sdelay $0x3  }
0x33: {  	p0 =	seq.s32 s10, $0x1;
	s10 =	sld [smem:$0x3FBA];
	_ =	sdelay $0x3  }
0x34: {  	[smem:$0x3FBA] =	sst s10  }
0x35: {  	s10 =	sld [smem:$0x3FB9];
	_ =	sdelay $0x3  }
0x36: {  	p1 =	seq.s32 s10, $0x1;
	s10 =	sld [smem:$0x3FBA];
	_ =	sdelay $0x3  }
0x37: {  	[smem:$0x3FBA] =	sst s10  }
0x38: {  	s10 =	sld [smem:$0x3FBB]  }
0x39: {  	_ = 	snop;
	(pc) =	sbr.ind lr, $3  }
0x3a: {  	_ = 	snop  }
0x3b: {  	_ = 	snop  }
0x3c: {  	p2 =	seq.s32 s10, $0x1;
	s10 =	sld [smem:$0x3FBA]  }
0x3d: {  	_ =	shalt  }
0x3e: {  	_ =	shalt  }
0x3f: {  	_ =	shalt  }
0x40: {  	_ =	shalt  }
0x41: {  	_ =	shalt  }
0x42: {  	_ =	shalt  }
0x43: {  	_ =	shalt  }
0x44: {  	_ =	shalt  }
0x45: {  	_ =	shalt  }
0x46: {  	_ =	shalt  }
0x47: {  	_ =	shalt  }
0x48: {  	_ =	shalt  }
0x49: {  	_ =	shalt  }
0x4a: {  	_ =	shalt  }
0x4b: {  	_ =	shalt  }
0x4c: {  	_ =	shalt  }
0x4d: {  	_ =	shalt  }
0x4e: {  	_ =	shalt  }
0x4f: {  	_ =	shalt  }
0x50: {  	_ =	shalt  }
0x51: {  	_ =	shalt  }
0x52: {  	_ =	shalt  }
0x53: {  	_ =	shalt  }
0x54: {  	_ =	shalt  }
0x55: {  	_ =	shalt  }
0x56: {  	_ =	shalt  }
0x57: {  	_ =	shalt  }
0x58: {  	_ =	shalt  }
0x59: {  	_ =	shalt  }
0x5a: {  	_ =	shalt  }
0x5b: {  	_ =	shalt  }
0x5c: {  	_ =	shalt  }
0x5d: {  	_ =	shalt  }
0x5e: {  	_ =	shalt  }
0x5f: {  	_ =	shalt  }
0x60: {  	_ =	shalt  }
0x61: {  	_ =	shalt  }
0x62: {  	_ =	shalt  }
0x63: {  	_ =	shalt  }
0x64: {  	_ =	shalt  }
0x65: {  	_ =	shalt  }
0x66: {  	_ =	shalt  }
0x67: {  	_ =	shalt  }
0x68: {  	_ =	shalt  }
0x69: {  	_ =	shalt  }
0x6a: {  	_ =	shalt  }
0x6b: {  	_ =	shalt  }
0x6c: {  	_ =	shalt  }
0x6d: {  	_ =	shalt  }
0x6e: {  	_ =	shalt  }
0x6f: {  	_ =	shalt  }
0x70: {  	_ =	shalt  }
0x71: {  	_ =	shalt  }
0x72: {  	_ =	shalt  }
0x73: {  	_ =	shalt  }
0x74: {  	_ =	shalt  }
0x75: {  	_ =	shalt  }
0x76: {  	_ =	shalt  }
0x77: {  	_ =	shalt  }
0x78: {  	_ =	shalt  }
0x79: {  	_ =	shalt  }
0x7a: {  	_ =	shalt  }
0x7b: {  	_ =	shalt  }
0x7c: {  	_ =	shalt  }
0x7d: {  	_ =	shalt  }
0x7e: {  	_ =	shalt  }
0x7f: {  	_ =	shalt  }
0x80: {  	_ =	shalt  }
0x81: {  	_ =	shalt  }
0x82: {  	_ =	shalt  }
0x83: {  	_ =	shalt  }
0x84: {  	_ =	shalt  }
0x85: {  	_ =	shalt  }
0x86: {  	_ =	shalt  }
0x87: {  	_ =	shalt  }
.Lfunc_end0:
.L_simem_size_0:
called_computation_lowered:
.L_overlay_start_0:
0x88: {  	s2 =	sld [smem:$0x3FD9]  }
0x89: {  	s3 =	sld [smem:$0x3FFE];
	_ =	sdelay $0x1  }
0x8a: {  	s1 =	srdreg.scid  }
0x8b: {  	s0 =	sand.u32 $0x1, s1  }
0x8c: {  	s17 =	sshll.u32 s0, $0xA;
	s2 =	sadd.s32 s3, s2  }
0x8d: {  	s2 =	sadd.s32 s2, s17  }
0x8e: {  	[smem:$0x3FC6] =	sst s2  }
0x8f: {  	_ = 	snop  }
0x90: {  	s2 =	sld [smem:$0x3FD0];
	(tm) =	ssettm $0x1  }
0x91: {  	s18 =	sld [smem:$0x3FFB];
	_ =	sdelay $0x3  }
0x92: {  	_ =	strace s18  }
0x93: {  	s3 =	sld [smem:$0x3FFC];
	_ =	sdelay $0x3  }
0x94: {  	_ =	strace s3  }
0x95: {  	s3 =	sld [smem:$0x3FFD];
	_ =	sdelay $0x3  }
0x96: {  	_ =	strace s3  }
0x97: {  	_ =	strace $0x8FFFFFFF  }
0x98: {  	s19 =	sld [smem:$0x3FDB];
	_ =	sdelay $0x1  }
0x99: {  	s4 =	simm.s32 $_scs_section_size  }
0x9a: {  	s5 =	simm.s32 $_size__tile_overlayer_lowered;
	s6 =	simm.s32 $_tile_overlayer_lowered  }
0x9b: {  	s22 =	simm.s32 $0x1BFF;
	s21 =	sshll.u32 s6, $0x1;
	s3 =	sadd.s32 s4, s19  }
0x9c: {  	s7 =	simm.s32 $0x0;
	s20 =	sshll.u32 s5, $0x1;
	s5 =	sadd.s32 s21, s3  }
0x9d: {  	[timem:s7], [sflag:s22] =	dma.local [hbm:s5], s20  }
0x9e: {  	_ =	swait.ge [sflag:s22], s20  }
0x9f: {  	s4 =	ssub.s32 $0x0, s20;
	[sflag:s22] =	ssyncset.done $0x0  }
0xa0: {  	[sflag:s22] =	ssyncadd.s32 s4;
	_ =	sdelay $0x1  }
0xa1: {  	s23 =	simm.s32 $0x1B8B  }
0xa2: {  	_ =	swait.ge [sflag:s23], $0x1  }
0xa3: {  	[sflag:s23] =	ssyncset.done $0x0  }
0xa4: {  	s25 =	simm.s32 $0x1B8E;
	s24 =	sld [smem:$0x3FFE];
	[sflag:s23] =	ssyncadd.s32 $0xFFFFFFFF  }
0xa5: {  	s26 =	simm.s32 $execute0_lowered;
	[smem:$0x3FD2] =	sst s25  }
0xa6: {  	s5 =	sshll.u32 s26, $0x1;
	_ =	strace $0x80000046;
	[dreg:$0x1] =	wrdreg $0xFFFFFFFF  }
0xa7: {  	s28 =	simm.s32 $_size_execute0_lowered;
	s3 =	sadd.s32 s3, s5;
	[dreg:$0x0] =	wrdreg $0x0  }
0xa8: {  	s5 =	sshll.u32 s28, $0x1;
	[dreg:$0x2] =	wrdreg s3  }
0xa9: {  	[dreg:$0x3] =	wrdreg s5  }
0xaa: {  	[dreg:$0x4] =	wrdreg $0xC0  }
0xab: {  	_ =	task [dreg:s7], $0x5FFFF  }
0xac: {  	[dreg:$0x1] =	wrdreg $0xFFFFFFFF  }
0xad: {  	[dreg:$0x0] =	wrdreg $0x60  }
0xae: {  	[dreg:$0x2] =	wrdreg s24  }
0xaf: {  	[dreg:$0x3] =	wrdreg s2  }
0xb0: {  	[dreg:$0x4] =	wrdreg $0x9  }
0xb1: {  	_ =	task.clear_ibuf [dreg:s7], $0x5FFFF;
	_ =	strace $0x90000046  }
0xb2: {  	s29 =	simm.s32 $0x9;
	_ =	strace $0x80000048  }
0xb3: {  	_ =	swait.ge [sflag:s29], $0x1  }
0xb4: {  	[sflag:s29] =	ssyncadd.s32 $0xFFFFFFFF  }
0xb5: {  	_ =	strace $0x90000048  }
0xb6: {  	_ =	sfence  }
0xb7: {  	s30 =	sld [smem:$0x0];
	_ =	sdelay $0x2  }
0xb8: {  	s31 =	sshll.u32 s1, $0xD;
	s1 =	sshrl.u32 s1, $0x2  }
0xb9: {  	s3 =	sand.u32 $0x4000, s31;
	s1 =	sadd.s32 s1, s30  }
0xba: {  	s0 =	sor.u32 s3, s0;
	s1 =	sshll.u32 s1, $0x11  }
0xbb: {  	s0 =	sor.u32 s1, s0  }
0xbc: {  	s0 =	sadd.s32 $0x8F2B, s0  }
0xbd: {  	[sflag:s0] =	ssyncadd.remote.s32 $0x1  }
0xbe: {  	_ =	sfence.sel $0xFFFF  }
0xbf: {  	[dreg:$0x0] =	wrdreg $0xFFFFFFFF;
	(pc) =	sbr.abs _section_cstart, $3  }
0xc0: {  	[dreg:$0x1] =	wrdreg $0xFFFFFFFF  }
0xc1: {  	_ =	task.clear_ibuf [dreg:s7], $0x2FFFF;
	_ =	strace $0x9FFFFFFF  }
0xc2: {  	(tm) =	ssettm $0x7FFFFFFF  }
0xc3: {  	_ =	shalt  }
tec
execute0_lowered:
.L_overlay_start_1:
0x0: {  	(tag) =	ssettag $0x1  }
0x1: {  	s0 =	srdreg.scid;
	s1 =	rddreg [dreg:$0x0]  }
0x2: {  	s2 =	stileid.u32;
	s7 =	rddreg [dreg:$0x1];
	s13 =	simm.s32 $0x5  }
0x3: {  	s14 =	simm.s32 $0x200;
	s15 =	simm.s32 $0x6400;
	s16 =	simm.s32 $0xA400  }
0x4: {  	s17 =	simm.s32 $0x1;
	s18 =	simm.s32 $0xE400;
	s19 =	simm.s32 $0x2  }
0x5: {  	s20 =	simm.s32 $0x400;
	s21 =	simm.s32 $0x12500;
	s22 =	simm.s32 $0x3  }
0x6: {  	s23 =	simm.s32 $0x4;
	s24 =	simm.s32 $0x6200;
	s25 =	simm.s32 $0x0  }
0x7: {  	s0 =	sand.u32 $0x1, s0;
	s2 =	sshll.u32 s2, $0x1;
	s3 =	sadd.s32 $0x600, s1  }
0x8: {  	s5 =	sor.u32 s0, s2;
	s2 =	simm.s32 $0x0;
	s0 =	ssub.s32 $0x2, s0  }
0x9: {  	s4 =	smul.u32 $0xC8000, s5;
	[smem:$0x7FF] =	sst s2;
	s6 =	sshll.u32 s5, $0xA  }
0xa: {  	v0 =	vlaneseq.u32;
	s30 =	sshrl.u32 s0, $0x1;
	s8 =	smul.u32 $0xC80, s5;
	_ =	strace $0x80000047  }
0xb: {  	v1 =	vimm.s32 $0x0;
	vm0 =	vcmask $0x300;
	v0 =	vmul.u32 $0x208, v0;
	s0 =	ssub.s32 s0, s30;
	s6 =	sor.u32 s6, s4;
	s4 =	smul.u32 $0x32, s5  }
0xc: {  	v1 =	vsel vm0, $0x3, v1;
	s5 =	sadd.s32 $0xF42A00, s1;
	s7 =	sadd.s32 s7, s8;
	s10 =	sand.u32 $0x1FE0C00, s6  }
0xd: {  	v2 =	vadd.s32 $0x2080, v0;
	v3 =	vor.u32 $0x1, v0;
	v4 =	vadd.s32 $0x2081, v0;
	s12 =	smax.u32 s0, $0x1;
	s9 =	sshrl.u32 s10, $0x3;
	s31 =	sadd.s32 $0x31, s4  }
0xe: {  	v5 =	vor.u32 $0x2, v0;
	v6 =	vadd.s32 $0x2082, v0;
	v7 =	vor.u32 $0x3, v0;
	s10 =	sadd.s32 $0xC0000, s10;
	s6 =	sadd.s32 s3, s9;
	s11 =	sshll.u32 s31, $0x6  }
0xf: {  	v8 =	vadd.s32 $0x2083, v0;
	v9 =	vor.u32 $0x4, v0;
	v10 =	vadd.s32 $0x2084, v0;
	s9 =	sadd.s32 $0x2, s4;
	s1 =	sshll.u32 s31, $0xB;
	s11 =	sand.u32 $0x1C0, s11  }
0x10: {  	v11 =	vor.u32 $0x5, v0;
	v12 =	vadd.s32 $0x2085, v0;
	v13 =	vor.u32 $0x6, v0;
	s10 =	sshrl.u32 s10, $0x3;
	s1 =	sand.u32 $0x7FC000, s1;
	s11 =	sadd.s32 s3, s11  }
0x11: {  	v14 =	vadd.s32 $0x2086, v0;
	v15 =	vor.u32 $0x7, v0;
	v16 =	vadd.s32 $0x2087, v0;
	s8 =	sadd.s32 $0x40, s6;
	s10 =	sadd.s32 s3, s10;
	s11 =	sadd.s32 s1, s11  }
.LBB2_1:
0x12: {  	[tilespmem:s2], [sflag:$0x5] =	stream.linear.gather [hbm4b:s7+s2], $0x6400, $0x38;
	[tilespmem:$0x16600] =	vst v63  }
0x13: {  	_ =	swait.ge [sflag:s13], $0x6400  }
0x14: {  	[sflag:s13] =	ssyncset.done $0x0  }
0x15: {  	s0 =	simm.s32 $0x0;
	[sflag:s13] =	ssyncadd.s32 $0xFFFF9C00  }
0x16: {  	[tilespmem:s15], [sflag:$0x1] =	stream.indirect.gather [hbm4b:s5+s14], $0x20, s2, s14, $0xb8;
	[tilespmem:$0x16600] =	vst v63  }
0x17: {  	v17 =	vmov s0  }
0x18: {  	v17 =	vshrl.u32 v17, $0x3;
	[tilespmem:s16], [sflag:$0x2] =	stream.indirect.gather [hbm4b:s5+s14], $0x20, s14, s14, $0xb8;
	[tilespmem:$0x16600] =	vst v63  }
0x19: {  	v17 =	vshll.u32 v17, v1;
	_ =	swait.ge [sflag:s17], $0x4000  }
0x1a: {  	v17 =	vbroadcast v17, $0x0;
	[sflag:s17] =	ssyncset.done $0x0  }
0x1b: {  	s26 =	simm.s32 $0x6500;
	[sflag:s17] =	ssyncadd.s32 $0xFFFFC000  }
0x1c: {  	v19 =	vadd.s32 v0, v17;
	v18 =	vld [tilespmem:s26+$0xFFFFFF00];
	_ =	sdelay $0x4  }
0x1d: {  	[tilespmem:v19+s18+$0x0] =	vst.idx.msk $0xffff, v18  }
0x1e: {  	s1 =	simm.s32 $0x1;
	v17 =	vadd.s32 v2, v17;
	v18 =	vld [tilespmem:s26+$0xFFFFFF10]  }
0x1f: {  	v19 =	vmov s1  }
0x20: {  	v19 =	vshrl.u32 v19, $0x3  }
0x21: {  	v19 =	vshll.u32 v19, v1  }
0x22: {  	v19 =	vbroadcast v19, $0x0  }
0x23: {  	[tilespmem:v17+s18+$0x0] =	vst.idx.msk $0xffff, v18  }
0x24: {  	v18 =	vadd.s32 v3, v19;
	v17 =	vld [tilespmem:s26+$0xFFFFFF20];
	_ =	sdelay $0x4  }
0x25: {  	[tilespmem:v18+s18+$0x0] =	vst.idx.msk $0xffff, v17  }
0x26: {  	s30 =	simm.s32 $0x2;
	v18 =	vadd.s32 v4, v19;
	v17 =	vld [tilespmem:s26+$0xFFFFFF30]  }
0x27: {  	v19 =	vmov s30  }
0x28: {  	v19 =	vshrl.u32 v19, $0x3  }
0x29: {  	v19 =	vshll.u32 v19, v1  }
0x2a: {  	v19 =	vbroadcast v19, $0x0  }
0x2b: {  	[tilespmem:v18+s18+$0x0] =	vst.idx.msk $0xffff, v17  }
0x2c: {  	v18 =	vadd.s32 v5, v19;
	v17 =	vld [tilespmem:s26+$0xFFFFFF40];
	_ =	sdelay $0x4  }
0x2d: {  	[tilespmem:v18+s18+$0x0] =	vst.idx.msk $0xffff, v17  }
0x2e: {  	s31 =	simm.s32 $0x3;
	v18 =	vadd.s32 v6, v19;
	v17 =	vld [tilespmem:s26+$0xFFFFFF50]  }
0x2f: {  	v19 =	vmov s31  }
0x30: {  	v19 =	vshrl.u32 v19, $0x3  }
0x31: {  	v19 =	vshll.u32 v19, v1  }
0x32: {  	v19 =	vbroadcast v19, $0x0  }
0x33: {  	[tilespmem:v18+s18+$0x0] =	vst.idx.msk $0xffff, v17  }
0x34: {  	v18 =	vadd.s32 v7, v19;
	v17 =	vld [tilespmem:s26+$0xFFFFFF60];
	_ =	sdelay $0x4  }
0x35: {  	[tilespmem:v18+s18+$0x0] =	vst.idx.msk $0xffff, v17  }
0x36: {  	s1 =	simm.s32 $0x4;
	v18 =	vadd.s32 v8, v19;
	v17 =	vld [tilespmem:s26+$0xFFFFFF70]  }
0x37: {  	v19 =	vmov s1  }
0x38: {  	v19 =	vshrl.u32 v19, $0x3  }
0x39: {  	v19 =	vshll.u32 v19, v1  }
0x3a: {  	v19 =	vbroadcast v19, $0x0  }
0x3b: {  	[tilespmem:v18+s18+$0x0] =	vst.idx.msk $0xffff, v17  }
0x3c: {  	v18 =	vadd.s32 v9, v19;
	v17 =	vld [tilespmem:s26+$0xFFFFFF80];
	_ =	sdelay $0x4  }
0x3d: {  	[tilespmem:v18+s18+$0x0] =	vst.idx.msk $0xffff, v17  }
0x3e: {  	s30 =	simm.s32 $0x5;
	v18 =	vadd.s32 v10, v19;
	v17 =	vld [tilespmem:s26+$0xFFFFFF90]  }
0x3f: {  	v19 =	vmov s30  }
0x40: {  	v19 =	vshrl.u32 v19, $0x3  }
0x41: {  	v19 =	vshll.u32 v19, v1  }
0x42: {  	v19 =	vbroadcast v19, $0x0  }
0x43: {  	[tilespmem:v18+s18+$0x0] =	vst.idx.msk $0xffff, v17  }
0x44: {  	v18 =	vadd.s32 v11, v19;
	v17 =	vld [tilespmem:s26+$0xFFFFFFA0];
	_ =	sdelay $0x4  }
0x45: {  	[tilespmem:v18+s18+$0x0] =	vst.idx.msk $0xffff, v17  }
0x46: {  	s31 =	simm.s32 $0x6;
	v18 =	vadd.s32 v12, v19;
	v17 =	vld [tilespmem:s26+$0xFFFFFFB0]  }
0x47: {  	v19 =	vmov s31  }
0x48: {  	v19 =	vshrl.u32 v19, $0x3  }
0x49: {  	v19 =	vshll.u32 v19, v1  }
0x4a: {  	v19 =	vbroadcast v19, $0x0  }
0x4b: {  	[tilespmem:v18+s18+$0x0] =	vst.idx.msk $0xffff, v17  }
0x4c: {  	v18 =	vadd.s32 v13, v19;
	v17 =	vld [tilespmem:s26+$0xFFFFFFC0];
	_ =	sdelay $0x4  }
0x4d: {  	[tilespmem:v18+s18+$0x0] =	vst.idx.msk $0xffff, v17  }
0x4e: {  	s1 =	simm.s32 $0x7;
	v18 =	vadd.s32 v14, v19;
	v17 =	vld [tilespmem:s26+$0xFFFFFFD0]  }
0x4f: {  	v19 =	vmov s1  }
0x50: {  	v19 =	vshrl.u32 v19, $0x3  }
0x51: {  	v19 =	vshll.u32 v19, v1  }
0x52: {  	v19 =	vbroadcast v19, $0x0  }
0x53: {  	[tilespmem:v18+s18+$0x0] =	vst.idx.msk $0xffff, v17  }
0x54: {  	v18 =	vadd.s32 v15, v19;
	v17 =	vld [tilespmem:s26+$0xFFFFFFE0];
	_ =	sdelay $0x4  }
0x55: {  	[tilespmem:v18+s18+$0x0] =	vst.idx.msk $0xffff, v17  }
0x56: {  	s30 =	simm.s32 $0x8;
	v18 =	vadd.s32 v16, v19;
	v17 =	vld [tilespmem:s26+$0xFFFFFFF0]  }
0x57: {  	v19 =	vmov s30  }
0x58: {  	v19 =	vshrl.u32 v19, $0x3  }
0x59: {  	v19 =	vshll.u32 v19, v1  }
0x5a: {  	v19 =	vbroadcast v19, $0x0  }
0x5b: {  	[tilespmem:v18+s18+$0x0] =	vst.idx.msk $0xffff, v17  }
0x5c: {  	v18 =	vadd.s32 v0, v19;
	v17 =	vld [tilespmem:s26+$0x0];
	_ =	sdelay $0x4  }
0x5d: {  	[tilespmem:v18+s18+$0x0] =	vst.idx.msk $0xffff, v17  }
0x5e: {  	s31 =	simm.s32 $0x9;
	v18 =	vadd.s32 v2, v19;
	v17 =	vld [tilespmem:s26+$0x10]  }
0x5f: {  	v19 =	vmov s31  }
0x60: {  	v19 =	vshrl.u32 v19, $0x3  }
0x61: {  	v19 =	vshll.u32 v19, v1  }
0x62: {  	v19 =	vbroadcast v19, $0x0  }
0x63: {  	[tilespmem:v18+s18+$0x0] =	vst.idx.msk $0xffff, v17  }
0x64: {  	v18 =	vadd.s32 v3, v19;
	v17 =	vld [tilespmem:s26+$0x20];
	_ =	sdelay $0x4  }
0x65: {  	[tilespmem:v18+s18+$0x0] =	vst.idx.msk $0xffff, v17  }
0x66: {  	s1 =	simm.s32 $0xA;
	v18 =	vadd.s32 v4, v19;
	v17 =	vld [tilespmem:s26+$0x30]  }
0x67: {  	v19 =	vmov s1  }
0x68: {  	v19 =	vshrl.u32 v19, $0x3  }
0x69: {  	v19 =	vshll.u32 v19, v1  }
0x6a: {  	v19 =	vbroadcast v19, $0x0  }
0x6b: {  	[tilespmem:v18+s18+$0x0] =	vst.idx.msk $0xffff, v17  }
0x6c: {  	v18 =	vadd.s32 v5, v19;
	v17 =	vld [tilespmem:s26+$0x40];
	_ =	sdelay $0x4  }
0x6d: {  	[tilespmem:v18+s18+$0x0] =	vst.idx.msk $0xffff, v17  }
0x6e: {  	s30 =	simm.s32 $0xB;
	v18 =	vadd.s32 v6, v19;
	v17 =	vld [tilespmem:s26+$0x50]  }
0x6f: {  	v19 =	vmov s30  }
0x70: {  	v19 =	vshrl.u32 v19, $0x3  }
0x71: {  	v19 =	vshll.u32 v19, v1  }
0x72: {  	v19 =	vbroadcast v19, $0x0  }
0x73: {  	[tilespmem:v18+s18+$0x0] =	vst.idx.msk $0xffff, v17  }
0x74: {  	v18 =	vadd.s32 v7, v19;
	v17 =	vld [tilespmem:s26+$0x60];
	_ =	sdelay $0x4  }
0x75: {  	[tilespmem:v18+s18+$0x0] =	vst.idx.msk $0xffff, v17  }
0x76: {  	s31 =	simm.s32 $0xC;
	v18 =	vadd.s32 v8, v19;
	v17 =	vld [tilespmem:s26+$0x70]  }
0x77: {  	v19 =	vmov s31  }
0x78: {  	v19 =	vshrl.u32 v19, $0x3  }
0x79: {  	v19 =	vshll.u32 v19, v1  }
0x7a: {  	v19 =	vbroadcast v19, $0x0  }
0x7b: {  	[tilespmem:v18+s18+$0x0] =	vst.idx.msk $0xffff, v17  }
0x7c: {  	v18 =	vadd.s32 v9, v19;
	v17 =	vld [tilespmem:s26+$0x80];
	_ =	sdelay $0x4  }
0x7d: {  	[tilespmem:v18+s18+$0x0] =	vst.idx.msk $0xffff, v17  }
0x7e: {  	s1 =	simm.s32 $0xD;
	v18 =	vadd.s32 v10, v19;
	v17 =	vld [tilespmem:s26+$0x90]  }
0x7f: {  	v19 =	vmov s1  }
0x80: {  	v19 =	vshrl.u32 v19, $0x3  }
0x81: {  	v19 =	vshll.u32 v19, v1  }
0x82: {  	v19 =	vbroadcast v19, $0x0  }
0x83: {  	[tilespmem:v18+s18+$0x0] =	vst.idx.msk $0xffff, v17  }
0x84: {  	v18 =	vadd.s32 v11, v19;
	v17 =	vld [tilespmem:s26+$0xA0];
	_ =	sdelay $0x4  }
0x85: {  	[tilespmem:v18+s18+$0x0] =	vst.idx.msk $0xffff, v17  }
0x86: {  	s30 =	simm.s32 $0xE;
	v18 =	vadd.s32 v12, v19;
	v17 =	vld [tilespmem:s26+$0xB0]  }
0x87: {  	v19 =	vmov s30  }
0x88: {  	v19 =	vshrl.u32 v19, $0x3  }
0x89: {  	v19 =	vshll.u32 v19, v1  }
0x8a: {  	v19 =	vbroadcast v19, $0x0  }
0x8b: {  	[tilespmem:v18+s18+$0x0] =	vst.idx.msk $0xffff, v17  }
0x8c: {  	v18 =	vadd.s32 v13, v19;
	v17 =	vld [tilespmem:s26+$0xC0];
	_ =	sdelay $0x4  }
0x8d: {  	[tilespmem:v18+s18+$0x0] =	vst.idx.msk $0xffff, v17  }
0x8e: {  	s31 =	simm.s32 $0xF;
	v18 =	vadd.s32 v14, v19;
	v17 =	vld [tilespmem:s26+$0xD0]  }
0x8f: {  	v19 =	vmov s31  }
0x90: {  	v19 =	vshrl.u32 v19, $0x3  }
0x91: {  	v19 =	vshll.u32 v19, v1  }
0x92: {  	v19 =	vbroadcast v19, $0x0  }
0x93: {  	[tilespmem:v18+s18+$0x0] =	vst.idx.msk $0xffff, v17  }
0x94: {  	v18 =	vadd.s32 v15, v19;
	v17 =	vld [tilespmem:s26+$0xE0];
	_ =	sdelay $0x4  }
0x95: {  	[tilespmem:v18+s18+$0x0] =	vst.idx.msk $0xffff, v17  }
0x96: {  	s28 =	simm.s32 $0x1F;
	s29 =	simm.s32 $0x2F;
	s1 =	simm.s32 $0x10;
	v18 =	vadd.s32 v16, v19;
	v17 =	vld [tilespmem:s26+$0xF0]  }
.LBB2_2:
0x97: {  	p0 =	sne.s32 s29, $0x1FF;
	v19 =	vmov s1  }
0x98: {  	v19 =	vshrl.u32 v19, $0x3  }
0x99: {  	v19 =	vshll.u32 v19, v1  }
0x9a: {  	v19 =	vbroadcast v19, $0x0  }
0x9b: {  	s26 =	sadd.s32 $0x200, s26;
	[tilespmem:v18+s18+$0x0] =	vst.idx.msk $0xffff, v17  }
0x9c: {  	v17 =	vld [tilespmem:s26+$0xFFFFFF00];
	v18 =	vadd.s32 v0, v19;
	_ =	sdelay $0x4  }
0x9d: {  	[tilespmem:v18+s18+$0x0] =	vst.idx.msk $0xffff, v17  }
0x9e: {  	s0 =	sadd.s32 $0xFFFFFFF2, s28;
	v18 =	vadd.s32 v2, v19;
	v17 =	vld [tilespmem:s26+$0xFFFFFF10]  }
0x9f: {  	v19 =	vmov s0  }
0xa0: {  	v19 =	vshrl.u32 v19, $0x3  }
0xa1: {  	v19 =	vshll.u32 v19, v1  }
0xa2: {  	v19 =	vbroadcast v19, $0x0  }
0xa3: {  	[tilespmem:v18+s18+$0x0] =	vst.idx.msk $0xffff, v17  }
0xa4: {  	v18 =	vadd.s32 v3, v19;
	v17 =	vld [tilespmem:s26+$0xFFFFFF20];
	_ =	sdelay $0x4  }
0xa5: {  	[tilespmem:v18+s18+$0x0] =	vst.idx.msk $0xffff, v17  }
0xa6: {  	s0 =	sadd.s32 $0xFFFFFFF3, s28;
	v18 =	vadd.s32 v4, v19;
	v17 =	vld [tilespmem:s26+$0xFFFFFF30]  }
0xa7: {  	v19 =	vmov s0  }
0xa8: {  	v19 =	vshrl.u32 v19, $0x3  }
0xa9: {  	v19 =	vshll.u32 v19, v1  }
0xaa: {  	v19 =	vbroadcast v19, $0x0  }
0xab: {  	[tilespmem:v18+s18+$0x0] =	vst.idx.msk $0xffff, v17  }
0xac: {  	v18 =	vadd.s32 v5, v19;
	v17 =	vld [tilespmem:s26+$0xFFFFFF40];
	_ =	sdelay $0x4  }
0xad: {  	[tilespmem:v18+s18+$0x0] =	vst.idx.msk $0xffff, v17  }
0xae: {  	s0 =	sadd.s32 $0xFFFFFFF4, s28;
	v18 =	vadd.s32 v6, v19;
	v17 =	vld [tilespmem:s26+$0xFFFFFF50]  }
0xaf: {  	v19 =	vmov s0  }
0xb0: {  	v19 =	vshrl.u32 v19, $0x3  }
0xb1: {  	v19 =	vshll.u32 v19, v1  }
0xb2: {  	v19 =	vbroadcast v19, $0x0  }
0xb3: {  	[tilespmem:v18+s18+$0x0] =	vst.idx.msk $0xffff, v17  }
0xb4: {  	v18 =	vadd.s32 v7, v19;
	v17 =	vld [tilespmem:s26+$0xFFFFFF60];
	_ =	sdelay $0x4  }
0xb5: {  	[tilespmem:v18+s18+$0x0] =	vst.idx.msk $0xffff, v17  }
0xb6: {  	s0 =	sadd.s32 $0xFFFFFFF5, s28;
	v18 =	vadd.s32 v8, v19;
	v17 =	vld [tilespmem:s26+$0xFFFFFF70]  }
0xb7: {  	v19 =	vmov s0  }
0xb8: {  	v19 =	vshrl.u32 v19, $0x3  }
0xb9: {  	v19 =	vshll.u32 v19, v1  }
0xba: {  	v19 =	vbroadcast v19, $0x0  }
0xbb: {  	[tilespmem:v18+s18+$0x0] =	vst.idx.msk $0xffff, v17  }
0xbc: {  	v18 =	vadd.s32 v9, v19;
	v17 =	vld [tilespmem:s26+$0xFFFFFF80];
	_ =	sdelay $0x4  }
0xbd: {  	[tilespmem:v18+s18+$0x0] =	vst.idx.msk $0xffff, v17  }
0xbe: {  	s0 =	sadd.s32 $0xFFFFFFF6, s28;
	v18 =	vadd.s32 v10, v19;
	v17 =	vld [tilespmem:s26+$0xFFFFFF90]  }
0xbf: {  	v19 =	vmov s0  }
0xc0: {  	v19 =	vshrl.u32 v19, $0x3  }
0xc1: {  	v19 =	vshll.u32 v19, v1  }
0xc2: {  	v19 =	vbroadcast v19, $0x0  }
0xc3: {  	[tilespmem:v18+s18+$0x0] =	vst.idx.msk $0xffff, v17  }
0xc4: {  	v18 =	vadd.s32 v11, v19;
	v17 =	vld [tilespmem:s26+$0xFFFFFFA0];
	_ =	sdelay $0x4  }
0xc5: {  	[tilespmem:v18+s18+$0x0] =	vst.idx.msk $0xffff, v17  }
0xc6: {  	s0 =	sadd.s32 $0xFFFFFFF7, s28;
	v18 =	vadd.s32 v12, v19;
	v17 =	vld [tilespmem:s26+$0xFFFFFFB0]  }
0xc7: {  	v19 =	vmov s0  }
0xc8: {  	v19 =	vshrl.u32 v19, $0x3  }
0xc9: {  	v19 =	vshll.u32 v19, v1  }
0xca: {  	v19 =	vbroadcast v19, $0x0  }
0xcb: {  	[tilespmem:v18+s18+$0x0] =	vst.idx.msk $0xffff, v17  }
0xcc: {  	v18 =	vadd.s32 v13, v19;
	v17 =	vld [tilespmem:s26+$0xFFFFFFC0];
	_ =	sdelay $0x4  }
0xcd: {  	[tilespmem:v18+s18+$0x0] =	vst.idx.msk $0xffff, v17  }
0xce: {  	s0 =	sadd.s32 $0xFFFFFFF8, s28;
	v18 =	vadd.s32 v14, v19;
	v17 =	vld [tilespmem:s26+$0xFFFFFFD0]  }
0xcf: {  	v19 =	vmov s0  }
0xd0: {  	v19 =	vshrl.u32 v19, $0x3  }
0xd1: {  	v19 =	vshll.u32 v19, v1  }
0xd2: {  	v19 =	vbroadcast v19, $0x0  }
0xd3: {  	[tilespmem:v18+s18+$0x0] =	vst.idx.msk $0xffff, v17  }
0xd4: {  	v18 =	vadd.s32 v15, v19;
	v17 =	vld [tilespmem:s26+$0xFFFFFFE0];
	_ =	sdelay $0x4  }
0xd5: {  	[tilespmem:v18+s18+$0x0] =	vst.idx.msk $0xffff, v17  }
0xd6: {  	s0 =	sadd.s32 $0xFFFFFFF9, s28;
	v18 =	vadd.s32 v16, v19;
	v17 =	vld [tilespmem:s26+$0xFFFFFFF0]  }
0xd7: {  	v19 =	vmov s0  }
0xd8: {  	v19 =	vshrl.u32 v19, $0x3  }
0xd9: {  	v19 =	vshll.u32 v19, v1  }
0xda: {  	v19 =	vbroadcast v19, $0x0  }
0xdb: {  	[tilespmem:v18+s18+$0x0] =	vst.idx.msk $0xffff, v17  }
0xdc: {  	v18 =	vadd.s32 v0, v19;
	v17 =	vld [tilespmem:s26+$0x0];
	_ =	sdelay $0x4  }
0xdd: {  	[tilespmem:v18+s18+$0x0] =	vst.idx.msk $0xffff, v17  }
0xde: {  	s0 =	sadd.s32 $0xFFFFFFFA, s28;
	v18 =	vadd.s32 v2, v19;
	v17 =	vld [tilespmem:s26+$0x10]  }
0xdf: {  	v19 =	vmov s0  }
0xe0: {  	v19 =	vshrl.u32 v19, $0x3  }
0xe1: {  	v19 =	vshll.u32 v19, v1  }
0xe2: {  	v19 =	vbroadcast v19, $0x0  }
0xe3: {  	[tilespmem:v18+s18+$0x0] =	vst.idx.msk $0xffff, v17  }
0xe4: {  	v18 =	vadd.s32 v3, v19;
	v17 =	vld [tilespmem:s26+$0x20];
	_ =	sdelay $0x4  }
0xe5: {  	[tilespmem:v18+s18+$0x0] =	vst.idx.msk $0xffff, v17  }
0xe6: {  	s0 =	sadd.s32 $0xFFFFFFFB, s28;
	v18 =	vadd.s32 v4, v19;
	v17 =	vld [tilespmem:s26+$0x30]  }
0xe7: {  	v19 =	vmov s0  }
0xe8: {  	v19 =	vshrl.u32 v19, $0x3  }
0xe9: {  	v19 =	vshll.u32 v19, v1  }
0xea: {  	v19 =	vbroadcast v19, $0x0  }
0xeb: {  	[tilespmem:v18+s18+$0x0] =	vst.idx.msk $0xffff, v17  }
0xec: {  	v18 =	vadd.s32 v5, v19;
	v17 =	vld [tilespmem:s26+$0x40];
	_ =	sdelay $0x4  }
0xed: {  	[tilespmem:v18+s18+$0x0] =	vst.idx.msk $0xffff, v17  }
0xee: {  	s0 =	sadd.s32 $0xFFFFFFFC, s28;
	v18 =	vadd.s32 v6, v19;
	v17 =	vld [tilespmem:s26+$0x50]  }
0xef: {  	v19 =	vmov s0  }
0xf0: {  	v19 =	vshrl.u32 v19, $0x3  }
0xf1: {  	v19 =	vshll.u32 v19, v1  }
0xf2: {  	v19 =	vbroadcast v19, $0x0  }
0xf3: {  	[tilespmem:v18+s18+$0x0] =	vst.idx.msk $0xffff, v17  }
0xf4: {  	v18 =	vadd.s32 v7, v19;
	v17 =	vld [tilespmem:s26+$0x60];
	_ =	sdelay $0x4  }
0xf5: {  	[tilespmem:v18+s18+$0x0] =	vst.idx.msk $0xffff, v17  }
0xf6: {  	s0 =	sadd.s32 $0xFFFFFFFD, s28;
	v18 =	vadd.s32 v8, v19;
	v17 =	vld [tilespmem:s26+$0x70]  }
0xf7: {  	v19 =	vmov s0  }
0xf8: {  	v19 =	vshrl.u32 v19, $0x3  }
0xf9: {  	v19 =	vshll.u32 v19, v1  }
0xfa: {  	v19 =	vbroadcast v19, $0x0  }
0xfb: {  	[tilespmem:v18+s18+$0x0] =	vst.idx.msk $0xffff, v17  }
0xfc: {  	v18 =	vadd.s32 v9, v19;
	v17 =	vld [tilespmem:s26+$0x80];
	_ =	sdelay $0x4  }
0xfd: {  	[tilespmem:v18+s18+$0x0] =	vst.idx.msk $0xffff, v17  }
0xfe: {  	s0 =	sadd.s32 $0xFFFFFFFE, s28;
	v18 =	vadd.s32 v10, v19;
	v17 =	vld [tilespmem:s26+$0x90]  }
0xff: {  	v19 =	vmov s0  }
0x100: {  	v19 =	vshrl.u32 v19, $0x3  }
0x101: {  	v19 =	vshll.u32 v19, v1  }
0x102: {  	v19 =	vbroadcast v19, $0x0  }
0x103: {  	[tilespmem:v18+s18+$0x0] =	vst.idx.msk $0xffff, v17  }
0x104: {  	v18 =	vadd.s32 v11, v19;
	v17 =	vld [tilespmem:s26+$0xA0];
	_ =	sdelay $0x4  }
0x105: {  	[tilespmem:v18+s18+$0x0] =	vst.idx.msk $0xffff, v17  }
0x106: {  	s0 =	sadd.s32 $0xFFFFFFFF, s28;
	v18 =	vadd.s32 v12, v19;
	v17 =	vld [tilespmem:s26+$0xB0]  }
0x107: {  	v19 =	vmov s0  }
0x108: {  	v19 =	vshrl.u32 v19, $0x3  }
0x109: {  	v19 =	vshll.u32 v19, v1  }
0x10a: {  	v19 =	vbroadcast v19, $0x0  }
0x10b: {  	[tilespmem:v18+s18+$0x0] =	vst.idx.msk $0xffff, v17  }
0x10c: {  	v18 =	vadd.s32 v13, v19;
	v17 =	vld [tilespmem:s26+$0xC0];
	_ =	sdelay $0x4  }
0x10d: {  	[tilespmem:v18+s18+$0x0] =	vst.idx.msk $0xffff, v17  }
0x10e: {  	v18 =	vadd.s32 v14, v19;
	v17 =	vld [tilespmem:s26+$0xD0]  }
0x10f: {  	v19 =	vmov s28;
	s28 =	smov.u32 s29  }
0x110: {  	v19 =	vshrl.u32 v19, $0x3  }
0x111: {  	v19 =	vshll.u32 v19, v1  }
0x112: {  	v19 =	vbroadcast v19, $0x0  }
0x113: {  	[tilespmem:v18+s18+$0x0] =	vst.idx.msk $0xffff, v17  }
0x114: {  	v18 =	vadd.s32 v15, v19;
	v17 =	vld [tilespmem:s26+$0xE0];
	_ =	sdelay $0x1  }
.Ltmp0:
0x115: {  	(pc) =	sbr.rel @p0 .LBB2_2-.Ltmp0, $3  }
0x116: {  	_ =	sdelay $0x1  }
0x117: {  	[tilespmem:v18+s18+$0x0] =	vst.idx.msk $0xffff, v17  }
0x118: {  	s29 =	sadd.s32 $0x10, s29;
	s1 =	sadd.s32 $0xFFFFFFF1, s28;
	v18 =	vadd.s32 v16, v19;
	v17 =	vld [tilespmem:s26+$0xF0]  }
0x119: {  	v19 =	vmov s1  }
0x11a: {  	v19 =	vshrl.u32 v19, $0x3  }
0x11b: {  	v19 =	vshll.u32 v19, v1  }
0x11c: {  	v19 =	vbroadcast v19, $0x0  }
0x11d: {  	s1 =	sadd.s32 $0x200, s26;
	[tilespmem:v18+s18+$0x0] =	vst.idx.msk $0xffff, v17  }
0x11e: {  	v17 =	vld [tilespmem:s1+$0xFFFFFF00];
	v18 =	vadd.s32 v0, v19;
	_ =	sdelay $0x4  }
0x11f: {  	[tilespmem:v18+s18+$0x0] =	vst.idx.msk $0xffff, v17  }
0x120: {  	s0 =	sadd.s32 $0xFFFFFFF2, s28;
	v18 =	vadd.s32 v2, v19;
	v17 =	vld [tilespmem:s1+$0xFFFFFF10]  }
0x121: {  	v19 =	vmov s0  }
0x122: {  	v19 =	vshrl.u32 v19, $0x3  }
0x123: {  	v19 =	vshll.u32 v19, v1  }
0x124: {  	v19 =	vbroadcast v19, $0x0  }
0x125: {  	[tilespmem:v18+s18+$0x0] =	vst.idx.msk $0xffff, v17  }
0x126: {  	v18 =	vadd.s32 v3, v19;
	v17 =	vld [tilespmem:s1+$0xFFFFFF20];
	_ =	sdelay $0x4  }
0x127: {  	[tilespmem:v18+s18+$0x0] =	vst.idx.msk $0xffff, v17  }
0x128: {  	s31 =	sadd.s32 $0xFFFFFFF3, s28;
	v18 =	vadd.s32 v4, v19;
	v17 =	vld [tilespmem:s1+$0xFFFFFF30]  }
0x129: {  	v19 =	vmov s31  }
0x12a: {  	v19 =	vshrl.u32 v19, $0x3  }
0x12b: {  	v19 =	vshll.u32 v19, v1  }
0x12c: {  	v19 =	vbroadcast v19, $0x0  }
0x12d: {  	[tilespmem:v18+s18+$0x0] =	vst.idx.msk $0xffff, v17  }
0x12e: {  	v18 =	vadd.s32 v5, v19;
	v17 =	vld [tilespmem:s1+$0xFFFFFF40];
	_ =	sdelay $0x4  }
0x12f: {  	[tilespmem:v18+s18+$0x0] =	vst.idx.msk $0xffff, v17  }
0x130: {  	s26 =	sadd.s32 $0xFFFFFFF4, s28;
	v18 =	vadd.s32 v6, v19;
	v17 =	vld [tilespmem:s1+$0xFFFFFF50]  }
0x131: {  	v19 =	vmov s26  }
0x132: {  	v19 =	vshrl.u32 v19, $0x3  }
0x133: {  	v19 =	vshll.u32 v19, v1  }
0x134: {  	v19 =	vbroadcast v19, $0x0  }
0x135: {  	[tilespmem:v18+s18+$0x0] =	vst.idx.msk $0xffff, v17  }
0x136: {  	v18 =	vadd.s32 v7, v19;
	v17 =	vld [tilespmem:s1+$0xFFFFFF60];
	_ =	sdelay $0x4  }
0x137: {  	[tilespmem:v18+s18+$0x0] =	vst.idx.msk $0xffff, v17  }
0x138: {  	s29 =	sadd.s32 $0xFFFFFFF5, s28;
	v18 =	vadd.s32 v8, v19;
	v17 =	vld [tilespmem:s1+$0xFFFFFF70]  }
0x139: {  	v19 =	vmov s29  }
0x13a: {  	v19 =	vshrl.u32 v19, $0x3  }
0x13b: {  	v19 =	vshll.u32 v19, v1  }
0x13c: {  	v19 =	vbroadcast v19, $0x0  }
0x13d: {  	[tilespmem:v18+s18+$0x0] =	vst.idx.msk $0xffff, v17  }
0x13e: {  	v18 =	vadd.s32 v9, v19;
	v17 =	vld [tilespmem:s1+$0xFFFFFF80];
	_ =	sdelay $0x4  }
0x13f: {  	[tilespmem:v18+s18+$0x0] =	vst.idx.msk $0xffff, v17  }
0x140: {  	s30 =	sadd.s32 $0xFFFFFFF6, s28;
	v18 =	vadd.s32 v10, v19;
	v17 =	vld [tilespmem:s1+$0xFFFFFF90]  }
0x141: {  	v19 =	vmov s30  }
0x142: {  	v19 =	vshrl.u32 v19, $0x3  }
0x143: {  	v19 =	vshll.u32 v19, v1  }
0x144: {  	v19 =	vbroadcast v19, $0x0  }
0x145: {  	[tilespmem:v18+s18+$0x0] =	vst.idx.msk $0xffff, v17  }
0x146: {  	v18 =	vadd.s32 v11, v19;
	v17 =	vld [tilespmem:s1+$0xFFFFFFA0];
	_ =	sdelay $0x4  }
0x147: {  	[tilespmem:v18+s18+$0x0] =	vst.idx.msk $0xffff, v17  }
0x148: {  	s31 =	sadd.s32 $0xFFFFFFF7, s28;
	v18 =	vadd.s32 v12, v19;
	v17 =	vld [tilespmem:s1+$0xFFFFFFB0]  }
0x149: {  	v19 =	vmov s31  }
0x14a: {  	v19 =	vshrl.u32 v19, $0x3  }
0x14b: {  	v19 =	vshll.u32 v19, v1  }
0x14c: {  	v19 =	vbroadcast v19, $0x0  }
0x14d: {  	[tilespmem:v18+s18+$0x0] =	vst.idx.msk $0xffff, v17  }
0x14e: {  	v18 =	vadd.s32 v13, v19;
	v17 =	vld [tilespmem:s1+$0xFFFFFFC0];
	_ =	sdelay $0x4  }
0x14f: {  	[tilespmem:v18+s18+$0x0] =	vst.idx.msk $0xffff, v17  }
0x150: {  	s26 =	sadd.s32 $0xFFFFFFF8, s28;
	v18 =	vadd.s32 v14, v19;
	v17 =	vld [tilespmem:s1+$0xFFFFFFD0]  }
0x151: {  	v19 =	vmov s26  }
0x152: {  	v19 =	vshrl.u32 v19, $0x3  }
0x153: {  	v19 =	vshll.u32 v19, v1  }
0x154: {  	v19 =	vbroadcast v19, $0x0  }
0x155: {  	[tilespmem:v18+s18+$0x0] =	vst.idx.msk $0xffff, v17  }
0x156: {  	v18 =	vadd.s32 v15, v19;
	v17 =	vld [tilespmem:s1+$0xFFFFFFE0];
	_ =	sdelay $0x4  }
0x157: {  	[tilespmem:v18+s18+$0x0] =	vst.idx.msk $0xffff, v17  }
0x158: {  	s29 =	sadd.s32 $0xFFFFFFF9, s28;
	v18 =	vadd.s32 v16, v19;
	v17 =	vld [tilespmem:s1+$0xFFFFFFF0]  }
0x159: {  	v19 =	vmov s29  }
0x15a: {  	v19 =	vshrl.u32 v19, $0x3  }
0x15b: {  	v19 =	vshll.u32 v19, v1  }
0x15c: {  	v19 =	vbroadcast v19, $0x0  }
0x15d: {  	[tilespmem:v18+s18+$0x0] =	vst.idx.msk $0xffff, v17  }
0x15e: {  	v18 =	vadd.s32 v0, v19;
	v17 =	vld [tilespmem:s1+$0x0];
	_ =	sdelay $0x4  }
0x15f: {  	[tilespmem:v18+s18+$0x0] =	vst.idx.msk $0xffff, v17  }
0x160: {  	s30 =	sadd.s32 $0xFFFFFFFA, s28;
	v18 =	vadd.s32 v2, v19;
	v17 =	vld [tilespmem:s1+$0x10]  }
0x161: {  	v19 =	vmov s30  }
0x162: {  	v19 =	vshrl.u32 v19, $0x3  }
0x163: {  	v19 =	vshll.u32 v19, v1  }
0x164: {  	v19 =	vbroadcast v19, $0x0  }
0x165: {  	[tilespmem:v18+s18+$0x0] =	vst.idx.msk $0xffff, v17  }
0x166: {  	v18 =	vadd.s32 v3, v19;
	v17 =	vld [tilespmem:s1+$0x20];
	_ =	sdelay $0x4  }
0x167: {  	[tilespmem:v18+s18+$0x0] =	vst.idx.msk $0xffff, v17  }
0x168: {  	s31 =	sadd.s32 $0xFFFFFFFB, s28;
	v18 =	vadd.s32 v4, v19;
	v17 =	vld [tilespmem:s1+$0x30]  }
0x169: {  	v19 =	vmov s31  }
0x16a: {  	v19 =	vshrl.u32 v19, $0x3  }
0x16b: {  	v19 =	vshll.u32 v19, v1  }
0x16c: {  	v19 =	vbroadcast v19, $0x0  }
0x16d: {  	[tilespmem:v18+s18+$0x0] =	vst.idx.msk $0xffff, v17  }
0x16e: {  	v18 =	vadd.s32 v5, v19;
	v17 =	vld [tilespmem:s1+$0x40];
	_ =	sdelay $0x4  }
0x16f: {  	[tilespmem:v18+s18+$0x0] =	vst.idx.msk $0xffff, v17  }
0x170: {  	s26 =	sadd.s32 $0xFFFFFFFC, s28;
	v18 =	vadd.s32 v6, v19;
	v17 =	vld [tilespmem:s1+$0x50]  }
0x171: {  	v19 =	vmov s26  }
0x172: {  	v19 =	vshrl.u32 v19, $0x3  }
0x173: {  	v19 =	vshll.u32 v19, v1  }
0x174: {  	v19 =	vbroadcast v19, $0x0  }
0x175: {  	[tilespmem:v18+s18+$0x0] =	vst.idx.msk $0xffff, v17  }
0x176: {  	v18 =	vadd.s32 v7, v19;
	v17 =	vld [tilespmem:s1+$0x60];
	_ =	sdelay $0x4  }
0x177: {  	[tilespmem:v18+s18+$0x0] =	vst.idx.msk $0xffff, v17  }
0x178: {  	s29 =	sadd.s32 $0xFFFFFFFD, s28;
	v18 =	vadd.s32 v8, v19;
	v17 =	vld [tilespmem:s1+$0x70]  }
0x179: {  	v19 =	vmov s29  }
0x17a: {  	v19 =	vshrl.u32 v19, $0x3  }
0x17b: {  	v19 =	vshll.u32 v19, v1  }
0x17c: {  	v19 =	vbroadcast v19, $0x0  }
0x17d: {  	[tilespmem:v18+s18+$0x0] =	vst.idx.msk $0xffff, v17  }
0x17e: {  	v18 =	vadd.s32 v9, v19;
	v17 =	vld [tilespmem:s1+$0x80];
	_ =	sdelay $0x4  }
0x17f: {  	[tilespmem:v18+s18+$0x0] =	vst.idx.msk $0xffff, v17  }
0x180: {  	s30 =	sadd.s32 $0xFFFFFFFE, s28;
	v18 =	vadd.s32 v10, v19;
	v17 =	vld [tilespmem:s1+$0x90]  }
0x181: {  	v19 =	vmov s30  }
0x182: {  	v19 =	vshrl.u32 v19, $0x3  }
0x183: {  	v19 =	vshll.u32 v19, v1  }
0x184: {  	v19 =	vbroadcast v19, $0x0  }
0x185: {  	[tilespmem:v18+s18+$0x0] =	vst.idx.msk $0xffff, v17  }
0x186: {  	v18 =	vadd.s32 v11, v19;
	v17 =	vld [tilespmem:s1+$0xA0];
	_ =	sdelay $0x4  }
0x187: {  	[tilespmem:v18+s18+$0x0] =	vst.idx.msk $0xffff, v17  }
0x188: {  	s31 =	sadd.s32 $0xFFFFFFFF, s28;
	v18 =	vadd.s32 v12, v19;
	v17 =	vld [tilespmem:s1+$0xB0]  }
0x189: {  	v19 =	vmov s31  }
0x18a: {  	v19 =	vshrl.u32 v19, $0x3  }
0x18b: {  	v19 =	vshll.u32 v19, v1  }
0x18c: {  	v19 =	vbroadcast v19, $0x0  }
0x18d: {  	[tilespmem:v18+s18+$0x0] =	vst.idx.msk $0xffff, v17  }
0x18e: {  	v18 =	vadd.s32 v13, v19;
	v17 =	vld [tilespmem:s1+$0xC0];
	_ =	sdelay $0x4  }
0x18f: {  	[tilespmem:v18+s18+$0x0] =	vst.idx.msk $0xffff, v17  }
0x190: {  	v18 =	vadd.s32 v14, v19;
	v17 =	vld [tilespmem:s1+$0xD0]  }
0x191: {  	v19 =	vmov s28  }
0x192: {  	v19 =	vshrl.u32 v19, $0x3  }
0x193: {  	v19 =	vshll.u32 v19, v1  }
0x194: {  	v19 =	vbroadcast v19, $0x0  }
0x195: {  	[tilespmem:v18+s18+$0x0] =	vst.idx.msk $0xffff, v17  }
0x196: {  	v18 =	vadd.s32 v15, v19;
	v17 =	vld [tilespmem:s1+$0xE0];
	_ =	sdelay $0x4  }
0x197: {  	[tilespmem:v18+s18+$0x0] =	vst.idx.msk $0xffff, v17  }
0x198: {  	v18 =	vadd.s32 v16, v19;
	v17 =	vld [tilespmem:s1+$0xF0];
	_ =	sdelay $0x3  }
0x199: {  	s0 =	sadd.s32 $0x0, s6  }
0x19a: {  	s26 =	simm.s32 $0x200;
	s28 =	simm.s32 $0xE608;
	s1 =	simm.s32 $0xE400;
	[tilespmem:v18+s18+$0x0] =	vst.idx.msk $0xffff, v17  }
.LBB2_4:
0x19b: {  	[hbm4b:s0+s2] =	stream.linear.scatter [tilespmem:s1], [sflag:$0x3], $0x200, $0x38;
	[tilespmem:$0x16600] =	vst v63  }
0x19c: {  	s0 =	smov.u32 s26;
	s1 =	smov.u32 s28;
	p0 =	sne.s32 s26, $0x3E00  }
.Ltmp1:
0x19d: {  	s26 =	sadd.s32 $0x200, s26;
	(pc) =	sbr.rel @p0 .LBB2_4-.Ltmp1, $2  }
0x19e: {  	_ =	sdelay $0x2  }
0x19f: {  	s28 =	sadd.s32 $0x208, s28;
	s0 =	sadd.s32 s0, s6  }
0x1a0: {  	s31 =	simm.s32 $0x0  }
0x1a1: {  	[hbm4b:s0+s2] =	stream.linear.scatter [tilespmem:s1], [sflag:$0x3], $0x200, $0x38;
	v17 =	vmov s31;
	[tilespmem:$0x16600] =	vst v63  }
0x1a2: {  	_ =	swait.ge [sflag:s19], $0x4000;
	v17 =	vshrl.u32 v17, $0x3  }
0x1a3: {  	[sflag:s19] =	ssyncset.done $0x0;
	v17 =	vshll.u32 v17, v1  }
0x1a4: {  	s26 =	simm.s32 $0xA500;
	[sflag:s19] =	ssyncadd.s32 $0xFFFFC000;
	v17 =	vbroadcast v17, $0x0  }
0x1a5: {  	[tilespmem:s15], [sflag:$0x1] =	stream.indirect.gather [hbm4b:s5+s14], $0x20, s20, s14, $0xb8;
	[tilespmem:$0x16600] =	vst v63  }
0x1a6: {  	v18 =	vld [tilespmem:s26+$0xFFFFFF00];
	v19 =	vadd.s32 v0, v17;
	_ =	sdelay $0x4  }
0x1a7: {  	[tilespmem:v19+s21+$0x0] =	vst.idx.msk $0xffff, v18  }
0x1a8: {  	s1 =	simm.s32 $0x1;
	v17 =	vadd.s32 v2, v17;
	v18 =	vld [tilespmem:s26+$0xFFFFFF10]  }
0x1a9: {  	v19 =	vmov s1  }
0x1aa: {  	v19 =	vshrl.u32 v19, $0x3  }
0x1ab: {  	v19 =	vshll.u32 v19, v1  }
0x1ac: {  	v19 =	vbroadcast v19, $0x0  }
0x1ad: {  	[tilespmem:v17+s21+$0x0] =	vst.idx.msk $0xffff, v18  }
0x1ae: {  	v18 =	vadd.s32 v3, v19;
	v17 =	vld [tilespmem:s26+$0xFFFFFF20];
	_ =	sdelay $0x4  }
0x1af: {  	[tilespmem:v18+s21+$0x0] =	vst.idx.msk $0xffff, v17  }
0x1b0: {  	s30 =	simm.s32 $0x2;
	v18 =	vadd.s32 v4, v19;
	v17 =	vld [tilespmem:s26+$0xFFFFFF30]  }
0x1b1: {  	v19 =	vmov s30  }
0x1b2: {  	v19 =	vshrl.u32 v19, $0x3  }
0x1b3: {  	v19 =	vshll.u32 v19, v1  }
0x1b4: {  	v19 =	vbroadcast v19, $0x0  }
0x1b5: {  	[tilespmem:v18+s21+$0x0] =	vst.idx.msk $0xffff, v17  }
0x1b6: {  	v18 =	vadd.s32 v5, v19;
	v17 =	vld [tilespmem:s26+$0xFFFFFF40];
	_ =	sdelay $0x4  }
0x1b7: {  	[tilespmem:v18+s21+$0x0] =	vst.idx.msk $0xffff, v17  }
0x1b8: {  	s31 =	simm.s32 $0x3;
	v18 =	vadd.s32 v6, v19;
	v17 =	vld [tilespmem:s26+$0xFFFFFF50]  }
0x1b9: {  	v19 =	vmov s31  }
0x1ba: {  	v19 =	vshrl.u32 v19, $0x3  }
0x1bb: {  	v19 =	vshll.u32 v19, v1  }
0x1bc: {  	v19 =	vbroadcast v19, $0x0  }
0x1bd: {  	[tilespmem:v18+s21+$0x0] =	vst.idx.msk $0xffff, v17  }
0x1be: {  	v18 =	vadd.s32 v7, v19;
	v17 =	vld [tilespmem:s26+$0xFFFFFF60];
	_ =	sdelay $0x4  }
0x1bf: {  	[tilespmem:v18+s21+$0x0] =	vst.idx.msk $0xffff, v17  }
0x1c0: {  	s1 =	simm.s32 $0x4;
	v18 =	vadd.s32 v8, v19;
	v17 =	vld [tilespmem:s26+$0xFFFFFF70]  }
0x1c1: {  	v19 =	vmov s1  }
0x1c2: {  	v19 =	vshrl.u32 v19, $0x3  }
0x1c3: {  	v19 =	vshll.u32 v19, v1  }
0x1c4: {  	v19 =	vbroadcast v19, $0x0  }
0x1c5: {  	[tilespmem:v18+s21+$0x0] =	vst.idx.msk $0xffff, v17  }
0x1c6: {  	v18 =	vadd.s32 v9, v19;
	v17 =	vld [tilespmem:s26+$0xFFFFFF80];
	_ =	sdelay $0x4  }
0x1c7: {  	[tilespmem:v18+s21+$0x0] =	vst.idx.msk $0xffff, v17  }
0x1c8: {  	s30 =	simm.s32 $0x5;
	v18 =	vadd.s32 v10, v19;
	v17 =	vld [tilespmem:s26+$0xFFFFFF90]  }
0x1c9: {  	v19 =	vmov s30  }
0x1ca: {  	v19 =	vshrl.u32 v19, $0x3  }
0x1cb: {  	v19 =	vshll.u32 v19, v1  }
0x1cc: {  	v19 =	vbroadcast v19, $0x0  }
0x1cd: {  	[tilespmem:v18+s21+$0x0] =	vst.idx.msk $0xffff, v17  }
0x1ce: {  	v18 =	vadd.s32 v11, v19;
	v17 =	vld [tilespmem:s26+$0xFFFFFFA0];
	_ =	sdelay $0x4  }
0x1cf: {  	[tilespmem:v18+s21+$0x0] =	vst.idx.msk $0xffff, v17  }
0x1d0: {  	s31 =	simm.s32 $0x6;
	v18 =	vadd.s32 v12, v19;
	v17 =	vld [tilespmem:s26+$0xFFFFFFB0]  }
0x1d1: {  	v19 =	vmov s31  }
0x1d2: {  	v19 =	vshrl.u32 v19, $0x3  }
0x1d3: {  	v19 =	vshll.u32 v19, v1  }
0x1d4: {  	v19 =	vbroadcast v19, $0x0  }
0x1d5: {  	[tilespmem:v18+s21+$0x0] =	vst.idx.msk $0xffff, v17  }
0x1d6: {  	v18 =	vadd.s32 v13, v19;
	v17 =	vld [tilespmem:s26+$0xFFFFFFC0];
	_ =	sdelay $0x4  }
0x1d7: {  	[tilespmem:v18+s21+$0x0] =	vst.idx.msk $0xffff, v17  }
0x1d8: {  	s1 =	simm.s32 $0x7;
	v18 =	vadd.s32 v14, v19;
	v17 =	vld [tilespmem:s26+$0xFFFFFFD0]  }
0x1d9: {  	v19 =	vmov s1  }
0x1da: {  	v19 =	vshrl.u32 v19, $0x3  }
0x1db: {  	v19 =	vshll.u32 v19, v1  }
0x1dc: {  	v19 =	vbroadcast v19, $0x0  }
0x1dd: {  	[tilespmem:v18+s21+$0x0] =	vst.idx.msk $0xffff, v17  }
0x1de: {  	v18 =	vadd.s32 v15, v19;
	v17 =	vld [tilespmem:s26+$0xFFFFFFE0];
	_ =	sdelay $0x4  }
0x1df: {  	[tilespmem:v18+s21+$0x0] =	vst.idx.msk $0xffff, v17  }
0x1e0: {  	s30 =	simm.s32 $0x8;
	v18 =	vadd.s32 v16, v19;
	v17 =	vld [tilespmem:s26+$0xFFFFFFF0]  }
0x1e1: {  	v19 =	vmov s30  }
0x1e2: {  	v19 =	vshrl.u32 v19, $0x3  }
0x1e3: {  	v19 =	vshll.u32 v19, v1  }
0x1e4: {  	v19 =	vbroadcast v19, $0x0  }
0x1e5: {  	[tilespmem:v18+s21+$0x0] =	vst.idx.msk $0xffff, v17  }
0x1e6: {  	v18 =	vadd.s32 v0, v19;
	v17 =	vld [tilespmem:s26+$0x0];
	_ =	sdelay $0x4  }
0x1e7: {  	[tilespmem:v18+s21+$0x0] =	vst.idx.msk $0xffff, v17  }
0x1e8: {  	s31 =	simm.s32 $0x9;
	v18 =	vadd.s32 v2, v19;
	v17 =	vld [tilespmem:s26+$0x10]  }
0x1e9: {  	v19 =	vmov s31  }
0x1ea: {  	v19 =	vshrl.u32 v19, $0x3  }
0x1eb: {  	v19 =	vshll.u32 v19, v1  }
0x1ec: {  	v19 =	vbroadcast v19, $0x0  }
0x1ed: {  	[tilespmem:v18+s21+$0x0] =	vst.idx.msk $0xffff, v17  }
0x1ee: {  	v18 =	vadd.s32 v3, v19;
	v17 =	vld [tilespmem:s26+$0x20];
	_ =	sdelay $0x4  }
0x1ef: {  	[tilespmem:v18+s21+$0x0] =	vst.idx.msk $0xffff, v17  }
0x1f0: {  	s1 =	simm.s32 $0xA;
	v18 =	vadd.s32 v4, v19;
	v17 =	vld [tilespmem:s26+$0x30]  }
0x1f1: {  	v19 =	vmov s1  }
0x1f2: {  	v19 =	vshrl.u32 v19, $0x3  }
0x1f3: {  	v19 =	vshll.u32 v19, v1  }
0x1f4: {  	v19 =	vbroadcast v19, $0x0  }
0x1f5: {  	[tilespmem:v18+s21+$0x0] =	vst.idx.msk $0xffff, v17  }
0x1f6: {  	v18 =	vadd.s32 v5, v19;
	v17 =	vld [tilespmem:s26+$0x40];
	_ =	sdelay $0x4  }
0x1f7: {  	[tilespmem:v18+s21+$0x0] =	vst.idx.msk $0xffff, v17  }
0x1f8: {  	s30 =	simm.s32 $0xB;
	v18 =	vadd.s32 v6, v19;
	v17 =	vld [tilespmem:s26+$0x50]  }
0x1f9: {  	v19 =	vmov s30  }
0x1fa: {  	v19 =	vshrl.u32 v19, $0x3  }
0x1fb: {  	v19 =	vshll.u32 v19, v1  }
0x1fc: {  	v19 =	vbroadcast v19, $0x0  }
0x1fd: {  	[tilespmem:v18+s21+$0x0] =	vst.idx.msk $0xffff, v17  }
0x1fe: {  	v18 =	vadd.s32 v7, v19;
	v17 =	vld [tilespmem:s26+$0x60];
	_ =	sdelay $0x4  }
0x1ff: {  	[tilespmem:v18+s21+$0x0] =	vst.idx.msk $0xffff, v17  }
0x200: {  	s31 =	simm.s32 $0xC;
	v18 =	vadd.s32 v8, v19;
	v17 =	vld [tilespmem:s26+$0x70]  }
0x201: {  	v19 =	vmov s31  }
0x202: {  	v19 =	vshrl.u32 v19, $0x3  }
0x203: {  	v19 =	vshll.u32 v19, v1  }
0x204: {  	v19 =	vbroadcast v19, $0x0  }
0x205: {  	[tilespmem:v18+s21+$0x0] =	vst.idx.msk $0xffff, v17  }
0x206: {  	v18 =	vadd.s32 v9, v19;
	v17 =	vld [tilespmem:s26+$0x80];
	_ =	sdelay $0x4  }
0x207: {  	[tilespmem:v18+s21+$0x0] =	vst.idx.msk $0xffff, v17  }
0x208: {  	s1 =	simm.s32 $0xD;
	v18 =	vadd.s32 v10, v19;
	v17 =	vld [tilespmem:s26+$0x90]  }
0x209: {  	v19 =	vmov s1  }
0x20a: {  	v19 =	vshrl.u32 v19, $0x3  }
0x20b: {  	v19 =	vshll.u32 v19, v1  }
0x20c: {  	v19 =	vbroadcast v19, $0x0  }
0x20d: {  	[tilespmem:v18+s21+$0x0] =	vst.idx.msk $0xffff, v17  }
0x20e: {  	v18 =	vadd.s32 v11, v19;
	v17 =	vld [tilespmem:s26+$0xA0];
	_ =	sdelay $0x4  }
0x20f: {  	[tilespmem:v18+s21+$0x0] =	vst.idx.msk $0xffff, v17  }
0x210: {  	s30 =	simm.s32 $0xE;
	v18 =	vadd.s32 v12, v19;
	v17 =	vld [tilespmem:s26+$0xB0]  }
0x211: {  	v19 =	vmov s30  }
0x212: {  	v19 =	vshrl.u32 v19, $0x3  }
0x213: {  	v19 =	vshll.u32 v19, v1  }
0x214: {  	v19 =	vbroadcast v19, $0x0  }
0x215: {  	[tilespmem:v18+s21+$0x0] =	vst.idx.msk $0xffff, v17  }
0x216: {  	v18 =	vadd.s32 v13, v19;
	v17 =	vld [tilespmem:s26+$0xC0];
	_ =	sdelay $0x4  }
0x217: {  	[tilespmem:v18+s21+$0x0] =	vst.idx.msk $0xffff, v17  }
0x218: {  	s31 =	simm.s32 $0xF;
	v18 =	vadd.s32 v14, v19;
	v17 =	vld [tilespmem:s26+$0xD0]  }
0x219: {  	v19 =	vmov s31  }
0x21a: {  	v19 =	vshrl.u32 v19, $0x3  }
0x21b: {  	v19 =	vshll.u32 v19, v1  }
0x21c: {  	v19 =	vbroadcast v19, $0x0  }
0x21d: {  	[tilespmem:v18+s21+$0x0] =	vst.idx.msk $0xffff, v17  }
0x21e: {  	v18 =	vadd.s32 v15, v19;
	v17 =	vld [tilespmem:s26+$0xE0];
	_ =	sdelay $0x4  }
0x21f: {  	[tilespmem:v18+s21+$0x0] =	vst.idx.msk $0xffff, v17  }
0x220: {  	s28 =	simm.s32 $0x1F;
	s29 =	simm.s32 $0x2F;
	s1 =	simm.s32 $0x10;
	v18 =	vadd.s32 v16, v19;
	v17 =	vld [tilespmem:s26+$0xF0]  }
.LBB2_6:
0x221: {  	p0 =	sne.s32 s29, $0x1FF;
	v19 =	vmov s1  }
0x222: {  	v19 =	vshrl.u32 v19, $0x3  }
0x223: {  	v19 =	vshll.u32 v19, v1  }
0x224: {  	v19 =	vbroadcast v19, $0x0  }
0x225: {  	s26 =	sadd.s32 $0x200, s26;
	[tilespmem:v18+s21+$0x0] =	vst.idx.msk $0xffff, v17  }
0x226: {  	v17 =	vld [tilespmem:s26+$0xFFFFFF00];
	v18 =	vadd.s32 v0, v19;
	_ =	sdelay $0x4  }
0x227: {  	[tilespmem:v18+s21+$0x0] =	vst.idx.msk $0xffff, v17  }
0x228: {  	s0 =	sadd.s32 $0xFFFFFFF2, s28;
	v18 =	vadd.s32 v2, v19;
	v17 =	vld [tilespmem:s26+$0xFFFFFF10]  }
0x229: {  	v19 =	vmov s0  }
0x22a: {  	v19 =	vshrl.u32 v19, $0x3  }
0x22b: {  	v19 =	vshll.u32 v19, v1  }
0x22c: {  	v19 =	vbroadcast v19, $0x0  }
0x22d: {  	[tilespmem:v18+s21+$0x0] =	vst.idx.msk $0xffff, v17  }
0x22e: {  	v18 =	vadd.s32 v3, v19;
	v17 =	vld [tilespmem:s26+$0xFFFFFF20];
	_ =	sdelay $0x4  }
0x22f: {  	[tilespmem:v18+s21+$0x0] =	vst.idx.msk $0xffff, v17  }
0x230: {  	s0 =	sadd.s32 $0xFFFFFFF3, s28;
	v18 =	vadd.s32 v4, v19;
	v17 =	vld [tilespmem:s26+$0xFFFFFF30]  }
0x231: {  	v19 =	vmov s0  }
0x232: {  	v19 =	vshrl.u32 v19, $0x3  }
0x233: {  	v19 =	vshll.u32 v19, v1  }
0x234: {  	v19 =	vbroadcast v19, $0x0  }
0x235: {  	[tilespmem:v18+s21+$0x0] =	vst.idx.msk $0xffff, v17  }
0x236: {  	v18 =	vadd.s32 v5, v19;
	v17 =	vld [tilespmem:s26+$0xFFFFFF40];
	_ =	sdelay $0x4  }
0x237: {  	[tilespmem:v18+s21+$0x0] =	vst.idx.msk $0xffff, v17  }
0x238: {  	s0 =	sadd.s32 $0xFFFFFFF4, s28;
	v18 =	vadd.s32 v6, v19;
	v17 =	vld [tilespmem:s26+$0xFFFFFF50]  }
0x239: {  	v19 =	vmov s0  }
0x23a: {  	v19 =	vshrl.u32 v19, $0x3  }
0x23b: {  	v19 =	vshll.u32 v19, v1  }
0x23c: {  	v19 =	vbroadcast v19, $0x0  }
0x23d: {  	[tilespmem:v18+s21+$0x0] =	vst.idx.msk $0xffff, v17  }
0x23e: {  	v18 =	vadd.s32 v7, v19;
	v17 =	vld [tilespmem:s26+$0xFFFFFF60];
	_ =	sdelay $0x4  }
0x23f: {  	[tilespmem:v18+s21+$0x0] =	vst.idx.msk $0xffff, v17  }
0x240: {  	s0 =	sadd.s32 $0xFFFFFFF5, s28;
	v18 =	vadd.s32 v8, v19;
	v17 =	vld [tilespmem:s26+$0xFFFFFF70]  }
0x241: {  	v19 =	vmov s0  }
0x242: {  	v19 =	vshrl.u32 v19, $0x3  }
0x243: {  	v19 =	vshll.u32 v19, v1  }
0x244: {  	v19 =	vbroadcast v19, $0x0  }
0x245: {  	[tilespmem:v18+s21+$0x0] =	vst.idx.msk $0xffff, v17  }
0x246: {  	v18 =	vadd.s32 v9, v19;
	v17 =	vld [tilespmem:s26+$0xFFFFFF80];
	_ =	sdelay $0x4  }
0x247: {  	[tilespmem:v18+s21+$0x0] =	vst.idx.msk $0xffff, v17  }
0x248: {  	s0 =	sadd.s32 $0xFFFFFFF6, s28;
	v18 =	vadd.s32 v10, v19;
	v17 =	vld [tilespmem:s26+$0xFFFFFF90]  }
0x249: {  	v19 =	vmov s0  }
0x24a: {  	v19 =	vshrl.u32 v19, $0x3  }
0x24b: {  	v19 =	vshll.u32 v19, v1  }
0x24c: {  	v19 =	vbroadcast v19, $0x0  }
0x24d: {  	[tilespmem:v18+s21+$0x0] =	vst.idx.msk $0xffff, v17  }
0x24e: {  	v18 =	vadd.s32 v11, v19;
	v17 =	vld [tilespmem:s26+$0xFFFFFFA0];
	_ =	sdelay $0x4  }
0x24f: {  	[tilespmem:v18+s21+$0x0] =	vst.idx.msk $0xffff, v17  }
0x250: {  	s0 =	sadd.s32 $0xFFFFFFF7, s28;
	v18 =	vadd.s32 v12, v19;
	v17 =	vld [tilespmem:s26+$0xFFFFFFB0]  }
0x251: {  	v19 =	vmov s0  }
0x252: {  	v19 =	vshrl.u32 v19, $0x3  }
0x253: {  	v19 =	vshll.u32 v19, v1  }
0x254: {  	v19 =	vbroadcast v19, $0x0  }
0x255: {  	[tilespmem:v18+s21+$0x0] =	vst.idx.msk $0xffff, v17  }
0x256: {  	v18 =	vadd.s32 v13, v19;
	v17 =	vld [tilespmem:s26+$0xFFFFFFC0];
	_ =	sdelay $0x4  }
0x257: {  	[tilespmem:v18+s21+$0x0] =	vst.idx.msk $0xffff, v17  }
0x258: {  	s0 =	sadd.s32 $0xFFFFFFF8, s28;
	v18 =	vadd.s32 v14, v19;
	v17 =	vld [tilespmem:s26+$0xFFFFFFD0]  }
0x259: {  	v19 =	vmov s0  }
0x25a: {  	v19 =	vshrl.u32 v19, $0x3  }
0x25b: {  	v19 =	vshll.u32 v19, v1  }
0x25c: {  	v19 =	vbroadcast v19, $0x0  }
0x25d: {  	[tilespmem:v18+s21+$0x0] =	vst.idx.msk $0xffff, v17  }
0x25e: {  	v18 =	vadd.s32 v15, v19;
	v17 =	vld [tilespmem:s26+$0xFFFFFFE0];
	_ =	sdelay $0x4  }
0x25f: {  	[tilespmem:v18+s21+$0x0] =	vst.idx.msk $0xffff, v17  }
0x260: {  	s0 =	sadd.s32 $0xFFFFFFF9, s28;
	v18 =	vadd.s32 v16, v19;
	v17 =	vld [tilespmem:s26+$0xFFFFFFF0]  }
0x261: {  	v19 =	vmov s0  }
0x262: {  	v19 =	vshrl.u32 v19, $0x3  }
0x263: {  	v19 =	vshll.u32 v19, v1  }
0x264: {  	v19 =	vbroadcast v19, $0x0  }
0x265: {  	[tilespmem:v18+s21+$0x0] =	vst.idx.msk $0xffff, v17  }
0x266: {  	v18 =	vadd.s32 v0, v19;
	v17 =	vld [tilespmem:s26+$0x0];
	_ =	sdelay $0x4  }
0x267: {  	[tilespmem:v18+s21+$0x0] =	vst.idx.msk $0xffff, v17  }
0x268: {  	s0 =	sadd.s32 $0xFFFFFFFA, s28;
	v18 =	vadd.s32 v2, v19;
	v17 =	vld [tilespmem:s26+$0x10]  }
0x269: {  	v19 =	vmov s0  }
0x26a: {  	v19 =	vshrl.u32 v19, $0x3  }
0x26b: {  	v19 =	vshll.u32 v19, v1  }
0x26c: {  	v19 =	vbroadcast v19, $0x0  }
0x26d: {  	[tilespmem:v18+s21+$0x0] =	vst.idx.msk $0xffff, v17  }
0x26e: {  	v18 =	vadd.s32 v3, v19;
	v17 =	vld [tilespmem:s26+$0x20];
	_ =	sdelay $0x4  }
0x26f: {  	[tilespmem:v18+s21+$0x0] =	vst.idx.msk $0xffff, v17  }
0x270: {  	s0 =	sadd.s32 $0xFFFFFFFB, s28;
	v18 =	vadd.s32 v4, v19;
	v17 =	vld [tilespmem:s26+$0x30]  }
0x271: {  	v19 =	vmov s0  }
0x272: {  	v19 =	vshrl.u32 v19, $0x3  }
0x273: {  	v19 =	vshll.u32 v19, v1  }
0x274: {  	v19 =	vbroadcast v19, $0x0  }
0x275: {  	[tilespmem:v18+s21+$0x0] =	vst.idx.msk $0xffff, v17  }
0x276: {  	v18 =	vadd.s32 v5, v19;
	v17 =	vld [tilespmem:s26+$0x40];
	_ =	sdelay $0x4  }
0x277: {  	[tilespmem:v18+s21+$0x0] =	vst.idx.msk $0xffff, v17  }
0x278: {  	s0 =	sadd.s32 $0xFFFFFFFC, s28;
	v18 =	vadd.s32 v6, v19;
	v17 =	vld [tilespmem:s26+$0x50]  }
0x279: {  	v19 =	vmov s0  }
0x27a: {  	v19 =	vshrl.u32 v19, $0x3  }
0x27b: {  	v19 =	vshll.u32 v19, v1  }
0x27c: {  	v19 =	vbroadcast v19, $0x0  }
0x27d: {  	[tilespmem:v18+s21+$0x0] =	vst.idx.msk $0xffff, v17  }
0x27e: {  	v18 =	vadd.s32 v7, v19;
	v17 =	vld [tilespmem:s26+$0x60];
	_ =	sdelay $0x4  }
0x27f: {  	[tilespmem:v18+s21+$0x0] =	vst.idx.msk $0xffff, v17  }
0x280: {  	s0 =	sadd.s32 $0xFFFFFFFD, s28;
	v18 =	vadd.s32 v8, v19;
	v17 =	vld [tilespmem:s26+$0x70]  }
0x281: {  	v19 =	vmov s0  }
0x282: {  	v19 =	vshrl.u32 v19, $0x3  }
0x283: {  	v19 =	vshll.u32 v19, v1  }
0x284: {  	v19 =	vbroadcast v19, $0x0  }
0x285: {  	[tilespmem:v18+s21+$0x0] =	vst.idx.msk $0xffff, v17  }
0x286: {  	v18 =	vadd.s32 v9, v19;
	v17 =	vld [tilespmem:s26+$0x80];
	_ =	sdelay $0x4  }
0x287: {  	[tilespmem:v18+s21+$0x0] =	vst.idx.msk $0xffff, v17  }
0x288: {  	s0 =	sadd.s32 $0xFFFFFFFE, s28;
	v18 =	vadd.s32 v10, v19;
	v17 =	vld [tilespmem:s26+$0x90]  }
0x289: {  	v19 =	vmov s0  }
0x28a: {  	v19 =	vshrl.u32 v19, $0x3  }
0x28b: {  	v19 =	vshll.u32 v19, v1  }
0x28c: {  	v19 =	vbroadcast v19, $0x0  }
0x28d: {  	[tilespmem:v18+s21+$0x0] =	vst.idx.msk $0xffff, v17  }
0x28e: {  	v18 =	vadd.s32 v11, v19;
	v17 =	vld [tilespmem:s26+$0xA0];
	_ =	sdelay $0x4  }
0x28f: {  	[tilespmem:v18+s21+$0x0] =	vst.idx.msk $0xffff, v17  }
0x290: {  	s0 =	sadd.s32 $0xFFFFFFFF, s28;
	v18 =	vadd.s32 v12, v19;
	v17 =	vld [tilespmem:s26+$0xB0]  }
0x291: {  	v19 =	vmov s0  }
0x292: {  	v19 =	vshrl.u32 v19, $0x3  }
0x293: {  	v19 =	vshll.u32 v19, v1  }
0x294: {  	v19 =	vbroadcast v19, $0x0  }
0x295: {  	[tilespmem:v18+s21+$0x0] =	vst.idx.msk $0xffff, v17  }
0x296: {  	v18 =	vadd.s32 v13, v19;
	v17 =	vld [tilespmem:s26+$0xC0];
	_ =	sdelay $0x4  }
0x297: {  	[tilespmem:v18+s21+$0x0] =	vst.idx.msk $0xffff, v17  }
0x298: {  	v18 =	vadd.s32 v14, v19;
	v17 =	vld [tilespmem:s26+$0xD0]  }
0x299: {  	v19 =	vmov s28;
	s28 =	smov.u32 s29  }
0x29a: {  	v19 =	vshrl.u32 v19, $0x3  }
0x29b: {  	v19 =	vshll.u32 v19, v1  }
0x29c: {  	v19 =	vbroadcast v19, $0x0  }
0x29d: {  	[tilespmem:v18+s21+$0x0] =	vst.idx.msk $0xffff, v17  }
0x29e: {  	v18 =	vadd.s32 v15, v19;
	v17 =	vld [tilespmem:s26+$0xE0];
	_ =	sdelay $0x1  }
.Ltmp2:
0x29f: {  	(pc) =	sbr.rel @p0 .LBB2_6-.Ltmp2, $3  }
0x2a0: {  	_ =	sdelay $0x1  }
0x2a1: {  	[tilespmem:v18+s21+$0x0] =	vst.idx.msk $0xffff, v17  }
0x2a2: {  	s29 =	sadd.s32 $0x10, s29;
	s1 =	sadd.s32 $0xFFFFFFF1, s28;
	v18 =	vadd.s32 v16, v19;
	v17 =	vld [tilespmem:s26+$0xF0]  }
0x2a3: {  	v19 =	vmov s1  }
0x2a4: {  	v19 =	vshrl.u32 v19, $0x3  }
0x2a5: {  	v19 =	vshll.u32 v19, v1  }
0x2a6: {  	v19 =	vbroadcast v19, $0x0  }
0x2a7: {  	s1 =	sadd.s32 $0x200, s26;
	[tilespmem:v18+s21+$0x0] =	vst.idx.msk $0xffff, v17  }
0x2a8: {  	v17 =	vld [tilespmem:s1+$0xFFFFFF00];
	v18 =	vadd.s32 v0, v19;
	_ =	sdelay $0x4  }
0x2a9: {  	[tilespmem:v18+s21+$0x0] =	vst.idx.msk $0xffff, v17  }
0x2aa: {  	s0 =	sadd.s32 $0xFFFFFFF2, s28;
	v18 =	vadd.s32 v2, v19;
	v17 =	vld [tilespmem:s1+$0xFFFFFF10]  }
0x2ab: {  	v19 =	vmov s0  }
0x2ac: {  	v19 =	vshrl.u32 v19, $0x3  }
0x2ad: {  	v19 =	vshll.u32 v19, v1  }
0x2ae: {  	v19 =	vbroadcast v19, $0x0  }
0x2af: {  	[tilespmem:v18+s21+$0x0] =	vst.idx.msk $0xffff, v17  }
0x2b0: {  	v18 =	vadd.s32 v3, v19;
	v17 =	vld [tilespmem:s1+$0xFFFFFF20];
	_ =	sdelay $0x4  }
0x2b1: {  	[tilespmem:v18+s21+$0x0] =	vst.idx.msk $0xffff, v17  }
0x2b2: {  	s31 =	sadd.s32 $0xFFFFFFF3, s28;
	v18 =	vadd.s32 v4, v19;
	v17 =	vld [tilespmem:s1+$0xFFFFFF30]  }
0x2b3: {  	v19 =	vmov s31  }
0x2b4: {  	v19 =	vshrl.u32 v19, $0x3  }
0x2b5: {  	v19 =	vshll.u32 v19, v1  }
0x2b6: {  	v19 =	vbroadcast v19, $0x0  }
0x2b7: {  	[tilespmem:v18+s21+$0x0] =	vst.idx.msk $0xffff, v17  }
0x2b8: {  	v18 =	vadd.s32 v5, v19;
	v17 =	vld [tilespmem:s1+$0xFFFFFF40];
	_ =	sdelay $0x4  }
0x2b9: {  	[tilespmem:v18+s21+$0x0] =	vst.idx.msk $0xffff, v17  }
0x2ba: {  	s26 =	sadd.s32 $0xFFFFFFF4, s28;
	v18 =	vadd.s32 v6, v19;
	v17 =	vld [tilespmem:s1+$0xFFFFFF50]  }
0x2bb: {  	v19 =	vmov s26  }
0x2bc: {  	v19 =	vshrl.u32 v19, $0x3  }
0x2bd: {  	v19 =	vshll.u32 v19, v1  }
0x2be: {  	v19 =	vbroadcast v19, $0x0  }
0x2bf: {  	[tilespmem:v18+s21+$0x0] =	vst.idx.msk $0xffff, v17  }
0x2c0: {  	v18 =	vadd.s32 v7, v19;
	v17 =	vld [tilespmem:s1+$0xFFFFFF60];
	_ =	sdelay $0x4  }
0x2c1: {  	[tilespmem:v18+s21+$0x0] =	vst.idx.msk $0xffff, v17  }
0x2c2: {  	s30 =	sadd.s32 $0xFFFFFFF5, s28;
	v18 =	vadd.s32 v8, v19;
	v17 =	vld [tilespmem:s1+$0xFFFFFF70]  }
0x2c3: {  	v19 =	vmov s30  }
0x2c4: {  	v19 =	vshrl.u32 v19, $0x3  }
0x2c5: {  	v19 =	vshll.u32 v19, v1  }
0x2c6: {  	v19 =	vbroadcast v19, $0x0  }
0x2c7: {  	[tilespmem:v18+s21+$0x0] =	vst.idx.msk $0xffff, v17  }
0x2c8: {  	v18 =	vadd.s32 v9, v19;
	v17 =	vld [tilespmem:s1+$0xFFFFFF80];
	_ =	sdelay $0x4  }
0x2c9: {  	[tilespmem:v18+s21+$0x0] =	vst.idx.msk $0xffff, v17  }
0x2ca: {  	s31 =	sadd.s32 $0xFFFFFFF6, s28;
	v18 =	vadd.s32 v10, v19;
	v17 =	vld [tilespmem:s1+$0xFFFFFF90]  }
0x2cb: {  	v19 =	vmov s31  }
0x2cc: {  	v19 =	vshrl.u32 v19, $0x3  }
0x2cd: {  	v19 =	vshll.u32 v19, v1  }
0x2ce: {  	v19 =	vbroadcast v19, $0x0  }
0x2cf: {  	[tilespmem:v18+s21+$0x0] =	vst.idx.msk $0xffff, v17  }
0x2d0: {  	v18 =	vadd.s32 v11, v19;
	v17 =	vld [tilespmem:s1+$0xFFFFFFA0];
	_ =	sdelay $0x4  }
0x2d1: {  	[tilespmem:v18+s21+$0x0] =	vst.idx.msk $0xffff, v17  }
0x2d2: {  	s26 =	sadd.s32 $0xFFFFFFF7, s28;
	v18 =	vadd.s32 v12, v19;
	v17 =	vld [tilespmem:s1+$0xFFFFFFB0]  }
0x2d3: {  	v19 =	vmov s26  }
0x2d4: {  	v19 =	vshrl.u32 v19, $0x3  }
0x2d5: {  	v19 =	vshll.u32 v19, v1  }
0x2d6: {  	v19 =	vbroadcast v19, $0x0  }
0x2d7: {  	[tilespmem:v18+s21+$0x0] =	vst.idx.msk $0xffff, v17  }
0x2d8: {  	v18 =	vadd.s32 v13, v19;
	v17 =	vld [tilespmem:s1+$0xFFFFFFC0];
	_ =	sdelay $0x4  }
0x2d9: {  	[tilespmem:v18+s21+$0x0] =	vst.idx.msk $0xffff, v17  }
0x2da: {  	s30 =	sadd.s32 $0xFFFFFFF8, s28;
	v18 =	vadd.s32 v14, v19;
	v17 =	vld [tilespmem:s1+$0xFFFFFFD0]  }
0x2db: {  	v19 =	vmov s30  }
0x2dc: {  	v19 =	vshrl.u32 v19, $0x3  }
0x2dd: {  	v19 =	vshll.u32 v19, v1  }
0x2de: {  	v19 =	vbroadcast v19, $0x0  }
0x2df: {  	[tilespmem:v18+s21+$0x0] =	vst.idx.msk $0xffff, v17  }
0x2e0: {  	v18 =	vadd.s32 v15, v19;
	v17 =	vld [tilespmem:s1+$0xFFFFFFE0];
	_ =	sdelay $0x4  }
0x2e1: {  	[tilespmem:v18+s21+$0x0] =	vst.idx.msk $0xffff, v17  }
0x2e2: {  	s31 =	sadd.s32 $0xFFFFFFF9, s28;
	v18 =	vadd.s32 v16, v19;
	v17 =	vld [tilespmem:s1+$0xFFFFFFF0]  }
0x2e3: {  	v19 =	vmov s31  }
0x2e4: {  	v19 =	vshrl.u32 v19, $0x3  }
0x2e5: {  	v19 =	vshll.u32 v19, v1  }
0x2e6: {  	v19 =	vbroadcast v19, $0x0  }
0x2e7: {  	[tilespmem:v18+s21+$0x0] =	vst.idx.msk $0xffff, v17  }
0x2e8: {  	v18 =	vadd.s32 v0, v19;
	v17 =	vld [tilespmem:s1+$0x0];
	_ =	sdelay $0x4  }
0x2e9: {  	[tilespmem:v18+s21+$0x0] =	vst.idx.msk $0xffff, v17  }
0x2ea: {  	s26 =	sadd.s32 $0xFFFFFFFA, s28;
	v18 =	vadd.s32 v2, v19;
	v17 =	vld [tilespmem:s1+$0x10]  }
0x2eb: {  	v19 =	vmov s26  }
0x2ec: {  	v19 =	vshrl.u32 v19, $0x3  }
0x2ed: {  	v19 =	vshll.u32 v19, v1  }
0x2ee: {  	v19 =	vbroadcast v19, $0x0  }
0x2ef: {  	[tilespmem:v18+s21+$0x0] =	vst.idx.msk $0xffff, v17  }
0x2f0: {  	v18 =	vadd.s32 v3, v19;
	v17 =	vld [tilespmem:s1+$0x20];
	_ =	sdelay $0x4  }
0x2f1: {  	[tilespmem:v18+s21+$0x0] =	vst.idx.msk $0xffff, v17  }
0x2f2: {  	s30 =	sadd.s32 $0xFFFFFFFB, s28;
	v18 =	vadd.s32 v4, v19;
	v17 =	vld [tilespmem:s1+$0x30]  }
0x2f3: {  	v19 =	vmov s30  }
0x2f4: {  	v19 =	vshrl.u32 v19, $0x3  }
0x2f5: {  	v19 =	vshll.u32 v19, v1  }
0x2f6: {  	v19 =	vbroadcast v19, $0x0  }
0x2f7: {  	[tilespmem:v18+s21+$0x0] =	vst.idx.msk $0xffff, v17  }
0x2f8: {  	v18 =	vadd.s32 v5, v19;
	v17 =	vld [tilespmem:s1+$0x40];
	_ =	sdelay $0x4  }
0x2f9: {  	[tilespmem:v18+s21+$0x0] =	vst.idx.msk $0xffff, v17  }
0x2fa: {  	s31 =	sadd.s32 $0xFFFFFFFC, s28;
	v18 =	vadd.s32 v6, v19;
	v17 =	vld [tilespmem:s1+$0x50]  }
0x2fb: {  	v19 =	vmov s31  }
0x2fc: {  	v19 =	vshrl.u32 v19, $0x3  }
0x2fd: {  	v19 =	vshll.u32 v19, v1  }
0x2fe: {  	v19 =	vbroadcast v19, $0x0  }
0x2ff: {  	[tilespmem:v18+s21+$0x0] =	vst.idx.msk $0xffff, v17  }
0x300: {  	v18 =	vadd.s32 v7, v19;
	v17 =	vld [tilespmem:s1+$0x60];
	_ =	sdelay $0x4  }
0x301: {  	[tilespmem:v18+s21+$0x0] =	vst.idx.msk $0xffff, v17  }
0x302: {  	s26 =	sadd.s32 $0xFFFFFFFD, s28;
	v18 =	vadd.s32 v8, v19;
	v17 =	vld [tilespmem:s1+$0x70]  }
0x303: {  	v19 =	vmov s26  }
0x304: {  	v19 =	vshrl.u32 v19, $0x3  }
0x305: {  	v19 =	vshll.u32 v19, v1  }
0x306: {  	v19 =	vbroadcast v19, $0x0  }
0x307: {  	[tilespmem:v18+s21+$0x0] =	vst.idx.msk $0xffff, v17  }
0x308: {  	v18 =	vadd.s32 v9, v19;
	v17 =	vld [tilespmem:s1+$0x80];
	_ =	sdelay $0x4  }
0x309: {  	[tilespmem:v18+s21+$0x0] =	vst.idx.msk $0xffff, v17  }
0x30a: {  	s30 =	sadd.s32 $0xFFFFFFFE, s28;
	v18 =	vadd.s32 v10, v19;
	v17 =	vld [tilespmem:s1+$0x90]  }
0x30b: {  	v19 =	vmov s30  }
0x30c: {  	v19 =	vshrl.u32 v19, $0x3  }
0x30d: {  	v19 =	vshll.u32 v19, v1  }
0x30e: {  	v19 =	vbroadcast v19, $0x0  }
0x30f: {  	[tilespmem:v18+s21+$0x0] =	vst.idx.msk $0xffff, v17  }
0x310: {  	v18 =	vadd.s32 v11, v19;
	v17 =	vld [tilespmem:s1+$0xA0];
	_ =	sdelay $0x4  }
0x311: {  	[tilespmem:v18+s21+$0x0] =	vst.idx.msk $0xffff, v17  }
0x312: {  	s31 =	sadd.s32 $0xFFFFFFFF, s28;
	v18 =	vadd.s32 v12, v19;
	v17 =	vld [tilespmem:s1+$0xB0]  }
0x313: {  	v19 =	vmov s31  }
0x314: {  	v19 =	vshrl.u32 v19, $0x3  }
0x315: {  	v19 =	vshll.u32 v19, v1  }
0x316: {  	v19 =	vbroadcast v19, $0x0  }
0x317: {  	[tilespmem:v18+s21+$0x0] =	vst.idx.msk $0xffff, v17  }
0x318: {  	v18 =	vadd.s32 v13, v19;
	v17 =	vld [tilespmem:s1+$0xC0];
	_ =	sdelay $0x4  }
0x319: {  	[tilespmem:v18+s21+$0x0] =	vst.idx.msk $0xffff, v17  }
0x31a: {  	v18 =	vadd.s32 v14, v19;
	v17 =	vld [tilespmem:s1+$0xD0]  }
0x31b: {  	v19 =	vmov s28  }
0x31c: {  	v19 =	vshrl.u32 v19, $0x3  }
0x31d: {  	v19 =	vshll.u32 v19, v1  }
0x31e: {  	v19 =	vbroadcast v19, $0x0  }
0x31f: {  	[tilespmem:v18+s21+$0x0] =	vst.idx.msk $0xffff, v17  }
0x320: {  	v18 =	vadd.s32 v15, v19;
	v17 =	vld [tilespmem:s1+$0xE0];
	_ =	sdelay $0x4  }
0x321: {  	[tilespmem:v18+s21+$0x0] =	vst.idx.msk $0xffff, v17  }
0x322: {  	v18 =	vadd.s32 v16, v19;
	v17 =	vld [tilespmem:s1+$0xF0];
	_ =	sdelay $0x3  }
0x323: {  	s29 =	simm.s32 $0x12708;
	s0 =	sadd.s32 $0x0, s8  }
0x324: {  	s26 =	simm.s32 $0x0;
	s28 =	simm.s32 $0x200;
	s1 =	simm.s32 $0x12500;
	[tilespmem:v18+s21+$0x0] =	vst.idx.msk $0xffff, v17  }
.LBB2_8:
0x325: {  	[hbm4b:s0+s26] =	stream.linear.scatter [tilespmem:s1], [sflag:$0x4], $0x200, $0x38;
	[tilespmem:$0x16600] =	vst v63  }
0x326: {  	s0 =	smov.u32 s28;
	s1 =	smov.u32 s29;
	p0 =	sne.s32 s28, $0x3E00  }
.Ltmp3:
0x327: {  	s28 =	sadd.s32 $0x200, s28;
	(pc) =	sbr.rel @p0 .LBB2_8-.Ltmp3, $2  }
0x328: {  	_ =	sdelay $0x2  }
0x329: {  	s29 =	sadd.s32 $0x208, s29;
	s0 =	sadd.s32 s0, s8  }
0x32a: {  	[hbm4b:s0+s26] =	stream.linear.scatter [tilespmem:s1], [sflag:$0x4], $0x200, $0x38;
	[tilespmem:$0x16600] =	vst v63  }
.LBB2_10:
0x32b: {  	s29 =	sshll.u32 s26, $0x1  }
0x32c: {  	_ =	swait.ge [sflag:s17], $0x4000;
	s28 =	sadd.s32 $0x3, s29  }
0x32d: {  	s1 =	simm.s32 $0x0;
	[sflag:s17] =	ssyncset.done $0x0;
	s0 =	sshll.u32 s28, $0x9  }
0x32e: {  	v17 =	vmov s1;
	[sflag:s17] =	ssyncadd.s32 $0xFFFFC000;
	s0 =	sand.u32 $0x3FFFFE00, s0  }
0x32f: {  	v17 =	vshrl.u32 v17, $0x3;
	[tilespmem:s16], [sflag:$0x2] =	stream.indirect.gather [hbm4b:s5+s14], $0x20, s0, s14, $0xb8;
	[tilespmem:$0x16600] =	vst v63  }
0x330: {  	v17 =	vshll.u32 v17, v1;
	_ =	swait.ge [sflag:s22], $0x4000  }
0x331: {  	v17 =	vbroadcast v17, $0x0;
	[sflag:s22] =	ssyncset.done $0x0  }
0x332: {  	s30 =	simm.s32 $0x6500;
	[sflag:s22] =	ssyncadd.s32 $0xFFFFC000  }
0x333: {  	v19 =	vadd.s32 v0, v17;
	v18 =	vld [tilespmem:s30+$0xFFFFFF00];
	_ =	sdelay $0x4  }
0x334: {  	[tilespmem:v19+s18+$0x0] =	vst.idx.msk $0xffff, v18  }
0x335: {  	s1 =	simm.s32 $0x1;
	v17 =	vadd.s32 v2, v17;
	v18 =	vld [tilespmem:s30+$0xFFFFFF10]  }
0x336: {  	v19 =	vmov s1  }
0x337: {  	v19 =	vshrl.u32 v19, $0x3  }
0x338: {  	v19 =	vshll.u32 v19, v1  }
0x339: {  	v19 =	vbroadcast v19, $0x0  }
0x33a: {  	[tilespmem:v17+s18+$0x0] =	vst.idx.msk $0xffff, v18  }
0x33b: {  	v18 =	vadd.s32 v3, v19;
	v17 =	vld [tilespmem:s30+$0xFFFFFF20];
	_ =	sdelay $0x4  }
0x33c: {  	[tilespmem:v18+s18+$0x0] =	vst.idx.msk $0xffff, v17  }
0x33d: {  	s1 =	simm.s32 $0x2;
	v18 =	vadd.s32 v4, v19;
	v17 =	vld [tilespmem:s30+$0xFFFFFF30]  }
0x33e: {  	v19 =	vmov s1  }
0x33f: {  	v19 =	vshrl.u32 v19, $0x3  }
0x340: {  	v19 =	vshll.u32 v19, v1  }
0x341: {  	v19 =	vbroadcast v19, $0x0  }
0x342: {  	[tilespmem:v18+s18+$0x0] =	vst.idx.msk $0xffff, v17  }
0x343: {  	v18 =	vadd.s32 v5, v19;
	v17 =	vld [tilespmem:s30+$0xFFFFFF40];
	_ =	sdelay $0x4  }
0x344: {  	[tilespmem:v18+s18+$0x0] =	vst.idx.msk $0xffff, v17  }
0x345: {  	s1 =	simm.s32 $0x3;
	v18 =	vadd.s32 v6, v19;
	v17 =	vld [tilespmem:s30+$0xFFFFFF50]  }
0x346: {  	v19 =	vmov s1  }
0x347: {  	v19 =	vshrl.u32 v19, $0x3  }
0x348: {  	v19 =	vshll.u32 v19, v1  }
0x349: {  	v19 =	vbroadcast v19, $0x0  }
0x34a: {  	[tilespmem:v18+s18+$0x0] =	vst.idx.msk $0xffff, v17  }
0x34b: {  	v18 =	vadd.s32 v7, v19;
	v17 =	vld [tilespmem:s30+$0xFFFFFF60];
	_ =	sdelay $0x4  }
0x34c: {  	[tilespmem:v18+s18+$0x0] =	vst.idx.msk $0xffff, v17  }
0x34d: {  	s1 =	simm.s32 $0x4;
	v18 =	vadd.s32 v8, v19;
	v17 =	vld [tilespmem:s30+$0xFFFFFF70]  }
0x34e: {  	v19 =	vmov s1  }
0x34f: {  	v19 =	vshrl.u32 v19, $0x3  }
0x350: {  	v19 =	vshll.u32 v19, v1  }
0x351: {  	v19 =	vbroadcast v19, $0x0  }
0x352: {  	[tilespmem:v18+s18+$0x0] =	vst.idx.msk $0xffff, v17  }
0x353: {  	v18 =	vadd.s32 v9, v19;
	v17 =	vld [tilespmem:s30+$0xFFFFFF80];
	_ =	sdelay $0x4  }
0x354: {  	[tilespmem:v18+s18+$0x0] =	vst.idx.msk $0xffff, v17  }
0x355: {  	s1 =	simm.s32 $0x5;
	v18 =	vadd.s32 v10, v19;
	v17 =	vld [tilespmem:s30+$0xFFFFFF90]  }
0x356: {  	v19 =	vmov s1  }
0x357: {  	v19 =	vshrl.u32 v19, $0x3  }
0x358: {  	v19 =	vshll.u32 v19, v1  }
0x359: {  	v19 =	vbroadcast v19, $0x0  }
0x35a: {  	[tilespmem:v18+s18+$0x0] =	vst.idx.msk $0xffff, v17  }
0x35b: {  	v18 =	vadd.s32 v11, v19;
	v17 =	vld [tilespmem:s30+$0xFFFFFFA0];
	_ =	sdelay $0x4  }
0x35c: {  	[tilespmem:v18+s18+$0x0] =	vst.idx.msk $0xffff, v17  }
0x35d: {  	s1 =	simm.s32 $0x6;
	v18 =	vadd.s32 v12, v19;
	v17 =	vld [tilespmem:s30+$0xFFFFFFB0]  }
0x35e: {  	v19 =	vmov s1  }
0x35f: {  	v19 =	vshrl.u32 v19, $0x3  }
0x360: {  	v19 =	vshll.u32 v19, v1  }
0x361: {  	v19 =	vbroadcast v19, $0x0  }
0x362: {  	[tilespmem:v18+s18+$0x0] =	vst.idx.msk $0xffff, v17  }
0x363: {  	v18 =	vadd.s32 v13, v19;
	v17 =	vld [tilespmem:s30+$0xFFFFFFC0];
	_ =	sdelay $0x4  }
0x364: {  	[tilespmem:v18+s18+$0x0] =	vst.idx.msk $0xffff, v17  }
0x365: {  	s1 =	simm.s32 $0x7;
	v18 =	vadd.s32 v14, v19;
	v17 =	vld [tilespmem:s30+$0xFFFFFFD0]  }
0x366: {  	v19 =	vmov s1  }
0x367: {  	v19 =	vshrl.u32 v19, $0x3  }
0x368: {  	v19 =	vshll.u32 v19, v1  }
0x369: {  	v19 =	vbroadcast v19, $0x0  }
0x36a: {  	[tilespmem:v18+s18+$0x0] =	vst.idx.msk $0xffff, v17  }
0x36b: {  	v18 =	vadd.s32 v15, v19;
	v17 =	vld [tilespmem:s30+$0xFFFFFFE0];
	_ =	sdelay $0x4  }
0x36c: {  	[tilespmem:v18+s18+$0x0] =	vst.idx.msk $0xffff, v17  }
0x36d: {  	s1 =	simm.s32 $0x8;
	v18 =	vadd.s32 v16, v19;
	v17 =	vld [tilespmem:s30+$0xFFFFFFF0]  }
0x36e: {  	v19 =	vmov s1  }
0x36f: {  	v19 =	vshrl.u32 v19, $0x3  }
0x370: {  	v19 =	vshll.u32 v19, v1  }
0x371: {  	v19 =	vbroadcast v19, $0x0  }
0x372: {  	[tilespmem:v18+s18+$0x0] =	vst.idx.msk $0xffff, v17  }
0x373: {  	v18 =	vadd.s32 v0, v19;
	v17 =	vld [tilespmem:s30+$0x0];
	_ =	sdelay $0x4  }
0x374: {  	[tilespmem:v18+s18+$0x0] =	vst.idx.msk $0xffff, v17  }
0x375: {  	s1 =	simm.s32 $0x9;
	v18 =	vadd.s32 v2, v19;
	v17 =	vld [tilespmem:s30+$0x10]  }
0x376: {  	v19 =	vmov s1  }
0x377: {  	v19 =	vshrl.u32 v19, $0x3  }
0x378: {  	v19 =	vshll.u32 v19, v1  }
0x379: {  	v19 =	vbroadcast v19, $0x0  }
0x37a: {  	[tilespmem:v18+s18+$0x0] =	vst.idx.msk $0xffff, v17  }
0x37b: {  	v18 =	vadd.s32 v3, v19;
	v17 =	vld [tilespmem:s30+$0x20];
	_ =	sdelay $0x4  }
0x37c: {  	[tilespmem:v18+s18+$0x0] =	vst.idx.msk $0xffff, v17  }
0x37d: {  	s1 =	simm.s32 $0xA;
	v18 =	vadd.s32 v4, v19;
	v17 =	vld [tilespmem:s30+$0x30]  }
0x37e: {  	v19 =	vmov s1  }
0x37f: {  	v19 =	vshrl.u32 v19, $0x3  }
0x380: {  	v19 =	vshll.u32 v19, v1  }
0x381: {  	v19 =	vbroadcast v19, $0x0  }
0x382: {  	[tilespmem:v18+s18+$0x0] =	vst.idx.msk $0xffff, v17  }
0x383: {  	v18 =	vadd.s32 v5, v19;
	v17 =	vld [tilespmem:s30+$0x40];
	_ =	sdelay $0x4  }
0x384: {  	[tilespmem:v18+s18+$0x0] =	vst.idx.msk $0xffff, v17  }
0x385: {  	s1 =	simm.s32 $0xB;
	v18 =	vadd.s32 v6, v19;
	v17 =	vld [tilespmem:s30+$0x50]  }
0x386: {  	v19 =	vmov s1  }
0x387: {  	v19 =	vshrl.u32 v19, $0x3  }
0x388: {  	v19 =	vshll.u32 v19, v1  }
0x389: {  	v19 =	vbroadcast v19, $0x0  }
0x38a: {  	[tilespmem:v18+s18+$0x0] =	vst.idx.msk $0xffff, v17  }
0x38b: {  	v18 =	vadd.s32 v7, v19;
	v17 =	vld [tilespmem:s30+$0x60];
	_ =	sdelay $0x4  }
0x38c: {  	[tilespmem:v18+s18+$0x0] =	vst.idx.msk $0xffff, v17  }
0x38d: {  	s1 =	simm.s32 $0xC;
	v18 =	vadd.s32 v8, v19;
	v17 =	vld [tilespmem:s30+$0x70]  }
0x38e: {  	v19 =	vmov s1  }
0x38f: {  	v19 =	vshrl.u32 v19, $0x3  }
0x390: {  	v19 =	vshll.u32 v19, v1  }
0x391: {  	v19 =	vbroadcast v19, $0x0  }
0x392: {  	[tilespmem:v18+s18+$0x0] =	vst.idx.msk $0xffff, v17  }
0x393: {  	v18 =	vadd.s32 v9, v19;
	v17 =	vld [tilespmem:s30+$0x80];
	_ =	sdelay $0x4  }
0x394: {  	[tilespmem:v18+s18+$0x0] =	vst.idx.msk $0xffff, v17  }
0x395: {  	s1 =	simm.s32 $0xD;
	v18 =	vadd.s32 v10, v19;
	v17 =	vld [tilespmem:s30+$0x90]  }
0x396: {  	v19 =	vmov s1  }
0x397: {  	v19 =	vshrl.u32 v19, $0x3  }
0x398: {  	v19 =	vshll.u32 v19, v1  }
0x399: {  	v19 =	vbroadcast v19, $0x0  }
0x39a: {  	[tilespmem:v18+s18+$0x0] =	vst.idx.msk $0xffff, v17  }
0x39b: {  	v18 =	vadd.s32 v11, v19;
	v17 =	vld [tilespmem:s30+$0xA0];
	_ =	sdelay $0x4  }
0x39c: {  	[tilespmem:v18+s18+$0x0] =	vst.idx.msk $0xffff, v17  }
0x39d: {  	s1 =	simm.s32 $0xE;
	v18 =	vadd.s32 v12, v19;
	v17 =	vld [tilespmem:s30+$0xB0]  }
0x39e: {  	v19 =	vmov s1  }
0x39f: {  	v19 =	vshrl.u32 v19, $0x3  }
0x3a0: {  	v19 =	vshll.u32 v19, v1  }
0x3a1: {  	v19 =	vbroadcast v19, $0x0  }
0x3a2: {  	[tilespmem:v18+s18+$0x0] =	vst.idx.msk $0xffff, v17  }
0x3a3: {  	v18 =	vadd.s32 v13, v19;
	v17 =	vld [tilespmem:s30+$0xC0];
	_ =	sdelay $0x4  }
0x3a4: {  	[tilespmem:v18+s18+$0x0] =	vst.idx.msk $0xffff, v17  }
0x3a5: {  	s1 =	simm.s32 $0xF;
	v18 =	vadd.s32 v14, v19;
	v17 =	vld [tilespmem:s30+$0xD0]  }
0x3a6: {  	v19 =	vmov s1  }
0x3a7: {  	v19 =	vshrl.u32 v19, $0x3  }
0x3a8: {  	v19 =	vshll.u32 v19, v1  }
0x3a9: {  	v19 =	vbroadcast v19, $0x0  }
0x3aa: {  	[tilespmem:v18+s18+$0x0] =	vst.idx.msk $0xffff, v17  }
0x3ab: {  	v18 =	vadd.s32 v15, v19;
	v17 =	vld [tilespmem:s30+$0xE0];
	_ =	sdelay $0x4  }
0x3ac: {  	[tilespmem:v18+s18+$0x0] =	vst.idx.msk $0xffff, v17  }
0x3ad: {  	s31 =	simm.s32 $0x1F;
	s0 =	simm.s32 $0x10;
	s1 =	simm.s32 $0x2F;
	v18 =	vadd.s32 v16, v19;
	v17 =	vld [tilespmem:s30+$0xF0]  }
.LBB2_11:
0x3ae: {  	p0 =	sne.s32 s1, $0x1FF;
	v19 =	vmov s0  }
0x3af: {  	v19 =	vshrl.u32 v19, $0x3  }
0x3b0: {  	v19 =	vshll.u32 v19, v1  }
0x3b1: {  	v19 =	vbroadcast v19, $0x0  }
0x3b2: {  	s30 =	sadd.s32 $0x200, s30;
	[tilespmem:v18+s18+$0x0] =	vst.idx.msk $0xffff, v17  }
0x3b3: {  	v17 =	vld [tilespmem:s30+$0xFFFFFF00];
	v18 =	vadd.s32 v0, v19;
	_ =	sdelay $0x4  }
0x3b4: {  	[tilespmem:v18+s18+$0x0] =	vst.idx.msk $0xffff, v17  }
0x3b5: {  	s0 =	sadd.s32 $0xFFFFFFF2, s31;
	v18 =	vadd.s32 v2, v19;
	v17 =	vld [tilespmem:s30+$0xFFFFFF10]  }
0x3b6: {  	v19 =	vmov s0  }
0x3b7: {  	v19 =	vshrl.u32 v19, $0x3  }
0x3b8: {  	v19 =	vshll.u32 v19, v1  }
0x3b9: {  	v19 =	vbroadcast v19, $0x0  }
0x3ba: {  	[tilespmem:v18+s18+$0x0] =	vst.idx.msk $0xffff, v17  }
0x3bb: {  	v18 =	vadd.s32 v3, v19;
	v17 =	vld [tilespmem:s30+$0xFFFFFF20];
	_ =	sdelay $0x4  }
0x3bc: {  	[tilespmem:v18+s18+$0x0] =	vst.idx.msk $0xffff, v17  }
0x3bd: {  	s0 =	sadd.s32 $0xFFFFFFF3, s31;
	v18 =	vadd.s32 v4, v19;
	v17 =	vld [tilespmem:s30+$0xFFFFFF30]  }
0x3be: {  	v19 =	vmov s0  }
0x3bf: {  	v19 =	vshrl.u32 v19, $0x3  }
0x3c0: {  	v19 =	vshll.u32 v19, v1  }
0x3c1: {  	v19 =	vbroadcast v19, $0x0  }
0x3c2: {  	[tilespmem:v18+s18+$0x0] =	vst.idx.msk $0xffff, v17  }
0x3c3: {  	v18 =	vadd.s32 v5, v19;
	v17 =	vld [tilespmem:s30+$0xFFFFFF40];
	_ =	sdelay $0x4  }
0x3c4: {  	[tilespmem:v18+s18+$0x0] =	vst.idx.msk $0xffff, v17  }
0x3c5: {  	s0 =	sadd.s32 $0xFFFFFFF4, s31;
	v18 =	vadd.s32 v6, v19;
	v17 =	vld [tilespmem:s30+$0xFFFFFF50]  }
0x3c6: {  	v19 =	vmov s0  }
0x3c7: {  	v19 =	vshrl.u32 v19, $0x3  }
0x3c8: {  	v19 =	vshll.u32 v19, v1  }
0x3c9: {  	v19 =	vbroadcast v19, $0x0  }
0x3ca: {  	[tilespmem:v18+s18+$0x0] =	vst.idx.msk $0xffff, v17  }
0x3cb: {  	v18 =	vadd.s32 v7, v19;
	v17 =	vld [tilespmem:s30+$0xFFFFFF60];
	_ =	sdelay $0x4  }
0x3cc: {  	[tilespmem:v18+s18+$0x0] =	vst.idx.msk $0xffff, v17  }
0x3cd: {  	s0 =	sadd.s32 $0xFFFFFFF5, s31;
	v18 =	vadd.s32 v8, v19;
	v17 =	vld [tilespmem:s30+$0xFFFFFF70]  }
0x3ce: {  	v19 =	vmov s0  }
0x3cf: {  	v19 =	vshrl.u32 v19, $0x3  }
0x3d0: {  	v19 =	vshll.u32 v19, v1  }
0x3d1: {  	v19 =	vbroadcast v19, $0x0  }
0x3d2: {  	[tilespmem:v18+s18+$0x0] =	vst.idx.msk $0xffff, v17  }
0x3d3: {  	v18 =	vadd.s32 v9, v19;
	v17 =	vld [tilespmem:s30+$0xFFFFFF80];
	_ =	sdelay $0x4  }
0x3d4: {  	[tilespmem:v18+s18+$0x0] =	vst.idx.msk $0xffff, v17  }
0x3d5: {  	s0 =	sadd.s32 $0xFFFFFFF6, s31;
	v18 =	vadd.s32 v10, v19;
	v17 =	vld [tilespmem:s30+$0xFFFFFF90]  }
0x3d6: {  	v19 =	vmov s0  }
0x3d7: {  	v19 =	vshrl.u32 v19, $0x3  }
0x3d8: {  	v19 =	vshll.u32 v19, v1  }
0x3d9: {  	v19 =	vbroadcast v19, $0x0  }
0x3da: {  	[tilespmem:v18+s18+$0x0] =	vst.idx.msk $0xffff, v17  }
0x3db: {  	v18 =	vadd.s32 v11, v19;
	v17 =	vld [tilespmem:s30+$0xFFFFFFA0];
	_ =	sdelay $0x4  }
0x3dc: {  	[tilespmem:v18+s18+$0x0] =	vst.idx.msk $0xffff, v17  }
0x3dd: {  	s0 =	sadd.s32 $0xFFFFFFF7, s31;
	v18 =	vadd.s32 v12, v19;
	v17 =	vld [tilespmem:s30+$0xFFFFFFB0]  }
0x3de: {  	v19 =	vmov s0  }
0x3df: {  	v19 =	vshrl.u32 v19, $0x3  }
0x3e0: {  	v19 =	vshll.u32 v19, v1  }
0x3e1: {  	v19 =	vbroadcast v19, $0x0  }
0x3e2: {  	[tilespmem:v18+s18+$0x0] =	vst.idx.msk $0xffff, v17  }
0x3e3: {  	v18 =	vadd.s32 v13, v19;
	v17 =	vld [tilespmem:s30+$0xFFFFFFC0];
	_ =	sdelay $0x4  }
0x3e4: {  	[tilespmem:v18+s18+$0x0] =	vst.idx.msk $0xffff, v17  }
0x3e5: {  	s0 =	sadd.s32 $0xFFFFFFF8, s31;
	v18 =	vadd.s32 v14, v19;
	v17 =	vld [tilespmem:s30+$0xFFFFFFD0]  }
0x3e6: {  	v19 =	vmov s0  }
0x3e7: {  	v19 =	vshrl.u32 v19, $0x3  }
0x3e8: {  	v19 =	vshll.u32 v19, v1  }
0x3e9: {  	v19 =	vbroadcast v19, $0x0  }
0x3ea: {  	[tilespmem:v18+s18+$0x0] =	vst.idx.msk $0xffff, v17  }
0x3eb: {  	v18 =	vadd.s32 v15, v19;
	v17 =	vld [tilespmem:s30+$0xFFFFFFE0];
	_ =	sdelay $0x4  }
0x3ec: {  	[tilespmem:v18+s18+$0x0] =	vst.idx.msk $0xffff, v17  }
0x3ed: {  	s0 =	sadd.s32 $0xFFFFFFF9, s31;
	v18 =	vadd.s32 v16, v19;
	v17 =	vld [tilespmem:s30+$0xFFFFFFF0]  }
0x3ee: {  	v19 =	vmov s0  }
0x3ef: {  	v19 =	vshrl.u32 v19, $0x3  }
0x3f0: {  	v19 =	vshll.u32 v19, v1  }
0x3f1: {  	v19 =	vbroadcast v19, $0x0  }
0x3f2: {  	[tilespmem:v18+s18+$0x0] =	vst.idx.msk $0xffff, v17  }
0x3f3: {  	v18 =	vadd.s32 v0, v19;
	v17 =	vld [tilespmem:s30+$0x0];
	_ =	sdelay $0x4  }
0x3f4: {  	[tilespmem:v18+s18+$0x0] =	vst.idx.msk $0xffff, v17  }
0x3f5: {  	s0 =	sadd.s32 $0xFFFFFFFA, s31;
	v18 =	vadd.s32 v2, v19;
	v17 =	vld [tilespmem:s30+$0x10]  }
0x3f6: {  	v19 =	vmov s0  }
0x3f7: {  	v19 =	vshrl.u32 v19, $0x3  }
0x3f8: {  	v19 =	vshll.u32 v19, v1  }
0x3f9: {  	v19 =	vbroadcast v19, $0x0  }
0x3fa: {  	[tilespmem:v18+s18+$0x0] =	vst.idx.msk $0xffff, v17  }
0x3fb: {  	v18 =	vadd.s32 v3, v19;
	v17 =	vld [tilespmem:s30+$0x20];
	_ =	sdelay $0x4  }
0x3fc: {  	[tilespmem:v18+s18+$0x0] =	vst.idx.msk $0xffff, v17  }
0x3fd: {  	s0 =	sadd.s32 $0xFFFFFFFB, s31;
	v18 =	vadd.s32 v4, v19;
	v17 =	vld [tilespmem:s30+$0x30]  }
0x3fe: {  	v19 =	vmov s0  }
0x3ff: {  	v19 =	vshrl.u32 v19, $0x3  }
0x400: {  	v19 =	vshll.u32 v19, v1  }
0x401: {  	v19 =	vbroadcast v19, $0x0  }
0x402: {  	[tilespmem:v18+s18+$0x0] =	vst.idx.msk $0xffff, v17  }
0x403: {  	v18 =	vadd.s32 v5, v19;
	v17 =	vld [tilespmem:s30+$0x40];
	_ =	sdelay $0x4  }
0x404: {  	[tilespmem:v18+s18+$0x0] =	vst.idx.msk $0xffff, v17  }
0x405: {  	s0 =	sadd.s32 $0xFFFFFFFC, s31;
	v18 =	vadd.s32 v6, v19;
	v17 =	vld [tilespmem:s30+$0x50]  }
0x406: {  	v19 =	vmov s0  }
0x407: {  	v19 =	vshrl.u32 v19, $0x3  }
0x408: {  	v19 =	vshll.u32 v19, v1  }
0x409: {  	v19 =	vbroadcast v19, $0x0  }
0x40a: {  	[tilespmem:v18+s18+$0x0] =	vst.idx.msk $0xffff, v17  }
0x40b: {  	v18 =	vadd.s32 v7, v19;
	v17 =	vld [tilespmem:s30+$0x60];
	_ =	sdelay $0x4  }
0x40c: {  	[tilespmem:v18+s18+$0x0] =	vst.idx.msk $0xffff, v17  }
0x40d: {  	s0 =	sadd.s32 $0xFFFFFFFD, s31;
	v18 =	vadd.s32 v8, v19;
	v17 =	vld [tilespmem:s30+$0x70]  }
0x40e: {  	v19 =	vmov s0  }
0x40f: {  	v19 =	vshrl.u32 v19, $0x3  }
0x410: {  	v19 =	vshll.u32 v19, v1  }
0x411: {  	v19 =	vbroadcast v19, $0x0  }
0x412: {  	[tilespmem:v18+s18+$0x0] =	vst.idx.msk $0xffff, v17  }
0x413: {  	v18 =	vadd.s32 v9, v19;
	v17 =	vld [tilespmem:s30+$0x80];
	_ =	sdelay $0x4  }
0x414: {  	[tilespmem:v18+s18+$0x0] =	vst.idx.msk $0xffff, v17  }
0x415: {  	s0 =	sadd.s32 $0xFFFFFFFE, s31;
	v18 =	vadd.s32 v10, v19;
	v17 =	vld [tilespmem:s30+$0x90]  }
0x416: {  	v19 =	vmov s0  }
0x417: {  	v19 =	vshrl.u32 v19, $0x3  }
0x418: {  	v19 =	vshll.u32 v19, v1  }
0x419: {  	v19 =	vbroadcast v19, $0x0  }
0x41a: {  	[tilespmem:v18+s18+$0x0] =	vst.idx.msk $0xffff, v17  }
0x41b: {  	v18 =	vadd.s32 v11, v19;
	v17 =	vld [tilespmem:s30+$0xA0];
	_ =	sdelay $0x4  }
0x41c: {  	[tilespmem:v18+s18+$0x0] =	vst.idx.msk $0xffff, v17  }
0x41d: {  	s0 =	sadd.s32 $0xFFFFFFFF, s31;
	v18 =	vadd.s32 v12, v19;
	v17 =	vld [tilespmem:s30+$0xB0]  }
0x41e: {  	v19 =	vmov s0  }
0x41f: {  	v19 =	vshrl.u32 v19, $0x3  }
0x420: {  	v19 =	vshll.u32 v19, v1  }
0x421: {  	v19 =	vbroadcast v19, $0x0  }
0x422: {  	[tilespmem:v18+s18+$0x0] =	vst.idx.msk $0xffff, v17  }
0x423: {  	v18 =	vadd.s32 v13, v19;
	v17 =	vld [tilespmem:s30+$0xC0];
	_ =	sdelay $0x4  }
0x424: {  	[tilespmem:v18+s18+$0x0] =	vst.idx.msk $0xffff, v17  }
0x425: {  	v18 =	vadd.s32 v14, v19;
	v17 =	vld [tilespmem:s30+$0xD0]  }
0x426: {  	v19 =	vmov s31;
	s31 =	smov.u32 s1  }
0x427: {  	v19 =	vshrl.u32 v19, $0x3  }
0x428: {  	v19 =	vshll.u32 v19, v1  }
0x429: {  	v19 =	vbroadcast v19, $0x0  }
0x42a: {  	[tilespmem:v18+s18+$0x0] =	vst.idx.msk $0xffff, v17  }
0x42b: {  	v18 =	vadd.s32 v15, v19;
	v17 =	vld [tilespmem:s30+$0xE0];
	_ =	sdelay $0x1  }
.Ltmp4:
0x42c: {  	(pc) =	sbr.rel @p0 .LBB2_11-.Ltmp4, $3  }
0x42d: {  	_ =	sdelay $0x1  }
0x42e: {  	[tilespmem:v18+s18+$0x0] =	vst.idx.msk $0xffff, v17  }
0x42f: {  	s1 =	sadd.s32 $0x10, s1;
	s0 =	sadd.s32 $0xFFFFFFF1, s31;
	v18 =	vadd.s32 v16, v19;
	v17 =	vld [tilespmem:s30+$0xF0]  }
0x430: {  	v19 =	vmov s0  }
0x431: {  	v19 =	vshrl.u32 v19, $0x3  }
0x432: {  	v19 =	vshll.u32 v19, v1  }
0x433: {  	v19 =	vbroadcast v19, $0x0  }
0x434: {  	s1 =	sadd.s32 $0x200, s30;
	[tilespmem:v18+s18+$0x0] =	vst.idx.msk $0xffff, v17  }
0x435: {  	v17 =	vld [tilespmem:s1+$0xFFFFFF00];
	v18 =	vadd.s32 v0, v19;
	_ =	sdelay $0x4  }
0x436: {  	[tilespmem:v18+s18+$0x0] =	vst.idx.msk $0xffff, v17  }
0x437: {  	s0 =	sadd.s32 $0xFFFFFFF2, s31;
	v18 =	vadd.s32 v2, v19;
	v17 =	vld [tilespmem:s1+$0xFFFFFF10]  }
0x438: {  	v19 =	vmov s0  }
0x439: {  	v19 =	vshrl.u32 v19, $0x3  }
0x43a: {  	v19 =	vshll.u32 v19, v1  }
0x43b: {  	v19 =	vbroadcast v19, $0x0  }
0x43c: {  	[tilespmem:v18+s18+$0x0] =	vst.idx.msk $0xffff, v17  }
0x43d: {  	v18 =	vadd.s32 v3, v19;
	v17 =	vld [tilespmem:s1+$0xFFFFFF20];
	_ =	sdelay $0x4  }
0x43e: {  	[tilespmem:v18+s18+$0x0] =	vst.idx.msk $0xffff, v17  }
0x43f: {  	s0 =	sadd.s32 $0xFFFFFFF3, s31;
	v18 =	vadd.s32 v4, v19;
	v17 =	vld [tilespmem:s1+$0xFFFFFF30]  }
0x440: {  	v19 =	vmov s0  }
0x441: {  	v19 =	vshrl.u32 v19, $0x3  }
0x442: {  	v19 =	vshll.u32 v19, v1  }
0x443: {  	v19 =	vbroadcast v19, $0x0  }
0x444: {  	[tilespmem:v18+s18+$0x0] =	vst.idx.msk $0xffff, v17  }
0x445: {  	v18 =	vadd.s32 v5, v19;
	v17 =	vld [tilespmem:s1+$0xFFFFFF40];
	_ =	sdelay $0x4  }
0x446: {  	[tilespmem:v18+s18+$0x0] =	vst.idx.msk $0xffff, v17  }
0x447: {  	s0 =	sadd.s32 $0xFFFFFFF4, s31;
	v18 =	vadd.s32 v6, v19;
	v17 =	vld [tilespmem:s1+$0xFFFFFF50]  }
0x448: {  	v19 =	vmov s0  }
0x449: {  	v19 =	vshrl.u32 v19, $0x3  }
0x44a: {  	v19 =	vshll.u32 v19, v1  }
0x44b: {  	v19 =	vbroadcast v19, $0x0  }
0x44c: {  	[tilespmem:v18+s18+$0x0] =	vst.idx.msk $0xffff, v17  }
0x44d: {  	v18 =	vadd.s32 v7, v19;
	v17 =	vld [tilespmem:s1+$0xFFFFFF60];
	_ =	sdelay $0x4  }
0x44e: {  	[tilespmem:v18+s18+$0x0] =	vst.idx.msk $0xffff, v17  }
0x44f: {  	s0 =	sadd.s32 $0xFFFFFFF5, s31;
	v18 =	vadd.s32 v8, v19;
	v17 =	vld [tilespmem:s1+$0xFFFFFF70]  }
0x450: {  	v19 =	vmov s0  }
0x451: {  	v19 =	vshrl.u32 v19, $0x3  }
0x452: {  	v19 =	vshll.u32 v19, v1  }
0x453: {  	v19 =	vbroadcast v19, $0x0  }
0x454: {  	[tilespmem:v18+s18+$0x0] =	vst.idx.msk $0xffff, v17  }
0x455: {  	v18 =	vadd.s32 v9, v19;
	v17 =	vld [tilespmem:s1+$0xFFFFFF80];
	_ =	sdelay $0x4  }
0x456: {  	[tilespmem:v18+s18+$0x0] =	vst.idx.msk $0xffff, v17  }
0x457: {  	s0 =	sadd.s32 $0xFFFFFFF6, s31;
	v18 =	vadd.s32 v10, v19;
	v17 =	vld [tilespmem:s1+$0xFFFFFF90]  }
0x458: {  	v19 =	vmov s0  }
0x459: {  	v19 =	vshrl.u32 v19, $0x3  }
0x45a: {  	v19 =	vshll.u32 v19, v1  }
0x45b: {  	v19 =	vbroadcast v19, $0x0  }
0x45c: {  	[tilespmem:v18+s18+$0x0] =	vst.idx.msk $0xffff, v17  }
0x45d: {  	v18 =	vadd.s32 v11, v19;
	v17 =	vld [tilespmem:s1+$0xFFFFFFA0];
	_ =	sdelay $0x4  }
0x45e: {  	[tilespmem:v18+s18+$0x0] =	vst.idx.msk $0xffff, v17  }
0x45f: {  	s0 =	sadd.s32 $0xFFFFFFF7, s31;
	v18 =	vadd.s32 v12, v19;
	v17 =	vld [tilespmem:s1+$0xFFFFFFB0]  }
0x460: {  	v19 =	vmov s0  }
0x461: {  	v19 =	vshrl.u32 v19, $0x3  }
0x462: {  	v19 =	vshll.u32 v19, v1  }
0x463: {  	v19 =	vbroadcast v19, $0x0  }
0x464: {  	[tilespmem:v18+s18+$0x0] =	vst.idx.msk $0xffff, v17  }
0x465: {  	v18 =	vadd.s32 v13, v19;
	v17 =	vld [tilespmem:s1+$0xFFFFFFC0];
	_ =	sdelay $0x4  }
0x466: {  	[tilespmem:v18+s18+$0x0] =	vst.idx.msk $0xffff, v17  }
0x467: {  	s0 =	sadd.s32 $0xFFFFFFF8, s31;
	v18 =	vadd.s32 v14, v19;
	v17 =	vld [tilespmem:s1+$0xFFFFFFD0]  }
0x468: {  	v19 =	vmov s0  }
0x469: {  	v19 =	vshrl.u32 v19, $0x3  }
0x46a: {  	v19 =	vshll.u32 v19, v1  }
0x46b: {  	v19 =	vbroadcast v19, $0x0  }
0x46c: {  	[tilespmem:v18+s18+$0x0] =	vst.idx.msk $0xffff, v17  }
0x46d: {  	v18 =	vadd.s32 v15, v19;
	v17 =	vld [tilespmem:s1+$0xFFFFFFE0];
	_ =	sdelay $0x4  }
0x46e: {  	[tilespmem:v18+s18+$0x0] =	vst.idx.msk $0xffff, v17  }
0x46f: {  	s0 =	sadd.s32 $0xFFFFFFF9, s31;
	v18 =	vadd.s32 v16, v19;
	v17 =	vld [tilespmem:s1+$0xFFFFFFF0]  }
0x470: {  	v19 =	vmov s0  }
0x471: {  	v19 =	vshrl.u32 v19, $0x3  }
0x472: {  	v19 =	vshll.u32 v19, v1  }
0x473: {  	v19 =	vbroadcast v19, $0x0  }
0x474: {  	[tilespmem:v18+s18+$0x0] =	vst.idx.msk $0xffff, v17  }
0x475: {  	v18 =	vadd.s32 v0, v19;
	v17 =	vld [tilespmem:s1+$0x0];
	_ =	sdelay $0x4  }
0x476: {  	[tilespmem:v18+s18+$0x0] =	vst.idx.msk $0xffff, v17  }
0x477: {  	s0 =	sadd.s32 $0xFFFFFFFA, s31;
	v18 =	vadd.s32 v2, v19;
	v17 =	vld [tilespmem:s1+$0x10]  }
0x478: {  	v19 =	vmov s0  }
0x479: {  	v19 =	vshrl.u32 v19, $0x3  }
0x47a: {  	v19 =	vshll.u32 v19, v1  }
0x47b: {  	v19 =	vbroadcast v19, $0x0  }
0x47c: {  	[tilespmem:v18+s18+$0x0] =	vst.idx.msk $0xffff, v17  }
0x47d: {  	v18 =	vadd.s32 v3, v19;
	v17 =	vld [tilespmem:s1+$0x20];
	_ =	sdelay $0x4  }
0x47e: {  	[tilespmem:v18+s18+$0x0] =	vst.idx.msk $0xffff, v17  }
0x47f: {  	s0 =	sadd.s32 $0xFFFFFFFB, s31;
	v18 =	vadd.s32 v4, v19;
	v17 =	vld [tilespmem:s1+$0x30]  }
0x480: {  	v19 =	vmov s0  }
0x481: {  	v19 =	vshrl.u32 v19, $0x3  }
0x482: {  	v19 =	vshll.u32 v19, v1  }
0x483: {  	v19 =	vbroadcast v19, $0x0  }
0x484: {  	[tilespmem:v18+s18+$0x0] =	vst.idx.msk $0xffff, v17  }
0x485: {  	v18 =	vadd.s32 v5, v19;
	v17 =	vld [tilespmem:s1+$0x40];
	_ =	sdelay $0x4  }
0x486: {  	[tilespmem:v18+s18+$0x0] =	vst.idx.msk $0xffff, v17  }
0x487: {  	s0 =	sadd.s32 $0xFFFFFFFC, s31;
	v18 =	vadd.s32 v6, v19;
	v17 =	vld [tilespmem:s1+$0x50]  }
0x488: {  	v19 =	vmov s0  }
0x489: {  	v19 =	vshrl.u32 v19, $0x3  }
0x48a: {  	v19 =	vshll.u32 v19, v1  }
0x48b: {  	v19 =	vbroadcast v19, $0x0  }
0x48c: {  	[tilespmem:v18+s18+$0x0] =	vst.idx.msk $0xffff, v17  }
0x48d: {  	v18 =	vadd.s32 v7, v19;
	v17 =	vld [tilespmem:s1+$0x60];
	_ =	sdelay $0x4  }
0x48e: {  	[tilespmem:v18+s18+$0x0] =	vst.idx.msk $0xffff, v17  }
0x48f: {  	s0 =	sadd.s32 $0xFFFFFFFD, s31;
	v18 =	vadd.s32 v8, v19;
	v17 =	vld [tilespmem:s1+$0x70]  }
0x490: {  	v19 =	vmov s0  }
0x491: {  	v19 =	vshrl.u32 v19, $0x3  }
0x492: {  	v19 =	vshll.u32 v19, v1  }
0x493: {  	v19 =	vbroadcast v19, $0x0  }
0x494: {  	[tilespmem:v18+s18+$0x0] =	vst.idx.msk $0xffff, v17  }
0x495: {  	v18 =	vadd.s32 v9, v19;
	v17 =	vld [tilespmem:s1+$0x80];
	_ =	sdelay $0x4  }
0x496: {  	[tilespmem:v18+s18+$0x0] =	vst.idx.msk $0xffff, v17  }
0x497: {  	s0 =	sadd.s32 $0xFFFFFFFE, s31;
	v18 =	vadd.s32 v10, v19;
	v17 =	vld [tilespmem:s1+$0x90]  }
0x498: {  	v19 =	vmov s0  }
0x499: {  	v19 =	vshrl.u32 v19, $0x3  }
0x49a: {  	v19 =	vshll.u32 v19, v1  }
0x49b: {  	v19 =	vbroadcast v19, $0x0  }
0x49c: {  	[tilespmem:v18+s18+$0x0] =	vst.idx.msk $0xffff, v17  }
0x49d: {  	v18 =	vadd.s32 v11, v19;
	v17 =	vld [tilespmem:s1+$0xA0];
	_ =	sdelay $0x4  }
0x49e: {  	[tilespmem:v18+s18+$0x0] =	vst.idx.msk $0xffff, v17  }
0x49f: {  	s0 =	sadd.s32 $0xFFFFFFFF, s31;
	v18 =	vadd.s32 v12, v19;
	v17 =	vld [tilespmem:s1+$0xB0]  }
0x4a0: {  	v19 =	vmov s0  }
0x4a1: {  	v19 =	vshrl.u32 v19, $0x3  }
0x4a2: {  	v19 =	vshll.u32 v19, v1  }
0x4a3: {  	v19 =	vbroadcast v19, $0x0  }
0x4a4: {  	[tilespmem:v18+s18+$0x0] =	vst.idx.msk $0xffff, v17  }
0x4a5: {  	v18 =	vadd.s32 v13, v19;
	v17 =	vld [tilespmem:s1+$0xC0];
	_ =	sdelay $0x4  }
0x4a6: {  	[tilespmem:v18+s18+$0x0] =	vst.idx.msk $0xffff, v17  }
0x4a7: {  	v18 =	vadd.s32 v14, v19;
	v17 =	vld [tilespmem:s1+$0xD0]  }
0x4a8: {  	v19 =	vmov s31  }
0x4a9: {  	v19 =	vshrl.u32 v19, $0x3  }
0x4aa: {  	v19 =	vshll.u32 v19, v1  }
0x4ab: {  	v19 =	vbroadcast v19, $0x0  }
0x4ac: {  	[tilespmem:v18+s18+$0x0] =	vst.idx.msk $0xffff, v17  }
0x4ad: {  	v18 =	vadd.s32 v15, v19;
	v17 =	vld [tilespmem:s1+$0xE0];
	_ =	sdelay $0x4  }
0x4ae: {  	[tilespmem:v18+s18+$0x0] =	vst.idx.msk $0xffff, v17  }
0x4af: {  	s0 =	sadd.s32 s29, s9;
	v18 =	vadd.s32 v16, v19;
	v17 =	vld [tilespmem:s1+$0xF0]  }
0x4b0: {  	s1 =	sshll.u32 s0, $0x6  }
0x4b1: {  	s0 =	sshll.u32 s0, $0xB;
	s1 =	sand.u32 $0x180, s1  }
0x4b2: {  	s0 =	sand.u32 $0xFFFC000, s0;
	s1 =	sadd.s32 s3, s1  }
0x4b3: {  	s30 =	simm.s32 $0x200;
	s1 =	sadd.s32 s0, s1  }
0x4b4: {  	s29 =	simm.s32 $0xE400;
	s31 =	simm.s32 $0xE608;
	s0 =	sadd.s32 $0x0, s1;
	[tilespmem:v18+s18+$0x0] =	vst.idx.msk $0xffff, v17  }
.LBB2_13:
0x4b5: {  	[hbm4b:s0+s2] =	stream.linear.scatter [tilespmem:s29], [sflag:$0x3], $0x200, $0x38;
	[tilespmem:$0x16600] =	vst v63  }
0x4b6: {  	s0 =	smov.u32 s30;
	s29 =	smov.u32 s31;
	p0 =	sne.s32 s30, $0x3E00  }
.Ltmp5:
0x4b7: {  	s30 =	sadd.s32 $0x200, s30;
	(pc) =	sbr.rel @p0 .LBB2_13-.Ltmp5, $2  }
0x4b8: {  	_ =	sdelay $0x2  }
0x4b9: {  	s31 =	sadd.s32 $0x208, s31;
	s0 =	sadd.s32 s0, s1  }
0x4ba: {  	[hbm4b:s0+s2] =	stream.linear.scatter [tilespmem:s29], [sflag:$0x3], $0x200, $0x38;
	[tilespmem:$0x16600] =	vst v63  }
0x4bb: {  	s1 =	sshll.u32 s26, $0xA;
	_ =	swait.ge [sflag:s19], $0x4000  }
0x4bc: {  	s0 =	sand.u32 $0x3FFFFC00, s1;
	s1 =	simm.s32 $0x0;
	[sflag:s19] =	ssyncset.done $0x0  }
0x4bd: {  	s0 =	sadd.s32 $0x800, s0;
	v17 =	vmov s1;
	[sflag:s19] =	ssyncadd.s32 $0xFFFFC000  }
0x4be: {  	v17 =	vshrl.u32 v17, $0x3;
	[tilespmem:s15], [sflag:$0x1] =	stream.indirect.gather [hbm4b:s5+s14], $0x20, s0, s14, $0xb8;
	[tilespmem:$0x16600] =	vst v63  }
0x4bf: {  	v17 =	vshll.u32 v17, v1;
	_ =	swait.ge [sflag:s23], $0x4000  }
0x4c0: {  	v17 =	vbroadcast v17, $0x0;
	[sflag:s23] =	ssyncset.done $0x0  }
0x4c1: {  	s29 =	simm.s32 $0xA500;
	[sflag:s23] =	ssyncadd.s32 $0xFFFFC000  }
0x4c2: {  	v19 =	vadd.s32 v0, v17;
	v18 =	vld [tilespmem:s29+$0xFFFFFF00];
	_ =	sdelay $0x4  }
0x4c3: {  	[tilespmem:v19+s21+$0x0] =	vst.idx.msk $0xffff, v18  }
0x4c4: {  	s31 =	simm.s32 $0x1;
	v17 =	vadd.s32 v2, v17;
	v18 =	vld [tilespmem:s29+$0xFFFFFF10]  }
0x4c5: {  	v19 =	vmov s31  }
0x4c6: {  	v19 =	vshrl.u32 v19, $0x3  }
0x4c7: {  	v19 =	vshll.u32 v19, v1  }
0x4c8: {  	v19 =	vbroadcast v19, $0x0  }
0x4c9: {  	[tilespmem:v17+s21+$0x0] =	vst.idx.msk $0xffff, v18  }
0x4ca: {  	v18 =	vadd.s32 v3, v19;
	v17 =	vld [tilespmem:s29+$0xFFFFFF20];
	_ =	sdelay $0x4  }
0x4cb: {  	[tilespmem:v18+s21+$0x0] =	vst.idx.msk $0xffff, v17  }
0x4cc: {  	s1 =	simm.s32 $0x2;
	v18 =	vadd.s32 v4, v19;
	v17 =	vld [tilespmem:s29+$0xFFFFFF30]  }
0x4cd: {  	v19 =	vmov s1  }
0x4ce: {  	v19 =	vshrl.u32 v19, $0x3  }
0x4cf: {  	v19 =	vshll.u32 v19, v1  }
0x4d0: {  	v19 =	vbroadcast v19, $0x0  }
0x4d1: {  	[tilespmem:v18+s21+$0x0] =	vst.idx.msk $0xffff, v17  }
0x4d2: {  	v18 =	vadd.s32 v5, v19;
	v17 =	vld [tilespmem:s29+$0xFFFFFF40];
	_ =	sdelay $0x4  }
0x4d3: {  	[tilespmem:v18+s21+$0x0] =	vst.idx.msk $0xffff, v17  }
0x4d4: {  	s31 =	simm.s32 $0x3;
	v18 =	vadd.s32 v6, v19;
	v17 =	vld [tilespmem:s29+$0xFFFFFF50]  }
0x4d5: {  	v19 =	vmov s31  }
0x4d6: {  	v19 =	vshrl.u32 v19, $0x3  }
0x4d7: {  	v19 =	vshll.u32 v19, v1  }
0x4d8: {  	v19 =	vbroadcast v19, $0x0  }
0x4d9: {  	[tilespmem:v18+s21+$0x0] =	vst.idx.msk $0xffff, v17  }
0x4da: {  	v18 =	vadd.s32 v7, v19;
	v17 =	vld [tilespmem:s29+$0xFFFFFF60];
	_ =	sdelay $0x4  }
0x4db: {  	[tilespmem:v18+s21+$0x0] =	vst.idx.msk $0xffff, v17  }
0x4dc: {  	s1 =	simm.s32 $0x4;
	v18 =	vadd.s32 v8, v19;
	v17 =	vld [tilespmem:s29+$0xFFFFFF70]  }
0x4dd: {  	v19 =	vmov s1  }
0x4de: {  	v19 =	vshrl.u32 v19, $0x3  }
0x4df: {  	v19 =	vshll.u32 v19, v1  }
0x4e0: {  	v19 =	vbroadcast v19, $0x0  }
0x4e1: {  	[tilespmem:v18+s21+$0x0] =	vst.idx.msk $0xffff, v17  }
0x4e2: {  	v18 =	vadd.s32 v9, v19;
	v17 =	vld [tilespmem:s29+$0xFFFFFF80];
	_ =	sdelay $0x4  }
0x4e3: {  	[tilespmem:v18+s21+$0x0] =	vst.idx.msk $0xffff, v17  }
0x4e4: {  	s31 =	simm.s32 $0x5;
	v18 =	vadd.s32 v10, v19;
	v17 =	vld [tilespmem:s29+$0xFFFFFF90]  }
0x4e5: {  	v19 =	vmov s31  }
0x4e6: {  	v19 =	vshrl.u32 v19, $0x3  }
0x4e7: {  	v19 =	vshll.u32 v19, v1  }
0x4e8: {  	v19 =	vbroadcast v19, $0x0  }
0x4e9: {  	[tilespmem:v18+s21+$0x0] =	vst.idx.msk $0xffff, v17  }
0x4ea: {  	v18 =	vadd.s32 v11, v19;
	v17 =	vld [tilespmem:s29+$0xFFFFFFA0];
	_ =	sdelay $0x4  }
0x4eb: {  	[tilespmem:v18+s21+$0x0] =	vst.idx.msk $0xffff, v17  }
0x4ec: {  	s1 =	simm.s32 $0x6;
	v18 =	vadd.s32 v12, v19;
	v17 =	vld [tilespmem:s29+$0xFFFFFFB0]  }
0x4ed: {  	v19 =	vmov s1  }
0x4ee: {  	v19 =	vshrl.u32 v19, $0x3  }
0x4ef: {  	v19 =	vshll.u32 v19, v1  }
0x4f0: {  	v19 =	vbroadcast v19, $0x0  }
0x4f1: {  	[tilespmem:v18+s21+$0x0] =	vst.idx.msk $0xffff, v17  }
0x4f2: {  	v18 =	vadd.s32 v13, v19;
	v17 =	vld [tilespmem:s29+$0xFFFFFFC0];
	_ =	sdelay $0x4  }
0x4f3: {  	[tilespmem:v18+s21+$0x0] =	vst.idx.msk $0xffff, v17  }
0x4f4: {  	s31 =	simm.s32 $0x7;
	v18 =	vadd.s32 v14, v19;
	v17 =	vld [tilespmem:s29+$0xFFFFFFD0]  }
0x4f5: {  	v19 =	vmov s31  }
0x4f6: {  	v19 =	vshrl.u32 v19, $0x3  }
0x4f7: {  	v19 =	vshll.u32 v19, v1  }
0x4f8: {  	v19 =	vbroadcast v19, $0x0  }
0x4f9: {  	[tilespmem:v18+s21+$0x0] =	vst.idx.msk $0xffff, v17  }
0x4fa: {  	v18 =	vadd.s32 v15, v19;
	v17 =	vld [tilespmem:s29+$0xFFFFFFE0];
	_ =	sdelay $0x4  }
0x4fb: {  	[tilespmem:v18+s21+$0x0] =	vst.idx.msk $0xffff, v17  }
0x4fc: {  	s1 =	simm.s32 $0x8;
	v18 =	vadd.s32 v16, v19;
	v17 =	vld [tilespmem:s29+$0xFFFFFFF0]  }
0x4fd: {  	v19 =	vmov s1  }
0x4fe: {  	v19 =	vshrl.u32 v19, $0x3  }
0x4ff: {  	v19 =	vshll.u32 v19, v1  }
0x500: {  	v19 =	vbroadcast v19, $0x0  }
0x501: {  	[tilespmem:v18+s21+$0x0] =	vst.idx.msk $0xffff, v17  }
0x502: {  	v18 =	vadd.s32 v0, v19;
	v17 =	vld [tilespmem:s29+$0x0];
	_ =	sdelay $0x4  }
0x503: {  	[tilespmem:v18+s21+$0x0] =	vst.idx.msk $0xffff, v17  }
0x504: {  	s31 =	simm.s32 $0x9;
	v18 =	vadd.s32 v2, v19;
	v17 =	vld [tilespmem:s29+$0x10]  }
0x505: {  	v19 =	vmov s31  }
0x506: {  	v19 =	vshrl.u32 v19, $0x3  }
0x507: {  	v19 =	vshll.u32 v19, v1  }
0x508: {  	v19 =	vbroadcast v19, $0x0  }
0x509: {  	[tilespmem:v18+s21+$0x0] =	vst.idx.msk $0xffff, v17  }
0x50a: {  	v18 =	vadd.s32 v3, v19;
	v17 =	vld [tilespmem:s29+$0x20];
	_ =	sdelay $0x4  }
0x50b: {  	[tilespmem:v18+s21+$0x0] =	vst.idx.msk $0xffff, v17  }
0x50c: {  	s1 =	simm.s32 $0xA;
	v18 =	vadd.s32 v4, v19;
	v17 =	vld [tilespmem:s29+$0x30]  }
0x50d: {  	v19 =	vmov s1  }
0x50e: {  	v19 =	vshrl.u32 v19, $0x3  }
0x50f: {  	v19 =	vshll.u32 v19, v1  }
0x510: {  	v19 =	vbroadcast v19, $0x0  }
0x511: {  	[tilespmem:v18+s21+$0x0] =	vst.idx.msk $0xffff, v17  }
0x512: {  	v18 =	vadd.s32 v5, v19;
	v17 =	vld [tilespmem:s29+$0x40];
	_ =	sdelay $0x4  }
0x513: {  	[tilespmem:v18+s21+$0x0] =	vst.idx.msk $0xffff, v17  }
0x514: {  	s31 =	simm.s32 $0xB;
	v18 =	vadd.s32 v6, v19;
	v17 =	vld [tilespmem:s29+$0x50]  }
0x515: {  	v19 =	vmov s31  }
0x516: {  	v19 =	vshrl.u32 v19, $0x3  }
0x517: {  	v19 =	vshll.u32 v19, v1  }
0x518: {  	v19 =	vbroadcast v19, $0x0  }
0x519: {  	[tilespmem:v18+s21+$0x0] =	vst.idx.msk $0xffff, v17  }
0x51a: {  	v18 =	vadd.s32 v7, v19;
	v17 =	vld [tilespmem:s29+$0x60];
	_ =	sdelay $0x4  }
0x51b: {  	[tilespmem:v18+s21+$0x0] =	vst.idx.msk $0xffff, v17  }
0x51c: {  	s1 =	simm.s32 $0xC;
	v18 =	vadd.s32 v8, v19;
	v17 =	vld [tilespmem:s29+$0x70]  }
0x51d: {  	v19 =	vmov s1  }
0x51e: {  	v19 =	vshrl.u32 v19, $0x3  }
0x51f: {  	v19 =	vshll.u32 v19, v1  }
0x520: {  	v19 =	vbroadcast v19, $0x0  }
0x521: {  	[tilespmem:v18+s21+$0x0] =	vst.idx.msk $0xffff, v17  }
0x522: {  	v18 =	vadd.s32 v9, v19;
	v17 =	vld [tilespmem:s29+$0x80];
	_ =	sdelay $0x4  }
0x523: {  	[tilespmem:v18+s21+$0x0] =	vst.idx.msk $0xffff, v17  }
0x524: {  	s31 =	simm.s32 $0xD;
	v18 =	vadd.s32 v10, v19;
	v17 =	vld [tilespmem:s29+$0x90]  }
0x525: {  	v19 =	vmov s31  }
0x526: {  	v19 =	vshrl.u32 v19, $0x3  }
0x527: {  	v19 =	vshll.u32 v19, v1  }
0x528: {  	v19 =	vbroadcast v19, $0x0  }
0x529: {  	[tilespmem:v18+s21+$0x0] =	vst.idx.msk $0xffff, v17  }
0x52a: {  	v18 =	vadd.s32 v11, v19;
	v17 =	vld [tilespmem:s29+$0xA0];
	_ =	sdelay $0x4  }
0x52b: {  	[tilespmem:v18+s21+$0x0] =	vst.idx.msk $0xffff, v17  }
0x52c: {  	s1 =	simm.s32 $0xE;
	v18 =	vadd.s32 v12, v19;
	v17 =	vld [tilespmem:s29+$0xB0]  }
0x52d: {  	v19 =	vmov s1  }
0x52e: {  	v19 =	vshrl.u32 v19, $0x3  }
0x52f: {  	v19 =	vshll.u32 v19, v1  }
0x530: {  	v19 =	vbroadcast v19, $0x0  }
0x531: {  	[tilespmem:v18+s21+$0x0] =	vst.idx.msk $0xffff, v17  }
0x532: {  	v18 =	vadd.s32 v13, v19;
	v17 =	vld [tilespmem:s29+$0xC0];
	_ =	sdelay $0x4  }
0x533: {  	[tilespmem:v18+s21+$0x0] =	vst.idx.msk $0xffff, v17  }
0x534: {  	s31 =	simm.s32 $0xF;
	v18 =	vadd.s32 v14, v19;
	v17 =	vld [tilespmem:s29+$0xD0]  }
0x535: {  	v19 =	vmov s31  }
0x536: {  	v19 =	vshrl.u32 v19, $0x3  }
0x537: {  	v19 =	vshll.u32 v19, v1  }
0x538: {  	v19 =	vbroadcast v19, $0x0  }
0x539: {  	[tilespmem:v18+s21+$0x0] =	vst.idx.msk $0xffff, v17  }
0x53a: {  	v18 =	vadd.s32 v15, v19;
	v17 =	vld [tilespmem:s29+$0xE0];
	_ =	sdelay $0x4  }
0x53b: {  	[tilespmem:v18+s21+$0x0] =	vst.idx.msk $0xffff, v17  }
0x53c: {  	s30 =	simm.s32 $0x1F;
	s0 =	simm.s32 $0x10;
	s1 =	simm.s32 $0x2F;
	v18 =	vadd.s32 v16, v19;
	v17 =	vld [tilespmem:s29+$0xF0]  }
.LBB2_15:
0x53d: {  	p0 =	sne.s32 s1, $0x1FF;
	v19 =	vmov s0  }
0x53e: {  	v19 =	vshrl.u32 v19, $0x3  }
0x53f: {  	v19 =	vshll.u32 v19, v1  }
0x540: {  	v19 =	vbroadcast v19, $0x0  }
0x541: {  	s29 =	sadd.s32 $0x200, s29;
	[tilespmem:v18+s21+$0x0] =	vst.idx.msk $0xffff, v17  }
0x542: {  	v17 =	vld [tilespmem:s29+$0xFFFFFF00];
	v18 =	vadd.s32 v0, v19;
	_ =	sdelay $0x4  }
0x543: {  	[tilespmem:v18+s21+$0x0] =	vst.idx.msk $0xffff, v17  }
0x544: {  	s0 =	sadd.s32 $0xFFFFFFF2, s30;
	v18 =	vadd.s32 v2, v19;
	v17 =	vld [tilespmem:s29+$0xFFFFFF10]  }
0x545: {  	v19 =	vmov s0  }
0x546: {  	v19 =	vshrl.u32 v19, $0x3  }
0x547: {  	v19 =	vshll.u32 v19, v1  }
0x548: {  	v19 =	vbroadcast v19, $0x0  }
0x549: {  	[tilespmem:v18+s21+$0x0] =	vst.idx.msk $0xffff, v17  }
0x54a: {  	v18 =	vadd.s32 v3, v19;
	v17 =	vld [tilespmem:s29+$0xFFFFFF20];
	_ =	sdelay $0x4  }
0x54b: {  	[tilespmem:v18+s21+$0x0] =	vst.idx.msk $0xffff, v17  }
0x54c: {  	s0 =	sadd.s32 $0xFFFFFFF3, s30;
	v18 =	vadd.s32 v4, v19;
	v17 =	vld [tilespmem:s29+$0xFFFFFF30]  }
0x54d: {  	v19 =	vmov s0  }
0x54e: {  	v19 =	vshrl.u32 v19, $0x3  }
0x54f: {  	v19 =	vshll.u32 v19, v1  }
0x550: {  	v19 =	vbroadcast v19, $0x0  }
0x551: {  	[tilespmem:v18+s21+$0x0] =	vst.idx.msk $0xffff, v17  }
0x552: {  	v18 =	vadd.s32 v5, v19;
	v17 =	vld [tilespmem:s29+$0xFFFFFF40];
	_ =	sdelay $0x4  }
0x553: {  	[tilespmem:v18+s21+$0x0] =	vst.idx.msk $0xffff, v17  }
0x554: {  	s0 =	sadd.s32 $0xFFFFFFF4, s30;
	v18 =	vadd.s32 v6, v19;
	v17 =	vld [tilespmem:s29+$0xFFFFFF50]  }
0x555: {  	v19 =	vmov s0  }
0x556: {  	v19 =	vshrl.u32 v19, $0x3  }
0x557: {  	v19 =	vshll.u32 v19, v1  }
0x558: {  	v19 =	vbroadcast v19, $0x0  }
0x559: {  	[tilespmem:v18+s21+$0x0] =	vst.idx.msk $0xffff, v17  }
0x55a: {  	v18 =	vadd.s32 v7, v19;
	v17 =	vld [tilespmem:s29+$0xFFFFFF60];
	_ =	sdelay $0x4  }
0x55b: {  	[tilespmem:v18+s21+$0x0] =	vst.idx.msk $0xffff, v17  }
0x55c: {  	s0 =	sadd.s32 $0xFFFFFFF5, s30;
	v18 =	vadd.s32 v8, v19;
	v17 =	vld [tilespmem:s29+$0xFFFFFF70]  }
0x55d: {  	v19 =	vmov s0  }
0x55e: {  	v19 =	vshrl.u32 v19, $0x3  }
0x55f: {  	v19 =	vshll.u32 v19, v1  }
0x560: {  	v19 =	vbroadcast v19, $0x0  }
0x561: {  	[tilespmem:v18+s21+$0x0] =	vst.idx.msk $0xffff, v17  }
0x562: {  	v18 =	vadd.s32 v9, v19;
	v17 =	vld [tilespmem:s29+$0xFFFFFF80];
	_ =	sdelay $0x4  }
0x563: {  	[tilespmem:v18+s21+$0x0] =	vst.idx.msk $0xffff, v17  }
0x564: {  	s0 =	sadd.s32 $0xFFFFFFF6, s30;
	v18 =	vadd.s32 v10, v19;
	v17 =	vld [tilespmem:s29+$0xFFFFFF90]  }
0x565: {  	v19 =	vmov s0  }
0x566: {  	v19 =	vshrl.u32 v19, $0x3  }
0x567: {  	v19 =	vshll.u32 v19, v1  }
0x568: {  	v19 =	vbroadcast v19, $0x0  }
0x569: {  	[tilespmem:v18+s21+$0x0] =	vst.idx.msk $0xffff, v17  }
0x56a: {  	v18 =	vadd.s32 v11, v19;
	v17 =	vld [tilespmem:s29+$0xFFFFFFA0];
	_ =	sdelay $0x4  }
0x56b: {  	[tilespmem:v18+s21+$0x0] =	vst.idx.msk $0xffff, v17  }
0x56c: {  	s0 =	sadd.s32 $0xFFFFFFF7, s30;
	v18 =	vadd.s32 v12, v19;
	v17 =	vld [tilespmem:s29+$0xFFFFFFB0]  }
0x56d: {  	v19 =	vmov s0  }
0x56e: {  	v19 =	vshrl.u32 v19, $0x3  }
0x56f: {  	v19 =	vshll.u32 v19, v1  }
0x570: {  	v19 =	vbroadcast v19, $0x0  }
0x571: {  	[tilespmem:v18+s21+$0x0] =	vst.idx.msk $0xffff, v17  }
0x572: {  	v18 =	vadd.s32 v13, v19;
	v17 =	vld [tilespmem:s29+$0xFFFFFFC0];
	_ =	sdelay $0x4  }
0x573: {  	[tilespmem:v18+s21+$0x0] =	vst.idx.msk $0xffff, v17  }
0x574: {  	s0 =	sadd.s32 $0xFFFFFFF8, s30;
	v18 =	vadd.s32 v14, v19;
	v17 =	vld [tilespmem:s29+$0xFFFFFFD0]  }
0x575: {  	v19 =	vmov s0  }
0x576: {  	v19 =	vshrl.u32 v19, $0x3  }
0x577: {  	v19 =	vshll.u32 v19, v1  }
0x578: {  	v19 =	vbroadcast v19, $0x0  }
0x579: {  	[tilespmem:v18+s21+$0x0] =	vst.idx.msk $0xffff, v17  }
0x57a: {  	v18 =	vadd.s32 v15, v19;
	v17 =	vld [tilespmem:s29+$0xFFFFFFE0];
	_ =	sdelay $0x4  }
0x57b: {  	[tilespmem:v18+s21+$0x0] =	vst.idx.msk $0xffff, v17  }
0x57c: {  	s0 =	sadd.s32 $0xFFFFFFF9, s30;
	v18 =	vadd.s32 v16, v19;
	v17 =	vld [tilespmem:s29+$0xFFFFFFF0]  }
0x57d: {  	v19 =	vmov s0  }
0x57e: {  	v19 =	vshrl.u32 v19, $0x3  }
0x57f: {  	v19 =	vshll.u32 v19, v1  }
0x580: {  	v19 =	vbroadcast v19, $0x0  }
0x581: {  	[tilespmem:v18+s21+$0x0] =	vst.idx.msk $0xffff, v17  }
0x582: {  	v18 =	vadd.s32 v0, v19;
	v17 =	vld [tilespmem:s29+$0x0];
	_ =	sdelay $0x4  }
0x583: {  	[tilespmem:v18+s21+$0x0] =	vst.idx.msk $0xffff, v17  }
0x584: {  	s0 =	sadd.s32 $0xFFFFFFFA, s30;
	v18 =	vadd.s32 v2, v19;
	v17 =	vld [tilespmem:s29+$0x10]  }
0x585: {  	v19 =	vmov s0  }
0x586: {  	v19 =	vshrl.u32 v19, $0x3  }
0x587: {  	v19 =	vshll.u32 v19, v1  }
0x588: {  	v19 =	vbroadcast v19, $0x0  }
0x589: {  	[tilespmem:v18+s21+$0x0] =	vst.idx.msk $0xffff, v17  }
0x58a: {  	v18 =	vadd.s32 v3, v19;
	v17 =	vld [tilespmem:s29+$0x20];
	_ =	sdelay $0x4  }
0x58b: {  	[tilespmem:v18+s21+$0x0] =	vst.idx.msk $0xffff, v17  }
0x58c: {  	s0 =	sadd.s32 $0xFFFFFFFB, s30;
	v18 =	vadd.s32 v4, v19;
	v17 =	vld [tilespmem:s29+$0x30]  }
0x58d: {  	v19 =	vmov s0  }
0x58e: {  	v19 =	vshrl.u32 v19, $0x3  }
0x58f: {  	v19 =	vshll.u32 v19, v1  }
0x590: {  	v19 =	vbroadcast v19, $0x0  }
0x591: {  	[tilespmem:v18+s21+$0x0] =	vst.idx.msk $0xffff, v17  }
0x592: {  	v18 =	vadd.s32 v5, v19;
	v17 =	vld [tilespmem:s29+$0x40];
	_ =	sdelay $0x4  }
0x593: {  	[tilespmem:v18+s21+$0x0] =	vst.idx.msk $0xffff, v17  }
0x594: {  	s0 =	sadd.s32 $0xFFFFFFFC, s30;
	v18 =	vadd.s32 v6, v19;
	v17 =	vld [tilespmem:s29+$0x50]  }
0x595: {  	v19 =	vmov s0  }
0x596: {  	v19 =	vshrl.u32 v19, $0x3  }
0x597: {  	v19 =	vshll.u32 v19, v1  }
0x598: {  	v19 =	vbroadcast v19, $0x0  }
0x599: {  	[tilespmem:v18+s21+$0x0] =	vst.idx.msk $0xffff, v17  }
0x59a: {  	v18 =	vadd.s32 v7, v19;
	v17 =	vld [tilespmem:s29+$0x60];
	_ =	sdelay $0x4  }
0x59b: {  	[tilespmem:v18+s21+$0x0] =	vst.idx.msk $0xffff, v17  }
0x59c: {  	s0 =	sadd.s32 $0xFFFFFFFD, s30;
	v18 =	vadd.s32 v8, v19;
	v17 =	vld [tilespmem:s29+$0x70]  }
0x59d: {  	v19 =	vmov s0  }
0x59e: {  	v19 =	vshrl.u32 v19, $0x3  }
0x59f: {  	v19 =	vshll.u32 v19, v1  }
0x5a0: {  	v19 =	vbroadcast v19, $0x0  }
0x5a1: {  	[tilespmem:v18+s21+$0x0] =	vst.idx.msk $0xffff, v17  }
0x5a2: {  	v18 =	vadd.s32 v9, v19;
	v17 =	vld [tilespmem:s29+$0x80];
	_ =	sdelay $0x4  }
0x5a3: {  	[tilespmem:v18+s21+$0x0] =	vst.idx.msk $0xffff, v17  }
0x5a4: {  	s0 =	sadd.s32 $0xFFFFFFFE, s30;
	v18 =	vadd.s32 v10, v19;
	v17 =	vld [tilespmem:s29+$0x90]  }
0x5a5: {  	v19 =	vmov s0  }
0x5a6: {  	v19 =	vshrl.u32 v19, $0x3  }
0x5a7: {  	v19 =	vshll.u32 v19, v1  }
0x5a8: {  	v19 =	vbroadcast v19, $0x0  }
0x5a9: {  	[tilespmem:v18+s21+$0x0] =	vst.idx.msk $0xffff, v17  }
0x5aa: {  	v18 =	vadd.s32 v11, v19;
	v17 =	vld [tilespmem:s29+$0xA0];
	_ =	sdelay $0x4  }
0x5ab: {  	[tilespmem:v18+s21+$0x0] =	vst.idx.msk $0xffff, v17  }
0x5ac: {  	s0 =	sadd.s32 $0xFFFFFFFF, s30;
	v18 =	vadd.s32 v12, v19;
	v17 =	vld [tilespmem:s29+$0xB0]  }
0x5ad: {  	v19 =	vmov s0  }
0x5ae: {  	v19 =	vshrl.u32 v19, $0x3  }
0x5af: {  	v19 =	vshll.u32 v19, v1  }
0x5b0: {  	v19 =	vbroadcast v19, $0x0  }
0x5b1: {  	[tilespmem:v18+s21+$0x0] =	vst.idx.msk $0xffff, v17  }
0x5b2: {  	v18 =	vadd.s32 v13, v19;
	v17 =	vld [tilespmem:s29+$0xC0];
	_ =	sdelay $0x4  }
0x5b3: {  	[tilespmem:v18+s21+$0x0] =	vst.idx.msk $0xffff, v17  }
0x5b4: {  	v18 =	vadd.s32 v14, v19;
	v17 =	vld [tilespmem:s29+$0xD0]  }
0x5b5: {  	v19 =	vmov s30;
	s30 =	smov.u32 s1  }
0x5b6: {  	v19 =	vshrl.u32 v19, $0x3  }
0x5b7: {  	v19 =	vshll.u32 v19, v1  }
0x5b8: {  	v19 =	vbroadcast v19, $0x0  }
0x5b9: {  	[tilespmem:v18+s21+$0x0] =	vst.idx.msk $0xffff, v17  }
0x5ba: {  	v18 =	vadd.s32 v15, v19;
	v17 =	vld [tilespmem:s29+$0xE0];
	_ =	sdelay $0x1  }
.Ltmp6:
0x5bb: {  	(pc) =	sbr.rel @p0 .LBB2_15-.Ltmp6, $3  }
0x5bc: {  	_ =	sdelay $0x1  }
0x5bd: {  	[tilespmem:v18+s21+$0x0] =	vst.idx.msk $0xffff, v17  }
0x5be: {  	s1 =	sadd.s32 $0x10, s1;
	s0 =	sadd.s32 $0xFFFFFFF1, s30;
	v18 =	vadd.s32 v16, v19;
	v17 =	vld [tilespmem:s29+$0xF0]  }
0x5bf: {  	v19 =	vmov s0  }
0x5c0: {  	v19 =	vshrl.u32 v19, $0x3  }
0x5c1: {  	v19 =	vshll.u32 v19, v1  }
0x5c2: {  	v19 =	vbroadcast v19, $0x0  }
0x5c3: {  	s1 =	sadd.s32 $0x200, s29;
	[tilespmem:v18+s21+$0x0] =	vst.idx.msk $0xffff, v17  }
0x5c4: {  	v17 =	vld [tilespmem:s1+$0xFFFFFF00];
	v18 =	vadd.s32 v0, v19;
	_ =	sdelay $0x4  }
0x5c5: {  	[tilespmem:v18+s21+$0x0] =	vst.idx.msk $0xffff, v17  }
0x5c6: {  	s31 =	sadd.s32 $0xFFFFFFF2, s30;
	v18 =	vadd.s32 v2, v19;
	v17 =	vld [tilespmem:s1+$0xFFFFFF10]  }
0x5c7: {  	v19 =	vmov s31  }
0x5c8: {  	v19 =	vshrl.u32 v19, $0x3  }
0x5c9: {  	v19 =	vshll.u32 v19, v1  }
0x5ca: {  	v19 =	vbroadcast v19, $0x0  }
0x5cb: {  	[tilespmem:v18+s21+$0x0] =	vst.idx.msk $0xffff, v17  }
0x5cc: {  	v18 =	vadd.s32 v3, v19;
	v17 =	vld [tilespmem:s1+$0xFFFFFF20];
	_ =	sdelay $0x4  }
0x5cd: {  	[tilespmem:v18+s21+$0x0] =	vst.idx.msk $0xffff, v17  }
0x5ce: {  	s31 =	sadd.s32 $0xFFFFFFF3, s30;
	v18 =	vadd.s32 v4, v19;
	v17 =	vld [tilespmem:s1+$0xFFFFFF30]  }
0x5cf: {  	v19 =	vmov s31  }
0x5d0: {  	v19 =	vshrl.u32 v19, $0x3  }
0x5d1: {  	v19 =	vshll.u32 v19, v1  }
0x5d2: {  	v19 =	vbroadcast v19, $0x0  }
0x5d3: {  	[tilespmem:v18+s21+$0x0] =	vst.idx.msk $0xffff, v17  }
0x5d4: {  	v18 =	vadd.s32 v5, v19;
	v17 =	vld [tilespmem:s1+$0xFFFFFF40];
	_ =	sdelay $0x4  }
0x5d5: {  	[tilespmem:v18+s21+$0x0] =	vst.idx.msk $0xffff, v17  }
0x5d6: {  	s31 =	sadd.s32 $0xFFFFFFF4, s30;
	v18 =	vadd.s32 v6, v19;
	v17 =	vld [tilespmem:s1+$0xFFFFFF50]  }
0x5d7: {  	v19 =	vmov s31  }
0x5d8: {  	v19 =	vshrl.u32 v19, $0x3  }
0x5d9: {  	v19 =	vshll.u32 v19, v1  }
0x5da: {  	v19 =	vbroadcast v19, $0x0  }
0x5db: {  	[tilespmem:v18+s21+$0x0] =	vst.idx.msk $0xffff, v17  }
0x5dc: {  	v18 =	vadd.s32 v7, v19;
	v17 =	vld [tilespmem:s1+$0xFFFFFF60];
	_ =	sdelay $0x4  }
0x5dd: {  	[tilespmem:v18+s21+$0x0] =	vst.idx.msk $0xffff, v17  }
0x5de: {  	s31 =	sadd.s32 $0xFFFFFFF5, s30;
	v18 =	vadd.s32 v8, v19;
	v17 =	vld [tilespmem:s1+$0xFFFFFF70]  }
0x5df: {  	v19 =	vmov s31  }
0x5e0: {  	v19 =	vshrl.u32 v19, $0x3  }
0x5e1: {  	v19 =	vshll.u32 v19, v1  }
0x5e2: {  	v19 =	vbroadcast v19, $0x0  }
0x5e3: {  	[tilespmem:v18+s21+$0x0] =	vst.idx.msk $0xffff, v17  }
0x5e4: {  	v18 =	vadd.s32 v9, v19;
	v17 =	vld [tilespmem:s1+$0xFFFFFF80];
	_ =	sdelay $0x4  }
0x5e5: {  	[tilespmem:v18+s21+$0x0] =	vst.idx.msk $0xffff, v17  }
0x5e6: {  	s31 =	sadd.s32 $0xFFFFFFF6, s30;
	v18 =	vadd.s32 v10, v19;
	v17 =	vld [tilespmem:s1+$0xFFFFFF90]  }
0x5e7: {  	v19 =	vmov s31  }
0x5e8: {  	v19 =	vshrl.u32 v19, $0x3  }
0x5e9: {  	v19 =	vshll.u32 v19, v1  }
0x5ea: {  	v19 =	vbroadcast v19, $0x0  }
0x5eb: {  	[tilespmem:v18+s21+$0x0] =	vst.idx.msk $0xffff, v17  }
0x5ec: {  	v18 =	vadd.s32 v11, v19;
	v17 =	vld [tilespmem:s1+$0xFFFFFFA0];
	_ =	sdelay $0x4  }
0x5ed: {  	[tilespmem:v18+s21+$0x0] =	vst.idx.msk $0xffff, v17  }
0x5ee: {  	s31 =	sadd.s32 $0xFFFFFFF7, s30;
	v18 =	vadd.s32 v12, v19;
	v17 =	vld [tilespmem:s1+$0xFFFFFFB0]  }
0x5ef: {  	v19 =	vmov s31  }
0x5f0: {  	v19 =	vshrl.u32 v19, $0x3  }
0x5f1: {  	v19 =	vshll.u32 v19, v1  }
0x5f2: {  	v19 =	vbroadcast v19, $0x0  }
0x5f3: {  	[tilespmem:v18+s21+$0x0] =	vst.idx.msk $0xffff, v17  }
0x5f4: {  	v18 =	vadd.s32 v13, v19;
	v17 =	vld [tilespmem:s1+$0xFFFFFFC0];
	_ =	sdelay $0x4  }
0x5f5: {  	[tilespmem:v18+s21+$0x0] =	vst.idx.msk $0xffff, v17  }
0x5f6: {  	s31 =	sadd.s32 $0xFFFFFFF8, s30;
	v18 =	vadd.s32 v14, v19;
	v17 =	vld [tilespmem:s1+$0xFFFFFFD0]  }
0x5f7: {  	v19 =	vmov s31  }
0x5f8: {  	v19 =	vshrl.u32 v19, $0x3  }
0x5f9: {  	v19 =	vshll.u32 v19, v1  }
0x5fa: {  	v19 =	vbroadcast v19, $0x0  }
0x5fb: {  	[tilespmem:v18+s21+$0x0] =	vst.idx.msk $0xffff, v17  }
0x5fc: {  	v18 =	vadd.s32 v15, v19;
	v17 =	vld [tilespmem:s1+$0xFFFFFFE0];
	_ =	sdelay $0x4  }
0x5fd: {  	[tilespmem:v18+s21+$0x0] =	vst.idx.msk $0xffff, v17  }
0x5fe: {  	s31 =	sadd.s32 $0xFFFFFFF9, s30;
	v18 =	vadd.s32 v16, v19;
	v17 =	vld [tilespmem:s1+$0xFFFFFFF0]  }
0x5ff: {  	v19 =	vmov s31  }
0x600: {  	v19 =	vshrl.u32 v19, $0x3  }
0x601: {  	v19 =	vshll.u32 v19, v1  }
0x602: {  	v19 =	vbroadcast v19, $0x0  }
0x603: {  	[tilespmem:v18+s21+$0x0] =	vst.idx.msk $0xffff, v17  }
0x604: {  	v18 =	vadd.s32 v0, v19;
	v17 =	vld [tilespmem:s1+$0x0];
	_ =	sdelay $0x4  }
0x605: {  	[tilespmem:v18+s21+$0x0] =	vst.idx.msk $0xffff, v17  }
0x606: {  	s31 =	sadd.s32 $0xFFFFFFFA, s30;
	v18 =	vadd.s32 v2, v19;
	v17 =	vld [tilespmem:s1+$0x10]  }
0x607: {  	v19 =	vmov s31  }
0x608: {  	v19 =	vshrl.u32 v19, $0x3  }
0x609: {  	v19 =	vshll.u32 v19, v1  }
0x60a: {  	v19 =	vbroadcast v19, $0x0  }
0x60b: {  	[tilespmem:v18+s21+$0x0] =	vst.idx.msk $0xffff, v17  }
0x60c: {  	v18 =	vadd.s32 v3, v19;
	v17 =	vld [tilespmem:s1+$0x20];
	_ =	sdelay $0x4  }
0x60d: {  	[tilespmem:v18+s21+$0x0] =	vst.idx.msk $0xffff, v17  }
0x60e: {  	s31 =	sadd.s32 $0xFFFFFFFB, s30;
	v18 =	vadd.s32 v4, v19;
	v17 =	vld [tilespmem:s1+$0x30]  }
0x60f: {  	v19 =	vmov s31  }
0x610: {  	v19 =	vshrl.u32 v19, $0x3  }
0x611: {  	v19 =	vshll.u32 v19, v1  }
0x612: {  	v19 =	vbroadcast v19, $0x0  }
0x613: {  	[tilespmem:v18+s21+$0x0] =	vst.idx.msk $0xffff, v17  }
0x614: {  	v18 =	vadd.s32 v5, v19;
	v17 =	vld [tilespmem:s1+$0x40];
	_ =	sdelay $0x4  }
0x615: {  	[tilespmem:v18+s21+$0x0] =	vst.idx.msk $0xffff, v17  }
0x616: {  	s31 =	sadd.s32 $0xFFFFFFFC, s30;
	v18 =	vadd.s32 v6, v19;
	v17 =	vld [tilespmem:s1+$0x50]  }
0x617: {  	v19 =	vmov s31  }
0x618: {  	v19 =	vshrl.u32 v19, $0x3  }
0x619: {  	v19 =	vshll.u32 v19, v1  }
0x61a: {  	v19 =	vbroadcast v19, $0x0  }
0x61b: {  	[tilespmem:v18+s21+$0x0] =	vst.idx.msk $0xffff, v17  }
0x61c: {  	v18 =	vadd.s32 v7, v19;
	v17 =	vld [tilespmem:s1+$0x60];
	_ =	sdelay $0x4  }
0x61d: {  	[tilespmem:v18+s21+$0x0] =	vst.idx.msk $0xffff, v17  }
0x61e: {  	s31 =	sadd.s32 $0xFFFFFFFD, s30;
	v18 =	vadd.s32 v8, v19;
	v17 =	vld [tilespmem:s1+$0x70]  }
0x61f: {  	v19 =	vmov s31  }
0x620: {  	v19 =	vshrl.u32 v19, $0x3  }
0x621: {  	v19 =	vshll.u32 v19, v1  }
0x622: {  	v19 =	vbroadcast v19, $0x0  }
0x623: {  	[tilespmem:v18+s21+$0x0] =	vst.idx.msk $0xffff, v17  }
0x624: {  	v18 =	vadd.s32 v9, v19;
	v17 =	vld [tilespmem:s1+$0x80];
	_ =	sdelay $0x4  }
0x625: {  	[tilespmem:v18+s21+$0x0] =	vst.idx.msk $0xffff, v17  }
0x626: {  	s31 =	sadd.s32 $0xFFFFFFFE, s30;
	v18 =	vadd.s32 v10, v19;
	v17 =	vld [tilespmem:s1+$0x90]  }
0x627: {  	v19 =	vmov s31  }
0x628: {  	v19 =	vshrl.u32 v19, $0x3  }
0x629: {  	v19 =	vshll.u32 v19, v1  }
0x62a: {  	v19 =	vbroadcast v19, $0x0  }
0x62b: {  	[tilespmem:v18+s21+$0x0] =	vst.idx.msk $0xffff, v17  }
0x62c: {  	v18 =	vadd.s32 v11, v19;
	v17 =	vld [tilespmem:s1+$0xA0];
	_ =	sdelay $0x4  }
0x62d: {  	[tilespmem:v18+s21+$0x0] =	vst.idx.msk $0xffff, v17  }
0x62e: {  	s31 =	sadd.s32 $0xFFFFFFFF, s30;
	v18 =	vadd.s32 v12, v19;
	v17 =	vld [tilespmem:s1+$0xB0]  }
0x62f: {  	v19 =	vmov s31  }
0x630: {  	v19 =	vshrl.u32 v19, $0x3  }
0x631: {  	v19 =	vshll.u32 v19, v1  }
0x632: {  	v19 =	vbroadcast v19, $0x0  }
0x633: {  	[tilespmem:v18+s21+$0x0] =	vst.idx.msk $0xffff, v17  }
0x634: {  	v18 =	vadd.s32 v13, v19;
	v17 =	vld [tilespmem:s1+$0xC0];
	_ =	sdelay $0x4  }
0x635: {  	[tilespmem:v18+s21+$0x0] =	vst.idx.msk $0xffff, v17  }
0x636: {  	v18 =	vadd.s32 v14, v19;
	v17 =	vld [tilespmem:s1+$0xD0]  }
0x637: {  	v19 =	vmov s30  }
0x638: {  	v19 =	vshrl.u32 v19, $0x3  }
0x639: {  	v19 =	vshll.u32 v19, v1  }
0x63a: {  	v19 =	vbroadcast v19, $0x0  }
0x63b: {  	[tilespmem:v18+s21+$0x0] =	vst.idx.msk $0xffff, v17  }
0x63c: {  	v18 =	vadd.s32 v15, v19;
	v17 =	vld [tilespmem:s1+$0xE0];
	_ =	sdelay $0x4  }
0x63d: {  	[tilespmem:v18+s21+$0x0] =	vst.idx.msk $0xffff, v17  }
0x63e: {  	v18 =	vadd.s32 v16, v19;
	v17 =	vld [tilespmem:s1+$0xF0];
	s1 =	sadd.s32 s4, s28  }
0x63f: {  	s31 =	sshll.u32 s1, $0x6  }
0x640: {  	s0 =	sshll.u32 s1, $0xB;
	s1 =	sand.u32 $0x1C0, s31  }
0x641: {  	s0 =	sand.u32 $0xFFFC000, s0;
	s1 =	sadd.s32 s3, s1  }
0x642: {  	s29 =	simm.s32 $0x200;
	s1 =	sadd.s32 s0, s1  }
0x643: {  	s30 =	simm.s32 $0x12708;
	s28 =	simm.s32 $0x12500;
	[tilespmem:v18+s21+$0x0] =	vst.idx.msk $0xffff, v17;
	s0 =	sadd.s32 $0x0, s1  }
.LBB2_17:
0x644: {  	[hbm4b:s0+s2] =	stream.linear.scatter [tilespmem:s28], [sflag:$0x4], $0x200, $0x38;
	[tilespmem:$0x16600] =	vst v63  }
0x645: {  	s0 =	smov.u32 s29;
	s28 =	smov.u32 s30;
	p0 =	sne.s32 s29, $0x3E00  }
.Ltmp7:
0x646: {  	s29 =	sadd.s32 $0x200, s29;
	(pc) =	sbr.rel @p0 .LBB2_17-.Ltmp7, $2  }
0x647: {  	_ =	sdelay $0x2  }
0x648: {  	s30 =	sadd.s32 $0x208, s30;
	s0 =	sadd.s32 s0, s1  }
0x649: {  	s26 =	sadd.s32 $0x1, s26  }
0x64a: {  	p0 =	sne.s32 s26, $0x17  }
.Ltmp8:
0x64b: {  	_ = 	snop;
	(pc) =	sbr.rel @p0 .LBB2_10-.Ltmp8, $2  }
0x64c: {  	_ =	sdelay $0x2  }
0x64d: {  	[hbm4b:s0+s2] =	stream.linear.scatter [tilespmem:s28], [sflag:$0x4], $0x200, $0x38;
	[tilespmem:$0x16600] =	vst v63  }
0x64e: {  	_ =	swait.ge [sflag:s17], $0x4000  }
0x64f: {  	s0 =	simm.s32 $0x0;
	[sflag:s17] =	ssyncset.done $0x0  }
0x650: {  	v17 =	vmov s0;
	[sflag:s17] =	ssyncadd.s32 $0xFFFFC000  }
0x651: {  	v17 =	vshrl.u32 v17, $0x3;
	[tilespmem:s16], [sflag:$0x2] =	stream.indirect.gather [hbm4b:s5+s14], $0x20, s24, s14, $0xb8;
	[tilespmem:$0x16600] =	vst v63  }
0x652: {  	v17 =	vshll.u32 v17, v1;
	_ =	swait.ge [sflag:s22], $0x4000  }
0x653: {  	v17 =	vbroadcast v17, $0x0;
	[sflag:s22] =	ssyncset.done $0x0  }
0x654: {  	s26 =	simm.s32 $0x6500;
	[sflag:s22] =	ssyncadd.s32 $0xFFFFC000  }
0x655: {  	v19 =	vadd.s32 v0, v17;
	v18 =	vld [tilespmem:s26+$0xFFFFFF00];
	_ =	sdelay $0x4  }
0x656: {  	[tilespmem:v19+s18+$0x0] =	vst.idx.msk $0xffff, v18  }
0x657: {  	s29 =	simm.s32 $0x1;
	v17 =	vadd.s32 v2, v17;
	v18 =	vld [tilespmem:s26+$0xFFFFFF10]  }
0x658: {  	v19 =	vmov s29  }
0x659: {  	v19 =	vshrl.u32 v19, $0x3  }
0x65a: {  	v19 =	vshll.u32 v19, v1  }
0x65b: {  	v19 =	vbroadcast v19, $0x0  }
0x65c: {  	[tilespmem:v17+s18+$0x0] =	vst.idx.msk $0xffff, v18  }
0x65d: {  	v18 =	vadd.s32 v3, v19;
	v17 =	vld [tilespmem:s26+$0xFFFFFF20];
	_ =	sdelay $0x4  }
0x65e: {  	[tilespmem:v18+s18+$0x0] =	vst.idx.msk $0xffff, v17  }
0x65f: {  	s30 =	simm.s32 $0x2;
	v18 =	vadd.s32 v4, v19;
	v17 =	vld [tilespmem:s26+$0xFFFFFF30]  }
0x660: {  	v19 =	vmov s30  }
0x661: {  	v19 =	vshrl.u32 v19, $0x3  }
0x662: {  	v19 =	vshll.u32 v19, v1  }
0x663: {  	v19 =	vbroadcast v19, $0x0  }
0x664: {  	[tilespmem:v18+s18+$0x0] =	vst.idx.msk $0xffff, v17  }
0x665: {  	v18 =	vadd.s32 v5, v19;
	v17 =	vld [tilespmem:s26+$0xFFFFFF40];
	_ =	sdelay $0x4  }
0x666: {  	[tilespmem:v18+s18+$0x0] =	vst.idx.msk $0xffff, v17  }
0x667: {  	s31 =	simm.s32 $0x3;
	v18 =	vadd.s32 v6, v19;
	v17 =	vld [tilespmem:s26+$0xFFFFFF50]  }
0x668: {  	v19 =	vmov s31  }
0x669: {  	v19 =	vshrl.u32 v19, $0x3  }
0x66a: {  	v19 =	vshll.u32 v19, v1  }
0x66b: {  	v19 =	vbroadcast v19, $0x0  }
0x66c: {  	[tilespmem:v18+s18+$0x0] =	vst.idx.msk $0xffff, v17  }
0x66d: {  	v18 =	vadd.s32 v7, v19;
	v17 =	vld [tilespmem:s26+$0xFFFFFF60];
	_ =	sdelay $0x4  }
0x66e: {  	[tilespmem:v18+s18+$0x0] =	vst.idx.msk $0xffff, v17  }
0x66f: {  	s1 =	simm.s32 $0x4;
	v18 =	vadd.s32 v8, v19;
	v17 =	vld [tilespmem:s26+$0xFFFFFF70]  }
0x670: {  	v19 =	vmov s1  }
0x671: {  	v19 =	vshrl.u32 v19, $0x3  }
0x672: {  	v19 =	vshll.u32 v19, v1  }
0x673: {  	v19 =	vbroadcast v19, $0x0  }
0x674: {  	[tilespmem:v18+s18+$0x0] =	vst.idx.msk $0xffff, v17  }
0x675: {  	v18 =	vadd.s32 v9, v19;
	v17 =	vld [tilespmem:s26+$0xFFFFFF80];
	_ =	sdelay $0x4  }
0x676: {  	[tilespmem:v18+s18+$0x0] =	vst.idx.msk $0xffff, v17  }
0x677: {  	s29 =	simm.s32 $0x5;
	v18 =	vadd.s32 v10, v19;
	v17 =	vld [tilespmem:s26+$0xFFFFFF90]  }
0x678: {  	v19 =	vmov s29  }
0x679: {  	v19 =	vshrl.u32 v19, $0x3  }
0x67a: {  	v19 =	vshll.u32 v19, v1  }
0x67b: {  	v19 =	vbroadcast v19, $0x0  }
0x67c: {  	[tilespmem:v18+s18+$0x0] =	vst.idx.msk $0xffff, v17  }
0x67d: {  	v18 =	vadd.s32 v11, v19;
	v17 =	vld [tilespmem:s26+$0xFFFFFFA0];
	_ =	sdelay $0x4  }
0x67e: {  	[tilespmem:v18+s18+$0x0] =	vst.idx.msk $0xffff, v17  }
0x67f: {  	s30 =	simm.s32 $0x6;
	v18 =	vadd.s32 v12, v19;
	v17 =	vld [tilespmem:s26+$0xFFFFFFB0]  }
0x680: {  	v19 =	vmov s30  }
0x681: {  	v19 =	vshrl.u32 v19, $0x3  }
0x682: {  	v19 =	vshll.u32 v19, v1  }
0x683: {  	v19 =	vbroadcast v19, $0x0  }
0x684: {  	[tilespmem:v18+s18+$0x0] =	vst.idx.msk $0xffff, v17  }
0x685: {  	v18 =	vadd.s32 v13, v19;
	v17 =	vld [tilespmem:s26+$0xFFFFFFC0];
	_ =	sdelay $0x4  }
0x686: {  	[tilespmem:v18+s18+$0x0] =	vst.idx.msk $0xffff, v17  }
0x687: {  	s31 =	simm.s32 $0x7;
	v18 =	vadd.s32 v14, v19;
	v17 =	vld [tilespmem:s26+$0xFFFFFFD0]  }
0x688: {  	v19 =	vmov s31  }
0x689: {  	v19 =	vshrl.u32 v19, $0x3  }
0x68a: {  	v19 =	vshll.u32 v19, v1  }
0x68b: {  	v19 =	vbroadcast v19, $0x0  }
0x68c: {  	[tilespmem:v18+s18+$0x0] =	vst.idx.msk $0xffff, v17  }
0x68d: {  	v18 =	vadd.s32 v15, v19;
	v17 =	vld [tilespmem:s26+$0xFFFFFFE0];
	_ =	sdelay $0x4  }
0x68e: {  	[tilespmem:v18+s18+$0x0] =	vst.idx.msk $0xffff, v17  }
0x68f: {  	s1 =	simm.s32 $0x8;
	v18 =	vadd.s32 v16, v19;
	v17 =	vld [tilespmem:s26+$0xFFFFFFF0]  }
0x690: {  	v19 =	vmov s1  }
0x691: {  	v19 =	vshrl.u32 v19, $0x3  }
0x692: {  	v19 =	vshll.u32 v19, v1  }
0x693: {  	v19 =	vbroadcast v19, $0x0  }
0x694: {  	[tilespmem:v18+s18+$0x0] =	vst.idx.msk $0xffff, v17  }
0x695: {  	v18 =	vadd.s32 v0, v19;
	v17 =	vld [tilespmem:s26+$0x0];
	_ =	sdelay $0x4  }
0x696: {  	[tilespmem:v18+s18+$0x0] =	vst.idx.msk $0xffff, v17  }
0x697: {  	s29 =	simm.s32 $0x9;
	v18 =	vadd.s32 v2, v19;
	v17 =	vld [tilespmem:s26+$0x10]  }
0x698: {  	v19 =	vmov s29  }
0x699: {  	v19 =	vshrl.u32 v19, $0x3  }
0x69a: {  	v19 =	vshll.u32 v19, v1  }
0x69b: {  	v19 =	vbroadcast v19, $0x0  }
0x69c: {  	[tilespmem:v18+s18+$0x0] =	vst.idx.msk $0xffff, v17  }
0x69d: {  	v18 =	vadd.s32 v3, v19;
	v17 =	vld [tilespmem:s26+$0x20];
	_ =	sdelay $0x4  }
0x69e: {  	[tilespmem:v18+s18+$0x0] =	vst.idx.msk $0xffff, v17  }
0x69f: {  	s30 =	simm.s32 $0xA;
	v18 =	vadd.s32 v4, v19;
	v17 =	vld [tilespmem:s26+$0x30]  }
0x6a0: {  	v19 =	vmov s30  }
0x6a1: {  	v19 =	vshrl.u32 v19, $0x3  }
0x6a2: {  	v19 =	vshll.u32 v19, v1  }
0x6a3: {  	v19 =	vbroadcast v19, $0x0  }
0x6a4: {  	[tilespmem:v18+s18+$0x0] =	vst.idx.msk $0xffff, v17  }
0x6a5: {  	v18 =	vadd.s32 v5, v19;
	v17 =	vld [tilespmem:s26+$0x40];
	_ =	sdelay $0x4  }
0x6a6: {  	[tilespmem:v18+s18+$0x0] =	vst.idx.msk $0xffff, v17  }
0x6a7: {  	s31 =	simm.s32 $0xB;
	v18 =	vadd.s32 v6, v19;
	v17 =	vld [tilespmem:s26+$0x50]  }
0x6a8: {  	v19 =	vmov s31  }
0x6a9: {  	v19 =	vshrl.u32 v19, $0x3  }
0x6aa: {  	v19 =	vshll.u32 v19, v1  }
0x6ab: {  	v19 =	vbroadcast v19, $0x0  }
0x6ac: {  	[tilespmem:v18+s18+$0x0] =	vst.idx.msk $0xffff, v17  }
0x6ad: {  	v18 =	vadd.s32 v7, v19;
	v17 =	vld [tilespmem:s26+$0x60];
	_ =	sdelay $0x4  }
0x6ae: {  	[tilespmem:v18+s18+$0x0] =	vst.idx.msk $0xffff, v17  }
0x6af: {  	s1 =	simm.s32 $0xC;
	v18 =	vadd.s32 v8, v19;
	v17 =	vld [tilespmem:s26+$0x70]  }
0x6b0: {  	v19 =	vmov s1  }
0x6b1: {  	v19 =	vshrl.u32 v19, $0x3  }
0x6b2: {  	v19 =	vshll.u32 v19, v1  }
0x6b3: {  	v19 =	vbroadcast v19, $0x0  }
0x6b4: {  	[tilespmem:v18+s18+$0x0] =	vst.idx.msk $0xffff, v17  }
0x6b5: {  	v18 =	vadd.s32 v9, v19;
	v17 =	vld [tilespmem:s26+$0x80];
	_ =	sdelay $0x4  }
0x6b6: {  	[tilespmem:v18+s18+$0x0] =	vst.idx.msk $0xffff, v17  }
0x6b7: {  	s29 =	simm.s32 $0xD;
	v18 =	vadd.s32 v10, v19;
	v17 =	vld [tilespmem:s26+$0x90]  }
0x6b8: {  	v19 =	vmov s29  }
0x6b9: {  	v19 =	vshrl.u32 v19, $0x3  }
0x6ba: {  	v19 =	vshll.u32 v19, v1  }
0x6bb: {  	v19 =	vbroadcast v19, $0x0  }
0x6bc: {  	[tilespmem:v18+s18+$0x0] =	vst.idx.msk $0xffff, v17  }
0x6bd: {  	v18 =	vadd.s32 v11, v19;
	v17 =	vld [tilespmem:s26+$0xA0];
	_ =	sdelay $0x4  }
0x6be: {  	[tilespmem:v18+s18+$0x0] =	vst.idx.msk $0xffff, v17  }
0x6bf: {  	s30 =	simm.s32 $0xE;
	v18 =	vadd.s32 v12, v19;
	v17 =	vld [tilespmem:s26+$0xB0]  }
0x6c0: {  	v19 =	vmov s30  }
0x6c1: {  	v19 =	vshrl.u32 v19, $0x3  }
0x6c2: {  	v19 =	vshll.u32 v19, v1  }
0x6c3: {  	v19 =	vbroadcast v19, $0x0  }
0x6c4: {  	[tilespmem:v18+s18+$0x0] =	vst.idx.msk $0xffff, v17  }
0x6c5: {  	v18 =	vadd.s32 v13, v19;
	v17 =	vld [tilespmem:s26+$0xC0];
	_ =	sdelay $0x4  }
0x6c6: {  	[tilespmem:v18+s18+$0x0] =	vst.idx.msk $0xffff, v17  }
0x6c7: {  	s31 =	simm.s32 $0xF;
	v18 =	vadd.s32 v14, v19;
	v17 =	vld [tilespmem:s26+$0xD0]  }
0x6c8: {  	v19 =	vmov s31  }
0x6c9: {  	v19 =	vshrl.u32 v19, $0x3  }
0x6ca: {  	v19 =	vshll.u32 v19, v1  }
0x6cb: {  	v19 =	vbroadcast v19, $0x0  }
0x6cc: {  	[tilespmem:v18+s18+$0x0] =	vst.idx.msk $0xffff, v17  }
0x6cd: {  	v18 =	vadd.s32 v15, v19;
	v17 =	vld [tilespmem:s26+$0xE0];
	_ =	sdelay $0x4  }
0x6ce: {  	[tilespmem:v18+s18+$0x0] =	vst.idx.msk $0xffff, v17  }
0x6cf: {  	s28 =	simm.s32 $0x1F;
	s0 =	simm.s32 $0x10;
	s1 =	simm.s32 $0x2F;
	v18 =	vadd.s32 v16, v19;
	v17 =	vld [tilespmem:s26+$0xF0]  }
.LBB2_20:
0x6d0: {  	p0 =	sne.s32 s1, $0x1FF;
	v19 =	vmov s0  }
0x6d1: {  	v19 =	vshrl.u32 v19, $0x3  }
0x6d2: {  	v19 =	vshll.u32 v19, v1  }
0x6d3: {  	v19 =	vbroadcast v19, $0x0  }
0x6d4: {  	s26 =	sadd.s32 $0x200, s26;
	[tilespmem:v18+s18+$0x0] =	vst.idx.msk $0xffff, v17  }
0x6d5: {  	v17 =	vld [tilespmem:s26+$0xFFFFFF00];
	v18 =	vadd.s32 v0, v19;
	_ =	sdelay $0x4  }
0x6d6: {  	[tilespmem:v18+s18+$0x0] =	vst.idx.msk $0xffff, v17  }
0x6d7: {  	s0 =	sadd.s32 $0xFFFFFFF2, s28;
	v18 =	vadd.s32 v2, v19;
	v17 =	vld [tilespmem:s26+$0xFFFFFF10]  }
0x6d8: {  	v19 =	vmov s0  }
0x6d9: {  	v19 =	vshrl.u32 v19, $0x3  }
0x6da: {  	v19 =	vshll.u32 v19, v1  }
0x6db: {  	v19 =	vbroadcast v19, $0x0  }
0x6dc: {  	[tilespmem:v18+s18+$0x0] =	vst.idx.msk $0xffff, v17  }
0x6dd: {  	v18 =	vadd.s32 v3, v19;
	v17 =	vld [tilespmem:s26+$0xFFFFFF20];
	_ =	sdelay $0x4  }
0x6de: {  	[tilespmem:v18+s18+$0x0] =	vst.idx.msk $0xffff, v17  }
0x6df: {  	s0 =	sadd.s32 $0xFFFFFFF3, s28;
	v18 =	vadd.s32 v4, v19;
	v17 =	vld [tilespmem:s26+$0xFFFFFF30]  }
0x6e0: {  	v19 =	vmov s0  }
0x6e1: {  	v19 =	vshrl.u32 v19, $0x3  }
0x6e2: {  	v19 =	vshll.u32 v19, v1  }
0x6e3: {  	v19 =	vbroadcast v19, $0x0  }
0x6e4: {  	[tilespmem:v18+s18+$0x0] =	vst.idx.msk $0xffff, v17  }
0x6e5: {  	v18 =	vadd.s32 v5, v19;
	v17 =	vld [tilespmem:s26+$0xFFFFFF40];
	_ =	sdelay $0x4  }
0x6e6: {  	[tilespmem:v18+s18+$0x0] =	vst.idx.msk $0xffff, v17  }
0x6e7: {  	s0 =	sadd.s32 $0xFFFFFFF4, s28;
	v18 =	vadd.s32 v6, v19;
	v17 =	vld [tilespmem:s26+$0xFFFFFF50]  }
0x6e8: {  	v19 =	vmov s0  }
0x6e9: {  	v19 =	vshrl.u32 v19, $0x3  }
0x6ea: {  	v19 =	vshll.u32 v19, v1  }
0x6eb: {  	v19 =	vbroadcast v19, $0x0  }
0x6ec: {  	[tilespmem:v18+s18+$0x0] =	vst.idx.msk $0xffff, v17  }
0x6ed: {  	v18 =	vadd.s32 v7, v19;
	v17 =	vld [tilespmem:s26+$0xFFFFFF60];
	_ =	sdelay $0x4  }
0x6ee: {  	[tilespmem:v18+s18+$0x0] =	vst.idx.msk $0xffff, v17  }
0x6ef: {  	s0 =	sadd.s32 $0xFFFFFFF5, s28;
	v18 =	vadd.s32 v8, v19;
	v17 =	vld [tilespmem:s26+$0xFFFFFF70]  }
0x6f0: {  	v19 =	vmov s0  }
0x6f1: {  	v19 =	vshrl.u32 v19, $0x3  }
0x6f2: {  	v19 =	vshll.u32 v19, v1  }
0x6f3: {  	v19 =	vbroadcast v19, $0x0  }
0x6f4: {  	[tilespmem:v18+s18+$0x0] =	vst.idx.msk $0xffff, v17  }
0x6f5: {  	v18 =	vadd.s32 v9, v19;
	v17 =	vld [tilespmem:s26+$0xFFFFFF80];
	_ =	sdelay $0x4  }
0x6f6: {  	[tilespmem:v18+s18+$0x0] =	vst.idx.msk $0xffff, v17  }
0x6f7: {  	s0 =	sadd.s32 $0xFFFFFFF6, s28;
	v18 =	vadd.s32 v10, v19;
	v17 =	vld [tilespmem:s26+$0xFFFFFF90]  }
0x6f8: {  	v19 =	vmov s0  }
0x6f9: {  	v19 =	vshrl.u32 v19, $0x3  }
0x6fa: {  	v19 =	vshll.u32 v19, v1  }
0x6fb: {  	v19 =	vbroadcast v19, $0x0  }
0x6fc: {  	[tilespmem:v18+s18+$0x0] =	vst.idx.msk $0xffff, v17  }
0x6fd: {  	v18 =	vadd.s32 v11, v19;
	v17 =	vld [tilespmem:s26+$0xFFFFFFA0];
	_ =	sdelay $0x4  }
0x6fe: {  	[tilespmem:v18+s18+$0x0] =	vst.idx.msk $0xffff, v17  }
0x6ff: {  	s0 =	sadd.s32 $0xFFFFFFF7, s28;
	v18 =	vadd.s32 v12, v19;
	v17 =	vld [tilespmem:s26+$0xFFFFFFB0]  }
0x700: {  	v19 =	vmov s0  }
0x701: {  	v19 =	vshrl.u32 v19, $0x3  }
0x702: {  	v19 =	vshll.u32 v19, v1  }
0x703: {  	v19 =	vbroadcast v19, $0x0  }
0x704: {  	[tilespmem:v18+s18+$0x0] =	vst.idx.msk $0xffff, v17  }
0x705: {  	v18 =	vadd.s32 v13, v19;
	v17 =	vld [tilespmem:s26+$0xFFFFFFC0];
	_ =	sdelay $0x4  }
0x706: {  	[tilespmem:v18+s18+$0x0] =	vst.idx.msk $0xffff, v17  }
0x707: {  	s0 =	sadd.s32 $0xFFFFFFF8, s28;
	v18 =	vadd.s32 v14, v19;
	v17 =	vld [tilespmem:s26+$0xFFFFFFD0]  }
0x708: {  	v19 =	vmov s0  }
0x709: {  	v19 =	vshrl.u32 v19, $0x3  }
0x70a: {  	v19 =	vshll.u32 v19, v1  }
0x70b: {  	v19 =	vbroadcast v19, $0x0  }
0x70c: {  	[tilespmem:v18+s18+$0x0] =	vst.idx.msk $0xffff, v17  }
0x70d: {  	v18 =	vadd.s32 v15, v19;
	v17 =	vld [tilespmem:s26+$0xFFFFFFE0];
	_ =	sdelay $0x4  }
0x70e: {  	[tilespmem:v18+s18+$0x0] =	vst.idx.msk $0xffff, v17  }
0x70f: {  	s0 =	sadd.s32 $0xFFFFFFF9, s28;
	v18 =	vadd.s32 v16, v19;
	v17 =	vld [tilespmem:s26+$0xFFFFFFF0]  }
0x710: {  	v19 =	vmov s0  }
0x711: {  	v19 =	vshrl.u32 v19, $0x3  }
0x712: {  	v19 =	vshll.u32 v19, v1  }
0x713: {  	v19 =	vbroadcast v19, $0x0  }
0x714: {  	[tilespmem:v18+s18+$0x0] =	vst.idx.msk $0xffff, v17  }
0x715: {  	v18 =	vadd.s32 v0, v19;
	v17 =	vld [tilespmem:s26+$0x0];
	_ =	sdelay $0x4  }
0x716: {  	[tilespmem:v18+s18+$0x0] =	vst.idx.msk $0xffff, v17  }
0x717: {  	s0 =	sadd.s32 $0xFFFFFFFA, s28;
	v18 =	vadd.s32 v2, v19;
	v17 =	vld [tilespmem:s26+$0x10]  }
0x718: {  	v19 =	vmov s0  }
0x719: {  	v19 =	vshrl.u32 v19, $0x3  }
0x71a: {  	v19 =	vshll.u32 v19, v1  }
0x71b: {  	v19 =	vbroadcast v19, $0x0  }
0x71c: {  	[tilespmem:v18+s18+$0x0] =	vst.idx.msk $0xffff, v17  }
0x71d: {  	v18 =	vadd.s32 v3, v19;
	v17 =	vld [tilespmem:s26+$0x20];
	_ =	sdelay $0x4  }
0x71e: {  	[tilespmem:v18+s18+$0x0] =	vst.idx.msk $0xffff, v17  }
0x71f: {  	s0 =	sadd.s32 $0xFFFFFFFB, s28;
	v18 =	vadd.s32 v4, v19;
	v17 =	vld [tilespmem:s26+$0x30]  }
0x720: {  	v19 =	vmov s0  }
0x721: {  	v19 =	vshrl.u32 v19, $0x3  }
0x722: {  	v19 =	vshll.u32 v19, v1  }
0x723: {  	v19 =	vbroadcast v19, $0x0  }
0x724: {  	[tilespmem:v18+s18+$0x0] =	vst.idx.msk $0xffff, v17  }
0x725: {  	v18 =	vadd.s32 v5, v19;
	v17 =	vld [tilespmem:s26+$0x40];
	_ =	sdelay $0x4  }
0x726: {  	[tilespmem:v18+s18+$0x0] =	vst.idx.msk $0xffff, v17  }
0x727: {  	s0 =	sadd.s32 $0xFFFFFFFC, s28;
	v18 =	vadd.s32 v6, v19;
	v17 =	vld [tilespmem:s26+$0x50]  }
0x728: {  	v19 =	vmov s0  }
0x729: {  	v19 =	vshrl.u32 v19, $0x3  }
0x72a: {  	v19 =	vshll.u32 v19, v1  }
0x72b: {  	v19 =	vbroadcast v19, $0x0  }
0x72c: {  	[tilespmem:v18+s18+$0x0] =	vst.idx.msk $0xffff, v17  }
0x72d: {  	v18 =	vadd.s32 v7, v19;
	v17 =	vld [tilespmem:s26+$0x60];
	_ =	sdelay $0x4  }
0x72e: {  	[tilespmem:v18+s18+$0x0] =	vst.idx.msk $0xffff, v17  }
0x72f: {  	s0 =	sadd.s32 $0xFFFFFFFD, s28;
	v18 =	vadd.s32 v8, v19;
	v17 =	vld [tilespmem:s26+$0x70]  }
0x730: {  	v19 =	vmov s0  }
0x731: {  	v19 =	vshrl.u32 v19, $0x3  }
0x732: {  	v19 =	vshll.u32 v19, v1  }
0x733: {  	v19 =	vbroadcast v19, $0x0  }
0x734: {  	[tilespmem:v18+s18+$0x0] =	vst.idx.msk $0xffff, v17  }
0x735: {  	v18 =	vadd.s32 v9, v19;
	v17 =	vld [tilespmem:s26+$0x80];
	_ =	sdelay $0x4  }
0x736: {  	[tilespmem:v18+s18+$0x0] =	vst.idx.msk $0xffff, v17  }
0x737: {  	s0 =	sadd.s32 $0xFFFFFFFE, s28;
	v18 =	vadd.s32 v10, v19;
	v17 =	vld [tilespmem:s26+$0x90]  }
0x738: {  	v19 =	vmov s0  }
0x739: {  	v19 =	vshrl.u32 v19, $0x3  }
0x73a: {  	v19 =	vshll.u32 v19, v1  }
0x73b: {  	v19 =	vbroadcast v19, $0x0  }
0x73c: {  	[tilespmem:v18+s18+$0x0] =	vst.idx.msk $0xffff, v17  }
0x73d: {  	v18 =	vadd.s32 v11, v19;
	v17 =	vld [tilespmem:s26+$0xA0];
	_ =	sdelay $0x4  }
0x73e: {  	[tilespmem:v18+s18+$0x0] =	vst.idx.msk $0xffff, v17  }
0x73f: {  	s0 =	sadd.s32 $0xFFFFFFFF, s28;
	v18 =	vadd.s32 v12, v19;
	v17 =	vld [tilespmem:s26+$0xB0]  }
0x740: {  	v19 =	vmov s0  }
0x741: {  	v19 =	vshrl.u32 v19, $0x3  }
0x742: {  	v19 =	vshll.u32 v19, v1  }
0x743: {  	v19 =	vbroadcast v19, $0x0  }
0x744: {  	[tilespmem:v18+s18+$0x0] =	vst.idx.msk $0xffff, v17  }
0x745: {  	v18 =	vadd.s32 v13, v19;
	v17 =	vld [tilespmem:s26+$0xC0];
	_ =	sdelay $0x4  }
0x746: {  	[tilespmem:v18+s18+$0x0] =	vst.idx.msk $0xffff, v17  }
0x747: {  	v18 =	vadd.s32 v14, v19;
	v17 =	vld [tilespmem:s26+$0xD0]  }
0x748: {  	v19 =	vmov s28;
	s28 =	smov.u32 s1  }
0x749: {  	v19 =	vshrl.u32 v19, $0x3  }
0x74a: {  	v19 =	vshll.u32 v19, v1  }
0x74b: {  	v19 =	vbroadcast v19, $0x0  }
0x74c: {  	[tilespmem:v18+s18+$0x0] =	vst.idx.msk $0xffff, v17  }
0x74d: {  	v18 =	vadd.s32 v15, v19;
	v17 =	vld [tilespmem:s26+$0xE0];
	_ =	sdelay $0x1  }
.Ltmp9:
0x74e: {  	(pc) =	sbr.rel @p0 .LBB2_20-.Ltmp9, $3  }
0x74f: {  	_ =	sdelay $0x1  }
0x750: {  	[tilespmem:v18+s18+$0x0] =	vst.idx.msk $0xffff, v17  }
0x751: {  	s1 =	sadd.s32 $0x10, s1;
	s0 =	sadd.s32 $0xFFFFFFF1, s28;
	v18 =	vadd.s32 v16, v19;
	v17 =	vld [tilespmem:s26+$0xF0]  }
0x752: {  	v19 =	vmov s0  }
0x753: {  	v19 =	vshrl.u32 v19, $0x3  }
0x754: {  	v19 =	vshll.u32 v19, v1  }
0x755: {  	v19 =	vbroadcast v19, $0x0  }
0x756: {  	s1 =	sadd.s32 $0x200, s26;
	[tilespmem:v18+s18+$0x0] =	vst.idx.msk $0xffff, v17  }
0x757: {  	v17 =	vld [tilespmem:s1+$0xFFFFFF00];
	v18 =	vadd.s32 v0, v19;
	_ =	sdelay $0x4  }
0x758: {  	[tilespmem:v18+s18+$0x0] =	vst.idx.msk $0xffff, v17  }
0x759: {  	s30 =	sadd.s32 $0xFFFFFFF2, s28;
	v18 =	vadd.s32 v2, v19;
	v17 =	vld [tilespmem:s1+$0xFFFFFF10]  }
0x75a: {  	v19 =	vmov s30  }
0x75b: {  	v19 =	vshrl.u32 v19, $0x3  }
0x75c: {  	v19 =	vshll.u32 v19, v1  }
0x75d: {  	v19 =	vbroadcast v19, $0x0  }
0x75e: {  	[tilespmem:v18+s18+$0x0] =	vst.idx.msk $0xffff, v17  }
0x75f: {  	v18 =	vadd.s32 v3, v19;
	v17 =	vld [tilespmem:s1+$0xFFFFFF20];
	_ =	sdelay $0x4  }
0x760: {  	[tilespmem:v18+s18+$0x0] =	vst.idx.msk $0xffff, v17  }
0x761: {  	s31 =	sadd.s32 $0xFFFFFFF3, s28;
	v18 =	vadd.s32 v4, v19;
	v17 =	vld [tilespmem:s1+$0xFFFFFF30]  }
0x762: {  	v19 =	vmov s31  }
0x763: {  	v19 =	vshrl.u32 v19, $0x3  }
0x764: {  	v19 =	vshll.u32 v19, v1  }
0x765: {  	v19 =	vbroadcast v19, $0x0  }
0x766: {  	[tilespmem:v18+s18+$0x0] =	vst.idx.msk $0xffff, v17  }
0x767: {  	v18 =	vadd.s32 v5, v19;
	v17 =	vld [tilespmem:s1+$0xFFFFFF40];
	_ =	sdelay $0x4  }
0x768: {  	[tilespmem:v18+s18+$0x0] =	vst.idx.msk $0xffff, v17  }
0x769: {  	s26 =	sadd.s32 $0xFFFFFFF4, s28;
	v18 =	vadd.s32 v6, v19;
	v17 =	vld [tilespmem:s1+$0xFFFFFF50]  }
0x76a: {  	v19 =	vmov s26  }
0x76b: {  	v19 =	vshrl.u32 v19, $0x3  }
0x76c: {  	v19 =	vshll.u32 v19, v1  }
0x76d: {  	v19 =	vbroadcast v19, $0x0  }
0x76e: {  	[tilespmem:v18+s18+$0x0] =	vst.idx.msk $0xffff, v17  }
0x76f: {  	v18 =	vadd.s32 v7, v19;
	v17 =	vld [tilespmem:s1+$0xFFFFFF60];
	_ =	sdelay $0x4  }
0x770: {  	[tilespmem:v18+s18+$0x0] =	vst.idx.msk $0xffff, v17  }
0x771: {  	s29 =	sadd.s32 $0xFFFFFFF5, s28;
	v18 =	vadd.s32 v8, v19;
	v17 =	vld [tilespmem:s1+$0xFFFFFF70]  }
0x772: {  	v19 =	vmov s29  }
0x773: {  	v19 =	vshrl.u32 v19, $0x3  }
0x774: {  	v19 =	vshll.u32 v19, v1  }
0x775: {  	v19 =	vbroadcast v19, $0x0  }
0x776: {  	[tilespmem:v18+s18+$0x0] =	vst.idx.msk $0xffff, v17  }
0x777: {  	v18 =	vadd.s32 v9, v19;
	v17 =	vld [tilespmem:s1+$0xFFFFFF80];
	_ =	sdelay $0x4  }
0x778: {  	[tilespmem:v18+s18+$0x0] =	vst.idx.msk $0xffff, v17  }
0x779: {  	s30 =	sadd.s32 $0xFFFFFFF6, s28;
	v18 =	vadd.s32 v10, v19;
	v17 =	vld [tilespmem:s1+$0xFFFFFF90]  }
0x77a: {  	v19 =	vmov s30  }
0x77b: {  	v19 =	vshrl.u32 v19, $0x3  }
0x77c: {  	v19 =	vshll.u32 v19, v1  }
0x77d: {  	v19 =	vbroadcast v19, $0x0  }
0x77e: {  	[tilespmem:v18+s18+$0x0] =	vst.idx.msk $0xffff, v17  }
0x77f: {  	v18 =	vadd.s32 v11, v19;
	v17 =	vld [tilespmem:s1+$0xFFFFFFA0];
	_ =	sdelay $0x4  }
0x780: {  	[tilespmem:v18+s18+$0x0] =	vst.idx.msk $0xffff, v17  }
0x781: {  	s31 =	sadd.s32 $0xFFFFFFF7, s28;
	v18 =	vadd.s32 v12, v19;
	v17 =	vld [tilespmem:s1+$0xFFFFFFB0]  }
0x782: {  	v19 =	vmov s31  }
0x783: {  	v19 =	vshrl.u32 v19, $0x3  }
0x784: {  	v19 =	vshll.u32 v19, v1  }
0x785: {  	v19 =	vbroadcast v19, $0x0  }
0x786: {  	[tilespmem:v18+s18+$0x0] =	vst.idx.msk $0xffff, v17  }
0x787: {  	v18 =	vadd.s32 v13, v19;
	v17 =	vld [tilespmem:s1+$0xFFFFFFC0];
	_ =	sdelay $0x4  }
0x788: {  	[tilespmem:v18+s18+$0x0] =	vst.idx.msk $0xffff, v17  }
0x789: {  	s26 =	sadd.s32 $0xFFFFFFF8, s28;
	v18 =	vadd.s32 v14, v19;
	v17 =	vld [tilespmem:s1+$0xFFFFFFD0]  }
0x78a: {  	v19 =	vmov s26  }
0x78b: {  	v19 =	vshrl.u32 v19, $0x3  }
0x78c: {  	v19 =	vshll.u32 v19, v1  }
0x78d: {  	v19 =	vbroadcast v19, $0x0  }
0x78e: {  	[tilespmem:v18+s18+$0x0] =	vst.idx.msk $0xffff, v17  }
0x78f: {  	v18 =	vadd.s32 v15, v19;
	v17 =	vld [tilespmem:s1+$0xFFFFFFE0];
	_ =	sdelay $0x4  }
0x790: {  	[tilespmem:v18+s18+$0x0] =	vst.idx.msk $0xffff, v17  }
0x791: {  	s29 =	sadd.s32 $0xFFFFFFF9, s28;
	v18 =	vadd.s32 v16, v19;
	v17 =	vld [tilespmem:s1+$0xFFFFFFF0]  }
0x792: {  	v19 =	vmov s29  }
0x793: {  	v19 =	vshrl.u32 v19, $0x3  }
0x794: {  	v19 =	vshll.u32 v19, v1  }
0x795: {  	v19 =	vbroadcast v19, $0x0  }
0x796: {  	[tilespmem:v18+s18+$0x0] =	vst.idx.msk $0xffff, v17  }
0x797: {  	v18 =	vadd.s32 v0, v19;
	v17 =	vld [tilespmem:s1+$0x0];
	_ =	sdelay $0x4  }
0x798: {  	[tilespmem:v18+s18+$0x0] =	vst.idx.msk $0xffff, v17  }
0x799: {  	s30 =	sadd.s32 $0xFFFFFFFA, s28;
	v18 =	vadd.s32 v2, v19;
	v17 =	vld [tilespmem:s1+$0x10]  }
0x79a: {  	v19 =	vmov s30  }
0x79b: {  	v19 =	vshrl.u32 v19, $0x3  }
0x79c: {  	v19 =	vshll.u32 v19, v1  }
0x79d: {  	v19 =	vbroadcast v19, $0x0  }
0x79e: {  	[tilespmem:v18+s18+$0x0] =	vst.idx.msk $0xffff, v17  }
0x79f: {  	v18 =	vadd.s32 v3, v19;
	v17 =	vld [tilespmem:s1+$0x20];
	_ =	sdelay $0x4  }
0x7a0: {  	[tilespmem:v18+s18+$0x0] =	vst.idx.msk $0xffff, v17  }
0x7a1: {  	s31 =	sadd.s32 $0xFFFFFFFB, s28;
	v18 =	vadd.s32 v4, v19;
	v17 =	vld [tilespmem:s1+$0x30]  }
0x7a2: {  	v19 =	vmov s31  }
0x7a3: {  	v19 =	vshrl.u32 v19, $0x3  }
0x7a4: {  	v19 =	vshll.u32 v19, v1  }
0x7a5: {  	v19 =	vbroadcast v19, $0x0  }
0x7a6: {  	[tilespmem:v18+s18+$0x0] =	vst.idx.msk $0xffff, v17  }
0x7a7: {  	v18 =	vadd.s32 v5, v19;
	v17 =	vld [tilespmem:s1+$0x40];
	_ =	sdelay $0x4  }
0x7a8: {  	[tilespmem:v18+s18+$0x0] =	vst.idx.msk $0xffff, v17  }
0x7a9: {  	s26 =	sadd.s32 $0xFFFFFFFC, s28;
	v18 =	vadd.s32 v6, v19;
	v17 =	vld [tilespmem:s1+$0x50]  }
0x7aa: {  	v19 =	vmov s26  }
0x7ab: {  	v19 =	vshrl.u32 v19, $0x3  }
0x7ac: {  	v19 =	vshll.u32 v19, v1  }
0x7ad: {  	v19 =	vbroadcast v19, $0x0  }
0x7ae: {  	[tilespmem:v18+s18+$0x0] =	vst.idx.msk $0xffff, v17  }
0x7af: {  	v18 =	vadd.s32 v7, v19;
	v17 =	vld [tilespmem:s1+$0x60];
	_ =	sdelay $0x4  }
0x7b0: {  	[tilespmem:v18+s18+$0x0] =	vst.idx.msk $0xffff, v17  }
0x7b1: {  	s29 =	sadd.s32 $0xFFFFFFFD, s28;
	v18 =	vadd.s32 v8, v19;
	v17 =	vld [tilespmem:s1+$0x70]  }
0x7b2: {  	v19 =	vmov s29  }
0x7b3: {  	v19 =	vshrl.u32 v19, $0x3  }
0x7b4: {  	v19 =	vshll.u32 v19, v1  }
0x7b5: {  	v19 =	vbroadcast v19, $0x0  }
0x7b6: {  	[tilespmem:v18+s18+$0x0] =	vst.idx.msk $0xffff, v17  }
0x7b7: {  	v18 =	vadd.s32 v9, v19;
	v17 =	vld [tilespmem:s1+$0x80];
	_ =	sdelay $0x4  }
0x7b8: {  	[tilespmem:v18+s18+$0x0] =	vst.idx.msk $0xffff, v17  }
0x7b9: {  	s30 =	sadd.s32 $0xFFFFFFFE, s28;
	v18 =	vadd.s32 v10, v19;
	v17 =	vld [tilespmem:s1+$0x90]  }
0x7ba: {  	v19 =	vmov s30  }
0x7bb: {  	v19 =	vshrl.u32 v19, $0x3  }
0x7bc: {  	v19 =	vshll.u32 v19, v1  }
0x7bd: {  	v19 =	vbroadcast v19, $0x0  }
0x7be: {  	[tilespmem:v18+s18+$0x0] =	vst.idx.msk $0xffff, v17  }
0x7bf: {  	v18 =	vadd.s32 v11, v19;
	v17 =	vld [tilespmem:s1+$0xA0];
	_ =	sdelay $0x4  }
0x7c0: {  	[tilespmem:v18+s18+$0x0] =	vst.idx.msk $0xffff, v17  }
0x7c1: {  	s31 =	sadd.s32 $0xFFFFFFFF, s28;
	v18 =	vadd.s32 v12, v19;
	v17 =	vld [tilespmem:s1+$0xB0]  }
0x7c2: {  	v19 =	vmov s31  }
0x7c3: {  	v19 =	vshrl.u32 v19, $0x3  }
0x7c4: {  	v19 =	vshll.u32 v19, v1  }
0x7c5: {  	v19 =	vbroadcast v19, $0x0  }
0x7c6: {  	[tilespmem:v18+s18+$0x0] =	vst.idx.msk $0xffff, v17  }
0x7c7: {  	v18 =	vadd.s32 v13, v19;
	v17 =	vld [tilespmem:s1+$0xC0];
	_ =	sdelay $0x4  }
0x7c8: {  	[tilespmem:v18+s18+$0x0] =	vst.idx.msk $0xffff, v17  }
0x7c9: {  	v18 =	vadd.s32 v14, v19;
	v17 =	vld [tilespmem:s1+$0xD0]  }
0x7ca: {  	v19 =	vmov s28  }
0x7cb: {  	v19 =	vshrl.u32 v19, $0x3  }
0x7cc: {  	v19 =	vshll.u32 v19, v1  }
0x7cd: {  	v19 =	vbroadcast v19, $0x0  }
0x7ce: {  	[tilespmem:v18+s18+$0x0] =	vst.idx.msk $0xffff, v17  }
0x7cf: {  	v18 =	vadd.s32 v15, v19;
	v17 =	vld [tilespmem:s1+$0xE0];
	_ =	sdelay $0x4  }
0x7d0: {  	[tilespmem:v18+s18+$0x0] =	vst.idx.msk $0xffff, v17  }
0x7d1: {  	v18 =	vadd.s32 v16, v19;
	v17 =	vld [tilespmem:s1+$0xF0];
	_ =	sdelay $0x3  }
0x7d2: {  	s0 =	sadd.s32 $0x0, s10  }
0x7d3: {  	s26 =	simm.s32 $0x200;
	s28 =	simm.s32 $0xE608;
	s1 =	simm.s32 $0xE400;
	[tilespmem:v18+s18+$0x0] =	vst.idx.msk $0xffff, v17  }
.LBB2_22:
0x7d4: {  	[hbm4b:s0+s2] =	stream.linear.scatter [tilespmem:s1], [sflag:$0x3], $0x200, $0x38;
	[tilespmem:$0x16600] =	vst v63  }
0x7d5: {  	s0 =	smov.u32 s26;
	s1 =	smov.u32 s28;
	p0 =	sne.s32 s26, $0x3E00  }
.Ltmp10:
0x7d6: {  	s26 =	sadd.s32 $0x200, s26;
	(pc) =	sbr.rel @p0 .LBB2_22-.Ltmp10, $2  }
0x7d7: {  	_ =	sdelay $0x2  }
0x7d8: {  	s28 =	sadd.s32 $0x208, s28;
	s0 =	sadd.s32 s0, s10  }
0x7d9: {  	[hbm4b:s0+s2] =	stream.linear.scatter [tilespmem:s1], [sflag:$0x3], $0x200, $0x38;
	[tilespmem:$0x16600] =	vst v63  }
0x7da: {  	s26 =	simm.s32 $0x0;
	_ =	swait.ge [sflag:s19], $0x4000  }
0x7db: {  	v17 =	vmov s26;
	[sflag:s19] =	ssyncset.done $0x0  }
0x7dc: {  	v17 =	vshrl.u32 v17, $0x3;
	[sflag:s19] =	ssyncadd.s32 $0xFFFFC000  }
0x7dd: {  	v17 =	vshll.u32 v17, v1;
	_ =	swait.ge [sflag:s23], $0x4000  }
0x7de: {  	v17 =	vbroadcast v17, $0x0;
	[sflag:s23] =	ssyncset.done $0x0  }
0x7df: {  	s26 =	simm.s32 $0xA500;
	[sflag:s23] =	ssyncadd.s32 $0xFFFFC000  }
0x7e0: {  	v19 =	vadd.s32 v0, v17;
	v18 =	vld [tilespmem:s26+$0xFFFFFF00];
	_ =	sdelay $0x4  }
0x7e1: {  	[tilespmem:v19+s21+$0x0] =	vst.idx.msk $0xffff, v18  }
0x7e2: {  	s29 =	simm.s32 $0x1;
	v17 =	vadd.s32 v2, v17;
	v18 =	vld [tilespmem:s26+$0xFFFFFF10]  }
0x7e3: {  	v19 =	vmov s29  }
0x7e4: {  	v19 =	vshrl.u32 v19, $0x3  }
0x7e5: {  	v19 =	vshll.u32 v19, v1  }
0x7e6: {  	v19 =	vbroadcast v19, $0x0  }
0x7e7: {  	[tilespmem:v17+s21+$0x0] =	vst.idx.msk $0xffff, v18  }
0x7e8: {  	v18 =	vadd.s32 v3, v19;
	v17 =	vld [tilespmem:s26+$0xFFFFFF20];
	_ =	sdelay $0x4  }
0x7e9: {  	[tilespmem:v18+s21+$0x0] =	vst.idx.msk $0xffff, v17  }
0x7ea: {  	s30 =	simm.s32 $0x2;
	v18 =	vadd.s32 v4, v19;
	v17 =	vld [tilespmem:s26+$0xFFFFFF30]  }
0x7eb: {  	v19 =	vmov s30  }
0x7ec: {  	v19 =	vshrl.u32 v19, $0x3  }
0x7ed: {  	v19 =	vshll.u32 v19, v1  }
0x7ee: {  	v19 =	vbroadcast v19, $0x0  }
0x7ef: {  	[tilespmem:v18+s21+$0x0] =	vst.idx.msk $0xffff, v17  }
0x7f0: {  	v18 =	vadd.s32 v5, v19;
	v17 =	vld [tilespmem:s26+$0xFFFFFF40];
	_ =	sdelay $0x4  }
0x7f1: {  	[tilespmem:v18+s21+$0x0] =	vst.idx.msk $0xffff, v17  }
0x7f2: {  	s31 =	simm.s32 $0x3;
	v18 =	vadd.s32 v6, v19;
	v17 =	vld [tilespmem:s26+$0xFFFFFF50]  }
0x7f3: {  	v19 =	vmov s31  }
0x7f4: {  	v19 =	vshrl.u32 v19, $0x3  }
0x7f5: {  	v19 =	vshll.u32 v19, v1  }
0x7f6: {  	v19 =	vbroadcast v19, $0x0  }
0x7f7: {  	[tilespmem:v18+s21+$0x0] =	vst.idx.msk $0xffff, v17  }
0x7f8: {  	v18 =	vadd.s32 v7, v19;
	v17 =	vld [tilespmem:s26+$0xFFFFFF60];
	_ =	sdelay $0x4  }
0x7f9: {  	[tilespmem:v18+s21+$0x0] =	vst.idx.msk $0xffff, v17  }
0x7fa: {  	s1 =	simm.s32 $0x4;
	v18 =	vadd.s32 v8, v19;
	v17 =	vld [tilespmem:s26+$0xFFFFFF70]  }
0x7fb: {  	v19 =	vmov s1  }
0x7fc: {  	v19 =	vshrl.u32 v19, $0x3  }
0x7fd: {  	v19 =	vshll.u32 v19, v1  }
0x7fe: {  	v19 =	vbroadcast v19, $0x0  }
0x7ff: {  	[tilespmem:v18+s21+$0x0] =	vst.idx.msk $0xffff, v17  }
0x800: {  	v18 =	vadd.s32 v9, v19;
	v17 =	vld [tilespmem:s26+$0xFFFFFF80];
	_ =	sdelay $0x4  }
0x801: {  	[tilespmem:v18+s21+$0x0] =	vst.idx.msk $0xffff, v17  }
0x802: {  	s29 =	simm.s32 $0x5;
	v18 =	vadd.s32 v10, v19;
	v17 =	vld [tilespmem:s26+$0xFFFFFF90]  }
0x803: {  	v19 =	vmov s29  }
0x804: {  	v19 =	vshrl.u32 v19, $0x3  }
0x805: {  	v19 =	vshll.u32 v19, v1  }
0x806: {  	v19 =	vbroadcast v19, $0x0  }
0x807: {  	[tilespmem:v18+s21+$0x0] =	vst.idx.msk $0xffff, v17  }
0x808: {  	v18 =	vadd.s32 v11, v19;
	v17 =	vld [tilespmem:s26+$0xFFFFFFA0];
	_ =	sdelay $0x4  }
0x809: {  	[tilespmem:v18+s21+$0x0] =	vst.idx.msk $0xffff, v17  }
0x80a: {  	s30 =	simm.s32 $0x6;
	v18 =	vadd.s32 v12, v19;
	v17 =	vld [tilespmem:s26+$0xFFFFFFB0]  }
0x80b: {  	v19 =	vmov s30  }
0x80c: {  	v19 =	vshrl.u32 v19, $0x3  }
0x80d: {  	v19 =	vshll.u32 v19, v1  }
0x80e: {  	v19 =	vbroadcast v19, $0x0  }
0x80f: {  	[tilespmem:v18+s21+$0x0] =	vst.idx.msk $0xffff, v17  }
0x810: {  	v18 =	vadd.s32 v13, v19;
	v17 =	vld [tilespmem:s26+$0xFFFFFFC0];
	_ =	sdelay $0x4  }
0x811: {  	[tilespmem:v18+s21+$0x0] =	vst.idx.msk $0xffff, v17  }
0x812: {  	s31 =	simm.s32 $0x7;
	v18 =	vadd.s32 v14, v19;
	v17 =	vld [tilespmem:s26+$0xFFFFFFD0]  }
0x813: {  	v19 =	vmov s31  }
0x814: {  	v19 =	vshrl.u32 v19, $0x3  }
0x815: {  	v19 =	vshll.u32 v19, v1  }
0x816: {  	v19 =	vbroadcast v19, $0x0  }
0x817: {  	[tilespmem:v18+s21+$0x0] =	vst.idx.msk $0xffff, v17  }
0x818: {  	v18 =	vadd.s32 v15, v19;
	v17 =	vld [tilespmem:s26+$0xFFFFFFE0];
	_ =	sdelay $0x4  }
0x819: {  	[tilespmem:v18+s21+$0x0] =	vst.idx.msk $0xffff, v17  }
0x81a: {  	s1 =	simm.s32 $0x8;
	v18 =	vadd.s32 v16, v19;
	v17 =	vld [tilespmem:s26+$0xFFFFFFF0]  }
0x81b: {  	v19 =	vmov s1  }
0x81c: {  	v19 =	vshrl.u32 v19, $0x3  }
0x81d: {  	v19 =	vshll.u32 v19, v1  }
0x81e: {  	v19 =	vbroadcast v19, $0x0  }
0x81f: {  	[tilespmem:v18+s21+$0x0] =	vst.idx.msk $0xffff, v17  }
0x820: {  	v18 =	vadd.s32 v0, v19;
	v17 =	vld [tilespmem:s26+$0x0];
	_ =	sdelay $0x4  }
0x821: {  	[tilespmem:v18+s21+$0x0] =	vst.idx.msk $0xffff, v17  }
0x822: {  	s29 =	simm.s32 $0x9;
	v18 =	vadd.s32 v2, v19;
	v17 =	vld [tilespmem:s26+$0x10]  }
0x823: {  	v19 =	vmov s29  }
0x824: {  	v19 =	vshrl.u32 v19, $0x3  }
0x825: {  	v19 =	vshll.u32 v19, v1  }
0x826: {  	v19 =	vbroadcast v19, $0x0  }
0x827: {  	[tilespmem:v18+s21+$0x0] =	vst.idx.msk $0xffff, v17  }
0x828: {  	v18 =	vadd.s32 v3, v19;
	v17 =	vld [tilespmem:s26+$0x20];
	_ =	sdelay $0x4  }
0x829: {  	[tilespmem:v18+s21+$0x0] =	vst.idx.msk $0xffff, v17  }
0x82a: {  	s30 =	simm.s32 $0xA;
	v18 =	vadd.s32 v4, v19;
	v17 =	vld [tilespmem:s26+$0x30]  }
0x82b: {  	v19 =	vmov s30  }
0x82c: {  	v19 =	vshrl.u32 v19, $0x3  }
0x82d: {  	v19 =	vshll.u32 v19, v1  }
0x82e: {  	v19 =	vbroadcast v19, $0x0  }
0x82f: {  	[tilespmem:v18+s21+$0x0] =	vst.idx.msk $0xffff, v17  }
0x830: {  	v18 =	vadd.s32 v5, v19;
	v17 =	vld [tilespmem:s26+$0x40];
	_ =	sdelay $0x4  }
0x831: {  	[tilespmem:v18+s21+$0x0] =	vst.idx.msk $0xffff, v17  }
0x832: {  	s31 =	simm.s32 $0xB;
	v18 =	vadd.s32 v6, v19;
	v17 =	vld [tilespmem:s26+$0x50]  }
0x833: {  	v19 =	vmov s31  }
0x834: {  	v19 =	vshrl.u32 v19, $0x3  }
0x835: {  	v19 =	vshll.u32 v19, v1  }
0x836: {  	v19 =	vbroadcast v19, $0x0  }
0x837: {  	[tilespmem:v18+s21+$0x0] =	vst.idx.msk $0xffff, v17  }
0x838: {  	v18 =	vadd.s32 v7, v19;
	v17 =	vld [tilespmem:s26+$0x60];
	_ =	sdelay $0x4  }
0x839: {  	[tilespmem:v18+s21+$0x0] =	vst.idx.msk $0xffff, v17  }
0x83a: {  	s1 =	simm.s32 $0xC;
	v18 =	vadd.s32 v8, v19;
	v17 =	vld [tilespmem:s26+$0x70]  }
0x83b: {  	v19 =	vmov s1  }
0x83c: {  	v19 =	vshrl.u32 v19, $0x3  }
0x83d: {  	v19 =	vshll.u32 v19, v1  }
0x83e: {  	v19 =	vbroadcast v19, $0x0  }
0x83f: {  	[tilespmem:v18+s21+$0x0] =	vst.idx.msk $0xffff, v17  }
0x840: {  	v18 =	vadd.s32 v9, v19;
	v17 =	vld [tilespmem:s26+$0x80];
	_ =	sdelay $0x4  }
0x841: {  	[tilespmem:v18+s21+$0x0] =	vst.idx.msk $0xffff, v17  }
0x842: {  	s29 =	simm.s32 $0xD;
	v18 =	vadd.s32 v10, v19;
	v17 =	vld [tilespmem:s26+$0x90]  }
0x843: {  	v19 =	vmov s29  }
0x844: {  	v19 =	vshrl.u32 v19, $0x3  }
0x845: {  	v19 =	vshll.u32 v19, v1  }
0x846: {  	v19 =	vbroadcast v19, $0x0  }
0x847: {  	[tilespmem:v18+s21+$0x0] =	vst.idx.msk $0xffff, v17  }
0x848: {  	v18 =	vadd.s32 v11, v19;
	v17 =	vld [tilespmem:s26+$0xA0];
	_ =	sdelay $0x4  }
0x849: {  	[tilespmem:v18+s21+$0x0] =	vst.idx.msk $0xffff, v17  }
0x84a: {  	s30 =	simm.s32 $0xE;
	v18 =	vadd.s32 v12, v19;
	v17 =	vld [tilespmem:s26+$0xB0]  }
0x84b: {  	v19 =	vmov s30  }
0x84c: {  	v19 =	vshrl.u32 v19, $0x3  }
0x84d: {  	v19 =	vshll.u32 v19, v1  }
0x84e: {  	v19 =	vbroadcast v19, $0x0  }
0x84f: {  	[tilespmem:v18+s21+$0x0] =	vst.idx.msk $0xffff, v17  }
0x850: {  	v18 =	vadd.s32 v13, v19;
	v17 =	vld [tilespmem:s26+$0xC0];
	_ =	sdelay $0x4  }
0x851: {  	[tilespmem:v18+s21+$0x0] =	vst.idx.msk $0xffff, v17  }
0x852: {  	s31 =	simm.s32 $0xF;
	v18 =	vadd.s32 v14, v19;
	v17 =	vld [tilespmem:s26+$0xD0]  }
0x853: {  	v19 =	vmov s31  }
0x854: {  	v19 =	vshrl.u32 v19, $0x3  }
0x855: {  	v19 =	vshll.u32 v19, v1  }
0x856: {  	v19 =	vbroadcast v19, $0x0  }
0x857: {  	[tilespmem:v18+s21+$0x0] =	vst.idx.msk $0xffff, v17  }
0x858: {  	v18 =	vadd.s32 v15, v19;
	v17 =	vld [tilespmem:s26+$0xE0];
	_ =	sdelay $0x4  }
0x859: {  	[tilespmem:v18+s21+$0x0] =	vst.idx.msk $0xffff, v17  }
0x85a: {  	s28 =	simm.s32 $0x1F;
	s0 =	simm.s32 $0x10;
	s1 =	simm.s32 $0x2F;
	v18 =	vadd.s32 v16, v19;
	v17 =	vld [tilespmem:s26+$0xF0]  }
.LBB2_24:
0x85b: {  	p0 =	sne.s32 s1, $0x1FF;
	v19 =	vmov s0  }
0x85c: {  	v19 =	vshrl.u32 v19, $0x3  }
0x85d: {  	v19 =	vshll.u32 v19, v1  }
0x85e: {  	v19 =	vbroadcast v19, $0x0  }
0x85f: {  	s26 =	sadd.s32 $0x200, s26;
	[tilespmem:v18+s21+$0x0] =	vst.idx.msk $0xffff, v17  }
0x860: {  	v17 =	vld [tilespmem:s26+$0xFFFFFF00];
	v18 =	vadd.s32 v0, v19;
	_ =	sdelay $0x4  }
0x861: {  	[tilespmem:v18+s21+$0x0] =	vst.idx.msk $0xffff, v17  }
0x862: {  	s0 =	sadd.s32 $0xFFFFFFF2, s28;
	v18 =	vadd.s32 v2, v19;
	v17 =	vld [tilespmem:s26+$0xFFFFFF10]  }
0x863: {  	v19 =	vmov s0  }
0x864: {  	v19 =	vshrl.u32 v19, $0x3  }
0x865: {  	v19 =	vshll.u32 v19, v1  }
0x866: {  	v19 =	vbroadcast v19, $0x0  }
0x867: {  	[tilespmem:v18+s21+$0x0] =	vst.idx.msk $0xffff, v17  }
0x868: {  	v18 =	vadd.s32 v3, v19;
	v17 =	vld [tilespmem:s26+$0xFFFFFF20];
	_ =	sdelay $0x4  }
0x869: {  	[tilespmem:v18+s21+$0x0] =	vst.idx.msk $0xffff, v17  }
0x86a: {  	s0 =	sadd.s32 $0xFFFFFFF3, s28;
	v18 =	vadd.s32 v4, v19;
	v17 =	vld [tilespmem:s26+$0xFFFFFF30]  }
0x86b: {  	v19 =	vmov s0  }
0x86c: {  	v19 =	vshrl.u32 v19, $0x3  }
0x86d: {  	v19 =	vshll.u32 v19, v1  }
0x86e: {  	v19 =	vbroadcast v19, $0x0  }
0x86f: {  	[tilespmem:v18+s21+$0x0] =	vst.idx.msk $0xffff, v17  }
0x870: {  	v18 =	vadd.s32 v5, v19;
	v17 =	vld [tilespmem:s26+$0xFFFFFF40];
	_ =	sdelay $0x4  }
0x871: {  	[tilespmem:v18+s21+$0x0] =	vst.idx.msk $0xffff, v17  }
0x872: {  	s0 =	sadd.s32 $0xFFFFFFF4, s28;
	v18 =	vadd.s32 v6, v19;
	v17 =	vld [tilespmem:s26+$0xFFFFFF50]  }
0x873: {  	v19 =	vmov s0  }
0x874: {  	v19 =	vshrl.u32 v19, $0x3  }
0x875: {  	v19 =	vshll.u32 v19, v1  }
0x876: {  	v19 =	vbroadcast v19, $0x0  }
0x877: {  	[tilespmem:v18+s21+$0x0] =	vst.idx.msk $0xffff, v17  }
0x878: {  	v18 =	vadd.s32 v7, v19;
	v17 =	vld [tilespmem:s26+$0xFFFFFF60];
	_ =	sdelay $0x4  }
0x879: {  	[tilespmem:v18+s21+$0x0] =	vst.idx.msk $0xffff, v17  }
0x87a: {  	s0 =	sadd.s32 $0xFFFFFFF5, s28;
	v18 =	vadd.s32 v8, v19;
	v17 =	vld [tilespmem:s26+$0xFFFFFF70]  }
0x87b: {  	v19 =	vmov s0  }
0x87c: {  	v19 =	vshrl.u32 v19, $0x3  }
0x87d: {  	v19 =	vshll.u32 v19, v1  }
0x87e: {  	v19 =	vbroadcast v19, $0x0  }
0x87f: {  	[tilespmem:v18+s21+$0x0] =	vst.idx.msk $0xffff, v17  }
0x880: {  	v18 =	vadd.s32 v9, v19;
	v17 =	vld [tilespmem:s26+$0xFFFFFF80];
	_ =	sdelay $0x4  }
0x881: {  	[tilespmem:v18+s21+$0x0] =	vst.idx.msk $0xffff, v17  }
0x882: {  	s0 =	sadd.s32 $0xFFFFFFF6, s28;
	v18 =	vadd.s32 v10, v19;
	v17 =	vld [tilespmem:s26+$0xFFFFFF90]  }
0x883: {  	v19 =	vmov s0  }
0x884: {  	v19 =	vshrl.u32 v19, $0x3  }
0x885: {  	v19 =	vshll.u32 v19, v1  }
0x886: {  	v19 =	vbroadcast v19, $0x0  }
0x887: {  	[tilespmem:v18+s21+$0x0] =	vst.idx.msk $0xffff, v17  }
0x888: {  	v18 =	vadd.s32 v11, v19;
	v17 =	vld [tilespmem:s26+$0xFFFFFFA0];
	_ =	sdelay $0x4  }
0x889: {  	[tilespmem:v18+s21+$0x0] =	vst.idx.msk $0xffff, v17  }
0x88a: {  	s0 =	sadd.s32 $0xFFFFFFF7, s28;
	v18 =	vadd.s32 v12, v19;
	v17 =	vld [tilespmem:s26+$0xFFFFFFB0]  }
0x88b: {  	v19 =	vmov s0  }
0x88c: {  	v19 =	vshrl.u32 v19, $0x3  }
0x88d: {  	v19 =	vshll.u32 v19, v1  }
0x88e: {  	v19 =	vbroadcast v19, $0x0  }
0x88f: {  	[tilespmem:v18+s21+$0x0] =	vst.idx.msk $0xffff, v17  }
0x890: {  	v18 =	vadd.s32 v13, v19;
	v17 =	vld [tilespmem:s26+$0xFFFFFFC0];
	_ =	sdelay $0x4  }
0x891: {  	[tilespmem:v18+s21+$0x0] =	vst.idx.msk $0xffff, v17  }
0x892: {  	s0 =	sadd.s32 $0xFFFFFFF8, s28;
	v18 =	vadd.s32 v14, v19;
	v17 =	vld [tilespmem:s26+$0xFFFFFFD0]  }
0x893: {  	v19 =	vmov s0  }
0x894: {  	v19 =	vshrl.u32 v19, $0x3  }
0x895: {  	v19 =	vshll.u32 v19, v1  }
0x896: {  	v19 =	vbroadcast v19, $0x0  }
0x897: {  	[tilespmem:v18+s21+$0x0] =	vst.idx.msk $0xffff, v17  }
0x898: {  	v18 =	vadd.s32 v15, v19;
	v17 =	vld [tilespmem:s26+$0xFFFFFFE0];
	_ =	sdelay $0x4  }
0x899: {  	[tilespmem:v18+s21+$0x0] =	vst.idx.msk $0xffff, v17  }
0x89a: {  	s0 =	sadd.s32 $0xFFFFFFF9, s28;
	v18 =	vadd.s32 v16, v19;
	v17 =	vld [tilespmem:s26+$0xFFFFFFF0]  }
0x89b: {  	v19 =	vmov s0  }
0x89c: {  	v19 =	vshrl.u32 v19, $0x3  }
0x89d: {  	v19 =	vshll.u32 v19, v1  }
0x89e: {  	v19 =	vbroadcast v19, $0x0  }
0x89f: {  	[tilespmem:v18+s21+$0x0] =	vst.idx.msk $0xffff, v17  }
0x8a0: {  	v18 =	vadd.s32 v0, v19;
	v17 =	vld [tilespmem:s26+$0x0];
	_ =	sdelay $0x4  }
0x8a1: {  	[tilespmem:v18+s21+$0x0] =	vst.idx.msk $0xffff, v17  }
0x8a2: {  	s0 =	sadd.s32 $0xFFFFFFFA, s28;
	v18 =	vadd.s32 v2, v19;
	v17 =	vld [tilespmem:s26+$0x10]  }
0x8a3: {  	v19 =	vmov s0  }
0x8a4: {  	v19 =	vshrl.u32 v19, $0x3  }
0x8a5: {  	v19 =	vshll.u32 v19, v1  }
0x8a6: {  	v19 =	vbroadcast v19, $0x0  }
0x8a7: {  	[tilespmem:v18+s21+$0x0] =	vst.idx.msk $0xffff, v17  }
0x8a8: {  	v18 =	vadd.s32 v3, v19;
	v17 =	vld [tilespmem:s26+$0x20];
	_ =	sdelay $0x4  }
0x8a9: {  	[tilespmem:v18+s21+$0x0] =	vst.idx.msk $0xffff, v17  }
0x8aa: {  	s0 =	sadd.s32 $0xFFFFFFFB, s28;
	v18 =	vadd.s32 v4, v19;
	v17 =	vld [tilespmem:s26+$0x30]  }
0x8ab: {  	v19 =	vmov s0  }
0x8ac: {  	v19 =	vshrl.u32 v19, $0x3  }
0x8ad: {  	v19 =	vshll.u32 v19, v1  }
0x8ae: {  	v19 =	vbroadcast v19, $0x0  }
0x8af: {  	[tilespmem:v18+s21+$0x0] =	vst.idx.msk $0xffff, v17  }
0x8b0: {  	v18 =	vadd.s32 v5, v19;
	v17 =	vld [tilespmem:s26+$0x40];
	_ =	sdelay $0x4  }
0x8b1: {  	[tilespmem:v18+s21+$0x0] =	vst.idx.msk $0xffff, v17  }
0x8b2: {  	s0 =	sadd.s32 $0xFFFFFFFC, s28;
	v18 =	vadd.s32 v6, v19;
	v17 =	vld [tilespmem:s26+$0x50]  }
0x8b3: {  	v19 =	vmov s0  }
0x8b4: {  	v19 =	vshrl.u32 v19, $0x3  }
0x8b5: {  	v19 =	vshll.u32 v19, v1  }
0x8b6: {  	v19 =	vbroadcast v19, $0x0  }
0x8b7: {  	[tilespmem:v18+s21+$0x0] =	vst.idx.msk $0xffff, v17  }
0x8b8: {  	v18 =	vadd.s32 v7, v19;
	v17 =	vld [tilespmem:s26+$0x60];
	_ =	sdelay $0x4  }
0x8b9: {  	[tilespmem:v18+s21+$0x0] =	vst.idx.msk $0xffff, v17  }
0x8ba: {  	s0 =	sadd.s32 $0xFFFFFFFD, s28;
	v18 =	vadd.s32 v8, v19;
	v17 =	vld [tilespmem:s26+$0x70]  }
0x8bb: {  	v19 =	vmov s0  }
0x8bc: {  	v19 =	vshrl.u32 v19, $0x3  }
0x8bd: {  	v19 =	vshll.u32 v19, v1  }
0x8be: {  	v19 =	vbroadcast v19, $0x0  }
0x8bf: {  	[tilespmem:v18+s21+$0x0] =	vst.idx.msk $0xffff, v17  }
0x8c0: {  	v18 =	vadd.s32 v9, v19;
	v17 =	vld [tilespmem:s26+$0x80];
	_ =	sdelay $0x4  }
0x8c1: {  	[tilespmem:v18+s21+$0x0] =	vst.idx.msk $0xffff, v17  }
0x8c2: {  	s0 =	sadd.s32 $0xFFFFFFFE, s28;
	v18 =	vadd.s32 v10, v19;
	v17 =	vld [tilespmem:s26+$0x90]  }
0x8c3: {  	v19 =	vmov s0  }
0x8c4: {  	v19 =	vshrl.u32 v19, $0x3  }
0x8c5: {  	v19 =	vshll.u32 v19, v1  }
0x8c6: {  	v19 =	vbroadcast v19, $0x0  }
0x8c7: {  	[tilespmem:v18+s21+$0x0] =	vst.idx.msk $0xffff, v17  }
0x8c8: {  	v18 =	vadd.s32 v11, v19;
	v17 =	vld [tilespmem:s26+$0xA0];
	_ =	sdelay $0x4  }
0x8c9: {  	[tilespmem:v18+s21+$0x0] =	vst.idx.msk $0xffff, v17  }
0x8ca: {  	s0 =	sadd.s32 $0xFFFFFFFF, s28;
	v18 =	vadd.s32 v12, v19;
	v17 =	vld [tilespmem:s26+$0xB0]  }
0x8cb: {  	v19 =	vmov s0  }
0x8cc: {  	v19 =	vshrl.u32 v19, $0x3  }
0x8cd: {  	v19 =	vshll.u32 v19, v1  }
0x8ce: {  	v19 =	vbroadcast v19, $0x0  }
0x8cf: {  	[tilespmem:v18+s21+$0x0] =	vst.idx.msk $0xffff, v17  }
0x8d0: {  	v18 =	vadd.s32 v13, v19;
	v17 =	vld [tilespmem:s26+$0xC0];
	_ =	sdelay $0x4  }
0x8d1: {  	[tilespmem:v18+s21+$0x0] =	vst.idx.msk $0xffff, v17  }
0x8d2: {  	v18 =	vadd.s32 v14, v19;
	v17 =	vld [tilespmem:s26+$0xD0]  }
0x8d3: {  	v19 =	vmov s28;
	s28 =	smov.u32 s1  }
0x8d4: {  	v19 =	vshrl.u32 v19, $0x3  }
0x8d5: {  	v19 =	vshll.u32 v19, v1  }
0x8d6: {  	v19 =	vbroadcast v19, $0x0  }
0x8d7: {  	[tilespmem:v18+s21+$0x0] =	vst.idx.msk $0xffff, v17  }
0x8d8: {  	v18 =	vadd.s32 v15, v19;
	v17 =	vld [tilespmem:s26+$0xE0];
	_ =	sdelay $0x1  }
.Ltmp11:
0x8d9: {  	(pc) =	sbr.rel @p0 .LBB2_24-.Ltmp11, $3  }
0x8da: {  	_ =	sdelay $0x1  }
0x8db: {  	[tilespmem:v18+s21+$0x0] =	vst.idx.msk $0xffff, v17  }
0x8dc: {  	s1 =	sadd.s32 $0x10, s1;
	s0 =	sadd.s32 $0xFFFFFFF1, s28;
	v18 =	vadd.s32 v16, v19;
	v17 =	vld [tilespmem:s26+$0xF0]  }
0x8dd: {  	v19 =	vmov s0  }
0x8de: {  	v19 =	vshrl.u32 v19, $0x3  }
0x8df: {  	v19 =	vshll.u32 v19, v1  }
0x8e0: {  	v19 =	vbroadcast v19, $0x0  }
0x8e1: {  	s1 =	sadd.s32 $0x200, s26;
	[tilespmem:v18+s21+$0x0] =	vst.idx.msk $0xffff, v17  }
0x8e2: {  	v17 =	vld [tilespmem:s1+$0xFFFFFF00];
	v18 =	vadd.s32 v0, v19;
	_ =	sdelay $0x4  }
0x8e3: {  	[tilespmem:v18+s21+$0x0] =	vst.idx.msk $0xffff, v17  }
0x8e4: {  	s30 =	sadd.s32 $0xFFFFFFF2, s28;
	v18 =	vadd.s32 v2, v19;
	v17 =	vld [tilespmem:s1+$0xFFFFFF10]  }
0x8e5: {  	v19 =	vmov s30  }
0x8e6: {  	v19 =	vshrl.u32 v19, $0x3  }
0x8e7: {  	v19 =	vshll.u32 v19, v1  }
0x8e8: {  	v19 =	vbroadcast v19, $0x0  }
0x8e9: {  	[tilespmem:v18+s21+$0x0] =	vst.idx.msk $0xffff, v17  }
0x8ea: {  	v18 =	vadd.s32 v3, v19;
	v17 =	vld [tilespmem:s1+$0xFFFFFF20];
	_ =	sdelay $0x4  }
0x8eb: {  	[tilespmem:v18+s21+$0x0] =	vst.idx.msk $0xffff, v17  }
0x8ec: {  	s31 =	sadd.s32 $0xFFFFFFF3, s28;
	v18 =	vadd.s32 v4, v19;
	v17 =	vld [tilespmem:s1+$0xFFFFFF30]  }
0x8ed: {  	v19 =	vmov s31  }
0x8ee: {  	v19 =	vshrl.u32 v19, $0x3  }
0x8ef: {  	v19 =	vshll.u32 v19, v1  }
0x8f0: {  	v19 =	vbroadcast v19, $0x0  }
0x8f1: {  	[tilespmem:v18+s21+$0x0] =	vst.idx.msk $0xffff, v17  }
0x8f2: {  	v18 =	vadd.s32 v5, v19;
	v17 =	vld [tilespmem:s1+$0xFFFFFF40];
	_ =	sdelay $0x4  }
0x8f3: {  	[tilespmem:v18+s21+$0x0] =	vst.idx.msk $0xffff, v17  }
0x8f4: {  	s26 =	sadd.s32 $0xFFFFFFF4, s28;
	v18 =	vadd.s32 v6, v19;
	v17 =	vld [tilespmem:s1+$0xFFFFFF50]  }
0x8f5: {  	v19 =	vmov s26  }
0x8f6: {  	v19 =	vshrl.u32 v19, $0x3  }
0x8f7: {  	v19 =	vshll.u32 v19, v1  }
0x8f8: {  	v19 =	vbroadcast v19, $0x0  }
0x8f9: {  	[tilespmem:v18+s21+$0x0] =	vst.idx.msk $0xffff, v17  }
0x8fa: {  	v18 =	vadd.s32 v7, v19;
	v17 =	vld [tilespmem:s1+$0xFFFFFF60];
	_ =	sdelay $0x4  }
0x8fb: {  	[tilespmem:v18+s21+$0x0] =	vst.idx.msk $0xffff, v17  }
0x8fc: {  	s29 =	sadd.s32 $0xFFFFFFF5, s28;
	v18 =	vadd.s32 v8, v19;
	v17 =	vld [tilespmem:s1+$0xFFFFFF70]  }
0x8fd: {  	v19 =	vmov s29  }
0x8fe: {  	v19 =	vshrl.u32 v19, $0x3  }
0x8ff: {  	v19 =	vshll.u32 v19, v1  }
0x900: {  	v19 =	vbroadcast v19, $0x0  }
0x901: {  	[tilespmem:v18+s21+$0x0] =	vst.idx.msk $0xffff, v17  }
0x902: {  	v18 =	vadd.s32 v9, v19;
	v17 =	vld [tilespmem:s1+$0xFFFFFF80];
	_ =	sdelay $0x4  }
0x903: {  	[tilespmem:v18+s21+$0x0] =	vst.idx.msk $0xffff, v17  }
0x904: {  	s30 =	sadd.s32 $0xFFFFFFF6, s28;
	v18 =	vadd.s32 v10, v19;
	v17 =	vld [tilespmem:s1+$0xFFFFFF90]  }
0x905: {  	v19 =	vmov s30  }
0x906: {  	v19 =	vshrl.u32 v19, $0x3  }
0x907: {  	v19 =	vshll.u32 v19, v1  }
0x908: {  	v19 =	vbroadcast v19, $0x0  }
0x909: {  	[tilespmem:v18+s21+$0x0] =	vst.idx.msk $0xffff, v17  }
0x90a: {  	v18 =	vadd.s32 v11, v19;
	v17 =	vld [tilespmem:s1+$0xFFFFFFA0];
	_ =	sdelay $0x4  }
0x90b: {  	[tilespmem:v18+s21+$0x0] =	vst.idx.msk $0xffff, v17  }
0x90c: {  	s31 =	sadd.s32 $0xFFFFFFF7, s28;
	v18 =	vadd.s32 v12, v19;
	v17 =	vld [tilespmem:s1+$0xFFFFFFB0]  }
0x90d: {  	v19 =	vmov s31  }
0x90e: {  	v19 =	vshrl.u32 v19, $0x3  }
0x90f: {  	v19 =	vshll.u32 v19, v1  }
0x910: {  	v19 =	vbroadcast v19, $0x0  }
0x911: {  	[tilespmem:v18+s21+$0x0] =	vst.idx.msk $0xffff, v17  }
0x912: {  	v18 =	vadd.s32 v13, v19;
	v17 =	vld [tilespmem:s1+$0xFFFFFFC0];
	_ =	sdelay $0x4  }
0x913: {  	[tilespmem:v18+s21+$0x0] =	vst.idx.msk $0xffff, v17  }
0x914: {  	s26 =	sadd.s32 $0xFFFFFFF8, s28;
	v18 =	vadd.s32 v14, v19;
	v17 =	vld [tilespmem:s1+$0xFFFFFFD0]  }
0x915: {  	v19 =	vmov s26  }
0x916: {  	v19 =	vshrl.u32 v19, $0x3  }
0x917: {  	v19 =	vshll.u32 v19, v1  }
0x918: {  	v19 =	vbroadcast v19, $0x0  }
0x919: {  	[tilespmem:v18+s21+$0x0] =	vst.idx.msk $0xffff, v17  }
0x91a: {  	v18 =	vadd.s32 v15, v19;
	v17 =	vld [tilespmem:s1+$0xFFFFFFE0];
	_ =	sdelay $0x4  }
0x91b: {  	[tilespmem:v18+s21+$0x0] =	vst.idx.msk $0xffff, v17  }
0x91c: {  	s29 =	sadd.s32 $0xFFFFFFF9, s28;
	v18 =	vadd.s32 v16, v19;
	v17 =	vld [tilespmem:s1+$0xFFFFFFF0]  }
0x91d: {  	v19 =	vmov s29  }
0x91e: {  	v19 =	vshrl.u32 v19, $0x3  }
0x91f: {  	v19 =	vshll.u32 v19, v1  }
0x920: {  	v19 =	vbroadcast v19, $0x0  }
0x921: {  	[tilespmem:v18+s21+$0x0] =	vst.idx.msk $0xffff, v17  }
0x922: {  	v18 =	vadd.s32 v0, v19;
	v17 =	vld [tilespmem:s1+$0x0];
	_ =	sdelay $0x4  }
0x923: {  	[tilespmem:v18+s21+$0x0] =	vst.idx.msk $0xffff, v17  }
0x924: {  	s30 =	sadd.s32 $0xFFFFFFFA, s28;
	v18 =	vadd.s32 v2, v19;
	v17 =	vld [tilespmem:s1+$0x10]  }
0x925: {  	v19 =	vmov s30  }
0x926: {  	v19 =	vshrl.u32 v19, $0x3  }
0x927: {  	v19 =	vshll.u32 v19, v1  }
0x928: {  	v19 =	vbroadcast v19, $0x0  }
0x929: {  	[tilespmem:v18+s21+$0x0] =	vst.idx.msk $0xffff, v17  }
0x92a: {  	v18 =	vadd.s32 v3, v19;
	v17 =	vld [tilespmem:s1+$0x20];
	_ =	sdelay $0x4  }
0x92b: {  	[tilespmem:v18+s21+$0x0] =	vst.idx.msk $0xffff, v17  }
0x92c: {  	s31 =	sadd.s32 $0xFFFFFFFB, s28;
	v18 =	vadd.s32 v4, v19;
	v17 =	vld [tilespmem:s1+$0x30]  }
0x92d: {  	v19 =	vmov s31  }
0x92e: {  	v19 =	vshrl.u32 v19, $0x3  }
0x92f: {  	v19 =	vshll.u32 v19, v1  }
0x930: {  	v19 =	vbroadcast v19, $0x0  }
0x931: {  	[tilespmem:v18+s21+$0x0] =	vst.idx.msk $0xffff, v17  }
0x932: {  	v18 =	vadd.s32 v5, v19;
	v17 =	vld [tilespmem:s1+$0x40];
	_ =	sdelay $0x4  }
0x933: {  	[tilespmem:v18+s21+$0x0] =	vst.idx.msk $0xffff, v17  }
0x934: {  	s26 =	sadd.s32 $0xFFFFFFFC, s28;
	v18 =	vadd.s32 v6, v19;
	v17 =	vld [tilespmem:s1+$0x50]  }
0x935: {  	v19 =	vmov s26  }
0x936: {  	v19 =	vshrl.u32 v19, $0x3  }
0x937: {  	v19 =	vshll.u32 v19, v1  }
0x938: {  	v19 =	vbroadcast v19, $0x0  }
0x939: {  	[tilespmem:v18+s21+$0x0] =	vst.idx.msk $0xffff, v17  }
0x93a: {  	v18 =	vadd.s32 v7, v19;
	v17 =	vld [tilespmem:s1+$0x60];
	_ =	sdelay $0x4  }
0x93b: {  	[tilespmem:v18+s21+$0x0] =	vst.idx.msk $0xffff, v17  }
0x93c: {  	s29 =	sadd.s32 $0xFFFFFFFD, s28;
	v18 =	vadd.s32 v8, v19;
	v17 =	vld [tilespmem:s1+$0x70]  }
0x93d: {  	v19 =	vmov s29  }
0x93e: {  	v19 =	vshrl.u32 v19, $0x3  }
0x93f: {  	v19 =	vshll.u32 v19, v1  }
0x940: {  	v19 =	vbroadcast v19, $0x0  }
0x941: {  	[tilespmem:v18+s21+$0x0] =	vst.idx.msk $0xffff, v17  }
0x942: {  	v18 =	vadd.s32 v9, v19;
	v17 =	vld [tilespmem:s1+$0x80];
	_ =	sdelay $0x4  }
0x943: {  	[tilespmem:v18+s21+$0x0] =	vst.idx.msk $0xffff, v17  }
0x944: {  	s30 =	sadd.s32 $0xFFFFFFFE, s28;
	v18 =	vadd.s32 v10, v19;
	v17 =	vld [tilespmem:s1+$0x90]  }
0x945: {  	v19 =	vmov s30  }
0x946: {  	v19 =	vshrl.u32 v19, $0x3  }
0x947: {  	v19 =	vshll.u32 v19, v1  }
0x948: {  	v19 =	vbroadcast v19, $0x0  }
0x949: {  	[tilespmem:v18+s21+$0x0] =	vst.idx.msk $0xffff, v17  }
0x94a: {  	v18 =	vadd.s32 v11, v19;
	v17 =	vld [tilespmem:s1+$0xA0];
	_ =	sdelay $0x4  }
0x94b: {  	[tilespmem:v18+s21+$0x0] =	vst.idx.msk $0xffff, v17  }
0x94c: {  	s31 =	sadd.s32 $0xFFFFFFFF, s28;
	v18 =	vadd.s32 v12, v19;
	v17 =	vld [tilespmem:s1+$0xB0]  }
0x94d: {  	v19 =	vmov s31  }
0x94e: {  	v19 =	vshrl.u32 v19, $0x3  }
0x94f: {  	v19 =	vshll.u32 v19, v1  }
0x950: {  	v19 =	vbroadcast v19, $0x0  }
0x951: {  	[tilespmem:v18+s21+$0x0] =	vst.idx.msk $0xffff, v17  }
0x952: {  	v18 =	vadd.s32 v13, v19;
	v17 =	vld [tilespmem:s1+$0xC0];
	_ =	sdelay $0x4  }
0x953: {  	[tilespmem:v18+s21+$0x0] =	vst.idx.msk $0xffff, v17  }
0x954: {  	v18 =	vadd.s32 v14, v19;
	v17 =	vld [tilespmem:s1+$0xD0]  }
0x955: {  	v19 =	vmov s28  }
0x956: {  	v19 =	vshrl.u32 v19, $0x3  }
0x957: {  	v19 =	vshll.u32 v19, v1  }
0x958: {  	v19 =	vbroadcast v19, $0x0  }
0x959: {  	[tilespmem:v18+s21+$0x0] =	vst.idx.msk $0xffff, v17  }
0x95a: {  	v18 =	vadd.s32 v15, v19;
	v17 =	vld [tilespmem:s1+$0xE0];
	_ =	sdelay $0x4  }
0x95b: {  	[tilespmem:v18+s21+$0x0] =	vst.idx.msk $0xffff, v17  }
0x95c: {  	v18 =	vadd.s32 v16, v19;
	v17 =	vld [tilespmem:s1+$0xF0];
	_ =	sdelay $0x3  }
0x95d: {  	s0 =	sadd.s32 $0x0, s11  }
0x95e: {  	s26 =	simm.s32 $0x200;
	s28 =	simm.s32 $0x12708;
	s1 =	simm.s32 $0x12500;
	[tilespmem:v18+s21+$0x0] =	vst.idx.msk $0xffff, v17  }
.LBB2_26:
0x95f: {  	[hbm4b:s0+s2] =	stream.linear.scatter [tilespmem:s1], [sflag:$0x4], $0x200, $0x38;
	[tilespmem:$0x16600] =	vst v63  }
0x960: {  	s0 =	smov.u32 s26;
	s1 =	smov.u32 s28;
	p0 =	sne.s32 s26, $0x3E00  }
.Ltmp12:
0x961: {  	s26 =	sadd.s32 $0x200, s26;
	(pc) =	sbr.rel @p0 .LBB2_26-.Ltmp12, $2  }
0x962: {  	_ =	sdelay $0x2  }
0x963: {  	s28 =	sadd.s32 $0x208, s28;
	s0 =	sadd.s32 s0, s11  }
0x964: {  	[hbm4b:s0+s2] =	stream.linear.scatter [tilespmem:s1], [sflag:$0x4], $0x200, $0x38;
	[tilespmem:$0x16600] =	vst v63  }
0x965: {  	s25 =	sadd.s32 $0x1, s25  }
0x966: {  	_ =	swait.ge [sflag:s22], $0x4000;
	p0 =	sne.s32 s25, s12  }
.Ltmp13:
0x967: {  	[sflag:s22] =	ssyncset.done $0x0;
	(pc) =	sbr.rel @p0 .LBB2_1-.Ltmp13, $4  }
0x968: {  	[sflag:s22] =	ssyncadd.s32 $0xFFFFC000  }
0x969: {  	_ =	swait.ge [sflag:s23], $0x4000  }
0x96a: {  	[sflag:s23] =	ssyncset.done $0x0  }
0x96b: {  	[sflag:s23] =	ssyncadd.s32 $0xFFFFC000  }
0x96c: {  	_ =	sfence.sel $0x180000  }
0x96d: {  	[bflag:$0x0] =	sbarrier.arrive $0xFFFF  }
0x96e: {  	_ =	strace $0x90000047  }
0x96f: {  	s0 =	stileid.u32;
	[bflag:$0x2] =	sbarrier.arrive $0xFFFF  }
0x970: {  	p0 =	sne.s32 s0, $0x0;
	s0 =	rddreg [dreg:$0x2]  }
0x971: {  	s0 =	sadd.s32 @!p0 $0x100000, s0  }
0x972: {  	[sflag:s0] =	ssyncadd.tile.s32 @!p0 $0x1;
	_ =	shalt  }
.Lfunc_end2:
_tile_overlayer_lowered:
.L_overlay_start_2:
0x973: {  	(tag) =	ssettag $0x2  }
0x974: {  	s0 =	rddreg [dreg:$0x0];
	s2 =	stileid.u32  }
0x975: {  	s1 =	rddreg [dreg:$0x1];
	p0 =	sne.s32 s2, $0x0  }
0x976: {  	s3 =	rddreg [dreg:$0x2];
	[bflag:$0x3] =	sbarrier.arrive $0xFFFF;
	s2 =	simm.s32 @!p0 $0x1C05  }
0x977: {  	[timem:s3], [sflag:s2] =	dma.local @!p0 [hbm:s0], s1  }
0x978: {  	s0 =	simm.s32 @!p0 $0x5  }
0x979: {  	_ =	swait.ge @!p0 [sflag:s0], s1  }
0x97a: {  	s1 =	ssub.s32 @!p0 $0x0, s1;
	[sflag:s0] =	ssyncset.done @!p0 $0x0  }
0x97b: {  	[sflag:s0] =	ssyncadd.s32 @!p0 s1  }
0x97c: {  	[bflag:$0x3] =	sbarrier.arrive $0xFFFF  }
0x97d: {  	_ =	shalt  }

</sc_bundles>
